<compile_context>
chip_gen: v7x
topology: tpu7x:2x2x1
jax: 0.10.2.dev20260603
libtpu: 0.0.44.dev20260713+nightly
codegen_flags: <defaults>
</compile_context>

<pallas_src>
import jax
import jax.numpy as jnp
from jax import lax
from jax.experimental import pallas as pl
from jax.experimental.pallas import tpu as pltpu
from jax.experimental.pallas import tpu_sc as plsc

N = 10000
E = 320000
F = 128

NC = 2
NS = 16
TILES = NC * NS
ET = E // TILES
CHUNK = 100
NCHUNK = ET // CHUNK
IB = 25
NSLAB = NCHUNK // IB
NBUF = 3
N_PAD = 10112
ROWS_PT = N_PAD // NS

_mesh = plsc.VectorSubcoreMesh(core_axis_name="c", subcore_axis_name="s")


def _seg_sum_body(h_hbm, src_hbm, dst_hbm, zeros_hbm, out_hbm,
                  idx_s, idx_d, b0, b1, b2, acc_sh,
                  g0s, g1s, g2s, s0s, s1s, s2s):
    c = lax.axis_index("c")
    s = lax.axis_index("s")
    wid = s * NC + c
    row0 = s * ROWS_PT
    bufs = (b0, b1, b2)
    gsems = (g0s, g1s, g2s)
    ssems = (s0s, s1s, s2s)

    pltpu.sync_copy(zeros_hbm.at[pl.ds(row0, ROWS_PT)],
                    acc_sh.at[pl.ds(row0, ROWS_PT)])
    plsc.subcore_barrier()

    def gather(g, b):
        pltpu.async_copy(h_hbm.at[idx_s.at[g]], bufs[b], gsems[b])

    def gather_wait(b):
        pltpu.make_async_copy(h_hbm.at[idx_s.at[0]], bufs[b], gsems[b]).wait()

    def scat(g, b):
        pltpu.async_copy(bufs[b], acc_sh.at[idx_d.at[g]], ssems[b], add=True)

    def scat_wait(b):
        pltpu.make_async_copy(bufs[b], acc_sh.at[idx_d.at[0]], ssems[b]).wait()

    def slab(sl, carry):
        pltpu.sync_copy(src_hbm.at[wid].at[sl], idx_s)
        pltpu.sync_copy(dst_hbm.at[wid].at[sl], idx_d)
        for j in range(2):
            gather(j, j)
        for j in range(IB):
            b = j % NBUF
            gather_wait(b)
            scat(j, b)
            if j >= 1:
                scat_wait((j - 1) % NBUF)
            if j + 2 < IB:
                gather(j + 2, (j + 2) % NBUF)
        scat_wait((IB - 1) % NBUF)
        return carry

    lax.fori_loop(0, NSLAB, slab, 0)
    plsc.subcore_barrier()

    pltpu.sync_copy(acc_sh.at[pl.ds(row0, ROWS_PT)],
                    out_hbm.at[pl.ds(c * N_PAD + row0, ROWS_PT)])


_seg_sum = pl.kernel(
    _seg_sum_body,
    out_type=jax.ShapeDtypeStruct((2 * N_PAD, F), jnp.float32),
    mesh=_mesh,
    scratch_types=[
        pltpu.VMEM((IB, CHUNK), jnp.int32),
        pltpu.VMEM((IB, CHUNK), jnp.int32),
        pltpu.VMEM((CHUNK, F), jnp.float32),
        pltpu.VMEM((CHUNK, F), jnp.float32),
        pltpu.VMEM((CHUNK, F), jnp.float32),
        pltpu.VMEM_SHARED((N_PAD, F), jnp.float32),
        pltpu.SemaphoreType.DMA,
        pltpu.SemaphoreType.DMA,
        pltpu.SemaphoreType.DMA,
        pltpu.SemaphoreType.DMA,
        pltpu.SemaphoreType.DMA,
        pltpu.SemaphoreType.DMA,
    ],
)


def _score_body(a_hbm, b_hbm, src_hbm, dst_hbm, out_hbm,
                a_v, b_v, src_v, dst_v, out_v):
    c = lax.axis_index("c")
    s = lax.axis_index("s")
    wid = s * NC + c
    base = wid * ET

    pltpu.sync_copy(a_hbm, a_v)
    pltpu.sync_copy(b_hbm, b_v)
    pltpu.sync_copy(src_hbm.at[pl.ds(base, ET)], src_v)
    pltpu.sync_copy(dst_hbm.at[pl.ds(base, ET)], dst_v)

    def step(i, carry):
        for k in range(5):
            o = (i * 5 + k) * 16
            isrc = src_v[pl.ds(o, 16)]
            idst = dst_v[pl.ds(o, 16)]
            va = plsc.load_gather(a_v, [isrc])
            vb = plsc.load_gather(b_v, [idst])
            z = va + vb
            out_v[pl.ds(o, 16)] = 1.0 / (1.0 + jnp.exp(-z))
        return carry

    lax.fori_loop(0, ET // 80, step, 0)
    pltpu.sync_copy(out_v, out_hbm.at[pl.ds(base, ET)])


_score = pl.kernel(
    _score_body,
    out_type=jax.ShapeDtypeStruct((E,), jnp.float32),
    mesh=_mesh,
    compiler_params=pltpu.CompilerParams(needs_layout_passes=False),
    scratch_types=[
        pltpu.VMEM((N,), jnp.float32),
        pltpu.VMEM((N,), jnp.float32),
        pltpu.VMEM((ET,), jnp.int32),
        pltpu.VMEM((ET,), jnp.int32),
        pltpu.VMEM((ET,), jnp.float32),
    ],
)


def _bn_fast(t, g, b):
    s1 = jnp.sum(t, axis=0)
    s2 = jnp.sum(t * t, axis=0)
    m = s1 * (1.0 / N)
    v = s2 * (1.0 / N) - m * m
    return (t - m) * lax.rsqrt(v + 1e-5) * g + b


def _gin_compute(h, agg, W1, b1, gm, bm, W2, b2, eps, go, bo):
    t = (1.0 + eps) * h + agg
    t = jnp.dot(t, W1, preferred_element_type=jnp.float32) + b1
    t = jnp.maximum(_bn_fast(t, gm, bm), 0.0)
    t = jnp.dot(t, W2, preferred_element_type=jnp.float32) + b2
    return _bn_fast(t, go, bo)


def _gin0_body(h_ref, p_ref, W1_ref, b1_ref, gm_ref, bm_ref, W2_ref, b2_ref,
               eps_ref, go_ref, bo_ref, out_ref):
    p = p_ref[...]
    agg = p[:N] + p[N_PAD:N_PAD + N]
    t = _gin_compute(h_ref[...], agg, W1_ref[...], b1_ref[...], gm_ref[...],
                     bm_ref[...], W2_ref[...], b2_ref[...], eps_ref[0, 0],
                     go_ref[...], bo_ref[...])
    out_ref[...] = jnp.maximum(t, 0.0)


def _gin1_body(h_ref, p_ref, W1_ref, b1_ref, gm_ref, bm_ref, W2_ref, b2_ref,
               eps_ref, go_ref, bo_ref, attW_ref, attb_ref, ab_ref):
    p = p_ref[...]
    agg = p[:N] + p[N_PAD:N_PAD + N]
    t = _gin_compute(h_ref[...], agg, W1_ref[...], b1_ref[...], gm_ref[...],
                     bm_ref[...], W2_ref[...], b2_ref[...], eps_ref[0, 0],
                     go_ref[...], bo_ref[...])
    attW = attW_ref[...]
    a = jnp.dot(t, attW[:F], preferred_element_type=jnp.float32) + attb_ref[0, 0]
    b = jnp.dot(t, attW[F:], preferred_element_type=jnp.float32)
    ab_ref[...] = jnp.concatenate([a, b], axis=1)


_gin0 = pl.pallas_call(
    _gin0_body,
    out_shape=jax.ShapeDtypeStruct((N, F), jnp.float32),
)

_gin1 = pl.pallas_call(
    _gin1_body,
    out_shape=jax.ShapeDtypeStruct((N, 2), jnp.float32),
)


def kernel(x, edge_index, p0_W1, p0_b1, p0_gm, p0_bm, p0_W2, p0_b2, p0_eps,
           p0_go, p0_bo, p1_W1, p1_b1, p1_gm, p1_bm, p1_W2, p1_b2, p1_eps,
           p1_go, p1_bo, att_W, att_b):
    src = edge_index[0]
    dst = edge_index[1]
    src3 = src.reshape(TILES, NSLAB, IB, CHUNK)
    dst3 = dst.reshape(TILES, NSLAB, IB, CHUNK)
    zeros = jnp.zeros((N_PAD, F), jnp.float32)

    def r2(v):
        return v.reshape(1, -1)

    part0 = _seg_sum(x, src3, dst3, zeros)
    h = _gin0(x, part0, p0_W1, r2(p0_b1), r2(p0_gm), r2(p0_bm), p0_W2,
              r2(p0_b2), r2(p0_eps), r2(p0_go), r2(p0_bo))
    part1 = _seg_sum(h, src3, dst3, zeros)
    ab = _gin1(h, part1, p1_W1, r2(p1_b1), r2(p1_gm), r2(p1_bm), p1_W2,
               r2(p1_b2), r2(p1_eps), r2(p1_go), r2(p1_bo), att_W, r2(att_b))
    return _score(ab[:, 0], ab[:, 1], src, dst)

# --- scband reference (transcript-rebuilt; emitter-appended) ---
"""Pipeline reference for scband-gcnmasker-79568564126473 (READ-ONLY COPY).

The authoritative reference and input builder live on the scoring server;
editing this copy changes nothing except your own understanding.
"""

import jax, jax.numpy as jnp
import numpy as np

N = 10000
E = 320000
IN = 128
EMB = 128

def _bn(x, g, b):
    m = jnp.mean(x, axis=0)
    v = jnp.var(x, axis=0)
    return (x - m) / jnp.sqrt(v + 1e-5) * g + b

def setup_inputs(seed: int = 0):
    key = jax.random.key(seed)
    ks = jax.random.split(key, 8)
    def lin(k, fi, fo):
        return (jax.random.normal(k, (fi, fo), dtype=jnp.float32) / np.sqrt(fi)).astype(jnp.float32)
    inp = {}
    inp["x"] = jax.random.normal(ks[0], (N, IN), dtype=jnp.float32)
    inp["edge_index"] = jax.random.randint(ks[1], (2, E), 0, N, dtype=jnp.int32)
    # GINConv layer 0: IN -> 2*EMB -> EMB (mlp with internal BN), eps, outer BN params
    inp["p0_W1"] = lin(ks[2], IN, 2 * EMB)
    inp["p0_b1"] = jnp.zeros((2 * EMB,), dtype=jnp.float32)
    inp["p0_gm"] = jnp.ones((2 * EMB,), dtype=jnp.float32)
    inp["p0_bm"] = jnp.zeros((2 * EMB,), dtype=jnp.float32)
    inp["p0_W2"] = lin(ks[3], 2 * EMB, EMB)
    inp["p0_b2"] = jnp.zeros((EMB,), dtype=jnp.float32)
    inp["p0_eps"] = jnp.zeros((1,), dtype=jnp.float32)
    inp["p0_go"] = jnp.ones((EMB,), dtype=jnp.float32)
    inp["p0_bo"] = jnp.zeros((EMB,), dtype=jnp.float32)
    # GINConv layer 1: EMB -> 2*EMB -> EMB
    inp["p1_W1"] = lin(ks[4], EMB, 2 * EMB)
    inp["p1_b1"] = jnp.zeros((2 * EMB,), dtype=jnp.float32)
    inp["p1_gm"] = jnp.ones((2 * EMB,), dtype=jnp.float32)
    inp["p1_bm"] = jnp.zeros((2 * EMB,), dtype=jnp.float32)
    inp["p1_W2"] = lin(ks[5], 2 * EMB, EMB)
    inp["p1_b2"] = jnp.zeros((EMB,), dtype=jnp.float32)
    inp["p1_eps"] = jnp.zeros((1,), dtype=jnp.float32)
    inp["p1_go"] = jnp.ones((EMB,), dtype=jnp.float32)
    inp["p1_bo"] = jnp.zeros((EMB,), dtype=jnp.float32)
    # edge attention scorer: Linear(2*EMB -> 1)
    inp["att_W"] = lin(ks[6], 2 * EMB, 1)
    inp["att_b"] = jnp.zeros((1,), dtype=jnp.float32)
    return inp

def reference(x, edge_index, p0_W1, p0_b1, p0_gm, p0_bm, p0_W2, p0_b2, p0_eps, p0_go, p0_bo, p1_W1, p1_b1, p1_gm, p1_bm, p1_W2, p1_b2, p1_eps, p1_go, p1_bo, att_W, att_b):
    src = edge_index[0]
    dst = edge_index[1]
    def gin(h, W1, b1, gm, bm, W2, b2, eps):
        agg = jax.ops.segment_sum(h[src], dst, num_segments=N)
        t = (1.0 + eps) * h + agg
        t = t @ W1 + b1
        t = _bn(t, gm, bm)
        t = jax.nn.relu(t)
        return t @ W2 + b2
    # GINEncoder: conv1 -> BN -> ReLU -> (dropout=identity in eval)
    h = gin(x, p0_W1, p0_b1, p0_gm, p0_bm, p0_W2, p0_b2, p0_eps)
    h = jax.nn.relu(_bn(h, p0_go, p0_bo))
    # last conv layer: conv -> BN (no relu on final layer per GINEncoder)
    h = gin(h, p1_W1, p1_b1, p1_gm, p1_bm, p1_W2, p1_b2, p1_eps)
    h = _bn(h, p1_go, p1_bo)
    # masker head: per-edge score from concatenated endpoint embeddings
    edge_rep = jnp.concatenate([h[src], h[dst]], axis=-1)
    score = jax.nn.sigmoid(edge_rep @ att_W + att_b).reshape(-1)
    return score

if __name__ == "__main__":
    import jax
    _d = setup_inputs()
    print(jax.jit(kernel)(*tuple(_d.values())))

</pallas_src>

<mosaic_0001>
#map = affine_map<(d0, d1) -> (0, 0)>
#map1 = affine_map<(d0, d1) -> (0, 0, 0, 0)>
module attributes {stable_mosaic.version = 14 : i64} {
  func.func @_seg_sum_body(%arg0: i32, %arg1: i32, %arg2: memref<10000x128xf32, #tpu.memory_space<hbm>>, %arg3: memref<32x4x25x100xi32, #tpu.memory_space<hbm>>, %arg4: memref<32x4x25x100xi32, #tpu.memory_space<hbm>>, %arg5: memref<10112x128xf32, #tpu.memory_space<hbm>>, %arg6: memref<20224x128xf32, #tpu.memory_space<hbm>>, %arg7: memref<25x100xi32, #tpu.memory_space<vmem>>, %arg8: memref<25x100xi32, #tpu.memory_space<vmem>>, %arg9: memref<100x128xf32, #tpu.memory_space<vmem>>, %arg10: memref<100x128xf32, #tpu.memory_space<vmem>>, %arg11: memref<100x128xf32, #tpu.memory_space<vmem>>, %arg12: memref<10112x128xf32, #tpu.memory_space<vmem_shared>>, %arg13: memref<!tpu.dma_semaphore, #tpu.memory_space<semaphore_mem>>, %arg14: memref<!tpu.dma_semaphore, #tpu.memory_space<semaphore_mem>>, %arg15: memref<!tpu.dma_semaphore, #tpu.memory_space<semaphore_mem>>, %arg16: memref<!tpu.dma_semaphore, #tpu.memory_space<semaphore_mem>>, %arg17: memref<!tpu.dma_semaphore, #tpu.memory_space<semaphore_mem>>, %arg18: memref<!tpu.dma_semaphore, #tpu.memory_space<semaphore_mem>>) attributes {dimension_semantics = [#tpu.dimension_semantics<core_parallel>, #tpu.dimension_semantics<subcore_parallel>], iteration_bounds = array<i64: 2, 16>, scalar_prefetch = 0 : i64, scratch_operands = 12 : i64, tpu.core_type = #tpu.core_type<sc_vector_subcore>, window_params = [{transform_indices = #map}, {transform_indices = #map1}, {transform_indices = #map1}, {transform_indices = #map}, {transform_indices = #map}]} {
    %mul3A = arith.constant 2 : i32
    %mul3A_0 = arith.muli %arg1, %mul3A : i32
    %add3A = arith.addi %mul3A_0, %arg0 : i32
    %mul3A_1 = arith.constant 632 : i32
    %mul3A_2 = arith.muli %arg1, %mul3A_1 : i32
    "tpu.region"() ({
      %run_scoped3A = tpu.sem_alloc : memref<!tpu.dma_semaphore, #tpu.memory_space<semaphore_mem>>
      %dma_start3A = arith.constant 0 : i32
      %dma_start3A_12 = tpu.memref_slice %arg12[%mul3A_2, %dma_start3A] : memref<10112x128xf32, #tpu.memory_space<vmem_shared>> -> memref<632x128xf32, #tpu.memory_space<vmem_shared>>
      %dma_start3A_13 = arith.constant 0 : i32
      %dma_start3A_14 = tpu.memref_slice %arg5[%mul3A_2, %dma_start3A_13] : memref<10112x128xf32, #tpu.memory_space<hbm>> -> memref<632x128xf32, #tpu.memory_space<hbm>>
      tpu.enqueue_dma source(%dma_start3A_14 : memref<632x128xf32, #tpu.memory_space<hbm>>) target(%dma_start3A_12 : memref<632x128xf32, #tpu.memory_space<vmem_shared>>) target_semaphore(%run_scoped3A : memref<!tpu.dma_semaphore, #tpu.memory_space<semaphore_mem>>)
      %dma_wait3A = arith.constant 0 : i32
      %dma_wait3A_15 = tpu.memref_slice %arg12[%mul3A_2, %dma_wait3A] : memref<10112x128xf32, #tpu.memory_space<vmem_shared>> -> memref<632x128xf32, #tpu.memory_space<vmem_shared>>
      %dma_wait3A_16 = arith.constant 0 : i32
      %dma_wait3A_17 = tpu.memref_slice %arg5[%mul3A_2, %dma_wait3A_16] : memref<10112x128xf32, #tpu.memory_space<hbm>> -> memref<632x128xf32, #tpu.memory_space<hbm>>
      tpu.wait_dma2 semaphore(%run_scoped3A : memref<!tpu.dma_semaphore, #tpu.memory_space<semaphore_mem>>) src(%dma_wait3A_17 : memref<632x128xf32, #tpu.memory_space<hbm>>) dst(%dma_wait3A_15 : memref<632x128xf32, #tpu.memory_space<vmem_shared>>)
      tpu.yield
    }) : () -> ()
    %barrier3A = arith.constant 0 : index
    tpu.barrier barrier_id(%barrier3A)
    %scan3A = arith.constant 0 : i32
    %scan3A_3 = arith.constant 0 : i32
    %scan3A_4 = arith.constant 4 : i32
    %scan3A_5 = arith.addi %scan3A_3, %scan3A_4 : i32
    %scan3A_6 = arith.constant 1 : i32
    scf.for %scan3A_12 = %scan3A_3 to %scan3A_5 step %scan3A_6  : i32 {
      "tpu.region"() ({
        %run_scoped3A = tpu.sem_alloc : memref<!tpu.dma_semaphore, #tpu.memory_space<semaphore_mem>>
        %dma_start3A_711 = arith.constant 0 : i32
        %dma_start3A_712 = arith.constant 0 : i32
        %dma_start3A_713 = arith.constant 0 : i32
        %dma_start3A_714 = tpu.memref_slice %arg3[%add3A, %dma_start3A_711, %dma_start3A_712, %dma_start3A_713] : memref<32x4x25x100xi32, #tpu.memory_space<hbm>> -> memref<1x4x25x100xi32, #tpu.memory_space<hbm>>
        %dma_start3A_715 = tpu.memref_squeeze %dma_start3A_714 : memref<1x4x25x100xi32, #tpu.memory_space<hbm>> -> memref<4x25x100xi32, #tpu.memory_space<hbm>>
        %dma_start3A_716 = arith.constant 0 : i32
        %dma_start3A_717 = arith.constant 0 : i32
        %dma_start3A_718 = tpu.memref_slice %dma_start3A_715[%scan3A_12, %dma_start3A_716, %dma_start3A_717] : memref<4x25x100xi32, #tpu.memory_space<hbm>> -> memref<1x25x100xi32, #tpu.memory_space<hbm>>
        %dma_start3A_719 = tpu.memref_squeeze %dma_start3A_718 : memref<1x25x100xi32, #tpu.memory_space<hbm>> -> memref<25x100xi32, #tpu.memory_space<hbm>>
        %dma_start3A_720 = arith.constant 0 : i32
        %dma_start3A_721 = arith.constant 0 : i32
        %dma_start3A_722 = arith.constant 0 : i32
        %dma_start3A_723 = tpu.memref_slice %arg3[%add3A, %dma_start3A_720, %dma_start3A_721, %dma_start3A_722] : memref<32x4x25x100xi32, #tpu.memory_space<hbm>> -> memref<1x4x25x100xi32, #tpu.memory_space<hbm>>
        %dma_start3A_724 = tpu.memref_squeeze %dma_start3A_723 : memref<1x4x25x100xi32, #tpu.memory_space<hbm>> -> memref<4x25x100xi32, #tpu.memory_space<hbm>>
        %dma_start3A_725 = arith.constant 0 : i32
        %dma_start3A_726 = arith.constant 0 : i32
        %dma_start3A_727 = tpu.memref_slice %dma_start3A_724[%scan3A_12, %dma_start3A_725, %dma_start3A_726] : memref<4x25x100xi32, #tpu.memory_space<hbm>> -> memref<1x25x100xi32, #tpu.memory_space<hbm>>
        %dma_start3A_728 = tpu.memref_squeeze %dma_start3A_727 : memref<1x25x100xi32, #tpu.memory_space<hbm>> -> memref<25x100xi32, #tpu.memory_space<hbm>>
        tpu.enqueue_dma source(%dma_start3A_728 : memref<25x100xi32, #tpu.memory_space<hbm>>) target(%arg7 : memref<25x100xi32, #tpu.memory_space<vmem>>) target_semaphore(%run_scoped3A : memref<!tpu.dma_semaphore, #tpu.memory_space<semaphore_mem>>)
        %dma_wait3A_729 = arith.constant 0 : i32
        %dma_wait3A_730 = arith.constant 0 : i32
        %dma_wait3A_731 = arith.constant 0 : i32
        %dma_wait3A_732 = tpu.memref_slice %arg3[%add3A, %dma_wait3A_729, %dma_wait3A_730, %dma_wait3A_731] : memref<32x4x25x100xi32, #tpu.memory_space<hbm>> -> memref<1x4x25x100xi32, #tpu.memory_space<hbm>>
        %dma_wait3A_733 = tpu.memref_squeeze %dma_wait3A_732 : memref<1x4x25x100xi32, #tpu.memory_space<hbm>> -> memref<4x25x100xi32, #tpu.memory_space<hbm>>
        %dma_wait3A_734 = arith.constant 0 : i32
        %dma_wait3A_735 = arith.constant 0 : i32
        %dma_wait3A_736 = tpu.memref_slice %dma_wait3A_733[%scan3A_12, %dma_wait3A_734, %dma_wait3A_735] : memref<4x25x100xi32, #tpu.memory_space<hbm>> -> memref<1x25x100xi32, #tpu.memory_space<hbm>>
        %dma_wait3A_737 = tpu.memref_squeeze %dma_wait3A_736 : memref<1x25x100xi32, #tpu.memory_space<hbm>> -> memref<25x100xi32, #tpu.memory_space<hbm>>
        %dma_wait3A_738 = arith.constant 0 : i32
        %dma_wait3A_739 = arith.constant 0 : i32
        %dma_wait3A_740 = arith.constant 0 : i32
        %dma_wait3A_741 = tpu.memref_slice %arg3[%add3A, %dma_wait3A_738, %dma_wait3A_739, %dma_wait3A_740] : memref<32x4x25x100xi32, #tpu.memory_space<hbm>> -> memref<1x4x25x100xi32, #tpu.memory_space<hbm>>
        %dma_wait3A_742 = tpu.memref_squeeze %dma_wait3A_741 : memref<1x4x25x100xi32, #tpu.memory_space<hbm>> -> memref<4x25x100xi32, #tpu.memory_space<hbm>>
        %dma_wait3A_743 = arith.constant 0 : i32
        %dma_wait3A_744 = arith.constant 0 : i32
        %dma_wait3A_745 = tpu.memref_slice %dma_wait3A_742[%scan3A_12, %dma_wait3A_743, %dma_wait3A_744] : memref<4x25x100xi32, #tpu.memory_space<hbm>> -> memref<1x25x100xi32, #tpu.memory_space<hbm>>
        %dma_wait3A_746 = tpu.memref_squeeze %dma_wait3A_745 : memref<1x25x100xi32, #tpu.memory_space<hbm>> -> memref<25x100xi32, #tpu.memory_space<hbm>>
        tpu.wait_dma2 semaphore(%run_scoped3A : memref<!tpu.dma_semaphore, #tpu.memory_space<semaphore_mem>>) src(%dma_wait3A_746 : memref<25x100xi32, #tpu.memory_space<hbm>>) dst(%arg7 : memref<25x100xi32, #tpu.memory_space<vmem>>)
        tpu.yield
      }) : () -> ()
      "tpu.region"() ({
        %run_scoped3A = tpu.sem_alloc : memref<!tpu.dma_semaphore, #tpu.memory_space<semaphore_mem>>
        %dma_start3A_711 = arith.constant 0 : i32
        %dma_start3A_712 = arith.constant 0 : i32
        %dma_start3A_713 = arith.constant 0 : i32
        %dma_start3A_714 = tpu.memref_slice %arg4[%add3A, %dma_start3A_711, %dma_start3A_712, %dma_start3A_713] : memref<32x4x25x100xi32, #tpu.memory_space<hbm>> -> memref<1x4x25x100xi32, #tpu.memory_space<hbm>>
        %dma_start3A_715 = tpu.memref_squeeze %dma_start3A_714 : memref<1x4x25x100xi32, #tpu.memory_space<hbm>> -> memref<4x25x100xi32, #tpu.memory_space<hbm>>
        %dma_start3A_716 = arith.constant 0 : i32
        %dma_start3A_717 = arith.constant 0 : i32
        %dma_start3A_718 = tpu.memref_slice %dma_start3A_715[%scan3A_12, %dma_start3A_716, %dma_start3A_717] : memref<4x25x100xi32, #tpu.memory_space<hbm>> -> memref<1x25x100xi32, #tpu.memory_space<hbm>>
        %dma_start3A_719 = tpu.memref_squeeze %dma_start3A_718 : memref<1x25x100xi32, #tpu.memory_space<hbm>> -> memref<25x100xi32, #tpu.memory_space<hbm>>
        %dma_start3A_720 = arith.constant 0 : i32
        %dma_start3A_721 = arith.constant 0 : i32
        %dma_start3A_722 = arith.constant 0 : i32
        %dma_start3A_723 = tpu.memref_slice %arg4[%add3A, %dma_start3A_720, %dma_start3A_721, %dma_start3A_722] : memref<32x4x25x100xi32, #tpu.memory_space<hbm>> -> memref<1x4x25x100xi32, #tpu.memory_space<hbm>>
        %dma_start3A_724 = tpu.memref_squeeze %dma_start3A_723 : memref<1x4x25x100xi32, #tpu.memory_space<hbm>> -> memref<4x25x100xi32, #tpu.memory_space<hbm>>
        %dma_start3A_725 = arith.constant 0 : i32
        %dma_start3A_726 = arith.constant 0 : i32
        %dma_start3A_727 = tpu.memref_slice %dma_start3A_724[%scan3A_12, %dma_start3A_725, %dma_start3A_726] : memref<4x25x100xi32, #tpu.memory_space<hbm>> -> memref<1x25x100xi32, #tpu.memory_space<hbm>>
        %dma_start3A_728 = tpu.memref_squeeze %dma_start3A_727 : memref<1x25x100xi32, #tpu.memory_space<hbm>> -> memref<25x100xi32, #tpu.memory_space<hbm>>
        tpu.enqueue_dma source(%dma_start3A_728 : memref<25x100xi32, #tpu.memory_space<hbm>>) target(%arg8 : memref<25x100xi32, #tpu.memory_space<vmem>>) target_semaphore(%run_scoped3A : memref<!tpu.dma_semaphore, #tpu.memory_space<semaphore_mem>>)
        %dma_wait3A_729 = arith.constant 0 : i32
        %dma_wait3A_730 = arith.constant 0 : i32
        %dma_wait3A_731 = arith.constant 0 : i32
        %dma_wait3A_732 = tpu.memref_slice %arg4[%add3A, %dma_wait3A_729, %dma_wait3A_730, %dma_wait3A_731] : memref<32x4x25x100xi32, #tpu.memory_space<hbm>> -> memref<1x4x25x100xi32, #tpu.memory_space<hbm>>
        %dma_wait3A_733 = tpu.memref_squeeze %dma_wait3A_732 : memref<1x4x25x100xi32, #tpu.memory_space<hbm>> -> memref<4x25x100xi32, #tpu.memory_space<hbm>>
        %dma_wait3A_734 = arith.constant 0 : i32
        %dma_wait3A_735 = arith.constant 0 : i32
        %dma_wait3A_736 = tpu.memref_slice %dma_wait3A_733[%scan3A_12, %dma_wait3A_734, %dma_wait3A_735] : memref<4x25x100xi32, #tpu.memory_space<hbm>> -> memref<1x25x100xi32, #tpu.memory_space<hbm>>
        %dma_wait3A_737 = tpu.memref_squeeze %dma_wait3A_736 : memref<1x25x100xi32, #tpu.memory_space<hbm>> -> memref<25x100xi32, #tpu.memory_space<hbm>>
        %dma_wait3A_738 = arith.constant 0 : i32
        %dma_wait3A_739 = arith.constant 0 : i32
        %dma_wait3A_740 = arith.constant 0 : i32
        %dma_wait3A_741 = tpu.memref_slice %arg4[%add3A, %dma_wait3A_738, %dma_wait3A_739, %dma_wait3A_740] : memref<32x4x25x100xi32, #tpu.memory_space<hbm>> -> memref<1x4x25x100xi32, #tpu.memory_space<hbm>>
        %dma_wait3A_742 = tpu.memref_squeeze %dma_wait3A_741 : memref<1x4x25x100xi32, #tpu.memory_space<hbm>> -> memref<4x25x100xi32, #tpu.memory_space<hbm>>
        %dma_wait3A_743 = arith.constant 0 : i32
        %dma_wait3A_744 = arith.constant 0 : i32
        %dma_wait3A_745 = tpu.memref_slice %dma_wait3A_742[%scan3A_12, %dma_wait3A_743, %dma_wait3A_744] : memref<4x25x100xi32, #tpu.memory_space<hbm>> -> memref<1x25x100xi32, #tpu.memory_space<hbm>>
        %dma_wait3A_746 = tpu.memref_squeeze %dma_wait3A_745 : memref<1x25x100xi32, #tpu.memory_space<hbm>> -> memref<25x100xi32, #tpu.memory_space<hbm>>
        tpu.wait_dma2 semaphore(%run_scoped3A : memref<!tpu.dma_semaphore, #tpu.memory_space<semaphore_mem>>) src(%dma_wait3A_746 : memref<25x100xi32, #tpu.memory_space<hbm>>) dst(%arg8 : memref<25x100xi32, #tpu.memory_space<vmem>>)
        tpu.yield
      }) : () -> ()
      %dma_start3A = arith.constant 0 : i32
      %dma_start3A_13 = arith.constant 0 : i32
      %dma_start3A_14 = tpu.memref_slice %arg7[%dma_start3A, %dma_start3A_13] : memref<25x100xi32, #tpu.memory_space<vmem>> -> memref<1x100xi32, #tpu.memory_space<vmem>>
      %dma_start3A_15 = tpu.memref_squeeze %dma_start3A_14 : memref<1x100xi32, #tpu.memory_space<vmem>> -> memref<100xi32, #tpu.memory_space<vmem>>
      %dma_start3A_16 = arith.constant 0 : i32
      %dma_start3A_17 = arith.constant 0 : i32
      %dma_start3A_18 = tpu.memref_slice %arg2[%dma_start3A_16, %dma_start3A_17] : memref<10000x128xf32, #tpu.memory_space<hbm>> -> memref<10000x128xf32, #tpu.memory_space<hbm>>
      tpu.enqueue_indirect_dma source(%dma_start3A_18 : memref<10000x128xf32, #tpu.memory_space<hbm>>) target(%arg9 : memref<100x128xf32, #tpu.memory_space<vmem>>) offsets(%dma_start3A_15 : memref<100xi32, #tpu.memory_space<vmem>>) semaphore(%arg13 : memref<!tpu.dma_semaphore, #tpu.memory_space<semaphore_mem>>)
      %dma_start3A_19 = arith.constant 1 : i32
      %dma_start3A_20 = arith.constant 0 : i32
      %dma_start3A_21 = tpu.memref_slice %arg7[%dma_start3A_19, %dma_start3A_20] : memref<25x100xi32, #tpu.memory_space<vmem>> -> memref<1x100xi32, #tpu.memory_space<vmem>>
      %dma_start3A_22 = tpu.memref_squeeze %dma_start3A_21 : memref<1x100xi32, #tpu.memory_space<vmem>> -> memref<100xi32, #tpu.memory_space<vmem>>
      %dma_start3A_23 = arith.constant 0 : i32
      %dma_start3A_24 = arith.constant 0 : i32
      %dma_start3A_25 = tpu.memref_slice %arg2[%dma_start3A_23, %dma_start3A_24] : memref<10000x128xf32, #tpu.memory_space<hbm>> -> memref<10000x128xf32, #tpu.memory_space<hbm>>
      tpu.enqueue_indirect_dma source(%dma_start3A_25 : memref<10000x128xf32, #tpu.memory_space<hbm>>) target(%arg10 : memref<100x128xf32, #tpu.memory_space<vmem>>) offsets(%dma_start3A_22 : memref<100xi32, #tpu.memory_space<vmem>>) semaphore(%arg14 : memref<!tpu.dma_semaphore, #tpu.memory_space<semaphore_mem>>)
      %dma_wait3A = arith.constant 0 : i32
      %dma_wait3A_26 = arith.constant 0 : i32
      %dma_wait3A_27 = tpu.memref_slice %arg7[%dma_wait3A, %dma_wait3A_26] : memref<25x100xi32, #tpu.memory_space<vmem>> -> memref<1x100xi32, #tpu.memory_space<vmem>>
      %dma_wait3A_28 = tpu.memref_squeeze %dma_wait3A_27 : memref<1x100xi32, #tpu.memory_space<vmem>> -> memref<100xi32, #tpu.memory_space<vmem>>
      %dma_wait3A_29 = arith.constant 0 : i32
      %dma_wait3A_30 = arith.constant 0 : i32
      %dma_wait3A_31 = tpu.memref_slice %arg2[%dma_wait3A_29, %dma_wait3A_30] : memref<10000x128xf32, #tpu.memory_space<hbm>> -> memref<10000x128xf32, #tpu.memory_space<hbm>>
      tpu.wait_indirect_dma semaphore(%arg13 : memref<!tpu.dma_semaphore, #tpu.memory_space<semaphore_mem>>) src(%dma_wait3A_31 : memref<10000x128xf32, #tpu.memory_space<hbm>>) dst(%arg9 : memref<100x128xf32, #tpu.memory_space<vmem>>)
      %dma_start3A_32 = arith.constant 0 : i32
      %dma_start3A_33 = arith.constant 0 : i32
      %dma_start3A_34 = tpu.memref_slice %arg8[%dma_start3A_32, %dma_start3A_33] : memref<25x100xi32, #tpu.memory_space<vmem>> -> memref<1x100xi32, #tpu.memory_space<vmem>>
      %dma_start3A_35 = tpu.memref_squeeze %dma_start3A_34 : memref<1x100xi32, #tpu.memory_space<vmem>> -> memref<100xi32, #tpu.memory_space<vmem>>
      %dma_start3A_36 = arith.constant 0 : i32
      %dma_start3A_37 = arith.constant 0 : i32
      %dma_start3A_38 = tpu.memref_slice %arg12[%dma_start3A_36, %dma_start3A_37] : memref<10112x128xf32, #tpu.memory_space<vmem_shared>> -> memref<10112x128xf32, #tpu.memory_space<vmem_shared>>
      tpu.enqueue_indirect_dma source(%arg9 : memref<100x128xf32, #tpu.memory_space<vmem>>) target(%dma_start3A_38 : memref<10112x128xf32, #tpu.memory_space<vmem_shared>>) offsets(%dma_start3A_35 : memref<100xi32, #tpu.memory_space<vmem>>) semaphore(%arg16 : memref<!tpu.dma_semaphore, #tpu.memory_space<semaphore_mem>>) {add = true}
      %dma_start3A_39 = arith.constant 2 : i32
      %dma_start3A_40 = arith.constant 0 : i32
      %dma_start3A_41 = tpu.memref_slice %arg7[%dma_start3A_39, %dma_start3A_40] : memref<25x100xi32, #tpu.memory_space<vmem>> -> memref<1x100xi32, #tpu.memory_space<vmem>>
      %dma_start3A_42 = tpu.memref_squeeze %dma_start3A_41 : memref<1x100xi32, #tpu.memory_space<vmem>> -> memref<100xi32, #tpu.memory_space<vmem>>
      %dma_start3A_43 = arith.constant 0 : i32
      %dma_start3A_44 = arith.constant 0 : i32
      %dma_start3A_45 = tpu.memref_slice %arg2[%dma_start3A_43, %dma_start3A_44] : memref<10000x128xf32, #tpu.memory_space<hbm>> -> memref<10000x128xf32, #tpu.memory_space<hbm>>
      tpu.enqueue_indirect_dma source(%dma_start3A_45 : memref<10000x128xf32, #tpu.memory_space<hbm>>) target(%arg11 : memref<100x128xf32, #tpu.memory_space<vmem>>) offsets(%dma_start3A_42 : memref<100xi32, #tpu.memory_space<vmem>>) semaphore(%arg15 : memref<!tpu.dma_semaphore, #tpu.memory_space<semaphore_mem>>)
      %dma_wait3A_46 = arith.constant 0 : i32
      %dma_wait3A_47 = arith.constant 0 : i32
      %dma_wait3A_48 = tpu.memref_slice %arg7[%dma_wait3A_46, %dma_wait3A_47] : memref<25x100xi32, #tpu.memory_space<vmem>> -> memref<1x100xi32, #tpu.memory_space<vmem>>
      %dma_wait3A_49 = tpu.memref_squeeze %dma_wait3A_48 : memref<1x100xi32, #tpu.memory_space<vmem>> -> memref<100xi32, #tpu.memory_space<vmem>>
      %dma_wait3A_50 = arith.constant 0 : i32
      %dma_wait3A_51 = arith.constant 0 : i32
      %dma_wait3A_52 = tpu.memref_slice %arg2[%dma_wait3A_50, %dma_wait3A_51] : memref<10000x128xf32, #tpu.memory_space<hbm>> -> memref<10000x128xf32, #tpu.memory_space<hbm>>
      tpu.wait_indirect_dma semaphore(%arg14 : memref<!tpu.dma_semaphore, #tpu.memory_space<semaphore_mem>>) src(%dma_wait3A_52 : memref<10000x128xf32, #tpu.memory_space<hbm>>) dst(%arg10 : memref<100x128xf32, #tpu.memory_space<vmem>>)
      %dma_start3A_53 = arith.constant 1 : i32
      %dma_start3A_54 = arith.constant 0 : i32
      %dma_start3A_55 = tpu.memref_slice %arg8[%dma_start3A_53, %dma_start3A_54] : memref<25x100xi32, #tpu.memory_space<vmem>> -> memref<1x100xi32, #tpu.memory_space<vmem>>
      %dma_start3A_56 = tpu.memref_squeeze %dma_start3A_55 : memref<1x100xi32, #tpu.memory_space<vmem>> -> memref<100xi32, #tpu.memory_space<vmem>>
      %dma_start3A_57 = arith.constant 0 : i32
      %dma_start3A_58 = arith.constant 0 : i32
      %dma_start3A_59 = tpu.memref_slice %arg12[%dma_start3A_57, %dma_start3A_58] : memref<10112x128xf32, #tpu.memory_space<vmem_shared>> -> memref<10112x128xf32, #tpu.memory_space<vmem_shared>>
      tpu.enqueue_indirect_dma source(%arg10 : memref<100x128xf32, #tpu.memory_space<vmem>>) target(%dma_start3A_59 : memref<10112x128xf32, #tpu.memory_space<vmem_shared>>) offsets(%dma_start3A_56 : memref<100xi32, #tpu.memory_space<vmem>>) semaphore(%arg17 : memref<!tpu.dma_semaphore, #tpu.memory_space<semaphore_mem>>) {add = true}
      %dma_wait3A_60 = arith.constant 0 : i32
      %dma_wait3A_61 = arith.constant 0 : i32
      %dma_wait3A_62 = tpu.memref_slice %arg8[%dma_wait3A_60, %dma_wait3A_61] : memref<25x100xi32, #tpu.memory_space<vmem>> -> memref<1x100xi32, #tpu.memory_space<vmem>>
      %dma_wait3A_63 = tpu.memref_squeeze %dma_wait3A_62 : memref<1x100xi32, #tpu.memory_space<vmem>> -> memref<100xi32, #tpu.memory_space<vmem>>
      %dma_wait3A_64 = arith.constant 0 : i32
      %dma_wait3A_65 = arith.constant 0 : i32
      %dma_wait3A_66 = tpu.memref_slice %arg12[%dma_wait3A_64, %dma_wait3A_65] : memref<10112x128xf32, #tpu.memory_space<vmem_shared>> -> memref<10112x128xf32, #tpu.memory_space<vmem_shared>>
      tpu.wait_indirect_dma semaphore(%arg16 : memref<!tpu.dma_semaphore, #tpu.memory_space<semaphore_mem>>) src(%arg9 : memref<100x128xf32, #tpu.memory_space<vmem>>) dst(%dma_wait3A_66 : memref<10112x128xf32, #tpu.memory_space<vmem_shared>>)
      %dma_start3A_67 = arith.constant 3 : i32
      %dma_start3A_68 = arith.constant 0 : i32
      %dma_start3A_69 = tpu.memref_slice %arg7[%dma_start3A_67, %dma_start3A_68] : memref<25x100xi32, #tpu.memory_space<vmem>> -> memref<1x100xi32, #tpu.memory_space<vmem>>
      %dma_start3A_70 = tpu.memref_squeeze %dma_start3A_69 : memref<1x100xi32, #tpu.memory_space<vmem>> -> memref<100xi32, #tpu.memory_space<vmem>>
      %dma_start3A_71 = arith.constant 0 : i32
      %dma_start3A_72 = arith.constant 0 : i32
      %dma_start3A_73 = tpu.memref_slice %arg2[%dma_start3A_71, %dma_start3A_72] : memref<10000x128xf32, #tpu.memory_space<hbm>> -> memref<10000x128xf32, #tpu.memory_space<hbm>>
      tpu.enqueue_indirect_dma source(%dma_start3A_73 : memref<10000x128xf32, #tpu.memory_space<hbm>>) target(%arg9 : memref<100x128xf32, #tpu.memory_space<vmem>>) offsets(%dma_start3A_70 : memref<100xi32, #tpu.memory_space<vmem>>) semaphore(%arg13 : memref<!tpu.dma_semaphore, #tpu.memory_space<semaphore_mem>>)
      %dma_wait3A_74 = arith.constant 0 : i32
      %dma_wait3A_75 = arith.constant 0 : i32
      %dma_wait3A_76 = tpu.memref_slice %arg7[%dma_wait3A_74, %dma_wait3A_75] : memref<25x100xi32, #tpu.memory_space<vmem>> -> memref<1x100xi32, #tpu.memory_space<vmem>>
      %dma_wait3A_77 = tpu.memref_squeeze %dma_wait3A_76 : memref<1x100xi32, #tpu.memory_space<vmem>> -> memref<100xi32, #tpu.memory_space<vmem>>
      %dma_wait3A_78 = arith.constant 0 : i32
      %dma_wait3A_79 = arith.constant 0 : i32
      %dma_wait3A_80 = tpu.memref_slice %arg2[%dma_wait3A_78, %dma_wait3A_79] : memref<10000x128xf32, #tpu.memory_space<hbm>> -> memref<10000x128xf32, #tpu.memory_space<hbm>>
      tpu.wait_indirect_dma semaphore(%arg15 : memref<!tpu.dma_semaphore, #tpu.memory_space<semaphore_mem>>) src(%dma_wait3A_80 : memref<10000x128xf32, #tpu.memory_space<hbm>>) dst(%arg11 : memref<100x128xf32, #tpu.memory_space<vmem>>)
      %dma_start3A_81 = arith.constant 2 : i32
      %dma_start3A_82 = arith.constant 0 : i32
      %dma_start3A_83 = tpu.memref_slice %arg8[%dma_start3A_81, %dma_start3A_82] : memref<25x100xi32, #tpu.memory_space<vmem>> -> memref<1x100xi32, #tpu.memory_space<vmem>>
      %dma_start3A_84 = tpu.memref_squeeze %dma_start3A_83 : memref<1x100xi32, #tpu.memory_space<vmem>> -> memref<100xi32, #tpu.memory_space<vmem>>
      %dma_start3A_85 = arith.constant 0 : i32
      %dma_start3A_86 = arith.constant 0 : i32
      %dma_start3A_87 = tpu.memref_slice %arg12[%dma_start3A_85, %dma_start3A_86] : memref<10112x128xf32, #tpu.memory_space<vmem_shared>> -> memref<10112x128xf32, #tpu.memory_space<vmem_shared>>
      tpu.enqueue_indirect_dma source(%arg11 : memref<100x128xf32, #tpu.memory_space<vmem>>) target(%dma_start3A_87 : memref<10112x128xf32, #tpu.memory_space<vmem_shared>>) offsets(%dma_start3A_84 : memref<100xi32, #tpu.memory_space<vmem>>) semaphore(%arg18 : memref<!tpu.dma_semaphore, #tpu.memory_space<semaphore_mem>>) {add = true}
      %dma_wait3A_88 = arith.constant 0 : i32
      %dma_wait3A_89 = arith.constant 0 : i32
      %dma_wait3A_90 = tpu.memref_slice %arg8[%dma_wait3A_88, %dma_wait3A_89] : memref<25x100xi32, #tpu.memory_space<vmem>> -> memref<1x100xi32, #tpu.memory_space<vmem>>
      %dma_wait3A_91 = tpu.memref_squeeze %dma_wait3A_90 : memref<1x100xi32, #tpu.memory_space<vmem>> -> memref<100xi32, #tpu.memory_space<vmem>>
      %dma_wait3A_92 = arith.constant 0 : i32
      %dma_wait3A_93 = arith.constant 0 : i32
      %dma_wait3A_94 = tpu.memref_slice %arg12[%dma_wait3A_92, %dma_wait3A_93] : memref<10112x128xf32, #tpu.memory_space<vmem_shared>> -> memref<10112x128xf32, #tpu.memory_space<vmem_shared>>
      tpu.wait_indirect_dma semaphore(%arg17 : memref<!tpu.dma_semaphore, #tpu.memory_space<semaphore_mem>>) src(%arg10 : memref<100x128xf32, #tpu.memory_space<vmem>>) dst(%dma_wait3A_94 : memref<10112x128xf32, #tpu.memory_space<vmem_shared>>)
      %dma_start3A_95 = arith.constant 4 : i32
      %dma_start3A_96 = arith.constant 0 : i32
      %dma_start3A_97 = tpu.memref_slice %arg7[%dma_start3A_95, %dma_start3A_96] : memref<25x100xi32, #tpu.memory_space<vmem>> -> memref<1x100xi32, #tpu.memory_space<vmem>>
      %dma_start3A_98 = tpu.memref_squeeze %dma_start3A_97 : memref<1x100xi32, #tpu.memory_space<vmem>> -> memref<100xi32, #tpu.memory_space<vmem>>
      %dma_start3A_99 = arith.constant 0 : i32
      %dma_start3A_100 = arith.constant 0 : i32
      %dma_start3A_101 = tpu.memref_slice %arg2[%dma_start3A_99, %dma_start3A_100] : memref<10000x128xf32, #tpu.memory_space<hbm>> -> memref<10000x128xf32, #tpu.memory_space<hbm>>
      tpu.enqueue_indirect_dma source(%dma_start3A_101 : memref<10000x128xf32, #tpu.memory_space<hbm>>) target(%arg10 : memref<100x128xf32, #tpu.memory_space<vmem>>) offsets(%dma_start3A_98 : memref<100xi32, #tpu.memory_space<vmem>>) semaphore(%arg14 : memref<!tpu.dma_semaphore, #tpu.memory_space<semaphore_mem>>)
      %dma_wait3A_102 = arith.constant 0 : i32
      %dma_wait3A_103 = arith.constant 0 : i32
      %dma_wait3A_104 = tpu.memref_slice %arg7[%dma_wait3A_102, %dma_wait3A_103] : memref<25x100xi32, #tpu.memory_space<vmem>> -> memref<1x100xi32, #tpu.memory_space<vmem>>
      %dma_wait3A_105 = tpu.memref_squeeze %dma_wait3A_104 : memref<1x100xi32, #tpu.memory_space<vmem>> -> memref<100xi32, #tpu.memory_space<vmem>>
      %dma_wait3A_106 = arith.constant 0 : i32
      %dma_wait3A_107 = arith.constant 0 : i32
      %dma_wait3A_108 = tpu.memref_slice %arg2[%dma_wait3A_106, %dma_wait3A_107] : memref<10000x128xf32, #tpu.memory_space<hbm>> -> memref<10000x128xf32, #tpu.memory_space<hbm>>
      tpu.wait_indirect_dma semaphore(%arg13 : memref<!tpu.dma_semaphore, #tpu.memory_space<semaphore_mem>>) src(%dma_wait3A_108 : memref<10000x128xf32, #tpu.memory_space<hbm>>) dst(%arg9 : memref<100x128xf32, #tpu.memory_space<vmem>>)
      %dma_start3A_109 = arith.constant 3 : i32
      %dma_start3A_110 = arith.constant 0 : i32
      %dma_start3A_111 = tpu.memref_slice %arg8[%dma_start3A_109, %dma_start3A_110] : memref<25x100xi32, #tpu.memory_space<vmem>> -> memref<1x100xi32, #tpu.memory_space<vmem>>
      %dma_start3A_112 = tpu.memref_squeeze %dma_start3A_111 : memref<1x100xi32, #tpu.memory_space<vmem>> -> memref<100xi32, #tpu.memory_space<vmem>>
      %dma_start3A_113 = arith.constant 0 : i32
      %dma_start3A_114 = arith.constant 0 : i32
      %dma_start3A_115 = tpu.memref_slice %arg12[%dma_start3A_113, %dma_start3A_114] : memref<10112x128xf32, #tpu.memory_space<vmem_shared>> -> memref<10112x128xf32, #tpu.memory_space<vmem_shared>>
      tpu.enqueue_indirect_dma source(%arg9 : memref<100x128xf32, #tpu.memory_space<vmem>>) target(%dma_start3A_115 : memref<10112x128xf32, #tpu.memory_space<vmem_shared>>) offsets(%dma_start3A_112 : memref<100xi32, #tpu.memory_space<vmem>>) semaphore(%arg16 : memref<!tpu.dma_semaphore, #tpu.memory_space<semaphore_mem>>) {add = true}
      %dma_wait3A_116 = arith.constant 0 : i32
      %dma_wait3A_117 = arith.constant 0 : i32
      %dma_wait3A_118 = tpu.memref_slice %arg8[%dma_wait3A_116, %dma_wait3A_117] : memref<25x100xi32, #tpu.memory_space<vmem>> -> memref<1x100xi32, #tpu.memory_space<vmem>>
      %dma_wait3A_119 = tpu.memref_squeeze %dma_wait3A_118 : memref<1x100xi32, #tpu.memory_space<vmem>> -> memref<100xi32, #tpu.memory_space<vmem>>
      %dma_wait3A_120 = arith.constant 0 : i32
      %dma_wait3A_121 = arith.constant 0 : i32
      %dma_wait3A_122 = tpu.memref_slice %arg12[%dma_wait3A_120, %dma_wait3A_121] : memref<10112x128xf32, #tpu.memory_space<vmem_shared>> -> memref<10112x128xf32, #tpu.memory_space<vmem_shared>>
      tpu.wait_indirect_dma semaphore(%arg18 : memref<!tpu.dma_semaphore, #tpu.memory_space<semaphore_mem>>) src(%arg11 : memref<100x128xf32, #tpu.memory_space<vmem>>) dst(%dma_wait3A_122 : memref<10112x128xf32, #tpu.memory_space<vmem_shared>>)
      %dma_start3A_123 = arith.constant 5 : i32
      %dma_start3A_124 = arith.constant 0 : i32
      %dma_start3A_125 = tpu.memref_slice %arg7[%dma_start3A_123, %dma_start3A_124] : memref<25x100xi32, #tpu.memory_space<vmem>> -> memref<1x100xi32, #tpu.memory_space<vmem>>
      %dma_start3A_126 = tpu.memref_squeeze %dma_start3A_125 : memref<1x100xi32, #tpu.memory_space<vmem>> -> memref<100xi32, #tpu.memory_space<vmem>>
      %dma_start3A_127 = arith.constant 0 : i32
      %dma_start3A_128 = arith.constant 0 : i32
      %dma_start3A_129 = tpu.memref_slice %arg2[%dma_start3A_127, %dma_start3A_128] : memref<10000x128xf32, #tpu.memory_space<hbm>> -> memref<10000x128xf32, #tpu.memory_space<hbm>>
      tpu.enqueue_indirect_dma source(%dma_start3A_129 : memref<10000x128xf32, #tpu.memory_space<hbm>>) target(%arg11 : memref<100x128xf32, #tpu.memory_space<vmem>>) offsets(%dma_start3A_126 : memref<100xi32, #tpu.memory_space<vmem>>) semaphore(%arg15 : memref<!tpu.dma_semaphore, #tpu.memory_space<semaphore_mem>>)
      %dma_wait3A_130 = arith.constant 0 : i32
      %dma_wait3A_131 = arith.constant 0 : i32
      %dma_wait3A_132 = tpu.memref_slice %arg7[%dma_wait3A_130, %dma_wait3A_131] : memref<25x100xi32, #tpu.memory_space<vmem>> -> memref<1x100xi32, #tpu.memory_space<vmem>>
      %dma_wait3A_133 = tpu.memref_squeeze %dma_wait3A_132 : memref<1x100xi32, #tpu.memory_space<vmem>> -> memref<100xi32, #tpu.memory_space<vmem>>
      %dma_wait3A_134 = arith.constant 0 : i32
      %dma_wait3A_135 = arith.constant 0 : i32
      %dma_wait3A_136 = tpu.memref_slice %arg2[%dma_wait3A_134, %dma_wait3A_135] : memref<10000x128xf32, #tpu.memory_space<hbm>> -> memref<10000x128xf32, #tpu.memory_space<hbm>>
      tpu.wait_indirect_dma semaphore(%arg14 : memref<!tpu.dma_semaphore, #tpu.memory_space<semaphore_mem>>) src(%dma_wait3A_136 : memref<10000x128xf32, #tpu.memory_space<hbm>>) dst(%arg10 : memref<100x128xf32, #tpu.memory_space<vmem>>)
      %dma_start3A_137 = arith.constant 4 : i32
      %dma_start3A_138 = arith.constant 0 : i32
      %dma_start3A_139 = tpu.memref_slice %arg8[%dma_start3A_137, %dma_start3A_138] : memref<25x100xi32, #tpu.memory_space<vmem>> -> memref<1x100xi32, #tpu.memory_space<vmem>>
      %dma_start3A_140 = tpu.memref_squeeze %dma_start3A_139 : memref<1x100xi32, #tpu.memory_space<vmem>> -> memref<100xi32, #tpu.memory_space<vmem>>
      %dma_start3A_141 = arith.constant 0 : i32
      %dma_start3A_142 = arith.constant 0 : i32
      %dma_start3A_143 = tpu.memref_slice %arg12[%dma_start3A_141, %dma_start3A_142] : memref<10112x128xf32, #tpu.memory_space<vmem_shared>> -> memref<10112x128xf32, #tpu.memory_space<vmem_shared>>
      tpu.enqueue_indirect_dma source(%arg10 : memref<100x128xf32, #tpu.memory_space<vmem>>) target(%dma_start3A_143 : memref<10112x128xf32, #tpu.memory_space<vmem_shared>>) offsets(%dma_start3A_140 : memref<100xi32, #tpu.memory_space<vmem>>) semaphore(%arg17 : memref<!tpu.dma_semaphore, #tpu.memory_space<semaphore_mem>>) {add = true}
      %dma_wait3A_144 = arith.constant 0 : i32
      %dma_wait3A_145 = arith.constant 0 : i32
      %dma_wait3A_146 = tpu.memref_slice %arg8[%dma_wait3A_144, %dma_wait3A_145] : memref<25x100xi32, #tpu.memory_space<vmem>> -> memref<1x100xi32, #tpu.memory_space<vmem>>
      %dma_wait3A_147 = tpu.memref_squeeze %dma_wait3A_146 : memref<1x100xi32, #tpu.memory_space<vmem>> -> memref<100xi32, #tpu.memory_space<vmem>>
      %dma_wait3A_148 = arith.constant 0 : i32
      %dma_wait3A_149 = arith.constant 0 : i32
      %dma_wait3A_150 = tpu.memref_slice %arg12[%dma_wait3A_148, %dma_wait3A_149] : memref<10112x128xf32, #tpu.memory_space<vmem_shared>> -> memref<10112x128xf32, #tpu.memory_space<vmem_shared>>
      tpu.wait_indirect_dma semaphore(%arg16 : memref<!tpu.dma_semaphore, #tpu.memory_space<semaphore_mem>>) src(%arg9 : memref<100x128xf32, #tpu.memory_space<vmem>>) dst(%dma_wait3A_150 : memref<10112x128xf32, #tpu.memory_space<vmem_shared>>)
      %dma_start3A_151 = arith.constant 6 : i32
      %dma_start3A_152 = arith.constant 0 : i32
      %dma_start3A_153 = tpu.memref_slice %arg7[%dma_start3A_151, %dma_start3A_152] : memref<25x100xi32, #tpu.memory_space<vmem>> -> memref<1x100xi32, #tpu.memory_space<vmem>>
      %dma_start3A_154 = tpu.memref_squeeze %dma_start3A_153 : memref<1x100xi32, #tpu.memory_space<vmem>> -> memref<100xi32, #tpu.memory_space<vmem>>
      %dma_start3A_155 = arith.constant 0 : i32
      %dma_start3A_156 = arith.constant 0 : i32
      %dma_start3A_157 = tpu.memref_slice %arg2[%dma_start3A_155, %dma_start3A_156] : memref<10000x128xf32, #tpu.memory_space<hbm>> -> memref<10000x128xf32, #tpu.memory_space<hbm>>
      tpu.enqueue_indirect_dma source(%dma_start3A_157 : memref<10000x128xf32, #tpu.memory_space<hbm>>) target(%arg9 : memref<100x128xf32, #tpu.memory_space<vmem>>) offsets(%dma_start3A_154 : memref<100xi32, #tpu.memory_space<vmem>>) semaphore(%arg13 : memref<!tpu.dma_semaphore, #tpu.memory_space<semaphore_mem>>)
      %dma_wait3A_158 = arith.constant 0 : i32
      %dma_wait3A_159 = arith.constant 0 : i32
      %dma_wait3A_160 = tpu.memref_slice %arg7[%dma_wait3A_158, %dma_wait3A_159] : memref<25x100xi32, #tpu.memory_space<vmem>> -> memref<1x100xi32, #tpu.memory_space<vmem>>
      %dma_wait3A_161 = tpu.memref_squeeze %dma_wait3A_160 : memref<1x100xi32, #tpu.memory_space<vmem>> -> memref<100xi32, #tpu.memory_space<vmem>>
      %dma_wait3A_162 = arith.constant 0 : i32
      %dma_wait3A_163 = arith.constant 0 : i32
      %dma_wait3A_164 = tpu.memref_slice %arg2[%dma_wait3A_162, %dma_wait3A_163] : memref<10000x128xf32, #tpu.memory_space<hbm>> -> memref<10000x128xf32, #tpu.memory_space<hbm>>
      tpu.wait_indirect_dma semaphore(%arg15 : memref<!tpu.dma_semaphore, #tpu.memory_space<semaphore_mem>>) src(%dma_wait3A_164 : memref<10000x128xf32, #tpu.memory_space<hbm>>) dst(%arg11 : memref<100x128xf32, #tpu.memory_space<vmem>>)
      %dma_start3A_165 = arith.constant 5 : i32
      %dma_start3A_166 = arith.constant 0 : i32
      %dma_start3A_167 = tpu.memref_slice %arg8[%dma_start3A_165, %dma_start3A_166] : memref<25x100xi32, #tpu.memory_space<vmem>> -> memref<1x100xi32, #tpu.memory_space<vmem>>
      %dma_start3A_168 = tpu.memref_squeeze %dma_start3A_167 : memref<1x100xi32, #tpu.memory_space<vmem>> -> memref<100xi32, #tpu.memory_space<vmem>>
      %dma_start3A_169 = arith.constant 0 : i32
      %dma_start3A_170 = arith.constant 0 : i32
      %dma_start3A_171 = tpu.memref_slice %arg12[%dma_start3A_169, %dma_start3A_170] : memref<10112x128xf32, #tpu.memory_space<vmem_shared>> -> memref<10112x128xf32, #tpu.memory_space<vmem_shared>>
      tpu.enqueue_indirect_dma source(%arg11 : memref<100x128xf32, #tpu.memory_space<vmem>>) target(%dma_start3A_171 : memref<10112x128xf32, #tpu.memory_space<vmem_shared>>) offsets(%dma_start3A_168 : memref<100xi32, #tpu.memory_space<vmem>>) semaphore(%arg18 : memref<!tpu.dma_semaphore, #tpu.memory_space<semaphore_mem>>) {add = true}
      %dma_wait3A_172 = arith.constant 0 : i32
      %dma_wait3A_173 = arith.constant 0 : i32
      %dma_wait3A_174 = tpu.memref_slice %arg8[%dma_wait3A_172, %dma_wait3A_173] : memref<25x100xi32, #tpu.memory_space<vmem>> -> memref<1x100xi32, #tpu.memory_space<vmem>>
      %dma_wait3A_175 = tpu.memref_squeeze %dma_wait3A_174 : memref<1x100xi32, #tpu.memory_space<vmem>> -> memref<100xi32, #tpu.memory_space<vmem>>
      %dma_wait3A_176 = arith.constant 0 : i32
      %dma_wait3A_177 = arith.constant 0 : i32
      %dma_wait3A_178 = tpu.memref_slice %arg12[%dma_wait3A_176, %dma_wait3A_177] : memref<10112x128xf32, #tpu.memory_space<vmem_shared>> -> memref<10112x128xf32, #tpu.memory_space<vmem_shared>>
      tpu.wait_indirect_dma semaphore(%arg17 : memref<!tpu.dma_semaphore, #tpu.memory_space<semaphore_mem>>) src(%arg10 : memref<100x128xf32, #tpu.memory_space<vmem>>) dst(%dma_wait3A_178 : memref<10112x128xf32, #tpu.memory_space<vmem_shared>>)
      %dma_start3A_179 = arith.constant 7 : i32
      %dma_start3A_180 = arith.constant 0 : i32
      %dma_start3A_181 = tpu.memref_slice %arg7[%dma_start3A_179, %dma_start3A_180] : memref<25x100xi32, #tpu.memory_space<vmem>> -> memref<1x100xi32, #tpu.memory_space<vmem>>
      %dma_start3A_182 = tpu.memref_squeeze %dma_start3A_181 : memref<1x100xi32, #tpu.memory_space<vmem>> -> memref<100xi32, #tpu.memory_space<vmem>>
      %dma_start3A_183 = arith.constant 0 : i32
      %dma_start3A_184 = arith.constant 0 : i32
      %dma_start3A_185 = tpu.memref_slice %arg2[%dma_start3A_183, %dma_start3A_184] : memref<10000x128xf32, #tpu.memory_space<hbm>> -> memref<10000x128xf32, #tpu.memory_space<hbm>>
      tpu.enqueue_indirect_dma source(%dma_start3A_185 : memref<10000x128xf32, #tpu.memory_space<hbm>>) target(%arg10 : memref<100x128xf32, #tpu.memory_space<vmem>>) offsets(%dma_start3A_182 : memref<100xi32, #tpu.memory_space<vmem>>) semaphore(%arg14 : memref<!tpu.dma_semaphore, #tpu.memory_space<semaphore_mem>>)
      %dma_wait3A_186 = arith.constant 0 : i32
      %dma_wait3A_187 = arith.constant 0 : i32
      %dma_wait3A_188 = tpu.memref_slice %arg7[%dma_wait3A_186, %dma_wait3A_187] : memref<25x100xi32, #tpu.memory_space<vmem>> -> memref<1x100xi32, #tpu.memory_space<vmem>>
      %dma_wait3A_189 = tpu.memref_squeeze %dma_wait3A_188 : memref<1x100xi32, #tpu.memory_space<vmem>> -> memref<100xi32, #tpu.memory_space<vmem>>
      %dma_wait3A_190 = arith.constant 0 : i32
      %dma_wait3A_191 = arith.constant 0 : i32
      %dma_wait3A_192 = tpu.memref_slice %arg2[%dma_wait3A_190, %dma_wait3A_191] : memref<10000x128xf32, #tpu.memory_space<hbm>> -> memref<10000x128xf32, #tpu.memory_space<hbm>>
      tpu.wait_indirect_dma semaphore(%arg13 : memref<!tpu.dma_semaphore, #tpu.memory_space<semaphore_mem>>) src(%dma_wait3A_192 : memref<10000x128xf32, #tpu.memory_space<hbm>>) dst(%arg9 : memref<100x128xf32, #tpu.memory_space<vmem>>)
      %dma_start3A_193 = arith.constant 6 : i32
      %dma_start3A_194 = arith.constant 0 : i32
      %dma_start3A_195 = tpu.memref_slice %arg8[%dma_start3A_193, %dma_start3A_194] : memref<25x100xi32, #tpu.memory_space<vmem>> -> memref<1x100xi32, #tpu.memory_space<vmem>>
      %dma_start3A_196 = tpu.memref_squeeze %dma_start3A_195 : memref<1x100xi32, #tpu.memory_space<vmem>> -> memref<100xi32, #tpu.memory_space<vmem>>
      %dma_start3A_197 = arith.constant 0 : i32
      %dma_start3A_198 = arith.constant 0 : i32
      %dma_start3A_199 = tpu.memref_slice %arg12[%dma_start3A_197, %dma_start3A_198] : memref<10112x128xf32, #tpu.memory_space<vmem_shared>> -> memref<10112x128xf32, #tpu.memory_space<vmem_shared>>
      tpu.enqueue_indirect_dma source(%arg9 : memref<100x128xf32, #tpu.memory_space<vmem>>) target(%dma_start3A_199 : memref<10112x128xf32, #tpu.memory_space<vmem_shared>>) offsets(%dma_start3A_196 : memref<100xi32, #tpu.memory_space<vmem>>) semaphore(%arg16 : memref<!tpu.dma_semaphore, #tpu.memory_space<semaphore_mem>>) {add = true}
      %dma_wait3A_200 = arith.constant 0 : i32
      %dma_wait3A_201 = arith.constant 0 : i32
      %dma_wait3A_202 = tpu.memref_slice %arg8[%dma_wait3A_200, %dma_wait3A_201] : memref<25x100xi32, #tpu.memory_space<vmem>> -> memref<1x100xi32, #tpu.memory_space<vmem>>
      %dma_wait3A_203 = tpu.memref_squeeze %dma_wait3A_202 : memref<1x100xi32, #tpu.memory_space<vmem>> -> memref<100xi32, #tpu.memory_space<vmem>>
      %dma_wait3A_204 = arith.constant 0 : i32
      %dma_wait3A_205 = arith.constant 0 : i32
      %dma_wait3A_206 = tpu.memref_slice %arg12[%dma_wait3A_204, %dma_wait3A_205] : memref<10112x128xf32, #tpu.memory_space<vmem_shared>> -> memref<10112x128xf32, #tpu.memory_space<vmem_shared>>
      tpu.wait_indirect_dma semaphore(%arg18 : memref<!tpu.dma_semaphore, #tpu.memory_space<semaphore_mem>>) src(%arg11 : memref<100x128xf32, #tpu.memory_space<vmem>>) dst(%dma_wait3A_206 : memref<10112x128xf32, #tpu.memory_space<vmem_shared>>)
      %dma_start3A_207 = arith.constant 8 : i32
      %dma_start3A_208 = arith.constant 0 : i32
      %dma_start3A_209 = tpu.memref_slice %arg7[%dma_start3A_207, %dma_start3A_208] : memref<25x100xi32, #tpu.memory_space<vmem>> -> memref<1x100xi32, #tpu.memory_space<vmem>>
      %dma_start3A_210 = tpu.memref_squeeze %dma_start3A_209 : memref<1x100xi32, #tpu.memory_space<vmem>> -> memref<100xi32, #tpu.memory_space<vmem>>
      %dma_start3A_211 = arith.constant 0 : i32
      %dma_start3A_212 = arith.constant 0 : i32
      %dma_start3A_213 = tpu.memref_slice %arg2[%dma_start3A_211, %dma_start3A_212] : memref<10000x128xf32, #tpu.memory_space<hbm>> -> memref<10000x128xf32, #tpu.memory_space<hbm>>
      tpu.enqueue_indirect_dma source(%dma_start3A_213 : memref<10000x128xf32, #tpu.memory_space<hbm>>) target(%arg11 : memref<100x128xf32, #tpu.memory_space<vmem>>) offsets(%dma_start3A_210 : memref<100xi32, #tpu.memory_space<vmem>>) semaphore(%arg15 : memref<!tpu.dma_semaphore, #tpu.memory_space<semaphore_mem>>)
      %dma_wait3A_214 = arith.constant 0 : i32
      %dma_wait3A_215 = arith.constant 0 : i32
      %dma_wait3A_216 = tpu.memref_slice %arg7[%dma_wait3A_214, %dma_wait3A_215] : memref<25x100xi32, #tpu.memory_space<vmem>> -> memref<1x100xi32, #tpu.memory_space<vmem>>
      %dma_wait3A_217 = tpu.memref_squeeze %dma_wait3A_216 : memref<1x100xi32, #tpu.memory_space<vmem>> -> memref<100xi32, #tpu.memory_space<vmem>>
      %dma_wait3A_218 = arith.constant 0 : i32
      %dma_wait3A_219 = arith.constant 0 : i32
      %dma_wait3A_220 = tpu.memref_slice %arg2[%dma_wait3A_218, %dma_wait3A_219] : memref<10000x128xf32, #tpu.memory_space<hbm>> -> memref<10000x128xf32, #tpu.memory_space<hbm>>
      tpu.wait_indirect_dma semaphore(%arg14 : memref<!tpu.dma_semaphore, #tpu.memory_space<semaphore_mem>>) src(%dma_wait3A_220 : memref<10000x128xf32, #tpu.memory_space<hbm>>) dst(%arg10 : memref<100x128xf32, #tpu.memory_space<vmem>>)
      %dma_start3A_221 = arith.constant 7 : i32
      %dma_start3A_222 = arith.constant 0 : i32
      %dma_start3A_223 = tpu.memref_slice %arg8[%dma_start3A_221, %dma_start3A_222] : memref<25x100xi32, #tpu.memory_space<vmem>> -> memref<1x100xi32, #tpu.memory_space<vmem>>
      %dma_start3A_224 = tpu.memref_squeeze %dma_start3A_223 : memref<1x100xi32, #tpu.memory_space<vmem>> -> memref<100xi32, #tpu.memory_space<vmem>>
      %dma_start3A_225 = arith.constant 0 : i32
      %dma_start3A_226 = arith.constant 0 : i32
      %dma_start3A_227 = tpu.memref_slice %arg12[%dma_start3A_225, %dma_start3A_226] : memref<10112x128xf32, #tpu.memory_space<vmem_shared>> -> memref<10112x128xf32, #tpu.memory_space<vmem_shared>>
      tpu.enqueue_indirect_dma source(%arg10 : memref<100x128xf32, #tpu.memory_space<vmem>>) target(%dma_start3A_227 : memref<10112x128xf32, #tpu.memory_space<vmem_shared>>) offsets(%dma_start3A_224 : memref<100xi32, #tpu.memory_space<vmem>>) semaphore(%arg17 : memref<!tpu.dma_semaphore, #tpu.memory_space<semaphore_mem>>) {add = true}
      %dma_wait3A_228 = arith.constant 0 : i32
      %dma_wait3A_229 = arith.constant 0 : i32
      %dma_wait3A_230 = tpu.memref_slice %arg8[%dma_wait3A_228, %dma_wait3A_229] : memref<25x100xi32, #tpu.memory_space<vmem>> -> memref<1x100xi32, #tpu.memory_space<vmem>>
      %dma_wait3A_231 = tpu.memref_squeeze %dma_wait3A_230 : memref<1x100xi32, #tpu.memory_space<vmem>> -> memref<100xi32, #tpu.memory_space<vmem>>
      %dma_wait3A_232 = arith.constant 0 : i32
      %dma_wait3A_233 = arith.constant 0 : i32
      %dma_wait3A_234 = tpu.memref_slice %arg12[%dma_wait3A_232, %dma_wait3A_233] : memref<10112x128xf32, #tpu.memory_space<vmem_shared>> -> memref<10112x128xf32, #tpu.memory_space<vmem_shared>>
      tpu.wait_indirect_dma semaphore(%arg16 : memref<!tpu.dma_semaphore, #tpu.memory_space<semaphore_mem>>) src(%arg9 : memref<100x128xf32, #tpu.memory_space<vmem>>) dst(%dma_wait3A_234 : memref<10112x128xf32, #tpu.memory_space<vmem_shared>>)
      %dma_start3A_235 = arith.constant 9 : i32
      %dma_start3A_236 = arith.constant 0 : i32
      %dma_start3A_237 = tpu.memref_slice %arg7[%dma_start3A_235, %dma_start3A_236] : memref<25x100xi32, #tpu.memory_space<vmem>> -> memref<1x100xi32, #tpu.memory_space<vmem>>
      %dma_start3A_238 = tpu.memref_squeeze %dma_start3A_237 : memref<1x100xi32, #tpu.memory_space<vmem>> -> memref<100xi32, #tpu.memory_space<vmem>>
      %dma_start3A_239 = arith.constant 0 : i32
      %dma_start3A_240 = arith.constant 0 : i32
      %dma_start3A_241 = tpu.memref_slice %arg2[%dma_start3A_239, %dma_start3A_240] : memref<10000x128xf32, #tpu.memory_space<hbm>> -> memref<10000x128xf32, #tpu.memory_space<hbm>>
      tpu.enqueue_indirect_dma source(%dma_start3A_241 : memref<10000x128xf32, #tpu.memory_space<hbm>>) target(%arg9 : memref<100x128xf32, #tpu.memory_space<vmem>>) offsets(%dma_start3A_238 : memref<100xi32, #tpu.memory_space<vmem>>) semaphore(%arg13 : memref<!tpu.dma_semaphore, #tpu.memory_space<semaphore_mem>>)
      %dma_wait3A_242 = arith.constant 0 : i32
      %dma_wait3A_243 = arith.constant 0 : i32
      %dma_wait3A_244 = tpu.memref_slice %arg7[%dma_wait3A_242, %dma_wait3A_243] : memref<25x100xi32, #tpu.memory_space<vmem>> -> memref<1x100xi32, #tpu.memory_space<vmem>>
      %dma_wait3A_245 = tpu.memref_squeeze %dma_wait3A_244 : memref<1x100xi32, #tpu.memory_space<vmem>> -> memref<100xi32, #tpu.memory_space<vmem>>
      %dma_wait3A_246 = arith.constant 0 : i32
      %dma_wait3A_247 = arith.constant 0 : i32
      %dma_wait3A_248 = tpu.memref_slice %arg2[%dma_wait3A_246, %dma_wait3A_247] : memref<10000x128xf32, #tpu.memory_space<hbm>> -> memref<10000x128xf32, #tpu.memory_space<hbm>>
      tpu.wait_indirect_dma semaphore(%arg15 : memref<!tpu.dma_semaphore, #tpu.memory_space<semaphore_mem>>) src(%dma_wait3A_248 : memref<10000x128xf32, #tpu.memory_space<hbm>>) dst(%arg11 : memref<100x128xf32, #tpu.memory_space<vmem>>)
      %dma_start3A_249 = arith.constant 8 : i32
      %dma_start3A_250 = arith.constant 0 : i32
      %dma_start3A_251 = tpu.memref_slice %arg8[%dma_start3A_249, %dma_start3A_250] : memref<25x100xi32, #tpu.memory_space<vmem>> -> memref<1x100xi32, #tpu.memory_space<vmem>>
      %dma_start3A_252 = tpu.memref_squeeze %dma_start3A_251 : memref<1x100xi32, #tpu.memory_space<vmem>> -> memref<100xi32, #tpu.memory_space<vmem>>
      %dma_start3A_253 = arith.constant 0 : i32
      %dma_start3A_254 = arith.constant 0 : i32
      %dma_start3A_255 = tpu.memref_slice %arg12[%dma_start3A_253, %dma_start3A_254] : memref<10112x128xf32, #tpu.memory_space<vmem_shared>> -> memref<10112x128xf32, #tpu.memory_space<vmem_shared>>
      tpu.enqueue_indirect_dma source(%arg11 : memref<100x128xf32, #tpu.memory_space<vmem>>) target(%dma_start3A_255 : memref<10112x128xf32, #tpu.memory_space<vmem_shared>>) offsets(%dma_start3A_252 : memref<100xi32, #tpu.memory_space<vmem>>) semaphore(%arg18 : memref<!tpu.dma_semaphore, #tpu.memory_space<semaphore_mem>>) {add = true}
      %dma_wait3A_256 = arith.constant 0 : i32
      %dma_wait3A_257 = arith.constant 0 : i32
      %dma_wait3A_258 = tpu.memref_slice %arg8[%dma_wait3A_256, %dma_wait3A_257] : memref<25x100xi32, #tpu.memory_space<vmem>> -> memref<1x100xi32, #tpu.memory_space<vmem>>
      %dma_wait3A_259 = tpu.memref_squeeze %dma_wait3A_258 : memref<1x100xi32, #tpu.memory_space<vmem>> -> memref<100xi32, #tpu.memory_space<vmem>>
      %dma_wait3A_260 = arith.constant 0 : i32
      %dma_wait3A_261 = arith.constant 0 : i32
      %dma_wait3A_262 = tpu.memref_slice %arg12[%dma_wait3A_260, %dma_wait3A_261] : memref<10112x128xf32, #tpu.memory_space<vmem_shared>> -> memref<10112x128xf32, #tpu.memory_space<vmem_shared>>
      tpu.wait_indirect_dma semaphore(%arg17 : memref<!tpu.dma_semaphore, #tpu.memory_space<semaphore_mem>>) src(%arg10 : memref<100x128xf32, #tpu.memory_space<vmem>>) dst(%dma_wait3A_262 : memref<10112x128xf32, #tpu.memory_space<vmem_shared>>)
      %dma_start3A_263 = arith.constant 10 : i32
      %dma_start3A_264 = arith.constant 0 : i32
      %dma_start3A_265 = tpu.memref_slice %arg7[%dma_start3A_263, %dma_start3A_264] : memref<25x100xi32, #tpu.memory_space<vmem>> -> memref<1x100xi32, #tpu.memory_space<vmem>>
      %dma_start3A_266 = tpu.memref_squeeze %dma_start3A_265 : memref<1x100xi32, #tpu.memory_space<vmem>> -> memref<100xi32, #tpu.memory_space<vmem>>
      %dma_start3A_267 = arith.constant 0 : i32
      %dma_start3A_268 = arith.constant 0 : i32
      %dma_start3A_269 = tpu.memref_slice %arg2[%dma_start3A_267, %dma_start3A_268] : memref<10000x128xf32, #tpu.memory_space<hbm>> -> memref<10000x128xf32, #tpu.memory_space<hbm>>
      tpu.enqueue_indirect_dma source(%dma_start3A_269 : memref<10000x128xf32, #tpu.memory_space<hbm>>) target(%arg10 : memref<100x128xf32, #tpu.memory_space<vmem>>) offsets(%dma_start3A_266 : memref<100xi32, #tpu.memory_space<vmem>>) semaphore(%arg14 : memref<!tpu.dma_semaphore, #tpu.memory_space<semaphore_mem>>)
      %dma_wait3A_270 = arith.constant 0 : i32
      %dma_wait3A_271 = arith.constant 0 : i32
      %dma_wait3A_272 = tpu.memref_slice %arg7[%dma_wait3A_270, %dma_wait3A_271] : memref<25x100xi32, #tpu.memory_space<vmem>> -> memref<1x100xi32, #tpu.memory_space<vmem>>
      %dma_wait3A_273 = tpu.memref_squeeze %dma_wait3A_272 : memref<1x100xi32, #tpu.memory_space<vmem>> -> memref<100xi32, #tpu.memory_space<vmem>>
      %dma_wait3A_274 = arith.constant 0 : i32
      %dma_wait3A_275 = arith.constant 0 : i32
      %dma_wait3A_276 = tpu.memref_slice %arg2[%dma_wait3A_274, %dma_wait3A_275] : memref<10000x128xf32, #tpu.memory_space<hbm>> -> memref<10000x128xf32, #tpu.memory_space<hbm>>
      tpu.wait_indirect_dma semaphore(%arg13 : memref<!tpu.dma_semaphore, #tpu.memory_space<semaphore_mem>>) src(%dma_wait3A_276 : memref<10000x128xf32, #tpu.memory_space<hbm>>) dst(%arg9 : memref<100x128xf32, #tpu.memory_space<vmem>>)
      %dma_start3A_277 = arith.constant 9 : i32
      %dma_start3A_278 = arith.constant 0 : i32
      %dma_start3A_279 = tpu.memref_slice %arg8[%dma_start3A_277, %dma_start3A_278] : memref<25x100xi32, #tpu.memory_space<vmem>> -> memref<1x100xi32, #tpu.memory_space<vmem>>
      %dma_start3A_280 = tpu.memref_squeeze %dma_start3A_279 : memref<1x100xi32, #tpu.memory_space<vmem>> -> memref<100xi32, #tpu.memory_space<vmem>>
      %dma_start3A_281 = arith.constant 0 : i32
      %dma_start3A_282 = arith.constant 0 : i32
      %dma_start3A_283 = tpu.memref_slice %arg12[%dma_start3A_281, %dma_start3A_282] : memref<10112x128xf32, #tpu.memory_space<vmem_shared>> -> memref<10112x128xf32, #tpu.memory_space<vmem_shared>>
      tpu.enqueue_indirect_dma source(%arg9 : memref<100x128xf32, #tpu.memory_space<vmem>>) target(%dma_start3A_283 : memref<10112x128xf32, #tpu.memory_space<vmem_shared>>) offsets(%dma_start3A_280 : memref<100xi32, #tpu.memory_space<vmem>>) semaphore(%arg16 : memref<!tpu.dma_semaphore, #tpu.memory_space<semaphore_mem>>) {add = true}
      %dma_wait3A_284 = arith.constant 0 : i32
      %dma_wait3A_285 = arith.constant 0 : i32
      %dma_wait3A_286 = tpu.memref_slice %arg8[%dma_wait3A_284, %dma_wait3A_285] : memref<25x100xi32, #tpu.memory_space<vmem>> -> memref<1x100xi32, #tpu.memory_space<vmem>>
      %dma_wait3A_287 = tpu.memref_squeeze %dma_wait3A_286 : memref<1x100xi32, #tpu.memory_space<vmem>> -> memref<100xi32, #tpu.memory_space<vmem>>
      %dma_wait3A_288 = arith.constant 0 : i32
      %dma_wait3A_289 = arith.constant 0 : i32
      %dma_wait3A_290 = tpu.memref_slice %arg12[%dma_wait3A_288, %dma_wait3A_289] : memref<10112x128xf32, #tpu.memory_space<vmem_shared>> -> memref<10112x128xf32, #tpu.memory_space<vmem_shared>>
      tpu.wait_indirect_dma semaphore(%arg18 : memref<!tpu.dma_semaphore, #tpu.memory_space<semaphore_mem>>) src(%arg11 : memref<100x128xf32, #tpu.memory_space<vmem>>) dst(%dma_wait3A_290 : memref<10112x128xf32, #tpu.memory_space<vmem_shared>>)
      %dma_start3A_291 = arith.constant 11 : i32
      %dma_start3A_292 = arith.constant 0 : i32
      %dma_start3A_293 = tpu.memref_slice %arg7[%dma_start3A_291, %dma_start3A_292] : memref<25x100xi32, #tpu.memory_space<vmem>> -> memref<1x100xi32, #tpu.memory_space<vmem>>
      %dma_start3A_294 = tpu.memref_squeeze %dma_start3A_293 : memref<1x100xi32, #tpu.memory_space<vmem>> -> memref<100xi32, #tpu.memory_space<vmem>>
      %dma_start3A_295 = arith.constant 0 : i32
      %dma_start3A_296 = arith.constant 0 : i32
      %dma_start3A_297 = tpu.memref_slice %arg2[%dma_start3A_295, %dma_start3A_296] : memref<10000x128xf32, #tpu.memory_space<hbm>> -> memref<10000x128xf32, #tpu.memory_space<hbm>>
      tpu.enqueue_indirect_dma source(%dma_start3A_297 : memref<10000x128xf32, #tpu.memory_space<hbm>>) target(%arg11 : memref<100x128xf32, #tpu.memory_space<vmem>>) offsets(%dma_start3A_294 : memref<100xi32, #tpu.memory_space<vmem>>) semaphore(%arg15 : memref<!tpu.dma_semaphore, #tpu.memory_space<semaphore_mem>>)
      %dma_wait3A_298 = arith.constant 0 : i32
      %dma_wait3A_299 = arith.constant 0 : i32
      %dma_wait3A_300 = tpu.memref_slice %arg7[%dma_wait3A_298, %dma_wait3A_299] : memref<25x100xi32, #tpu.memory_space<vmem>> -> memref<1x100xi32, #tpu.memory_space<vmem>>
      %dma_wait3A_301 = tpu.memref_squeeze %dma_wait3A_300 : memref<1x100xi32, #tpu.memory_space<vmem>> -> memref<100xi32, #tpu.memory_space<vmem>>
      %dma_wait3A_302 = arith.constant 0 : i32
      %dma_wait3A_303 = arith.constant 0 : i32
      %dma_wait3A_304 = tpu.memref_slice %arg2[%dma_wait3A_302, %dma_wait3A_303] : memref<10000x128xf32, #tpu.memory_space<hbm>> -> memref<10000x128xf32, #tpu.memory_space<hbm>>
      tpu.wait_indirect_dma semaphore(%arg14 : memref<!tpu.dma_semaphore, #tpu.memory_space<semaphore_mem>>) src(%dma_wait3A_304 : memref<10000x128xf32, #tpu.memory_space<hbm>>) dst(%arg10 : memref<100x128xf32, #tpu.memory_space<vmem>>)
      %dma_start3A_305 = arith.constant 10 : i32
      %dma_start3A_306 = arith.constant 0 : i32
      %dma_start3A_307 = tpu.memref_slice %arg8[%dma_start3A_305, %dma_start3A_306] : memref<25x100xi32, #tpu.memory_space<vmem>> -> memref<1x100xi32, #tpu.memory_space<vmem>>
      %dma_start3A_308 = tpu.memref_squeeze %dma_start3A_307 : memref<1x100xi32, #tpu.memory_space<vmem>> -> memref<100xi32, #tpu.memory_space<vmem>>
      %dma_start3A_309 = arith.constant 0 : i32
      %dma_start3A_310 = arith.constant 0 : i32
      %dma_start3A_311 = tpu.memref_slice %arg12[%dma_start3A_309, %dma_start3A_310] : memref<10112x128xf32, #tpu.memory_space<vmem_shared>> -> memref<10112x128xf32, #tpu.memory_space<vmem_shared>>
      tpu.enqueue_indirect_dma source(%arg10 : memref<100x128xf32, #tpu.memory_space<vmem>>) target(%dma_start3A_311 : memref<10112x128xf32, #tpu.memory_space<vmem_shared>>) offsets(%dma_start3A_308 : memref<100xi32, #tpu.memory_space<vmem>>) semaphore(%arg17 : memref<!tpu.dma_semaphore, #tpu.memory_space<semaphore_mem>>) {add = true}
      %dma_wait3A_312 = arith.constant 0 : i32
      %dma_wait3A_313 = arith.constant 0 : i32
      %dma_wait3A_314 = tpu.memref_slice %arg8[%dma_wait3A_312, %dma_wait3A_313] : memref<25x100xi32, #tpu.memory_space<vmem>> -> memref<1x100xi32, #tpu.memory_space<vmem>>
      %dma_wait3A_315 = tpu.memref_squeeze %dma_wait3A_314 : memref<1x100xi32, #tpu.memory_space<vmem>> -> memref<100xi32, #tpu.memory_space<vmem>>
      %dma_wait3A_316 = arith.constant 0 : i32
      %dma_wait3A_317 = arith.constant 0 : i32
      %dma_wait3A_318 = tpu.memref_slice %arg12[%dma_wait3A_316, %dma_wait3A_317] : memref<10112x128xf32, #tpu.memory_space<vmem_shared>> -> memref<10112x128xf32, #tpu.memory_space<vmem_shared>>
      tpu.wait_indirect_dma semaphore(%arg16 : memref<!tpu.dma_semaphore, #tpu.memory_space<semaphore_mem>>) src(%arg9 : memref<100x128xf32, #tpu.memory_space<vmem>>) dst(%dma_wait3A_318 : memref<10112x128xf32, #tpu.memory_space<vmem_shared>>)
      %dma_start3A_319 = arith.constant 12 : i32
      %dma_start3A_320 = arith.constant 0 : i32
      %dma_start3A_321 = tpu.memref_slice %arg7[%dma_start3A_319, %dma_start3A_320] : memref<25x100xi32, #tpu.memory_space<vmem>> -> memref<1x100xi32, #tpu.memory_space<vmem>>
      %dma_start3A_322 = tpu.memref_squeeze %dma_start3A_321 : memref<1x100xi32, #tpu.memory_space<vmem>> -> memref<100xi32, #tpu.memory_space<vmem>>
      %dma_start3A_323 = arith.constant 0 : i32
      %dma_start3A_324 = arith.constant 0 : i32
      %dma_start3A_325 = tpu.memref_slice %arg2[%dma_start3A_323, %dma_start3A_324] : memref<10000x128xf32, #tpu.memory_space<hbm>> -> memref<10000x128xf32, #tpu.memory_space<hbm>>
      tpu.enqueue_indirect_dma source(%dma_start3A_325 : memref<10000x128xf32, #tpu.memory_space<hbm>>) target(%arg9 : memref<100x128xf32, #tpu.memory_space<vmem>>) offsets(%dma_start3A_322 : memref<100xi32, #tpu.memory_space<vmem>>) semaphore(%arg13 : memref<!tpu.dma_semaphore, #tpu.memory_space<semaphore_mem>>)
      %dma_wait3A_326 = arith.constant 0 : i32
      %dma_wait3A_327 = arith.constant 0 : i32
      %dma_wait3A_328 = tpu.memref_slice %arg7[%dma_wait3A_326, %dma_wait3A_327] : memref<25x100xi32, #tpu.memory_space<vmem>> -> memref<1x100xi32, #tpu.memory_space<vmem>>
      %dma_wait3A_329 = tpu.memref_squeeze %dma_wait3A_328 : memref<1x100xi32, #tpu.memory_space<vmem>> -> memref<100xi32, #tpu.memory_space<vmem>>
      %dma_wait3A_330 = arith.constant 0 : i32
      %dma_wait3A_331 = arith.constant 0 : i32
      %dma_wait3A_332 = tpu.memref_slice %arg2[%dma_wait3A_330, %dma_wait3A_331] : memref<10000x128xf32, #tpu.memory_space<hbm>> -> memref<10000x128xf32, #tpu.memory_space<hbm>>
      tpu.wait_indirect_dma semaphore(%arg15 : memref<!tpu.dma_semaphore, #tpu.memory_space<semaphore_mem>>) src(%dma_wait3A_332 : memref<10000x128xf32, #tpu.memory_space<hbm>>) dst(%arg11 : memref<100x128xf32, #tpu.memory_space<vmem>>)
      %dma_start3A_333 = arith.constant 11 : i32
      %dma_start3A_334 = arith.constant 0 : i32
      %dma_start3A_335 = tpu.memref_slice %arg8[%dma_start3A_333, %dma_start3A_334] : memref<25x100xi32, #tpu.memory_space<vmem>> -> memref<1x100xi32, #tpu.memory_space<vmem>>
      %dma_start3A_336 = tpu.memref_squeeze %dma_start3A_335 : memref<1x100xi32, #tpu.memory_space<vmem>> -> memref<100xi32, #tpu.memory_space<vmem>>
      %dma_start3A_337 = arith.constant 0 : i32
      %dma_start3A_338 = arith.constant 0 : i32
      %dma_start3A_339 = tpu.memref_slice %arg12[%dma_start3A_337, %dma_start3A_338] : memref<10112x128xf32, #tpu.memory_space<vmem_shared>> -> memref<10112x128xf32, #tpu.memory_space<vmem_shared>>
      tpu.enqueue_indirect_dma source(%arg11 : memref<100x128xf32, #tpu.memory_space<vmem>>) target(%dma_start3A_339 : memref<10112x128xf32, #tpu.memory_space<vmem_shared>>) offsets(%dma_start3A_336 : memref<100xi32, #tpu.memory_space<vmem>>) semaphore(%arg18 : memref<!tpu.dma_semaphore, #tpu.memory_space<semaphore_mem>>) {add = true}
      %dma_wait3A_340 = arith.constant 0 : i32
      %dma_wait3A_341 = arith.constant 0 : i32
      %dma_wait3A_342 = tpu.memref_slice %arg8[%dma_wait3A_340, %dma_wait3A_341] : memref<25x100xi32, #tpu.memory_space<vmem>> -> memref<1x100xi32, #tpu.memory_space<vmem>>
      %dma_wait3A_343 = tpu.memref_squeeze %dma_wait3A_342 : memref<1x100xi32, #tpu.memory_space<vmem>> -> memref<100xi32, #tpu.memory_space<vmem>>
      %dma_wait3A_344 = arith.constant 0 : i32
      %dma_wait3A_345 = arith.constant 0 : i32
      %dma_wait3A_346 = tpu.memref_slice %arg12[%dma_wait3A_344, %dma_wait3A_345] : memref<10112x128xf32, #tpu.memory_space<vmem_shared>> -> memref<10112x128xf32, #tpu.memory_space<vmem_shared>>
      tpu.wait_indirect_dma semaphore(%arg17 : memref<!tpu.dma_semaphore, #tpu.memory_space<semaphore_mem>>) src(%arg10 : memref<100x128xf32, #tpu.memory_space<vmem>>) dst(%dma_wait3A_346 : memref<10112x128xf32, #tpu.memory_space<vmem_shared>>)
      %dma_start3A_347 = arith.constant 13 : i32
      %dma_start3A_348 = arith.constant 0 : i32
      %dma_start3A_349 = tpu.memref_slice %arg7[%dma_start3A_347, %dma_start3A_348] : memref<25x100xi32, #tpu.memory_space<vmem>> -> memref<1x100xi32, #tpu.memory_space<vmem>>
      %dma_start3A_350 = tpu.memref_squeeze %dma_start3A_349 : memref<1x100xi32, #tpu.memory_space<vmem>> -> memref<100xi32, #tpu.memory_space<vmem>>
      %dma_start3A_351 = arith.constant 0 : i32
      %dma_start3A_352 = arith.constant 0 : i32
      %dma_start3A_353 = tpu.memref_slice %arg2[%dma_start3A_351, %dma_start3A_352] : memref<10000x128xf32, #tpu.memory_space<hbm>> -> memref<10000x128xf32, #tpu.memory_space<hbm>>
      tpu.enqueue_indirect_dma source(%dma_start3A_353 : memref<10000x128xf32, #tpu.memory_space<hbm>>) target(%arg10 : memref<100x128xf32, #tpu.memory_space<vmem>>) offsets(%dma_start3A_350 : memref<100xi32, #tpu.memory_space<vmem>>) semaphore(%arg14 : memref<!tpu.dma_semaphore, #tpu.memory_space<semaphore_mem>>)
      %dma_wait3A_354 = arith.constant 0 : i32
      %dma_wait3A_355 = arith.constant 0 : i32
      %dma_wait3A_356 = tpu.memref_slice %arg7[%dma_wait3A_354, %dma_wait3A_355] : memref<25x100xi32, #tpu.memory_space<vmem>> -> memref<1x100xi32, #tpu.memory_space<vmem>>
      %dma_wait3A_357 = tpu.memref_squeeze %dma_wait3A_356 : memref<1x100xi32, #tpu.memory_space<vmem>> -> memref<100xi32, #tpu.memory_space<vmem>>
      %dma_wait3A_358 = arith.constant 0 : i32
      %dma_wait3A_359 = arith.constant 0 : i32
      %dma_wait3A_360 = tpu.memref_slice %arg2[%dma_wait3A_358, %dma_wait3A_359] : memref<10000x128xf32, #tpu.memory_space<hbm>> -> memref<10000x128xf32, #tpu.memory_space<hbm>>
      tpu.wait_indirect_dma semaphore(%arg13 : memref<!tpu.dma_semaphore, #tpu.memory_space<semaphore_mem>>) src(%dma_wait3A_360 : memref<10000x128xf32, #tpu.memory_space<hbm>>) dst(%arg9 : memref<100x128xf32, #tpu.memory_space<vmem>>)
      %dma_start3A_361 = arith.constant 12 : i32
      %dma_start3A_362 = arith.constant 0 : i32
      %dma_start3A_363 = tpu.memref_slice %arg8[%dma_start3A_361, %dma_start3A_362] : memref<25x100xi32, #tpu.memory_space<vmem>> -> memref<1x100xi32, #tpu.memory_space<vmem>>
      %dma_start3A_364 = tpu.memref_squeeze %dma_start3A_363 : memref<1x100xi32, #tpu.memory_space<vmem>> -> memref<100xi32, #tpu.memory_space<vmem>>
      %dma_start3A_365 = arith.constant 0 : i32
      %dma_start3A_366 = arith.constant 0 : i32
      %dma_start3A_367 = tpu.memref_slice %arg12[%dma_start3A_365, %dma_start3A_366] : memref<10112x128xf32, #tpu.memory_space<vmem_shared>> -> memref<10112x128xf32, #tpu.memory_space<vmem_shared>>
      tpu.enqueue_indirect_dma source(%arg9 : memref<100x128xf32, #tpu.memory_space<vmem>>) target(%dma_start3A_367 : memref<10112x128xf32, #tpu.memory_space<vmem_shared>>) offsets(%dma_start3A_364 : memref<100xi32, #tpu.memory_space<vmem>>) semaphore(%arg16 : memref<!tpu.dma_semaphore, #tpu.memory_space<semaphore_mem>>) {add = true}
      %dma_wait3A_368 = arith.constant 0 : i32
      %dma_wait3A_369 = arith.constant 0 : i32
      %dma_wait3A_370 = tpu.memref_slice %arg8[%dma_wait3A_368, %dma_wait3A_369] : memref<25x100xi32, #tpu.memory_space<vmem>> -> memref<1x100xi32, #tpu.memory_space<vmem>>
      %dma_wait3A_371 = tpu.memref_squeeze %dma_wait3A_370 : memref<1x100xi32, #tpu.memory_space<vmem>> -> memref<100xi32, #tpu.memory_space<vmem>>
      %dma_wait3A_372 = arith.constant 0 : i32
      %dma_wait3A_373 = arith.constant 0 : i32
      %dma_wait3A_374 = tpu.memref_slice %arg12[%dma_wait3A_372, %dma_wait3A_373] : memref<10112x128xf32, #tpu.memory_space<vmem_shared>> -> memref<10112x128xf32, #tpu.memory_space<vmem_shared>>
      tpu.wait_indirect_dma semaphore(%arg18 : memref<!tpu.dma_semaphore, #tpu.memory_space<semaphore_mem>>) src(%arg11 : memref<100x128xf32, #tpu.memory_space<vmem>>) dst(%dma_wait3A_374 : memref<10112x128xf32, #tpu.memory_space<vmem_shared>>)
      %dma_start3A_375 = arith.constant 14 : i32
      %dma_start3A_376 = arith.constant 0 : i32
      %dma_start3A_377 = tpu.memref_slice %arg7[%dma_start3A_375, %dma_start3A_376] : memref<25x100xi32, #tpu.memory_space<vmem>> -> memref<1x100xi32, #tpu.memory_space<vmem>>
      %dma_start3A_378 = tpu.memref_squeeze %dma_start3A_377 : memref<1x100xi32, #tpu.memory_space<vmem>> -> memref<100xi32, #tpu.memory_space<vmem>>
      %dma_start3A_379 = arith.constant 0 : i32
      %dma_start3A_380 = arith.constant 0 : i32
      %dma_start3A_381 = tpu.memref_slice %arg2[%dma_start3A_379, %dma_start3A_380] : memref<10000x128xf32, #tpu.memory_space<hbm>> -> memref<10000x128xf32, #tpu.memory_space<hbm>>
      tpu.enqueue_indirect_dma source(%dma_start3A_381 : memref<10000x128xf32, #tpu.memory_space<hbm>>) target(%arg11 : memref<100x128xf32, #tpu.memory_space<vmem>>) offsets(%dma_start3A_378 : memref<100xi32, #tpu.memory_space<vmem>>) semaphore(%arg15 : memref<!tpu.dma_semaphore, #tpu.memory_space<semaphore_mem>>)
      %dma_wait3A_382 = arith.constant 0 : i32
      %dma_wait3A_383 = arith.constant 0 : i32
      %dma_wait3A_384 = tpu.memref_slice %arg7[%dma_wait3A_382, %dma_wait3A_383] : memref<25x100xi32, #tpu.memory_space<vmem>> -> memref<1x100xi32, #tpu.memory_space<vmem>>
      %dma_wait3A_385 = tpu.memref_squeeze %dma_wait3A_384 : memref<1x100xi32, #tpu.memory_space<vmem>> -> memref<100xi32, #tpu.memory_space<vmem>>
      %dma_wait3A_386 = arith.constant 0 : i32
      %dma_wait3A_387 = arith.constant 0 : i32
      %dma_wait3A_388 = tpu.memref_slice %arg2[%dma_wait3A_386, %dma_wait3A_387] : memref<10000x128xf32, #tpu.memory_space<hbm>> -> memref<10000x128xf32, #tpu.memory_space<hbm>>
      tpu.wait_indirect_dma semaphore(%arg14 : memref<!tpu.dma_semaphore, #tpu.memory_space<semaphore_mem>>) src(%dma_wait3A_388 : memref<10000x128xf32, #tpu.memory_space<hbm>>) dst(%arg10 : memref<100x128xf32, #tpu.memory_space<vmem>>)
      %dma_start3A_389 = arith.constant 13 : i32
      %dma_start3A_390 = arith.constant 0 : i32
      %dma_start3A_391 = tpu.memref_slice %arg8[%dma_start3A_389, %dma_start3A_390] : memref<25x100xi32, #tpu.memory_space<vmem>> -> memref<1x100xi32, #tpu.memory_space<vmem>>
      %dma_start3A_392 = tpu.memref_squeeze %dma_start3A_391 : memref<1x100xi32, #tpu.memory_space<vmem>> -> memref<100xi32, #tpu.memory_space<vmem>>
      %dma_start3A_393 = arith.constant 0 : i32
      %dma_start3A_394 = arith.constant 0 : i32
      %dma_start3A_395 = tpu.memref_slice %arg12[%dma_start3A_393, %dma_start3A_394] : memref<10112x128xf32, #tpu.memory_space<vmem_shared>> -> memref<10112x128xf32, #tpu.memory_space<vmem_shared>>
      tpu.enqueue_indirect_dma source(%arg10 : memref<100x128xf32, #tpu.memory_space<vmem>>) target(%dma_start3A_395 : memref<10112x128xf32, #tpu.memory_space<vmem_shared>>) offsets(%dma_start3A_392 : memref<100xi32, #tpu.memory_space<vmem>>) semaphore(%arg17 : memref<!tpu.dma_semaphore, #tpu.memory_space<semaphore_mem>>) {add = true}
      %dma_wait3A_396 = arith.constant 0 : i32
      %dma_wait3A_397 = arith.constant 0 : i32
      %dma_wait3A_398 = tpu.memref_slice %arg8[%dma_wait3A_396, %dma_wait3A_397] : memref<25x100xi32, #tpu.memory_space<vmem>> -> memref<1x100xi32, #tpu.memory_space<vmem>>
      %dma_wait3A_399 = tpu.memref_squeeze %dma_wait3A_398 : memref<1x100xi32, #tpu.memory_space<vmem>> -> memref<100xi32, #tpu.memory_space<vmem>>
      %dma_wait3A_400 = arith.constant 0 : i32
      %dma_wait3A_401 = arith.constant 0 : i32
      %dma_wait3A_402 = tpu.memref_slice %arg12[%dma_wait3A_400, %dma_wait3A_401] : memref<10112x128xf32, #tpu.memory_space<vmem_shared>> -> memref<10112x128xf32, #tpu.memory_space<vmem_shared>>
      tpu.wait_indirect_dma semaphore(%arg16 : memref<!tpu.dma_semaphore, #tpu.memory_space<semaphore_mem>>) src(%arg9 : memref<100x128xf32, #tpu.memory_space<vmem>>) dst(%dma_wait3A_402 : memref<10112x128xf32, #tpu.memory_space<vmem_shared>>)
      %dma_start3A_403 = arith.constant 15 : i32
      %dma_start3A_404 = arith.constant 0 : i32
      %dma_start3A_405 = tpu.memref_slice %arg7[%dma_start3A_403, %dma_start3A_404] : memref<25x100xi32, #tpu.memory_space<vmem>> -> memref<1x100xi32, #tpu.memory_space<vmem>>
      %dma_start3A_406 = tpu.memref_squeeze %dma_start3A_405 : memref<1x100xi32, #tpu.memory_space<vmem>> -> memref<100xi32, #tpu.memory_space<vmem>>
      %dma_start3A_407 = arith.constant 0 : i32
      %dma_start3A_408 = arith.constant 0 : i32
      %dma_start3A_409 = tpu.memref_slice %arg2[%dma_start3A_407, %dma_start3A_408] : memref<10000x128xf32, #tpu.memory_space<hbm>> -> memref<10000x128xf32, #tpu.memory_space<hbm>>
      tpu.enqueue_indirect_dma source(%dma_start3A_409 : memref<10000x128xf32, #tpu.memory_space<hbm>>) target(%arg9 : memref<100x128xf32, #tpu.memory_space<vmem>>) offsets(%dma_start3A_406 : memref<100xi32, #tpu.memory_space<vmem>>) semaphore(%arg13 : memref<!tpu.dma_semaphore, #tpu.memory_space<semaphore_mem>>)
      %dma_wait3A_410 = arith.constant 0 : i32
      %dma_wait3A_411 = arith.constant 0 : i32
      %dma_wait3A_412 = tpu.memref_slice %arg7[%dma_wait3A_410, %dma_wait3A_411] : memref<25x100xi32, #tpu.memory_space<vmem>> -> memref<1x100xi32, #tpu.memory_space<vmem>>
      %dma_wait3A_413 = tpu.memref_squeeze %dma_wait3A_412 : memref<1x100xi32, #tpu.memory_space<vmem>> -> memref<100xi32, #tpu.memory_space<vmem>>
      %dma_wait3A_414 = arith.constant 0 : i32
      %dma_wait3A_415 = arith.constant 0 : i32
      %dma_wait3A_416 = tpu.memref_slice %arg2[%dma_wait3A_414, %dma_wait3A_415] : memref<10000x128xf32, #tpu.memory_space<hbm>> -> memref<10000x128xf32, #tpu.memory_space<hbm>>
      tpu.wait_indirect_dma semaphore(%arg15 : memref<!tpu.dma_semaphore, #tpu.memory_space<semaphore_mem>>) src(%dma_wait3A_416 : memref<10000x128xf32, #tpu.memory_space<hbm>>) dst(%arg11 : memref<100x128xf32, #tpu.memory_space<vmem>>)
      %dma_start3A_417 = arith.constant 14 : i32
      %dma_start3A_418 = arith.constant 0 : i32
      %dma_start3A_419 = tpu.memref_slice %arg8[%dma_start3A_417, %dma_start3A_418] : memref<25x100xi32, #tpu.memory_space<vmem>> -> memref<1x100xi32, #tpu.memory_space<vmem>>
      %dma_start3A_420 = tpu.memref_squeeze %dma_start3A_419 : memref<1x100xi32, #tpu.memory_space<vmem>> -> memref<100xi32, #tpu.memory_space<vmem>>
      %dma_start3A_421 = arith.constant 0 : i32
      %dma_start3A_422 = arith.constant 0 : i32
      %dma_start3A_423 = tpu.memref_slice %arg12[%dma_start3A_421, %dma_start3A_422] : memref<10112x128xf32, #tpu.memory_space<vmem_shared>> -> memref<10112x128xf32, #tpu.memory_space<vmem_shared>>
      tpu.enqueue_indirect_dma source(%arg11 : memref<100x128xf32, #tpu.memory_space<vmem>>) target(%dma_start3A_423 : memref<10112x128xf32, #tpu.memory_space<vmem_shared>>) offsets(%dma_start3A_420 : memref<100xi32, #tpu.memory_space<vmem>>) semaphore(%arg18 : memref<!tpu.dma_semaphore, #tpu.memory_space<semaphore_mem>>) {add = true}
      %dma_wait3A_424 = arith.constant 0 : i32
      %dma_wait3A_425 = arith.constant 0 : i32
      %dma_wait3A_426 = tpu.memref_slice %arg8[%dma_wait3A_424, %dma_wait3A_425] : memref<25x100xi32, #tpu.memory_space<vmem>> -> memref<1x100xi32, #tpu.memory_space<vmem>>
      %dma_wait3A_427 = tpu.memref_squeeze %dma_wait3A_426 : memref<1x100xi32, #tpu.memory_space<vmem>> -> memref<100xi32, #tpu.memory_space<vmem>>
      %dma_wait3A_428 = arith.constant 0 : i32
      %dma_wait3A_429 = arith.constant 0 : i32
      %dma_wait3A_430 = tpu.memref_slice %arg12[%dma_wait3A_428, %dma_wait3A_429] : memref<10112x128xf32, #tpu.memory_space<vmem_shared>> -> memref<10112x128xf32, #tpu.memory_space<vmem_shared>>
      tpu.wait_indirect_dma semaphore(%arg17 : memref<!tpu.dma_semaphore, #tpu.memory_space<semaphore_mem>>) src(%arg10 : memref<100x128xf32, #tpu.memory_space<vmem>>) dst(%dma_wait3A_430 : memref<10112x128xf32, #tpu.memory_space<vmem_shared>>)
      %dma_start3A_431 = arith.constant 16 : i32
      %dma_start3A_432 = arith.constant 0 : i32
      %dma_start3A_433 = tpu.memref_slice %arg7[%dma_start3A_431, %dma_start3A_432] : memref<25x100xi32, #tpu.memory_space<vmem>> -> memref<1x100xi32, #tpu.memory_space<vmem>>
      %dma_start3A_434 = tpu.memref_squeeze %dma_start3A_433 : memref<1x100xi32, #tpu.memory_space<vmem>> -> memref<100xi32, #tpu.memory_space<vmem>>
      %dma_start3A_435 = arith.constant 0 : i32
      %dma_start3A_436 = arith.constant 0 : i32
      %dma_start3A_437 = tpu.memref_slice %arg2[%dma_start3A_435, %dma_start3A_436] : memref<10000x128xf32, #tpu.memory_space<hbm>> -> memref<10000x128xf32, #tpu.memory_space<hbm>>
      tpu.enqueue_indirect_dma source(%dma_start3A_437 : memref<10000x128xf32, #tpu.memory_space<hbm>>) target(%arg10 : memref<100x128xf32, #tpu.memory_space<vmem>>) offsets(%dma_start3A_434 : memref<100xi32, #tpu.memory_space<vmem>>) semaphore(%arg14 : memref<!tpu.dma_semaphore, #tpu.memory_space<semaphore_mem>>)
      %dma_wait3A_438 = arith.constant 0 : i32
      %dma_wait3A_439 = arith.constant 0 : i32
      %dma_wait3A_440 = tpu.memref_slice %arg7[%dma_wait3A_438, %dma_wait3A_439] : memref<25x100xi32, #tpu.memory_space<vmem>> -> memref<1x100xi32, #tpu.memory_space<vmem>>
      %dma_wait3A_441 = tpu.memref_squeeze %dma_wait3A_440 : memref<1x100xi32, #tpu.memory_space<vmem>> -> memref<100xi32, #tpu.memory_space<vmem>>
      %dma_wait3A_442 = arith.constant 0 : i32
      %dma_wait3A_443 = arith.constant 0 : i32
      %dma_wait3A_444 = tpu.memref_slice %arg2[%dma_wait3A_442, %dma_wait3A_443] : memref<10000x128xf32, #tpu.memory_space<hbm>> -> memref<10000x128xf32, #tpu.memory_space<hbm>>
      tpu.wait_indirect_dma semaphore(%arg13 : memref<!tpu.dma_semaphore, #tpu.memory_space<semaphore_mem>>) src(%dma_wait3A_444 : memref<10000x128xf32, #tpu.memory_space<hbm>>) dst(%arg9 : memref<100x128xf32, #tpu.memory_space<vmem>>)
      %dma_start3A_445 = arith.constant 15 : i32
      %dma_start3A_446 = arith.constant 0 : i32
      %dma_start3A_447 = tpu.memref_slice %arg8[%dma_start3A_445, %dma_start3A_446] : memref<25x100xi32, #tpu.memory_space<vmem>> -> memref<1x100xi32, #tpu.memory_space<vmem>>
      %dma_start3A_448 = tpu.memref_squeeze %dma_start3A_447 : memref<1x100xi32, #tpu.memory_space<vmem>> -> memref<100xi32, #tpu.memory_space<vmem>>
      %dma_start3A_449 = arith.constant 0 : i32
      %dma_start3A_450 = arith.constant 0 : i32
      %dma_start3A_451 = tpu.memref_slice %arg12[%dma_start3A_449, %dma_start3A_450] : memref<10112x128xf32, #tpu.memory_space<vmem_shared>> -> memref<10112x128xf32, #tpu.memory_space<vmem_shared>>
      tpu.enqueue_indirect_dma source(%arg9 : memref<100x128xf32, #tpu.memory_space<vmem>>) target(%dma_start3A_451 : memref<10112x128xf32, #tpu.memory_space<vmem_shared>>) offsets(%dma_start3A_448 : memref<100xi32, #tpu.memory_space<vmem>>) semaphore(%arg16 : memref<!tpu.dma_semaphore, #tpu.memory_space<semaphore_mem>>) {add = true}
      %dma_wait3A_452 = arith.constant 0 : i32
      %dma_wait3A_453 = arith.constant 0 : i32
      %dma_wait3A_454 = tpu.memref_slice %arg8[%dma_wait3A_452, %dma_wait3A_453] : memref<25x100xi32, #tpu.memory_space<vmem>> -> memref<1x100xi32, #tpu.memory_space<vmem>>
      %dma_wait3A_455 = tpu.memref_squeeze %dma_wait3A_454 : memref<1x100xi32, #tpu.memory_space<vmem>> -> memref<100xi32, #tpu.memory_space<vmem>>
      %dma_wait3A_456 = arith.constant 0 : i32
      %dma_wait3A_457 = arith.constant 0 : i32
      %dma_wait3A_458 = tpu.memref_slice %arg12[%dma_wait3A_456, %dma_wait3A_457] : memref<10112x128xf32, #tpu.memory_space<vmem_shared>> -> memref<10112x128xf32, #tpu.memory_space<vmem_shared>>
      tpu.wait_indirect_dma semaphore(%arg18 : memref<!tpu.dma_semaphore, #tpu.memory_space<semaphore_mem>>) src(%arg11 : memref<100x128xf32, #tpu.memory_space<vmem>>) dst(%dma_wait3A_458 : memref<10112x128xf32, #tpu.memory_space<vmem_shared>>)
      %dma_start3A_459 = arith.constant 17 : i32
      %dma_start3A_460 = arith.constant 0 : i32
      %dma_start3A_461 = tpu.memref_slice %arg7[%dma_start3A_459, %dma_start3A_460] : memref<25x100xi32, #tpu.memory_space<vmem>> -> memref<1x100xi32, #tpu.memory_space<vmem>>
      %dma_start3A_462 = tpu.memref_squeeze %dma_start3A_461 : memref<1x100xi32, #tpu.memory_space<vmem>> -> memref<100xi32, #tpu.memory_space<vmem>>
      %dma_start3A_463 = arith.constant 0 : i32
      %dma_start3A_464 = arith.constant 0 : i32
      %dma_start3A_465 = tpu.memref_slice %arg2[%dma_start3A_463, %dma_start3A_464] : memref<10000x128xf32, #tpu.memory_space<hbm>> -> memref<10000x128xf32, #tpu.memory_space<hbm>>
      tpu.enqueue_indirect_dma source(%dma_start3A_465 : memref<10000x128xf32, #tpu.memory_space<hbm>>) target(%arg11 : memref<100x128xf32, #tpu.memory_space<vmem>>) offsets(%dma_start3A_462 : memref<100xi32, #tpu.memory_space<vmem>>) semaphore(%arg15 : memref<!tpu.dma_semaphore, #tpu.memory_space<semaphore_mem>>)
      %dma_wait3A_466 = arith.constant 0 : i32
      %dma_wait3A_467 = arith.constant 0 : i32
      %dma_wait3A_468 = tpu.memref_slice %arg7[%dma_wait3A_466, %dma_wait3A_467] : memref<25x100xi32, #tpu.memory_space<vmem>> -> memref<1x100xi32, #tpu.memory_space<vmem>>
      %dma_wait3A_469 = tpu.memref_squeeze %dma_wait3A_468 : memref<1x100xi32, #tpu.memory_space<vmem>> -> memref<100xi32, #tpu.memory_space<vmem>>
      %dma_wait3A_470 = arith.constant 0 : i32
      %dma_wait3A_471 = arith.constant 0 : i32
      %dma_wait3A_472 = tpu.memref_slice %arg2[%dma_wait3A_470, %dma_wait3A_471] : memref<10000x128xf32, #tpu.memory_space<hbm>> -> memref<10000x128xf32, #tpu.memory_space<hbm>>
      tpu.wait_indirect_dma semaphore(%arg14 : memref<!tpu.dma_semaphore, #tpu.memory_space<semaphore_mem>>) src(%dma_wait3A_472 : memref<10000x128xf32, #tpu.memory_space<hbm>>) dst(%arg10 : memref<100x128xf32, #tpu.memory_space<vmem>>)
      %dma_start3A_473 = arith.constant 16 : i32
      %dma_start3A_474 = arith.constant 0 : i32
      %dma_start3A_475 = tpu.memref_slice %arg8[%dma_start3A_473, %dma_start3A_474] : memref<25x100xi32, #tpu.memory_space<vmem>> -> memref<1x100xi32, #tpu.memory_space<vmem>>
      %dma_start3A_476 = tpu.memref_squeeze %dma_start3A_475 : memref<1x100xi32, #tpu.memory_space<vmem>> -> memref<100xi32, #tpu.memory_space<vmem>>
      %dma_start3A_477 = arith.constant 0 : i32
      %dma_start3A_478 = arith.constant 0 : i32
      %dma_start3A_479 = tpu.memref_slice %arg12[%dma_start3A_477, %dma_start3A_478] : memref<10112x128xf32, #tpu.memory_space<vmem_shared>> -> memref<10112x128xf32, #tpu.memory_space<vmem_shared>>
      tpu.enqueue_indirect_dma source(%arg10 : memref<100x128xf32, #tpu.memory_space<vmem>>) target(%dma_start3A_479 : memref<10112x128xf32, #tpu.memory_space<vmem_shared>>) offsets(%dma_start3A_476 : memref<100xi32, #tpu.memory_space<vmem>>) semaphore(%arg17 : memref<!tpu.dma_semaphore, #tpu.memory_space<semaphore_mem>>) {add = true}
      %dma_wait3A_480 = arith.constant 0 : i32
      %dma_wait3A_481 = arith.constant 0 : i32
      %dma_wait3A_482 = tpu.memref_slice %arg8[%dma_wait3A_480, %dma_wait3A_481] : memref<25x100xi32, #tpu.memory_space<vmem>> -> memref<1x100xi32, #tpu.memory_space<vmem>>
      %dma_wait3A_483 = tpu.memref_squeeze %dma_wait3A_482 : memref<1x100xi32, #tpu.memory_space<vmem>> -> memref<100xi32, #tpu.memory_space<vmem>>
      %dma_wait3A_484 = arith.constant 0 : i32
      %dma_wait3A_485 = arith.constant 0 : i32
      %dma_wait3A_486 = tpu.memref_slice %arg12[%dma_wait3A_484, %dma_wait3A_485] : memref<10112x128xf32, #tpu.memory_space<vmem_shared>> -> memref<10112x128xf32, #tpu.memory_space<vmem_shared>>
      tpu.wait_indirect_dma semaphore(%arg16 : memref<!tpu.dma_semaphore, #tpu.memory_space<semaphore_mem>>) src(%arg9 : memref<100x128xf32, #tpu.memory_space<vmem>>) dst(%dma_wait3A_486 : memref<10112x128xf32, #tpu.memory_space<vmem_shared>>)
      %dma_start3A_487 = arith.constant 18 : i32
      %dma_start3A_488 = arith.constant 0 : i32
      %dma_start3A_489 = tpu.memref_slice %arg7[%dma_start3A_487, %dma_start3A_488] : memref<25x100xi32, #tpu.memory_space<vmem>> -> memref<1x100xi32, #tpu.memory_space<vmem>>
      %dma_start3A_490 = tpu.memref_squeeze %dma_start3A_489 : memref<1x100xi32, #tpu.memory_space<vmem>> -> memref<100xi32, #tpu.memory_space<vmem>>
      %dma_start3A_491 = arith.constant 0 : i32
      %dma_start3A_492 = arith.constant 0 : i32
      %dma_start3A_493 = tpu.memref_slice %arg2[%dma_start3A_491, %dma_start3A_492] : memref<10000x128xf32, #tpu.memory_space<hbm>> -> memref<10000x128xf32, #tpu.memory_space<hbm>>
      tpu.enqueue_indirect_dma source(%dma_start3A_493 : memref<10000x128xf32, #tpu.memory_space<hbm>>) target(%arg9 : memref<100x128xf32, #tpu.memory_space<vmem>>) offsets(%dma_start3A_490 : memref<100xi32, #tpu.memory_space<vmem>>) semaphore(%arg13 : memref<!tpu.dma_semaphore, #tpu.memory_space<semaphore_mem>>)
      %dma_wait3A_494 = arith.constant 0 : i32
      %dma_wait3A_495 = arith.constant 0 : i32
      %dma_wait3A_496 = tpu.memref_slice %arg7[%dma_wait3A_494, %dma_wait3A_495] : memref<25x100xi32, #tpu.memory_space<vmem>> -> memref<1x100xi32, #tpu.memory_space<vmem>>
      %dma_wait3A_497 = tpu.memref_squeeze %dma_wait3A_496 : memref<1x100xi32, #tpu.memory_space<vmem>> -> memref<100xi32, #tpu.memory_space<vmem>>
      %dma_wait3A_498 = arith.constant 0 : i32
      %dma_wait3A_499 = arith.constant 0 : i32
      %dma_wait3A_500 = tpu.memref_slice %arg2[%dma_wait3A_498, %dma_wait3A_499] : memref<10000x128xf32, #tpu.memory_space<hbm>> -> memref<10000x128xf32, #tpu.memory_space<hbm>>
      tpu.wait_indirect_dma semaphore(%arg15 : memref<!tpu.dma_semaphore, #tpu.memory_space<semaphore_mem>>) src(%dma_wait3A_500 : memref<10000x128xf32, #tpu.memory_space<hbm>>) dst(%arg11 : memref<100x128xf32, #tpu.memory_space<vmem>>)
      %dma_start3A_501 = arith.constant 17 : i32
      %dma_start3A_502 = arith.constant 0 : i32
      %dma_start3A_503 = tpu.memref_slice %arg8[%dma_start3A_501, %dma_start3A_502] : memref<25x100xi32, #tpu.memory_space<vmem>> -> memref<1x100xi32, #tpu.memory_space<vmem>>
      %dma_start3A_504 = tpu.memref_squeeze %dma_start3A_503 : memref<1x100xi32, #tpu.memory_space<vmem>> -> memref<100xi32, #tpu.memory_space<vmem>>
      %dma_start3A_505 = arith.constant 0 : i32
      %dma_start3A_506 = arith.constant 0 : i32
      %dma_start3A_507 = tpu.memref_slice %arg12[%dma_start3A_505, %dma_start3A_506] : memref<10112x128xf32, #tpu.memory_space<vmem_shared>> -> memref<10112x128xf32, #tpu.memory_space<vmem_shared>>
      tpu.enqueue_indirect_dma source(%arg11 : memref<100x128xf32, #tpu.memory_space<vmem>>) target(%dma_start3A_507 : memref<10112x128xf32, #tpu.memory_space<vmem_shared>>) offsets(%dma_start3A_504 : memref<100xi32, #tpu.memory_space<vmem>>) semaphore(%arg18 : memref<!tpu.dma_semaphore, #tpu.memory_space<semaphore_mem>>) {add = true}
      %dma_wait3A_508 = arith.constant 0 : i32
      %dma_wait3A_509 = arith.constant 0 : i32
      %dma_wait3A_510 = tpu.memref_slice %arg8[%dma_wait3A_508, %dma_wait3A_509] : memref<25x100xi32, #tpu.memory_space<vmem>> -> memref<1x100xi32, #tpu.memory_space<vmem>>
      %dma_wait3A_511 = tpu.memref_squeeze %dma_wait3A_510 : memref<1x100xi32, #tpu.memory_space<vmem>> -> memref<100xi32, #tpu.memory_space<vmem>>
      %dma_wait3A_512 = arith.constant 0 : i32
      %dma_wait3A_513 = arith.constant 0 : i32
      %dma_wait3A_514 = tpu.memref_slice %arg12[%dma_wait3A_512, %dma_wait3A_513] : memref<10112x128xf32, #tpu.memory_space<vmem_shared>> -> memref<10112x128xf32, #tpu.memory_space<vmem_shared>>
      tpu.wait_indirect_dma semaphore(%arg17 : memref<!tpu.dma_semaphore, #tpu.memory_space<semaphore_mem>>) src(%arg10 : memref<100x128xf32, #tpu.memory_space<vmem>>) dst(%dma_wait3A_514 : memref<10112x128xf32, #tpu.memory_space<vmem_shared>>)
      %dma_start3A_515 = arith.constant 19 : i32
      %dma_start3A_516 = arith.constant 0 : i32
      %dma_start3A_517 = tpu.memref_slice %arg7[%dma_start3A_515, %dma_start3A_516] : memref<25x100xi32, #tpu.memory_space<vmem>> -> memref<1x100xi32, #tpu.memory_space<vmem>>
      %dma_start3A_518 = tpu.memref_squeeze %dma_start3A_517 : memref<1x100xi32, #tpu.memory_space<vmem>> -> memref<100xi32, #tpu.memory_space<vmem>>
      %dma_start3A_519 = arith.constant 0 : i32
      %dma_start3A_520 = arith.constant 0 : i32
      %dma_start3A_521 = tpu.memref_slice %arg2[%dma_start3A_519, %dma_start3A_520] : memref<10000x128xf32, #tpu.memory_space<hbm>> -> memref<10000x128xf32, #tpu.memory_space<hbm>>
      tpu.enqueue_indirect_dma source(%dma_start3A_521 : memref<10000x128xf32, #tpu.memory_space<hbm>>) target(%arg10 : memref<100x128xf32, #tpu.memory_space<vmem>>) offsets(%dma_start3A_518 : memref<100xi32, #tpu.memory_space<vmem>>) semaphore(%arg14 : memref<!tpu.dma_semaphore, #tpu.memory_space<semaphore_mem>>)
      %dma_wait3A_522 = arith.constant 0 : i32
      %dma_wait3A_523 = arith.constant 0 : i32
      %dma_wait3A_524 = tpu.memref_slice %arg7[%dma_wait3A_522, %dma_wait3A_523] : memref<25x100xi32, #tpu.memory_space<vmem>> -> memref<1x100xi32, #tpu.memory_space<vmem>>
      %dma_wait3A_525 = tpu.memref_squeeze %dma_wait3A_524 : memref<1x100xi32, #tpu.memory_space<vmem>> -> memref<100xi32, #tpu.memory_space<vmem>>
      %dma_wait3A_526 = arith.constant 0 : i32
      %dma_wait3A_527 = arith.constant 0 : i32
      %dma_wait3A_528 = tpu.memref_slice %arg2[%dma_wait3A_526, %dma_wait3A_527] : memref<10000x128xf32, #tpu.memory_space<hbm>> -> memref<10000x128xf32, #tpu.memory_space<hbm>>
      tpu.wait_indirect_dma semaphore(%arg13 : memref<!tpu.dma_semaphore, #tpu.memory_space<semaphore_mem>>) src(%dma_wait3A_528 : memref<10000x128xf32, #tpu.memory_space<hbm>>) dst(%arg9 : memref<100x128xf32, #tpu.memory_space<vmem>>)
      %dma_start3A_529 = arith.constant 18 : i32
      %dma_start3A_530 = arith.constant 0 : i32
      %dma_start3A_531 = tpu.memref_slice %arg8[%dma_start3A_529, %dma_start3A_530] : memref<25x100xi32, #tpu.memory_space<vmem>> -> memref<1x100xi32, #tpu.memory_space<vmem>>
      %dma_start3A_532 = tpu.memref_squeeze %dma_start3A_531 : memref<1x100xi32, #tpu.memory_space<vmem>> -> memref<100xi32, #tpu.memory_space<vmem>>
      %dma_start3A_533 = arith.constant 0 : i32
      %dma_start3A_534 = arith.constant 0 : i32
      %dma_start3A_535 = tpu.memref_slice %arg12[%dma_start3A_533, %dma_start3A_534] : memref<10112x128xf32, #tpu.memory_space<vmem_shared>> -> memref<10112x128xf32, #tpu.memory_space<vmem_shared>>
      tpu.enqueue_indirect_dma source(%arg9 : memref<100x128xf32, #tpu.memory_space<vmem>>) target(%dma_start3A_535 : memref<10112x128xf32, #tpu.memory_space<vmem_shared>>) offsets(%dma_start3A_532 : memref<100xi32, #tpu.memory_space<vmem>>) semaphore(%arg16 : memref<!tpu.dma_semaphore, #tpu.memory_space<semaphore_mem>>) {add = true}
      %dma_wait3A_536 = arith.constant 0 : i32
      %dma_wait3A_537 = arith.constant 0 : i32
      %dma_wait3A_538 = tpu.memref_slice %arg8[%dma_wait3A_536, %dma_wait3A_537] : memref<25x100xi32, #tpu.memory_space<vmem>> -> memref<1x100xi32, #tpu.memory_space<vmem>>
      %dma_wait3A_539 = tpu.memref_squeeze %dma_wait3A_538 : memref<1x100xi32, #tpu.memory_space<vmem>> -> memref<100xi32, #tpu.memory_space<vmem>>
      %dma_wait3A_540 = arith.constant 0 : i32
      %dma_wait3A_541 = arith.constant 0 : i32
      %dma_wait3A_542 = tpu.memref_slice %arg12[%dma_wait3A_540, %dma_wait3A_541] : memref<10112x128xf32, #tpu.memory_space<vmem_shared>> -> memref<10112x128xf32, #tpu.memory_space<vmem_shared>>
      tpu.wait_indirect_dma semaphore(%arg18 : memref<!tpu.dma_semaphore, #tpu.memory_space<semaphore_mem>>) src(%arg11 : memref<100x128xf32, #tpu.memory_space<vmem>>) dst(%dma_wait3A_542 : memref<10112x128xf32, #tpu.memory_space<vmem_shared>>)
      %dma_start3A_543 = arith.constant 20 : i32
      %dma_start3A_544 = arith.constant 0 : i32
      %dma_start3A_545 = tpu.memref_slice %arg7[%dma_start3A_543, %dma_start3A_544] : memref<25x100xi32, #tpu.memory_space<vmem>> -> memref<1x100xi32, #tpu.memory_space<vmem>>
      %dma_start3A_546 = tpu.memref_squeeze %dma_start3A_545 : memref<1x100xi32, #tpu.memory_space<vmem>> -> memref<100xi32, #tpu.memory_space<vmem>>
      %dma_start3A_547 = arith.constant 0 : i32
      %dma_start3A_548 = arith.constant 0 : i32
      %dma_start3A_549 = tpu.memref_slice %arg2[%dma_start3A_547, %dma_start3A_548] : memref<10000x128xf32, #tpu.memory_space<hbm>> -> memref<10000x128xf32, #tpu.memory_space<hbm>>
      tpu.enqueue_indirect_dma source(%dma_start3A_549 : memref<10000x128xf32, #tpu.memory_space<hbm>>) target(%arg11 : memref<100x128xf32, #tpu.memory_space<vmem>>) offsets(%dma_start3A_546 : memref<100xi32, #tpu.memory_space<vmem>>) semaphore(%arg15 : memref<!tpu.dma_semaphore, #tpu.memory_space<semaphore_mem>>)
      %dma_wait3A_550 = arith.constant 0 : i32
      %dma_wait3A_551 = arith.constant 0 : i32
      %dma_wait3A_552 = tpu.memref_slice %arg7[%dma_wait3A_550, %dma_wait3A_551] : memref<25x100xi32, #tpu.memory_space<vmem>> -> memref<1x100xi32, #tpu.memory_space<vmem>>
      %dma_wait3A_553 = tpu.memref_squeeze %dma_wait3A_552 : memref<1x100xi32, #tpu.memory_space<vmem>> -> memref<100xi32, #tpu.memory_space<vmem>>
      %dma_wait3A_554 = arith.constant 0 : i32
      %dma_wait3A_555 = arith.constant 0 : i32
      %dma_wait3A_556 = tpu.memref_slice %arg2[%dma_wait3A_554, %dma_wait3A_555] : memref<10000x128xf32, #tpu.memory_space<hbm>> -> memref<10000x128xf32, #tpu.memory_space<hbm>>
      tpu.wait_indirect_dma semaphore(%arg14 : memref<!tpu.dma_semaphore, #tpu.memory_space<semaphore_mem>>) src(%dma_wait3A_556 : memref<10000x128xf32, #tpu.memory_space<hbm>>) dst(%arg10 : memref<100x128xf32, #tpu.memory_space<vmem>>)
      %dma_start3A_557 = arith.constant 19 : i32
      %dma_start3A_558 = arith.constant 0 : i32
      %dma_start3A_559 = tpu.memref_slice %arg8[%dma_start3A_557, %dma_start3A_558] : memref<25x100xi32, #tpu.memory_space<vmem>> -> memref<1x100xi32, #tpu.memory_space<vmem>>
      %dma_start3A_560 = tpu.memref_squeeze %dma_start3A_559 : memref<1x100xi32, #tpu.memory_space<vmem>> -> memref<100xi32, #tpu.memory_space<vmem>>
      %dma_start3A_561 = arith.constant 0 : i32
      %dma_start3A_562 = arith.constant 0 : i32
      %dma_start3A_563 = tpu.memref_slice %arg12[%dma_start3A_561, %dma_start3A_562] : memref<10112x128xf32, #tpu.memory_space<vmem_shared>> -> memref<10112x128xf32, #tpu.memory_space<vmem_shared>>
      tpu.enqueue_indirect_dma source(%arg10 : memref<100x128xf32, #tpu.memory_space<vmem>>) target(%dma_start3A_563 : memref<10112x128xf32, #tpu.memory_space<vmem_shared>>) offsets(%dma_start3A_560 : memref<100xi32, #tpu.memory_space<vmem>>) semaphore(%arg17 : memref<!tpu.dma_semaphore, #tpu.memory_space<semaphore_mem>>) {add = true}
      %dma_wait3A_564 = arith.constant 0 : i32
      %dma_wait3A_565 = arith.constant 0 : i32
      %dma_wait3A_566 = tpu.memref_slice %arg8[%dma_wait3A_564, %dma_wait3A_565] : memref<25x100xi32, #tpu.memory_space<vmem>> -> memref<1x100xi32, #tpu.memory_space<vmem>>
      %dma_wait3A_567 = tpu.memref_squeeze %dma_wait3A_566 : memref<1x100xi32, #tpu.memory_space<vmem>> -> memref<100xi32, #tpu.memory_space<vmem>>
      %dma_wait3A_568 = arith.constant 0 : i32
      %dma_wait3A_569 = arith.constant 0 : i32
      %dma_wait3A_570 = tpu.memref_slice %arg12[%dma_wait3A_568, %dma_wait3A_569] : memref<10112x128xf32, #tpu.memory_space<vmem_shared>> -> memref<10112x128xf32, #tpu.memory_space<vmem_shared>>
      tpu.wait_indirect_dma semaphore(%arg16 : memref<!tpu.dma_semaphore, #tpu.memory_space<semaphore_mem>>) src(%arg9 : memref<100x128xf32, #tpu.memory_space<vmem>>) dst(%dma_wait3A_570 : memref<10112x128xf32, #tpu.memory_space<vmem_shared>>)
      %dma_start3A_571 = arith.constant 21 : i32
      %dma_start3A_572 = arith.constant 0 : i32
      %dma_start3A_573 = tpu.memref_slice %arg7[%dma_start3A_571, %dma_start3A_572] : memref<25x100xi32, #tpu.memory_space<vmem>> -> memref<1x100xi32, #tpu.memory_space<vmem>>
      %dma_start3A_574 = tpu.memref_squeeze %dma_start3A_573 : memref<1x100xi32, #tpu.memory_space<vmem>> -> memref<100xi32, #tpu.memory_space<vmem>>
      %dma_start3A_575 = arith.constant 0 : i32
      %dma_start3A_576 = arith.constant 0 : i32
      %dma_start3A_577 = tpu.memref_slice %arg2[%dma_start3A_575, %dma_start3A_576] : memref<10000x128xf32, #tpu.memory_space<hbm>> -> memref<10000x128xf32, #tpu.memory_space<hbm>>
      tpu.enqueue_indirect_dma source(%dma_start3A_577 : memref<10000x128xf32, #tpu.memory_space<hbm>>) target(%arg9 : memref<100x128xf32, #tpu.memory_space<vmem>>) offsets(%dma_start3A_574 : memref<100xi32, #tpu.memory_space<vmem>>) semaphore(%arg13 : memref<!tpu.dma_semaphore, #tpu.memory_space<semaphore_mem>>)
      %dma_wait3A_578 = arith.constant 0 : i32
      %dma_wait3A_579 = arith.constant 0 : i32
      %dma_wait3A_580 = tpu.memref_slice %arg7[%dma_wait3A_578, %dma_wait3A_579] : memref<25x100xi32, #tpu.memory_space<vmem>> -> memref<1x100xi32, #tpu.memory_space<vmem>>
      %dma_wait3A_581 = tpu.memref_squeeze %dma_wait3A_580 : memref<1x100xi32, #tpu.memory_space<vmem>> -> memref<100xi32, #tpu.memory_space<vmem>>
      %dma_wait3A_582 = arith.constant 0 : i32
      %dma_wait3A_583 = arith.constant 0 : i32
      %dma_wait3A_584 = tpu.memref_slice %arg2[%dma_wait3A_582, %dma_wait3A_583] : memref<10000x128xf32, #tpu.memory_space<hbm>> -> memref<10000x128xf32, #tpu.memory_space<hbm>>
      tpu.wait_indirect_dma semaphore(%arg15 : memref<!tpu.dma_semaphore, #tpu.memory_space<semaphore_mem>>) src(%dma_wait3A_584 : memref<10000x128xf32, #tpu.memory_space<hbm>>) dst(%arg11 : memref<100x128xf32, #tpu.memory_space<vmem>>)
      %dma_start3A_585 = arith.constant 20 : i32
      %dma_start3A_586 = arith.constant 0 : i32
      %dma_start3A_587 = tpu.memref_slice %arg8[%dma_start3A_585, %dma_start3A_586] : memref<25x100xi32, #tpu.memory_space<vmem>> -> memref<1x100xi32, #tpu.memory_space<vmem>>
      %dma_start3A_588 = tpu.memref_squeeze %dma_start3A_587 : memref<1x100xi32, #tpu.memory_space<vmem>> -> memref<100xi32, #tpu.memory_space<vmem>>
      %dma_start3A_589 = arith.constant 0 : i32
      %dma_start3A_590 = arith.constant 0 : i32
      %dma_start3A_591 = tpu.memref_slice %arg12[%dma_start3A_589, %dma_start3A_590] : memref<10112x128xf32, #tpu.memory_space<vmem_shared>> -> memref<10112x128xf32, #tpu.memory_space<vmem_shared>>
      tpu.enqueue_indirect_dma source(%arg11 : memref<100x128xf32, #tpu.memory_space<vmem>>) target(%dma_start3A_591 : memref<10112x128xf32, #tpu.memory_space<vmem_shared>>) offsets(%dma_start3A_588 : memref<100xi32, #tpu.memory_space<vmem>>) semaphore(%arg18 : memref<!tpu.dma_semaphore, #tpu.memory_space<semaphore_mem>>) {add = true}
      %dma_wait3A_592 = arith.constant 0 : i32
      %dma_wait3A_593 = arith.constant 0 : i32
      %dma_wait3A_594 = tpu.memref_slice %arg8[%dma_wait3A_592, %dma_wait3A_593] : memref<25x100xi32, #tpu.memory_space<vmem>> -> memref<1x100xi32, #tpu.memory_space<vmem>>
      %dma_wait3A_595 = tpu.memref_squeeze %dma_wait3A_594 : memref<1x100xi32, #tpu.memory_space<vmem>> -> memref<100xi32, #tpu.memory_space<vmem>>
      %dma_wait3A_596 = arith.constant 0 : i32
      %dma_wait3A_597 = arith.constant 0 : i32
      %dma_wait3A_598 = tpu.memref_slice %arg12[%dma_wait3A_596, %dma_wait3A_597] : memref<10112x128xf32, #tpu.memory_space<vmem_shared>> -> memref<10112x128xf32, #tpu.memory_space<vmem_shared>>
      tpu.wait_indirect_dma semaphore(%arg17 : memref<!tpu.dma_semaphore, #tpu.memory_space<semaphore_mem>>) src(%arg10 : memref<100x128xf32, #tpu.memory_space<vmem>>) dst(%dma_wait3A_598 : memref<10112x128xf32, #tpu.memory_space<vmem_shared>>)
      %dma_start3A_599 = arith.constant 22 : i32
      %dma_start3A_600 = arith.constant 0 : i32
      %dma_start3A_601 = tpu.memref_slice %arg7[%dma_start3A_599, %dma_start3A_600] : memref<25x100xi32, #tpu.memory_space<vmem>> -> memref<1x100xi32, #tpu.memory_space<vmem>>
      %dma_start3A_602 = tpu.memref_squeeze %dma_start3A_601 : memref<1x100xi32, #tpu.memory_space<vmem>> -> memref<100xi32, #tpu.memory_space<vmem>>
      %dma_start3A_603 = arith.constant 0 : i32
      %dma_start3A_604 = arith.constant 0 : i32
      %dma_start3A_605 = tpu.memref_slice %arg2[%dma_start3A_603, %dma_start3A_604] : memref<10000x128xf32, #tpu.memory_space<hbm>> -> memref<10000x128xf32, #tpu.memory_space<hbm>>
      tpu.enqueue_indirect_dma source(%dma_start3A_605 : memref<10000x128xf32, #tpu.memory_space<hbm>>) target(%arg10 : memref<100x128xf32, #tpu.memory_space<vmem>>) offsets(%dma_start3A_602 : memref<100xi32, #tpu.memory_space<vmem>>) semaphore(%arg14 : memref<!tpu.dma_semaphore, #tpu.memory_space<semaphore_mem>>)
      %dma_wait3A_606 = arith.constant 0 : i32
      %dma_wait3A_607 = arith.constant 0 : i32
      %dma_wait3A_608 = tpu.memref_slice %arg7[%dma_wait3A_606, %dma_wait3A_607] : memref<25x100xi32, #tpu.memory_space<vmem>> -> memref<1x100xi32, #tpu.memory_space<vmem>>
      %dma_wait3A_609 = tpu.memref_squeeze %dma_wait3A_608 : memref<1x100xi32, #tpu.memory_space<vmem>> -> memref<100xi32, #tpu.memory_space<vmem>>
      %dma_wait3A_610 = arith.constant 0 : i32
      %dma_wait3A_611 = arith.constant 0 : i32
      %dma_wait3A_612 = tpu.memref_slice %arg2[%dma_wait3A_610, %dma_wait3A_611] : memref<10000x128xf32, #tpu.memory_space<hbm>> -> memref<10000x128xf32, #tpu.memory_space<hbm>>
      tpu.wait_indirect_dma semaphore(%arg13 : memref<!tpu.dma_semaphore, #tpu.memory_space<semaphore_mem>>) src(%dma_wait3A_612 : memref<10000x128xf32, #tpu.memory_space<hbm>>) dst(%arg9 : memref<100x128xf32, #tpu.memory_space<vmem>>)
      %dma_start3A_613 = arith.constant 21 : i32
      %dma_start3A_614 = arith.constant 0 : i32
      %dma_start3A_615 = tpu.memref_slice %arg8[%dma_start3A_613, %dma_start3A_614] : memref<25x100xi32, #tpu.memory_space<vmem>> -> memref<1x100xi32, #tpu.memory_space<vmem>>
      %dma_start3A_616 = tpu.memref_squeeze %dma_start3A_615 : memref<1x100xi32, #tpu.memory_space<vmem>> -> memref<100xi32, #tpu.memory_space<vmem>>
      %dma_start3A_617 = arith.constant 0 : i32
      %dma_start3A_618 = arith.constant 0 : i32
      %dma_start3A_619 = tpu.memref_slice %arg12[%dma_start3A_617, %dma_start3A_618] : memref<10112x128xf32, #tpu.memory_space<vmem_shared>> -> memref<10112x128xf32, #tpu.memory_space<vmem_shared>>
      tpu.enqueue_indirect_dma source(%arg9 : memref<100x128xf32, #tpu.memory_space<vmem>>) target(%dma_start3A_619 : memref<10112x128xf32, #tpu.memory_space<vmem_shared>>) offsets(%dma_start3A_616 : memref<100xi32, #tpu.memory_space<vmem>>) semaphore(%arg16 : memref<!tpu.dma_semaphore, #tpu.memory_space<semaphore_mem>>) {add = true}
      %dma_wait3A_620 = arith.constant 0 : i32
      %dma_wait3A_621 = arith.constant 0 : i32
      %dma_wait3A_622 = tpu.memref_slice %arg8[%dma_wait3A_620, %dma_wait3A_621] : memref<25x100xi32, #tpu.memory_space<vmem>> -> memref<1x100xi32, #tpu.memory_space<vmem>>
      %dma_wait3A_623 = tpu.memref_squeeze %dma_wait3A_622 : memref<1x100xi32, #tpu.memory_space<vmem>> -> memref<100xi32, #tpu.memory_space<vmem>>
      %dma_wait3A_624 = arith.constant 0 : i32
      %dma_wait3A_625 = arith.constant 0 : i32
      %dma_wait3A_626 = tpu.memref_slice %arg12[%dma_wait3A_624, %dma_wait3A_625] : memref<10112x128xf32, #tpu.memory_space<vmem_shared>> -> memref<10112x128xf32, #tpu.memory_space<vmem_shared>>
      tpu.wait_indirect_dma semaphore(%arg18 : memref<!tpu.dma_semaphore, #tpu.memory_space<semaphore_mem>>) src(%arg11 : memref<100x128xf32, #tpu.memory_space<vmem>>) dst(%dma_wait3A_626 : memref<10112x128xf32, #tpu.memory_space<vmem_shared>>)
      %dma_start3A_627 = arith.constant 23 : i32
      %dma_start3A_628 = arith.constant 0 : i32
      %dma_start3A_629 = tpu.memref_slice %arg7[%dma_start3A_627, %dma_start3A_628] : memref<25x100xi32, #tpu.memory_space<vmem>> -> memref<1x100xi32, #tpu.memory_space<vmem>>
      %dma_start3A_630 = tpu.memref_squeeze %dma_start3A_629 : memref<1x100xi32, #tpu.memory_space<vmem>> -> memref<100xi32, #tpu.memory_space<vmem>>
      %dma_start3A_631 = arith.constant 0 : i32
      %dma_start3A_632 = arith.constant 0 : i32
      %dma_start3A_633 = tpu.memref_slice %arg2[%dma_start3A_631, %dma_start3A_632] : memref<10000x128xf32, #tpu.memory_space<hbm>> -> memref<10000x128xf32, #tpu.memory_space<hbm>>
      tpu.enqueue_indirect_dma source(%dma_start3A_633 : memref<10000x128xf32, #tpu.memory_space<hbm>>) target(%arg11 : memref<100x128xf32, #tpu.memory_space<vmem>>) offsets(%dma_start3A_630 : memref<100xi32, #tpu.memory_space<vmem>>) semaphore(%arg15 : memref<!tpu.dma_semaphore, #tpu.memory_space<semaphore_mem>>)
      %dma_wait3A_634 = arith.constant 0 : i32
      %dma_wait3A_635 = arith.constant 0 : i32
      %dma_wait3A_636 = tpu.memref_slice %arg7[%dma_wait3A_634, %dma_wait3A_635] : memref<25x100xi32, #tpu.memory_space<vmem>> -> memref<1x100xi32, #tpu.memory_space<vmem>>
      %dma_wait3A_637 = tpu.memref_squeeze %dma_wait3A_636 : memref<1x100xi32, #tpu.memory_space<vmem>> -> memref<100xi32, #tpu.memory_space<vmem>>
      %dma_wait3A_638 = arith.constant 0 : i32
      %dma_wait3A_639 = arith.constant 0 : i32
      %dma_wait3A_640 = tpu.memref_slice %arg2[%dma_wait3A_638, %dma_wait3A_639] : memref<10000x128xf32, #tpu.memory_space<hbm>> -> memref<10000x128xf32, #tpu.memory_space<hbm>>
      tpu.wait_indirect_dma semaphore(%arg14 : memref<!tpu.dma_semaphore, #tpu.memory_space<semaphore_mem>>) src(%dma_wait3A_640 : memref<10000x128xf32, #tpu.memory_space<hbm>>) dst(%arg10 : memref<100x128xf32, #tpu.memory_space<vmem>>)
      %dma_start3A_641 = arith.constant 22 : i32
      %dma_start3A_642 = arith.constant 0 : i32
      %dma_start3A_643 = tpu.memref_slice %arg8[%dma_start3A_641, %dma_start3A_642] : memref<25x100xi32, #tpu.memory_space<vmem>> -> memref<1x100xi32, #tpu.memory_space<vmem>>
      %dma_start3A_644 = tpu.memref_squeeze %dma_start3A_643 : memref<1x100xi32, #tpu.memory_space<vmem>> -> memref<100xi32, #tpu.memory_space<vmem>>
      %dma_start3A_645 = arith.constant 0 : i32
      %dma_start3A_646 = arith.constant 0 : i32
      %dma_start3A_647 = tpu.memref_slice %arg12[%dma_start3A_645, %dma_start3A_646] : memref<10112x128xf32, #tpu.memory_space<vmem_shared>> -> memref<10112x128xf32, #tpu.memory_space<vmem_shared>>
      tpu.enqueue_indirect_dma source(%arg10 : memref<100x128xf32, #tpu.memory_space<vmem>>) target(%dma_start3A_647 : memref<10112x128xf32, #tpu.memory_space<vmem_shared>>) offsets(%dma_start3A_644 : memref<100xi32, #tpu.memory_space<vmem>>) semaphore(%arg17 : memref<!tpu.dma_semaphore, #tpu.memory_space<semaphore_mem>>) {add = true}
      %dma_wait3A_648 = arith.constant 0 : i32
      %dma_wait3A_649 = arith.constant 0 : i32
      %dma_wait3A_650 = tpu.memref_slice %arg8[%dma_wait3A_648, %dma_wait3A_649] : memref<25x100xi32, #tpu.memory_space<vmem>> -> memref<1x100xi32, #tpu.memory_space<vmem>>
      %dma_wait3A_651 = tpu.memref_squeeze %dma_wait3A_650 : memref<1x100xi32, #tpu.memory_space<vmem>> -> memref<100xi32, #tpu.memory_space<vmem>>
      %dma_wait3A_652 = arith.constant 0 : i32
      %dma_wait3A_653 = arith.constant 0 : i32
      %dma_wait3A_654 = tpu.memref_slice %arg12[%dma_wait3A_652, %dma_wait3A_653] : memref<10112x128xf32, #tpu.memory_space<vmem_shared>> -> memref<10112x128xf32, #tpu.memory_space<vmem_shared>>
      tpu.wait_indirect_dma semaphore(%arg16 : memref<!tpu.dma_semaphore, #tpu.memory_space<semaphore_mem>>) src(%arg9 : memref<100x128xf32, #tpu.memory_space<vmem>>) dst(%dma_wait3A_654 : memref<10112x128xf32, #tpu.memory_space<vmem_shared>>)
      %dma_start3A_655 = arith.constant 24 : i32
      %dma_start3A_656 = arith.constant 0 : i32
      %dma_start3A_657 = tpu.memref_slice %arg7[%dma_start3A_655, %dma_start3A_656] : memref<25x100xi32, #tpu.memory_space<vmem>> -> memref<1x100xi32, #tpu.memory_space<vmem>>
      %dma_start3A_658 = tpu.memref_squeeze %dma_start3A_657 : memref<1x100xi32, #tpu.memory_space<vmem>> -> memref<100xi32, #tpu.memory_space<vmem>>
      %dma_start3A_659 = arith.constant 0 : i32
      %dma_start3A_660 = arith.constant 0 : i32
      %dma_start3A_661 = tpu.memref_slice %arg2[%dma_start3A_659, %dma_start3A_660] : memref<10000x128xf32, #tpu.memory_space<hbm>> -> memref<10000x128xf32, #tpu.memory_space<hbm>>
      tpu.enqueue_indirect_dma source(%dma_start3A_661 : memref<10000x128xf32, #tpu.memory_space<hbm>>) target(%arg9 : memref<100x128xf32, #tpu.memory_space<vmem>>) offsets(%dma_start3A_658 : memref<100xi32, #tpu.memory_space<vmem>>) semaphore(%arg13 : memref<!tpu.dma_semaphore, #tpu.memory_space<semaphore_mem>>)
      %dma_wait3A_662 = arith.constant 0 : i32
      %dma_wait3A_663 = arith.constant 0 : i32
      %dma_wait3A_664 = tpu.memref_slice %arg7[%dma_wait3A_662, %dma_wait3A_663] : memref<25x100xi32, #tpu.memory_space<vmem>> -> memref<1x100xi32, #tpu.memory_space<vmem>>
      %dma_wait3A_665 = tpu.memref_squeeze %dma_wait3A_664 : memref<1x100xi32, #tpu.memory_space<vmem>> -> memref<100xi32, #tpu.memory_space<vmem>>
      %dma_wait3A_666 = arith.constant 0 : i32
      %dma_wait3A_667 = arith.constant 0 : i32
      %dma_wait3A_668 = tpu.memref_slice %arg2[%dma_wait3A_666, %dma_wait3A_667] : memref<10000x128xf32, #tpu.memory_space<hbm>> -> memref<10000x128xf32, #tpu.memory_space<hbm>>
      tpu.wait_indirect_dma semaphore(%arg15 : memref<!tpu.dma_semaphore, #tpu.memory_space<semaphore_mem>>) src(%dma_wait3A_668 : memref<10000x128xf32, #tpu.memory_space<hbm>>) dst(%arg11 : memref<100x128xf32, #tpu.memory_space<vmem>>)
      %dma_start3A_669 = arith.constant 23 : i32
      %dma_start3A_670 = arith.constant 0 : i32
      %dma_start3A_671 = tpu.memref_slice %arg8[%dma_start3A_669, %dma_start3A_670] : memref<25x100xi32, #tpu.memory_space<vmem>> -> memref<1x100xi32, #tpu.memory_space<vmem>>
      %dma_start3A_672 = tpu.memref_squeeze %dma_start3A_671 : memref<1x100xi32, #tpu.memory_space<vmem>> -> memref<100xi32, #tpu.memory_space<vmem>>
      %dma_start3A_673 = arith.constant 0 : i32
      %dma_start3A_674 = arith.constant 0 : i32
      %dma_start3A_675 = tpu.memref_slice %arg12[%dma_start3A_673, %dma_start3A_674] : memref<10112x128xf32, #tpu.memory_space<vmem_shared>> -> memref<10112x128xf32, #tpu.memory_space<vmem_shared>>
      tpu.enqueue_indirect_dma source(%arg11 : memref<100x128xf32, #tpu.memory_space<vmem>>) target(%dma_start3A_675 : memref<10112x128xf32, #tpu.memory_space<vmem_shared>>) offsets(%dma_start3A_672 : memref<100xi32, #tpu.memory_space<vmem>>) semaphore(%arg18 : memref<!tpu.dma_semaphore, #tpu.memory_space<semaphore_mem>>) {add = true}
      %dma_wait3A_676 = arith.constant 0 : i32
      %dma_wait3A_677 = arith.constant 0 : i32
      %dma_wait3A_678 = tpu.memref_slice %arg8[%dma_wait3A_676, %dma_wait3A_677] : memref<25x100xi32, #tpu.memory_space<vmem>> -> memref<1x100xi32, #tpu.memory_space<vmem>>
      %dma_wait3A_679 = tpu.memref_squeeze %dma_wait3A_678 : memref<1x100xi32, #tpu.memory_space<vmem>> -> memref<100xi32, #tpu.memory_space<vmem>>
      %dma_wait3A_680 = arith.constant 0 : i32
      %dma_wait3A_681 = arith.constant 0 : i32
      %dma_wait3A_682 = tpu.memref_slice %arg12[%dma_wait3A_680, %dma_wait3A_681] : memref<10112x128xf32, #tpu.memory_space<vmem_shared>> -> memref<10112x128xf32, #tpu.memory_space<vmem_shared>>
      tpu.wait_indirect_dma semaphore(%arg17 : memref<!tpu.dma_semaphore, #tpu.memory_space<semaphore_mem>>) src(%arg10 : memref<100x128xf32, #tpu.memory_space<vmem>>) dst(%dma_wait3A_682 : memref<10112x128xf32, #tpu.memory_space<vmem_shared>>)
      %dma_wait3A_683 = arith.constant 0 : i32
      %dma_wait3A_684 = arith.constant 0 : i32
      %dma_wait3A_685 = tpu.memref_slice %arg7[%dma_wait3A_683, %dma_wait3A_684] : memref<25x100xi32, #tpu.memory_space<vmem>> -> memref<1x100xi32, #tpu.memory_space<vmem>>
      %dma_wait3A_686 = tpu.memref_squeeze %dma_wait3A_685 : memref<1x100xi32, #tpu.memory_space<vmem>> -> memref<100xi32, #tpu.memory_space<vmem>>
      %dma_wait3A_687 = arith.constant 0 : i32
      %dma_wait3A_688 = arith.constant 0 : i32
      %dma_wait3A_689 = tpu.memref_slice %arg2[%dma_wait3A_687, %dma_wait3A_688] : memref<10000x128xf32, #tpu.memory_space<hbm>> -> memref<10000x128xf32, #tpu.memory_space<hbm>>
      tpu.wait_indirect_dma semaphore(%arg13 : memref<!tpu.dma_semaphore, #tpu.memory_space<semaphore_mem>>) src(%dma_wait3A_689 : memref<10000x128xf32, #tpu.memory_space<hbm>>) dst(%arg9 : memref<100x128xf32, #tpu.memory_space<vmem>>)
      %dma_start3A_690 = arith.constant 24 : i32
      %dma_start3A_691 = arith.constant 0 : i32
      %dma_start3A_692 = tpu.memref_slice %arg8[%dma_start3A_690, %dma_start3A_691] : memref<25x100xi32, #tpu.memory_space<vmem>> -> memref<1x100xi32, #tpu.memory_space<vmem>>
      %dma_start3A_693 = tpu.memref_squeeze %dma_start3A_692 : memref<1x100xi32, #tpu.memory_space<vmem>> -> memref<100xi32, #tpu.memory_space<vmem>>
      %dma_start3A_694 = arith.constant 0 : i32
      %dma_start3A_695 = arith.constant 0 : i32
      %dma_start3A_696 = tpu.memref_slice %arg12[%dma_start3A_694, %dma_start3A_695] : memref<10112x128xf32, #tpu.memory_space<vmem_shared>> -> memref<10112x128xf32, #tpu.memory_space<vmem_shared>>
      tpu.enqueue_indirect_dma source(%arg9 : memref<100x128xf32, #tpu.memory_space<vmem>>) target(%dma_start3A_696 : memref<10112x128xf32, #tpu.memory_space<vmem_shared>>) offsets(%dma_start3A_693 : memref<100xi32, #tpu.memory_space<vmem>>) semaphore(%arg16 : memref<!tpu.dma_semaphore, #tpu.memory_space<semaphore_mem>>) {add = true}
      %dma_wait3A_697 = arith.constant 0 : i32
      %dma_wait3A_698 = arith.constant 0 : i32
      %dma_wait3A_699 = tpu.memref_slice %arg8[%dma_wait3A_697, %dma_wait3A_698] : memref<25x100xi32, #tpu.memory_space<vmem>> -> memref<1x100xi32, #tpu.memory_space<vmem>>
      %dma_wait3A_700 = tpu.memref_squeeze %dma_wait3A_699 : memref<1x100xi32, #tpu.memory_space<vmem>> -> memref<100xi32, #tpu.memory_space<vmem>>
      %dma_wait3A_701 = arith.constant 0 : i32
      %dma_wait3A_702 = arith.constant 0 : i32
      %dma_wait3A_703 = tpu.memref_slice %arg12[%dma_wait3A_701, %dma_wait3A_702] : memref<10112x128xf32, #tpu.memory_space<vmem_shared>> -> memref<10112x128xf32, #tpu.memory_space<vmem_shared>>
      tpu.wait_indirect_dma semaphore(%arg18 : memref<!tpu.dma_semaphore, #tpu.memory_space<semaphore_mem>>) src(%arg11 : memref<100x128xf32, #tpu.memory_space<vmem>>) dst(%dma_wait3A_703 : memref<10112x128xf32, #tpu.memory_space<vmem_shared>>)
      %dma_wait3A_704 = arith.constant 0 : i32
      %dma_wait3A_705 = arith.constant 0 : i32
      %dma_wait3A_706 = tpu.memref_slice %arg8[%dma_wait3A_704, %dma_wait3A_705] : memref<25x100xi32, #tpu.memory_space<vmem>> -> memref<1x100xi32, #tpu.memory_space<vmem>>
      %dma_wait3A_707 = tpu.memref_squeeze %dma_wait3A_706 : memref<1x100xi32, #tpu.memory_space<vmem>> -> memref<100xi32, #tpu.memory_space<vmem>>
      %dma_wait3A_708 = arith.constant 0 : i32
      %dma_wait3A_709 = arith.constant 0 : i32
      %dma_wait3A_710 = tpu.memref_slice %arg12[%dma_wait3A_708, %dma_wait3A_709] : memref<10112x128xf32, #tpu.memory_space<vmem_shared>> -> memref<10112x128xf32, #tpu.memory_space<vmem_shared>>
      tpu.wait_indirect_dma semaphore(%arg16 : memref<!tpu.dma_semaphore, #tpu.memory_space<semaphore_mem>>) src(%arg9 : memref<100x128xf32, #tpu.memory_space<vmem>>) dst(%dma_wait3A_710 : memref<10112x128xf32, #tpu.memory_space<vmem_shared>>)
    }
    %scan3A_7 = arith.constant 4 : i32
    %barrier3A_8 = arith.constant 0 : index
    tpu.barrier barrier_id(%barrier3A_8)
    %mul3A_9 = arith.constant 10112 : i32
    %mul3A_10 = arith.muli %arg0, %mul3A_9 : i32
    %add3A_11 = arith.addi %mul3A_10, %mul3A_2 : i32
    "tpu.region"() ({
      %run_scoped3A = tpu.sem_alloc : memref<!tpu.dma_semaphore, #tpu.memory_space<semaphore_mem>>
      %dma_start3A = arith.constant 0 : i32
      %dma_start3A_12 = tpu.memref_slice %arg6[%add3A_11, %dma_start3A] : memref<20224x128xf32, #tpu.memory_space<hbm>> -> memref<632x128xf32, #tpu.memory_space<hbm>>
      %dma_start3A_13 = arith.constant 0 : i32
      %dma_start3A_14 = tpu.memref_slice %arg12[%mul3A_2, %dma_start3A_13] : memref<10112x128xf32, #tpu.memory_space<vmem_shared>> -> memref<632x128xf32, #tpu.memory_space<vmem_shared>>
      tpu.enqueue_dma source(%dma_start3A_14 : memref<632x128xf32, #tpu.memory_space<vmem_shared>>) target(%dma_start3A_12 : memref<632x128xf32, #tpu.memory_space<hbm>>) target_semaphore(%run_scoped3A : memref<!tpu.dma_semaphore, #tpu.memory_space<semaphore_mem>>)
      %dma_wait3A = arith.constant 0 : i32
      %dma_wait3A_15 = tpu.memref_slice %arg6[%add3A_11, %dma_wait3A] : memref<20224x128xf32, #tpu.memory_space<hbm>> -> memref<632x128xf32, #tpu.memory_space<hbm>>
      %dma_wait3A_16 = arith.constant 0 : i32
      %dma_wait3A_17 = tpu.memref_slice %arg12[%mul3A_2, %dma_wait3A_16] : memref<10112x128xf32, #tpu.memory_space<vmem_shared>> -> memref<632x128xf32, #tpu.memory_space<vmem_shared>>
      tpu.wait_dma2 semaphore(%run_scoped3A : memref<!tpu.dma_semaphore, #tpu.memory_space<semaphore_mem>>) src(%dma_wait3A_17 : memref<632x128xf32, #tpu.memory_space<vmem_shared>>) dst(%dma_wait3A_15 : memref<632x128xf32, #tpu.memory_space<hbm>>)
      tpu.yield
    }) : () -> ()
    return
  }
}

#map = affine_map<(d0, d1) -> (0)>
module attributes {stable_mosaic.version = 14 : i64} {
  func.func @_score_body(%arg0: i32, %arg1: i32, %arg2: memref<10000xf32, #tpu.memory_space<hbm>>, %arg3: memref<10000xf32, #tpu.memory_space<hbm>>, %arg4: memref<320000xi32, #tpu.memory_space<hbm>>, %arg5: memref<320000xi32, #tpu.memory_space<hbm>>, %arg6: memref<320000xf32, #tpu.memory_space<hbm>>, %arg7: memref<10000xf32, #tpu.memory_space<vmem>>, %arg8: memref<10000xf32, #tpu.memory_space<vmem>>, %arg9: memref<10000xi32, #tpu.memory_space<vmem>>, %arg10: memref<10000xi32, #tpu.memory_space<vmem>>, %arg11: memref<10000xf32, #tpu.memory_space<vmem>>) attributes {dimension_semantics = [#tpu.dimension_semantics<core_parallel>, #tpu.dimension_semantics<subcore_parallel>], iteration_bounds = array<i64: 2, 16>, scalar_prefetch = 0 : i64, scratch_operands = 5 : i64, tpu.core_type = #tpu.core_type<sc_vector_subcore>, window_params = [{transform_indices = #map}, {transform_indices = #map}, {transform_indices = #map}, {transform_indices = #map}, {transform_indices = #map}]} {
    %mul3A = arith.constant 2 : i32
    %mul3A_0 = arith.muli %arg1, %mul3A : i32
    %add3A = arith.addi %mul3A_0, %arg0 : i32
    %mul3A_1 = arith.constant 10000 : i32
    %mul3A_2 = arith.muli %add3A, %mul3A_1 : i32
    "tpu.region"() ({
      %run_scoped3A = tpu.sem_alloc : memref<!tpu.dma_semaphore, #tpu.memory_space<semaphore_mem>>
      tpu.enqueue_dma source(%arg2 : memref<10000xf32, #tpu.memory_space<hbm>>) target(%arg7 : memref<10000xf32, #tpu.memory_space<vmem>>) target_semaphore(%run_scoped3A : memref<!tpu.dma_semaphore, #tpu.memory_space<semaphore_mem>>)
      tpu.wait_dma2 semaphore(%run_scoped3A : memref<!tpu.dma_semaphore, #tpu.memory_space<semaphore_mem>>) src(%arg2 : memref<10000xf32, #tpu.memory_space<hbm>>) dst(%arg7 : memref<10000xf32, #tpu.memory_space<vmem>>)
      tpu.yield
    }) : () -> ()
    "tpu.region"() ({
      %run_scoped3A = tpu.sem_alloc : memref<!tpu.dma_semaphore, #tpu.memory_space<semaphore_mem>>
      tpu.enqueue_dma source(%arg3 : memref<10000xf32, #tpu.memory_space<hbm>>) target(%arg8 : memref<10000xf32, #tpu.memory_space<vmem>>) target_semaphore(%run_scoped3A : memref<!tpu.dma_semaphore, #tpu.memory_space<semaphore_mem>>)
      tpu.wait_dma2 semaphore(%run_scoped3A : memref<!tpu.dma_semaphore, #tpu.memory_space<semaphore_mem>>) src(%arg3 : memref<10000xf32, #tpu.memory_space<hbm>>) dst(%arg8 : memref<10000xf32, #tpu.memory_space<vmem>>)
      tpu.yield
    }) : () -> ()
    "tpu.region"() ({
      %run_scoped3A = tpu.sem_alloc : memref<!tpu.dma_semaphore, #tpu.memory_space<semaphore_mem>>
      %dma_start3A = tpu.memref_slice %arg4[%mul3A_2] : memref<320000xi32, #tpu.memory_space<hbm>> -> memref<10000xi32, #tpu.memory_space<hbm>>
      %dma_start3A_8 = tpu.memref_slice %arg4[%mul3A_2] : memref<320000xi32, #tpu.memory_space<hbm>> -> memref<10000xi32, #tpu.memory_space<hbm>>
      tpu.enqueue_dma source(%dma_start3A_8 : memref<10000xi32, #tpu.memory_space<hbm>>) target(%arg9 : memref<10000xi32, #tpu.memory_space<vmem>>) target_semaphore(%run_scoped3A : memref<!tpu.dma_semaphore, #tpu.memory_space<semaphore_mem>>)
      %dma_wait3A = tpu.memref_slice %arg4[%mul3A_2] : memref<320000xi32, #tpu.memory_space<hbm>> -> memref<10000xi32, #tpu.memory_space<hbm>>
      %dma_wait3A_9 = tpu.memref_slice %arg4[%mul3A_2] : memref<320000xi32, #tpu.memory_space<hbm>> -> memref<10000xi32, #tpu.memory_space<hbm>>
      tpu.wait_dma2 semaphore(%run_scoped3A : memref<!tpu.dma_semaphore, #tpu.memory_space<semaphore_mem>>) src(%dma_wait3A_9 : memref<10000xi32, #tpu.memory_space<hbm>>) dst(%arg9 : memref<10000xi32, #tpu.memory_space<vmem>>)
      tpu.yield
    }) : () -> ()
    "tpu.region"() ({
      %run_scoped3A = tpu.sem_alloc : memref<!tpu.dma_semaphore, #tpu.memory_space<semaphore_mem>>
      %dma_start3A = tpu.memref_slice %arg5[%mul3A_2] : memref<320000xi32, #tpu.memory_space<hbm>> -> memref<10000xi32, #tpu.memory_space<hbm>>
      %dma_start3A_8 = tpu.memref_slice %arg5[%mul3A_2] : memref<320000xi32, #tpu.memory_space<hbm>> -> memref<10000xi32, #tpu.memory_space<hbm>>
      tpu.enqueue_dma source(%dma_start3A_8 : memref<10000xi32, #tpu.memory_space<hbm>>) target(%arg10 : memref<10000xi32, #tpu.memory_space<vmem>>) target_semaphore(%run_scoped3A : memref<!tpu.dma_semaphore, #tpu.memory_space<semaphore_mem>>)
      %dma_wait3A = tpu.memref_slice %arg5[%mul3A_2] : memref<320000xi32, #tpu.memory_space<hbm>> -> memref<10000xi32, #tpu.memory_space<hbm>>
      %dma_wait3A_9 = tpu.memref_slice %arg5[%mul3A_2] : memref<320000xi32, #tpu.memory_space<hbm>> -> memref<10000xi32, #tpu.memory_space<hbm>>
      tpu.wait_dma2 semaphore(%run_scoped3A : memref<!tpu.dma_semaphore, #tpu.memory_space<semaphore_mem>>) src(%dma_wait3A_9 : memref<10000xi32, #tpu.memory_space<hbm>>) dst(%arg10 : memref<10000xi32, #tpu.memory_space<vmem>>)
      tpu.yield
    }) : () -> ()
    %scan3A = arith.constant 0 : i32
    %scan3A_3 = arith.constant 0 : i32
    %scan3A_4 = arith.constant 125 : i32
    %scan3A_5 = arith.addi %scan3A_3, %scan3A_4 : i32
    %scan3A_6 = arith.constant 1 : i32
    scf.for %scan3A_8 = %scan3A_3 to %scan3A_5 step %scan3A_6  : i32 {
      %mul3A_9 = arith.constant 5 : i32
      %mul3A_10 = arith.muli %scan3A_8, %mul3A_9 : i32
      %add3A_11 = arith.constant 0 : i32
      %add3A_12 = arith.addi %mul3A_10, %add3A_11 : i32
      %mul3A_13 = arith.constant 16 : i32
      %mul3A_14 = arith.muli %add3A_12, %mul3A_13 : i32
      %get3A = arith.index_cast %mul3A_14 : i32 to index
      %get3A_15 = tpu.vector_load %arg9[%get3A] {strides = array<i32>} : memref<10000xi32, #tpu.memory_space<vmem>>, vector<16xi32>,
      %get3A_16 = arith.index_cast %mul3A_14 : i32 to index
      %get3A_17 = tpu.vector_load %arg10[%get3A_16] {strides = array<i32>} : memref<10000xi32, #tpu.memory_space<vmem>>, vector<16xi32>,
      %gather3A = tpu.vector_load_idx %arg7[%get3A_15] : memref<10000xf32, #tpu.memory_space<vmem>>[vector<16xi32>], vector<16xf32>,
      %gather3A_18 = tpu.vector_load_idx %arg8[%get3A_17] : memref<10000xf32, #tpu.memory_space<vmem>>[vector<16xi32>], vector<16xf32>,
      %add3A_19 = arith.addf %gather3A, %gather3A_18 : vector<16xf32>
      %neg3A = arith.constant 0.000000e+00 : f32
      %neg3A_20 = vector.broadcast %neg3A : f32 to vector<16xf32>
      %neg3A_21 = arith.subf %neg3A_20, %add3A_19 : vector<16xf32>
      %exp3A = math.exp %neg3A_21 : vector<16xf32>
      %add3A_22 = arith.constant 1.000000e+00 : f32
      %add3A_23 = vector.broadcast %add3A_22 : f32 to vector<16xf32>
      %add3A_24 = arith.addf %add3A_23, %exp3A : vector<16xf32>
      %div3A = arith.constant 1.000000e+00 : f32
      %div3A_25 = vector.broadcast %div3A : f32 to vector<16xf32>
      %div3A_26 = arith.divf %div3A_25, %add3A_24 : vector<16xf32>
      %swap3A = arith.index_cast %mul3A_14 : i32 to index
      %swap3A_27 = tpu.vector_load %arg11[%swap3A] {strides = array<i32>} : memref<10000xf32, #tpu.memory_space<vmem>>, vector<16xf32>,
      tpu.vector_store %arg11[%swap3A], %div3A_26 {strides = array<i32>} : memref<10000xf32, #tpu.memory_space<vmem>>, vector<16xf32>,
      %mul3A_28 = arith.constant 5 : i32
      %mul3A_29 = arith.muli %scan3A_8, %mul3A_28 : i32
      %add3A_30 = arith.constant 1 : i32
      %add3A_31 = arith.addi %mul3A_29, %add3A_30 : i32
      %mul3A_32 = arith.constant 16 : i32
      %mul3A_33 = arith.muli %add3A_31, %mul3A_32 : i32
      %get3A_34 = arith.index_cast %mul3A_33 : i32 to index
      %get3A_35 = tpu.vector_load %arg9[%get3A_34] {strides = array<i32>} : memref<10000xi32, #tpu.memory_space<vmem>>, vector<16xi32>,
      %get3A_36 = arith.index_cast %mul3A_33 : i32 to index
      %get3A_37 = tpu.vector_load %arg10[%get3A_36] {strides = array<i32>} : memref<10000xi32, #tpu.memory_space<vmem>>, vector<16xi32>,
      %gather3A_38 = tpu.vector_load_idx %arg7[%get3A_35] : memref<10000xf32, #tpu.memory_space<vmem>>[vector<16xi32>], vector<16xf32>,
      %gather3A_39 = tpu.vector_load_idx %arg8[%get3A_37] : memref<10000xf32, #tpu.memory_space<vmem>>[vector<16xi32>], vector<16xf32>,
      %add3A_40 = arith.addf %gather3A_38, %gather3A_39 : vector<16xf32>
      %neg3A_41 = arith.constant 0.000000e+00 : f32
      %neg3A_42 = vector.broadcast %neg3A_41 : f32 to vector<16xf32>
      %neg3A_43 = arith.subf %neg3A_42, %add3A_40 : vector<16xf32>
      %exp3A_44 = math.exp %neg3A_43 : vector<16xf32>
      %add3A_45 = arith.constant 1.000000e+00 : f32
      %add3A_46 = vector.broadcast %add3A_45 : f32 to vector<16xf32>
      %add3A_47 = arith.addf %add3A_46, %exp3A_44 : vector<16xf32>
      %div3A_48 = arith.constant 1.000000e+00 : f32
      %div3A_49 = vector.broadcast %div3A_48 : f32 to vector<16xf32>
      %div3A_50 = arith.divf %div3A_49, %add3A_47 : vector<16xf32>
      %swap3A_51 = arith.index_cast %mul3A_33 : i32 to index
      %swap3A_52 = tpu.vector_load %arg11[%swap3A_51] {strides = array<i32>} : memref<10000xf32, #tpu.memory_space<vmem>>, vector<16xf32>,
      tpu.vector_store %arg11[%swap3A_51], %div3A_50 {strides = array<i32>} : memref<10000xf32, #tpu.memory_space<vmem>>, vector<16xf32>,
      %mul3A_53 = arith.constant 5 : i32
      %mul3A_54 = arith.muli %scan3A_8, %mul3A_53 : i32
      %add3A_55 = arith.constant 2 : i32
      %add3A_56 = arith.addi %mul3A_54, %add3A_55 : i32
      %mul3A_57 = arith.constant 16 : i32
      %mul3A_58 = arith.muli %add3A_56, %mul3A_57 : i32
      %get3A_59 = arith.index_cast %mul3A_58 : i32 to index
      %get3A_60 = tpu.vector_load %arg9[%get3A_59] {strides = array<i32>} : memref<10000xi32, #tpu.memory_space<vmem>>, vector<16xi32>,
      %get3A_61 = arith.index_cast %mul3A_58 : i32 to index
      %get3A_62 = tpu.vector_load %arg10[%get3A_61] {strides = array<i32>} : memref<10000xi32, #tpu.memory_space<vmem>>, vector<16xi32>,
      %gather3A_63 = tpu.vector_load_idx %arg7[%get3A_60] : memref<10000xf32, #tpu.memory_space<vmem>>[vector<16xi32>], vector<16xf32>,
      %gather3A_64 = tpu.vector_load_idx %arg8[%get3A_62] : memref<10000xf32, #tpu.memory_space<vmem>>[vector<16xi32>], vector<16xf32>,
      %add3A_65 = arith.addf %gather3A_63, %gather3A_64 : vector<16xf32>
      %neg3A_66 = arith.constant 0.000000e+00 : f32
      %neg3A_67 = vector.broadcast %neg3A_66 : f32 to vector<16xf32>
      %neg3A_68 = arith.subf %neg3A_67, %add3A_65 : vector<16xf32>
      %exp3A_69 = math.exp %neg3A_68 : vector<16xf32>
      %add3A_70 = arith.constant 1.000000e+00 : f32
      %add3A_71 = vector.broadcast %add3A_70 : f32 to vector<16xf32>
      %add3A_72 = arith.addf %add3A_71, %exp3A_69 : vector<16xf32>
      %div3A_73 = arith.constant 1.000000e+00 : f32
      %div3A_74 = vector.broadcast %div3A_73 : f32 to vector<16xf32>
      %div3A_75 = arith.divf %div3A_74, %add3A_72 : vector<16xf32>
      %swap3A_76 = arith.index_cast %mul3A_58 : i32 to index
      %swap3A_77 = tpu.vector_load %arg11[%swap3A_76] {strides = array<i32>} : memref<10000xf32, #tpu.memory_space<vmem>>, vector<16xf32>,
      tpu.vector_store %arg11[%swap3A_76], %div3A_75 {strides = array<i32>} : memref<10000xf32, #tpu.memory_space<vmem>>, vector<16xf32>,
      %mul3A_78 = arith.constant 5 : i32
      %mul3A_79 = arith.muli %scan3A_8, %mul3A_78 : i32
      %add3A_80 = arith.constant 3 : i32
      %add3A_81 = arith.addi %mul3A_79, %add3A_80 : i32
      %mul3A_82 = arith.constant 16 : i32
      %mul3A_83 = arith.muli %add3A_81, %mul3A_82 : i32
      %get3A_84 = arith.index_cast %mul3A_83 : i32 to index
      %get3A_85 = tpu.vector_load %arg9[%get3A_84] {strides = array<i32>} : memref<10000xi32, #tpu.memory_space<vmem>>, vector<16xi32>,
      %get3A_86 = arith.index_cast %mul3A_83 : i32 to index
      %get3A_87 = tpu.vector_load %arg10[%get3A_86] {strides = array<i32>} : memref<10000xi32, #tpu.memory_space<vmem>>, vector<16xi32>,
      %gather3A_88 = tpu.vector_load_idx %arg7[%get3A_85] : memref<10000xf32, #tpu.memory_space<vmem>>[vector<16xi32>], vector<16xf32>,
      %gather3A_89 = tpu.vector_load_idx %arg8[%get3A_87] : memref<10000xf32, #tpu.memory_space<vmem>>[vector<16xi32>], vector<16xf32>,
      %add3A_90 = arith.addf %gather3A_88, %gather3A_89 : vector<16xf32>
      %neg3A_91 = arith.constant 0.000000e+00 : f32
      %neg3A_92 = vector.broadcast %neg3A_91 : f32 to vector<16xf32>
      %neg3A_93 = arith.subf %neg3A_92, %add3A_90 : vector<16xf32>
      %exp3A_94 = math.exp %neg3A_93 : vector<16xf32>
      %add3A_95 = arith.constant 1.000000e+00 : f32
      %add3A_96 = vector.broadcast %add3A_95 : f32 to vector<16xf32>
      %add3A_97 = arith.addf %add3A_96, %exp3A_94 : vector<16xf32>
      %div3A_98 = arith.constant 1.000000e+00 : f32
      %div3A_99 = vector.broadcast %div3A_98 : f32 to vector<16xf32>
      %div3A_100 = arith.divf %div3A_99, %add3A_97 : vector<16xf32>
      %swap3A_101 = arith.index_cast %mul3A_83 : i32 to index
      %swap3A_102 = tpu.vector_load %arg11[%swap3A_101] {strides = array<i32>} : memref<10000xf32, #tpu.memory_space<vmem>>, vector<16xf32>,
      tpu.vector_store %arg11[%swap3A_101], %div3A_100 {strides = array<i32>} : memref<10000xf32, #tpu.memory_space<vmem>>, vector<16xf32>,
      %mul3A_103 = arith.constant 5 : i32
      %mul3A_104 = arith.muli %scan3A_8, %mul3A_103 : i32
      %add3A_105 = arith.constant 4 : i32
      %add3A_106 = arith.addi %mul3A_104, %add3A_105 : i32
      %mul3A_107 = arith.constant 16 : i32
      %mul3A_108 = arith.muli %add3A_106, %mul3A_107 : i32
      %get3A_109 = arith.index_cast %mul3A_108 : i32 to index
      %get3A_110 = tpu.vector_load %arg9[%get3A_109] {strides = array<i32>} : memref<10000xi32, #tpu.memory_space<vmem>>, vector<16xi32>,
      %get3A_111 = arith.index_cast %mul3A_108 : i32 to index
      %get3A_112 = tpu.vector_load %arg10[%get3A_111] {strides = array<i32>} : memref<10000xi32, #tpu.memory_space<vmem>>, vector<16xi32>,
      %gather3A_113 = tpu.vector_load_idx %arg7[%get3A_110] : memref<10000xf32, #tpu.memory_space<vmem>>[vector<16xi32>], vector<16xf32>,
      %gather3A_114 = tpu.vector_load_idx %arg8[%get3A_112] : memref<10000xf32, #tpu.memory_space<vmem>>[vector<16xi32>], vector<16xf32>,
      %add3A_115 = arith.addf %gather3A_113, %gather3A_114 : vector<16xf32>
      %neg3A_116 = arith.constant 0.000000e+00 : f32
      %neg3A_117 = vector.broadcast %neg3A_116 : f32 to vector<16xf32>
      %neg3A_118 = arith.subf %neg3A_117, %add3A_115 : vector<16xf32>
      %exp3A_119 = math.exp %neg3A_118 : vector<16xf32>
      %add3A_120 = arith.constant 1.000000e+00 : f32
      %add3A_121 = vector.broadcast %add3A_120 : f32 to vector<16xf32>
      %add3A_122 = arith.addf %add3A_121, %exp3A_119 : vector<16xf32>
      %div3A_123 = arith.constant 1.000000e+00 : f32
      %div3A_124 = vector.broadcast %div3A_123 : f32 to vector<16xf32>
      %div3A_125 = arith.divf %div3A_124, %add3A_122 : vector<16xf32>
      %swap3A_126 = arith.index_cast %mul3A_108 : i32 to index
      %swap3A_127 = tpu.vector_load %arg11[%swap3A_126] {strides = array<i32>} : memref<10000xf32, #tpu.memory_space<vmem>>, vector<16xf32>,
      tpu.vector_store %arg11[%swap3A_126], %div3A_125 {strides = array<i32>} : memref<10000xf32, #tpu.memory_space<vmem>>, vector<16xf32>,
    }
    %scan3A_7 = arith.constant 125 : i32
    "tpu.region"() ({
      %run_scoped3A = tpu.sem_alloc : memref<!tpu.dma_semaphore, #tpu.memory_space<semaphore_mem>>
      %dma_start3A = tpu.memref_slice %arg6[%mul3A_2] : memref<320000xf32, #tpu.memory_space<hbm>> -> memref<10000xf32, #tpu.memory_space<hbm>>
      %dma_start3A_8 = tpu.memref_slice %arg6[%mul3A_2] : memref<320000xf32, #tpu.memory_space<hbm>> -> memref<10000xf32, #tpu.memory_space<hbm>>
      tpu.enqueue_dma source(%arg11 : memref<10000xf32, #tpu.memory_space<vmem>>) target(%dma_start3A_8 : memref<10000xf32, #tpu.memory_space<hbm>>) target_semaphore(%run_scoped3A : memref<!tpu.dma_semaphore, #tpu.memory_space<semaphore_mem>>)
      %dma_wait3A = tpu.memref_slice %arg6[%mul3A_2] : memref<320000xf32, #tpu.memory_space<hbm>> -> memref<10000xf32, #tpu.memory_space<hbm>>
      %dma_wait3A_9 = tpu.memref_slice %arg6[%mul3A_2] : memref<320000xf32, #tpu.memory_space<hbm>> -> memref<10000xf32, #tpu.memory_space<hbm>>
      tpu.wait_dma2 semaphore(%run_scoped3A : memref<!tpu.dma_semaphore, #tpu.memory_space<semaphore_mem>>) src(%arg11 : memref<10000xf32, #tpu.memory_space<vmem>>) dst(%dma_wait3A_9 : memref<10000xf32, #tpu.memory_space<hbm>>)
      tpu.yield
    }) : () -> ()
    return
  }
}

#map = affine_map<(d0, d1) -> (0, 0)>
#map1 = affine_map<(d0, d1) -> (0, 0, 0, 0)>
module attributes {stable_mosaic.version = 14 : i64} {
  func.func @_seg_sum_body(%arg0: i32, %arg1: i32, %arg2: memref<10000x128xf32, #tpu.memory_space<hbm>>, %arg3: memref<32x4x25x100xi32, #tpu.memory_space<hbm>>, %arg4: memref<32x4x25x100xi32, #tpu.memory_space<hbm>>, %arg5: memref<10112x128xf32, #tpu.memory_space<hbm>>, %arg6: memref<20224x128xf32, #tpu.memory_space<hbm>>, %arg7: memref<25x100xi32, #tpu.memory_space<vmem>>, %arg8: memref<25x100xi32, #tpu.memory_space<vmem>>, %arg9: memref<100x128xf32, #tpu.memory_space<vmem>>, %arg10: memref<100x128xf32, #tpu.memory_space<vmem>>, %arg11: memref<100x128xf32, #tpu.memory_space<vmem>>, %arg12: memref<10112x128xf32, #tpu.memory_space<vmem_shared>>, %arg13: memref<!tpu.dma_semaphore, #tpu.memory_space<semaphore_mem>>, %arg14: memref<!tpu.dma_semaphore, #tpu.memory_space<semaphore_mem>>, %arg15: memref<!tpu.dma_semaphore, #tpu.memory_space<semaphore_mem>>, %arg16: memref<!tpu.dma_semaphore, #tpu.memory_space<semaphore_mem>>, %arg17: memref<!tpu.dma_semaphore, #tpu.memory_space<semaphore_mem>>, %arg18: memref<!tpu.dma_semaphore, #tpu.memory_space<semaphore_mem>>) attributes {dimension_semantics = [#tpu.dimension_semantics<core_parallel>, #tpu.dimension_semantics<subcore_parallel>], iteration_bounds = array<i64: 2, 16>, scalar_prefetch = 0 : i64, scratch_operands = 12 : i64, tpu.core_type = #tpu.core_type<sc_vector_subcore>, window_params = [{transform_indices = #map}, {transform_indices = #map1}, {transform_indices = #map1}, {transform_indices = #map}, {transform_indices = #map}]} {
    %mul3A = arith.constant 2 : i32
    %mul3A_0 = arith.muli %arg1, %mul3A : i32
    %add3A = arith.addi %mul3A_0, %arg0 : i32
    %mul3A_1 = arith.constant 632 : i32
    %mul3A_2 = arith.muli %arg1, %mul3A_1 : i32
    "tpu.region"() ({
      %run_scoped3A = tpu.sem_alloc : memref<!tpu.dma_semaphore, #tpu.memory_space<semaphore_mem>>
      %dma_start3A = arith.constant 0 : i32
      %dma_start3A_12 = tpu.memref_slice %arg12[%mul3A_2, %dma_start3A] : memref<10112x128xf32, #tpu.memory_space<vmem_shared>> -> memref<632x128xf32, #tpu.memory_space<vmem_shared>>
      %dma_start3A_13 = arith.constant 0 : i32
      %dma_start3A_14 = tpu.memref_slice %arg5[%mul3A_2, %dma_start3A_13] : memref<10112x128xf32, #tpu.memory_space<hbm>> -> memref<632x128xf32, #tpu.memory_space<hbm>>
      tpu.enqueue_dma source(%dma_start3A_14 : memref<632x128xf32, #tpu.memory_space<hbm>>) target(%dma_start3A_12 : memref<632x128xf32, #tpu.memory_space<vmem_shared>>) target_semaphore(%run_scoped3A : memref<!tpu.dma_semaphore, #tpu.memory_space<semaphore_mem>>)
      %dma_wait3A = arith.constant 0 : i32
      %dma_wait3A_15 = tpu.memref_slice %arg12[%mul3A_2, %dma_wait3A] : memref<10112x128xf32, #tpu.memory_space<vmem_shared>> -> memref<632x128xf32, #tpu.memory_space<vmem_shared>>
      %dma_wait3A_16 = arith.constant 0 : i32
      %dma_wait3A_17 = tpu.memref_slice %arg5[%mul3A_2, %dma_wait3A_16] : memref<10112x128xf32, #tpu.memory_space<hbm>> -> memref<632x128xf32, #tpu.memory_space<hbm>>
      tpu.wait_dma2 semaphore(%run_scoped3A : memref<!tpu.dma_semaphore, #tpu.memory_space<semaphore_mem>>) src(%dma_wait3A_17 : memref<632x128xf32, #tpu.memory_space<hbm>>) dst(%dma_wait3A_15 : memref<632x128xf32, #tpu.memory_space<vmem_shared>>)
      tpu.yield
    }) : () -> ()
    %barrier3A = arith.constant 0 : index
    tpu.barrier barrier_id(%barrier3A)
    %scan3A = arith.constant 0 : i32
    %scan3A_3 = arith.constant 0 : i32
    %scan3A_4 = arith.constant 4 : i32
    %scan3A_5 = arith.addi %scan3A_3, %scan3A_4 : i32
    %scan3A_6 = arith.constant 1 : i32
    scf.for %scan3A_12 = %scan3A_3 to %scan3A_5 step %scan3A_6  : i32 {
      "tpu.region"() ({
        %run_scoped3A = tpu.sem_alloc : memref<!tpu.dma_semaphore, #tpu.memory_space<semaphore_mem>>
        %dma_start3A_711 = arith.constant 0 : i32
        %dma_start3A_712 = arith.constant 0 : i32
        %dma_start3A_713 = arith.constant 0 : i32
        %dma_start3A_714 = tpu.memref_slice %arg3[%add3A, %dma_start3A_711, %dma_start3A_712, %dma_start3A_713] : memref<32x4x25x100xi32, #tpu.memory_space<hbm>> -> memref<1x4x25x100xi32, #tpu.memory_space<hbm>>
        %dma_start3A_715 = tpu.memref_squeeze %dma_start3A_714 : memref<1x4x25x100xi32, #tpu.memory_space<hbm>> -> memref<4x25x100xi32, #tpu.memory_space<hbm>>
        %dma_start3A_716 = arith.constant 0 : i32
        %dma_start3A_717 = arith.constant 0 : i32
        %dma_start3A_718 = tpu.memref_slice %dma_start3A_715[%scan3A_12, %dma_start3A_716, %dma_start3A_717] : memref<4x25x100xi32, #tpu.memory_space<hbm>> -> memref<1x25x100xi32, #tpu.memory_space<hbm>>
        %dma_start3A_719 = tpu.memref_squeeze %dma_start3A_718 : memref<1x25x100xi32, #tpu.memory_space<hbm>> -> memref<25x100xi32, #tpu.memory_space<hbm>>
        %dma_start3A_720 = arith.constant 0 : i32
        %dma_start3A_721 = arith.constant 0 : i32
        %dma_start3A_722 = arith.constant 0 : i32
        %dma_start3A_723 = tpu.memref_slice %arg3[%add3A, %dma_start3A_720, %dma_start3A_721, %dma_start3A_722] : memref<32x4x25x100xi32, #tpu.memory_space<hbm>> -> memref<1x4x25x100xi32, #tpu.memory_space<hbm>>
        %dma_start3A_724 = tpu.memref_squeeze %dma_start3A_723 : memref<1x4x25x100xi32, #tpu.memory_space<hbm>> -> memref<4x25x100xi32, #tpu.memory_space<hbm>>
        %dma_start3A_725 = arith.constant 0 : i32
        %dma_start3A_726 = arith.constant 0 : i32
        %dma_start3A_727 = tpu.memref_slice %dma_start3A_724[%scan3A_12, %dma_start3A_725, %dma_start3A_726] : memref<4x25x100xi32, #tpu.memory_space<hbm>> -> memref<1x25x100xi32, #tpu.memory_space<hbm>>
        %dma_start3A_728 = tpu.memref_squeeze %dma_start3A_727 : memref<1x25x100xi32, #tpu.memory_space<hbm>> -> memref<25x100xi32, #tpu.memory_space<hbm>>
        tpu.enqueue_dma source(%dma_start3A_728 : memref<25x100xi32, #tpu.memory_space<hbm>>) target(%arg7 : memref<25x100xi32, #tpu.memory_space<vmem>>) target_semaphore(%run_scoped3A : memref<!tpu.dma_semaphore, #tpu.memory_space<semaphore_mem>>)
        %dma_wait3A_729 = arith.constant 0 : i32
        %dma_wait3A_730 = arith.constant 0 : i32
        %dma_wait3A_731 = arith.constant 0 : i32
        %dma_wait3A_732 = tpu.memref_slice %arg3[%add3A, %dma_wait3A_729, %dma_wait3A_730, %dma_wait3A_731] : memref<32x4x25x100xi32, #tpu.memory_space<hbm>> -> memref<1x4x25x100xi32, #tpu.memory_space<hbm>>
        %dma_wait3A_733 = tpu.memref_squeeze %dma_wait3A_732 : memref<1x4x25x100xi32, #tpu.memory_space<hbm>> -> memref<4x25x100xi32, #tpu.memory_space<hbm>>
        %dma_wait3A_734 = arith.constant 0 : i32
        %dma_wait3A_735 = arith.constant 0 : i32
        %dma_wait3A_736 = tpu.memref_slice %dma_wait3A_733[%scan3A_12, %dma_wait3A_734, %dma_wait3A_735] : memref<4x25x100xi32, #tpu.memory_space<hbm>> -> memref<1x25x100xi32, #tpu.memory_space<hbm>>
        %dma_wait3A_737 = tpu.memref_squeeze %dma_wait3A_736 : memref<1x25x100xi32, #tpu.memory_space<hbm>> -> memref<25x100xi32, #tpu.memory_space<hbm>>
        %dma_wait3A_738 = arith.constant 0 : i32
        %dma_wait3A_739 = arith.constant 0 : i32
        %dma_wait3A_740 = arith.constant 0 : i32
        %dma_wait3A_741 = tpu.memref_slice %arg3[%add3A, %dma_wait3A_738, %dma_wait3A_739, %dma_wait3A_740] : memref<32x4x25x100xi32, #tpu.memory_space<hbm>> -> memref<1x4x25x100xi32, #tpu.memory_space<hbm>>
        %dma_wait3A_742 = tpu.memref_squeeze %dma_wait3A_741 : memref<1x4x25x100xi32, #tpu.memory_space<hbm>> -> memref<4x25x100xi32, #tpu.memory_space<hbm>>
        %dma_wait3A_743 = arith.constant 0 : i32
        %dma_wait3A_744 = arith.constant 0 : i32
        %dma_wait3A_745 = tpu.memref_slice %dma_wait3A_742[%scan3A_12, %dma_wait3A_743, %dma_wait3A_744] : memref<4x25x100xi32, #tpu.memory_space<hbm>> -> memref<1x25x100xi32, #tpu.memory_space<hbm>>
        %dma_wait3A_746 = tpu.memref_squeeze %dma_wait3A_745 : memref<1x25x100xi32, #tpu.memory_space<hbm>> -> memref<25x100xi32, #tpu.memory_space<hbm>>
        tpu.wait_dma2 semaphore(%run_scoped3A : memref<!tpu.dma_semaphore, #tpu.memory_space<semaphore_mem>>) src(%dma_wait3A_746 : memref<25x100xi32, #tpu.memory_space<hbm>>) dst(%arg7 : memref<25x100xi32, #tpu.memory_space<vmem>>)
        tpu.yield
      }) : () -> ()
      "tpu.region"() ({
        %run_scoped3A = tpu.sem_alloc : memref<!tpu.dma_semaphore, #tpu.memory_space<semaphore_mem>>
        %dma_start3A_711 = arith.constant 0 : i32
        %dma_start3A_712 = arith.constant 0 : i32
        %dma_start3A_713 = arith.constant 0 : i32
        %dma_start3A_714 = tpu.memref_slice %arg4[%add3A, %dma_start3A_711, %dma_start3A_712, %dma_start3A_713] : memref<32x4x25x100xi32, #tpu.memory_space<hbm>> -> memref<1x4x25x100xi32, #tpu.memory_space<hbm>>
        %dma_start3A_715 = tpu.memref_squeeze %dma_start3A_714 : memref<1x4x25x100xi32, #tpu.memory_space<hbm>> -> memref<4x25x100xi32, #tpu.memory_space<hbm>>
        %dma_start3A_716 = arith.constant 0 : i32
        %dma_start3A_717 = arith.constant 0 : i32
        %dma_start3A_718 = tpu.memref_slice %dma_start3A_715[%scan3A_12, %dma_start3A_716, %dma_start3A_717] : memref<4x25x100xi32, #tpu.memory_space<hbm>> -> memref<1x25x100xi32, #tpu.memory_space<hbm>>
        %dma_start3A_719 = tpu.memref_squeeze %dma_start3A_718 : memref<1x25x100xi32, #tpu.memory_space<hbm>> -> memref<25x100xi32, #tpu.memory_space<hbm>>
        %dma_start3A_720 = arith.constant 0 : i32
        %dma_start3A_721 = arith.constant 0 : i32
        %dma_start3A_722 = arith.constant 0 : i32
        %dma_start3A_723 = tpu.memref_slice %arg4[%add3A, %dma_start3A_720, %dma_start3A_721, %dma_start3A_722] : memref<32x4x25x100xi32, #tpu.memory_space<hbm>> -> memref<1x4x25x100xi32, #tpu.memory_space<hbm>>
        %dma_start3A_724 = tpu.memref_squeeze %dma_start3A_723 : memref<1x4x25x100xi32, #tpu.memory_space<hbm>> -> memref<4x25x100xi32, #tpu.memory_space<hbm>>
        %dma_start3A_725 = arith.constant 0 : i32
        %dma_start3A_726 = arith.constant 0 : i32
        %dma_start3A_727 = tpu.memref_slice %dma_start3A_724[%scan3A_12, %dma_start3A_725, %dma_start3A_726] : memref<4x25x100xi32, #tpu.memory_space<hbm>> -> memref<1x25x100xi32, #tpu.memory_space<hbm>>
        %dma_start3A_728 = tpu.memref_squeeze %dma_start3A_727 : memref<1x25x100xi32, #tpu.memory_space<hbm>> -> memref<25x100xi32, #tpu.memory_space<hbm>>
        tpu.enqueue_dma source(%dma_start3A_728 : memref<25x100xi32, #tpu.memory_space<hbm>>) target(%arg8 : memref<25x100xi32, #tpu.memory_space<vmem>>) target_semaphore(%run_scoped3A : memref<!tpu.dma_semaphore, #tpu.memory_space<semaphore_mem>>)
        %dma_wait3A_729 = arith.constant 0 : i32
        %dma_wait3A_730 = arith.constant 0 : i32
        %dma_wait3A_731 = arith.constant 0 : i32
        %dma_wait3A_732 = tpu.memref_slice %arg4[%add3A, %dma_wait3A_729, %dma_wait3A_730, %dma_wait3A_731] : memref<32x4x25x100xi32, #tpu.memory_space<hbm>> -> memref<1x4x25x100xi32, #tpu.memory_space<hbm>>
        %dma_wait3A_733 = tpu.memref_squeeze %dma_wait3A_732 : memref<1x4x25x100xi32, #tpu.memory_space<hbm>> -> memref<4x25x100xi32, #tpu.memory_space<hbm>>
        %dma_wait3A_734 = arith.constant 0 : i32
        %dma_wait3A_735 = arith.constant 0 : i32
        %dma_wait3A_736 = tpu.memref_slice %dma_wait3A_733[%scan3A_12, %dma_wait3A_734, %dma_wait3A_735] : memref<4x25x100xi32, #tpu.memory_space<hbm>> -> memref<1x25x100xi32, #tpu.memory_space<hbm>>
        %dma_wait3A_737 = tpu.memref_squeeze %dma_wait3A_736 : memref<1x25x100xi32, #tpu.memory_space<hbm>> -> memref<25x100xi32, #tpu.memory_space<hbm>>
        %dma_wait3A_738 = arith.constant 0 : i32
        %dma_wait3A_739 = arith.constant 0 : i32
        %dma_wait3A_740 = arith.constant 0 : i32
        %dma_wait3A_741 = tpu.memref_slice %arg4[%add3A, %dma_wait3A_738, %dma_wait3A_739, %dma_wait3A_740] : memref<32x4x25x100xi32, #tpu.memory_space<hbm>> -> memref<1x4x25x100xi32, #tpu.memory_space<hbm>>
        %dma_wait3A_742 = tpu.memref_squeeze %dma_wait3A_741 : memref<1x4x25x100xi32, #tpu.memory_space<hbm>> -> memref<4x25x100xi32, #tpu.memory_space<hbm>>
        %dma_wait3A_743 = arith.constant 0 : i32
        %dma_wait3A_744 = arith.constant 0 : i32
        %dma_wait3A_745 = tpu.memref_slice %dma_wait3A_742[%scan3A_12, %dma_wait3A_743, %dma_wait3A_744] : memref<4x25x100xi32, #tpu.memory_space<hbm>> -> memref<1x25x100xi32, #tpu.memory_space<hbm>>
        %dma_wait3A_746 = tpu.memref_squeeze %dma_wait3A_745 : memref<1x25x100xi32, #tpu.memory_space<hbm>> -> memref<25x100xi32, #tpu.memory_space<hbm>>
        tpu.wait_dma2 semaphore(%run_scoped3A : memref<!tpu.dma_semaphore, #tpu.memory_space<semaphore_mem>>) src(%dma_wait3A_746 : memref<25x100xi32, #tpu.memory_space<hbm>>) dst(%arg8 : memref<25x100xi32, #tpu.memory_space<vmem>>)
        tpu.yield
      }) : () -> ()
      %dma_start3A = arith.constant 0 : i32
      %dma_start3A_13 = arith.constant 0 : i32
      %dma_start3A_14 = tpu.memref_slice %arg7[%dma_start3A, %dma_start3A_13] : memref<25x100xi32, #tpu.memory_space<vmem>> -> memref<1x100xi32, #tpu.memory_space<vmem>>
      %dma_start3A_15 = tpu.memref_squeeze %dma_start3A_14 : memref<1x100xi32, #tpu.memory_space<vmem>> -> memref<100xi32, #tpu.memory_space<vmem>>
      %dma_start3A_16 = arith.constant 0 : i32
      %dma_start3A_17 = arith.constant 0 : i32
      %dma_start3A_18 = tpu.memref_slice %arg2[%dma_start3A_16, %dma_start3A_17] : memref<10000x128xf32, #tpu.memory_space<hbm>> -> memref<10000x128xf32, #tpu.memory_space<hbm>>
      tpu.enqueue_indirect_dma source(%dma_start3A_18 : memref<10000x128xf32, #tpu.memory_space<hbm>>) target(%arg9 : memref<100x128xf32, #tpu.memory_space<vmem>>) offsets(%dma_start3A_15 : memref<100xi32, #tpu.memory_space<vmem>>) semaphore(%arg13 : memref<!tpu.dma_semaphore, #tpu.memory_space<semaphore_mem>>)
      %dma_start3A_19 = arith.constant 1 : i32
      %dma_start3A_20 = arith.constant 0 : i32
      %dma_start3A_21 = tpu.memref_slice %arg7[%dma_start3A_19, %dma_start3A_20] : memref<25x100xi32, #tpu.memory_space<vmem>> -> memref<1x100xi32, #tpu.memory_space<vmem>>
      %dma_start3A_22 = tpu.memref_squeeze %dma_start3A_21 : memref<1x100xi32, #tpu.memory_space<vmem>> -> memref<100xi32, #tpu.memory_space<vmem>>
      %dma_start3A_23 = arith.constant 0 : i32
      %dma_start3A_24 = arith.constant 0 : i32
      %dma_start3A_25 = tpu.memref_slice %arg2[%dma_start3A_23, %dma_start3A_24] : memref<10000x128xf32, #tpu.memory_space<hbm>> -> memref<10000x128xf32, #tpu.memory_space<hbm>>
      tpu.enqueue_indirect_dma source(%dma_start3A_25 : memref<10000x128xf32, #tpu.memory_space<hbm>>) target(%arg10 : memref<100x128xf32, #tpu.memory_space<vmem>>) offsets(%dma_start3A_22 : memref<100xi32, #tpu.memory_space<vmem>>) semaphore(%arg14 : memref<!tpu.dma_semaphore, #tpu.memory_space<semaphore_mem>>)
      %dma_wait3A = arith.constant 0 : i32
      %dma_wait3A_26 = arith.constant 0 : i32
      %dma_wait3A_27 = tpu.memref_slice %arg7[%dma_wait3A, %dma_wait3A_26] : memref<25x100xi32, #tpu.memory_space<vmem>> -> memref<1x100xi32, #tpu.memory_space<vmem>>
      %dma_wait3A_28 = tpu.memref_squeeze %dma_wait3A_27 : memref<1x100xi32, #tpu.memory_space<vmem>> -> memref<100xi32, #tpu.memory_space<vmem>>
      %dma_wait3A_29 = arith.constant 0 : i32
      %dma_wait3A_30 = arith.constant 0 : i32
      %dma_wait3A_31 = tpu.memref_slice %arg2[%dma_wait3A_29, %dma_wait3A_30] : memref<10000x128xf32, #tpu.memory_space<hbm>> -> memref<10000x128xf32, #tpu.memory_space<hbm>>
      tpu.wait_indirect_dma semaphore(%arg13 : memref<!tpu.dma_semaphore, #tpu.memory_space<semaphore_mem>>) src(%dma_wait3A_31 : memref<10000x128xf32, #tpu.memory_space<hbm>>) dst(%arg9 : memref<100x128xf32, #tpu.memory_space<vmem>>)
      %dma_start3A_32 = arith.constant 0 : i32
      %dma_start3A_33 = arith.constant 0 : i32
      %dma_start3A_34 = tpu.memref_slice %arg8[%dma_start3A_32, %dma_start3A_33] : memref<25x100xi32, #tpu.memory_space<vmem>> -> memref<1x100xi32, #tpu.memory_space<vmem>>
      %dma_start3A_35 = tpu.memref_squeeze %dma_start3A_34 : memref<1x100xi32, #tpu.memory_space<vmem>> -> memref<100xi32, #tpu.memory_space<vmem>>
      %dma_start3A_36 = arith.constant 0 : i32
      %dma_start3A_37 = arith.constant 0 : i32
      %dma_start3A_38 = tpu.memref_slice %arg12[%dma_start3A_36, %dma_start3A_37] : memref<10112x128xf32, #tpu.memory_space<vmem_shared>> -> memref<10112x128xf32, #tpu.memory_space<vmem_shared>>
      tpu.enqueue_indirect_dma source(%arg9 : memref<100x128xf32, #tpu.memory_space<vmem>>) target(%dma_start3A_38 : memref<10112x128xf32, #tpu.memory_space<vmem_shared>>) offsets(%dma_start3A_35 : memref<100xi32, #tpu.memory_space<vmem>>) semaphore(%arg16 : memref<!tpu.dma_semaphore, #tpu.memory_space<semaphore_mem>>) {add = true}
      %dma_start3A_39 = arith.constant 2 : i32
      %dma_start3A_40 = arith.constant 0 : i32
      %dma_start3A_41 = tpu.memref_slice %arg7[%dma_start3A_39, %dma_start3A_40] : memref<25x100xi32, #tpu.memory_space<vmem>> -> memref<1x100xi32, #tpu.memory_space<vmem>>
      %dma_start3A_42 = tpu.memref_squeeze %dma_start3A_41 : memref<1x100xi32, #tpu.memory_space<vmem>> -> memref<100xi32, #tpu.memory_space<vmem>>
      %dma_start3A_43 = arith.constant 0 : i32
      %dma_start3A_44 = arith.constant 0 : i32
      %dma_start3A_45 = tpu.memref_slice %arg2[%dma_start3A_43, %dma_start3A_44] : memref<10000x128xf32, #tpu.memory_space<hbm>> -> memref<10000x128xf32, #tpu.memory_space<hbm>>
      tpu.enqueue_indirect_dma source(%dma_start3A_45 : memref<10000x128xf32, #tpu.memory_space<hbm>>) target(%arg11 : memref<100x128xf32, #tpu.memory_space<vmem>>) offsets(%dma_start3A_42 : memref<100xi32, #tpu.memory_space<vmem>>) semaphore(%arg15 : memref<!tpu.dma_semaphore, #tpu.memory_space<semaphore_mem>>)
      %dma_wait3A_46 = arith.constant 0 : i32
      %dma_wait3A_47 = arith.constant 0 : i32
      %dma_wait3A_48 = tpu.memref_slice %arg7[%dma_wait3A_46, %dma_wait3A_47] : memref<25x100xi32, #tpu.memory_space<vmem>> -> memref<1x100xi32, #tpu.memory_space<vmem>>
      %dma_wait3A_49 = tpu.memref_squeeze %dma_wait3A_48 : memref<1x100xi32, #tpu.memory_space<vmem>> -> memref<100xi32, #tpu.memory_space<vmem>>
      %dma_wait3A_50 = arith.constant 0 : i32
      %dma_wait3A_51 = arith.constant 0 : i32
      %dma_wait3A_52 = tpu.memref_slice %arg2[%dma_wait3A_50, %dma_wait3A_51] : memref<10000x128xf32, #tpu.memory_space<hbm>> -> memref<10000x128xf32, #tpu.memory_space<hbm>>
      tpu.wait_indirect_dma semaphore(%arg14 : memref<!tpu.dma_semaphore, #tpu.memory_space<semaphore_mem>>) src(%dma_wait3A_52 : memref<10000x128xf32, #tpu.memory_space<hbm>>) dst(%arg10 : memref<100x128xf32, #tpu.memory_space<vmem>>)
      %dma_start3A_53 = arith.constant 1 : i32
      %dma_start3A_54 = arith.constant 0 : i32
      %dma_start3A_55 = tpu.memref_slice %arg8[%dma_start3A_53, %dma_start3A_54] : memref<25x100xi32, #tpu.memory_space<vmem>> -> memref<1x100xi32, #tpu.memory_space<vmem>>
      %dma_start3A_56 = tpu.memref_squeeze %dma_start3A_55 : memref<1x100xi32, #tpu.memory_space<vmem>> -> memref<100xi32, #tpu.memory_space<vmem>>
      %dma_start3A_57 = arith.constant 0 : i32
      %dma_start3A_58 = arith.constant 0 : i32
      %dma_start3A_59 = tpu.memref_slice %arg12[%dma_start3A_57, %dma_start3A_58] : memref<10112x128xf32, #tpu.memory_space<vmem_shared>> -> memref<10112x128xf32, #tpu.memory_space<vmem_shared>>
      tpu.enqueue_indirect_dma source(%arg10 : memref<100x128xf32, #tpu.memory_space<vmem>>) target(%dma_start3A_59 : memref<10112x128xf32, #tpu.memory_space<vmem_shared>>) offsets(%dma_start3A_56 : memref<100xi32, #tpu.memory_space<vmem>>) semaphore(%arg17 : memref<!tpu.dma_semaphore, #tpu.memory_space<semaphore_mem>>) {add = true}
      %dma_wait3A_60 = arith.constant 0 : i32
      %dma_wait3A_61 = arith.constant 0 : i32
      %dma_wait3A_62 = tpu.memref_slice %arg8[%dma_wait3A_60, %dma_wait3A_61] : memref<25x100xi32, #tpu.memory_space<vmem>> -> memref<1x100xi32, #tpu.memory_space<vmem>>
      %dma_wait3A_63 = tpu.memref_squeeze %dma_wait3A_62 : memref<1x100xi32, #tpu.memory_space<vmem>> -> memref<100xi32, #tpu.memory_space<vmem>>
      %dma_wait3A_64 = arith.constant 0 : i32
      %dma_wait3A_65 = arith.constant 0 : i32
      %dma_wait3A_66 = tpu.memref_slice %arg12[%dma_wait3A_64, %dma_wait3A_65] : memref<10112x128xf32, #tpu.memory_space<vmem_shared>> -> memref<10112x128xf32, #tpu.memory_space<vmem_shared>>
      tpu.wait_indirect_dma semaphore(%arg16 : memref<!tpu.dma_semaphore, #tpu.memory_space<semaphore_mem>>) src(%arg9 : memref<100x128xf32, #tpu.memory_space<vmem>>) dst(%dma_wait3A_66 : memref<10112x128xf32, #tpu.memory_space<vmem_shared>>)
      %dma_start3A_67 = arith.constant 3 : i32
      %dma_start3A_68 = arith.constant 0 : i32
      %dma_start3A_69 = tpu.memref_slice %arg7[%dma_start3A_67, %dma_start3A_68] : memref<25x100xi32, #tpu.memory_space<vmem>> -> memref<1x100xi32, #tpu.memory_space<vmem>>
      %dma_start3A_70 = tpu.memref_squeeze %dma_start3A_69 : memref<1x100xi32, #tpu.memory_space<vmem>> -> memref<100xi32, #tpu.memory_space<vmem>>
      %dma_start3A_71 = arith.constant 0 : i32
      %dma_start3A_72 = arith.constant 0 : i32
      %dma_start3A_73 = tpu.memref_slice %arg2[%dma_start3A_71, %dma_start3A_72] : memref<10000x128xf32, #tpu.memory_space<hbm>> -> memref<10000x128xf32, #tpu.memory_space<hbm>>
      tpu.enqueue_indirect_dma source(%dma_start3A_73 : memref<10000x128xf32, #tpu.memory_space<hbm>>) target(%arg9 : memref<100x128xf32, #tpu.memory_space<vmem>>) offsets(%dma_start3A_70 : memref<100xi32, #tpu.memory_space<vmem>>) semaphore(%arg13 : memref<!tpu.dma_semaphore, #tpu.memory_space<semaphore_mem>>)
      %dma_wait3A_74 = arith.constant 0 : i32
      %dma_wait3A_75 = arith.constant 0 : i32
      %dma_wait3A_76 = tpu.memref_slice %arg7[%dma_wait3A_74, %dma_wait3A_75] : memref<25x100xi32, #tpu.memory_space<vmem>> -> memref<1x100xi32, #tpu.memory_space<vmem>>
      %dma_wait3A_77 = tpu.memref_squeeze %dma_wait3A_76 : memref<1x100xi32, #tpu.memory_space<vmem>> -> memref<100xi32, #tpu.memory_space<vmem>>
      %dma_wait3A_78 = arith.constant 0 : i32
      %dma_wait3A_79 = arith.constant 0 : i32
      %dma_wait3A_80 = tpu.memref_slice %arg2[%dma_wait3A_78, %dma_wait3A_79] : memref<10000x128xf32, #tpu.memory_space<hbm>> -> memref<10000x128xf32, #tpu.memory_space<hbm>>
      tpu.wait_indirect_dma semaphore(%arg15 : memref<!tpu.dma_semaphore, #tpu.memory_space<semaphore_mem>>) src(%dma_wait3A_80 : memref<10000x128xf32, #tpu.memory_space<hbm>>) dst(%arg11 : memref<100x128xf32, #tpu.memory_space<vmem>>)
      %dma_start3A_81 = arith.constant 2 : i32
      %dma_start3A_82 = arith.constant 0 : i32
      %dma_start3A_83 = tpu.memref_slice %arg8[%dma_start3A_81, %dma_start3A_82] : memref<25x100xi32, #tpu.memory_space<vmem>> -> memref<1x100xi32, #tpu.memory_space<vmem>>
      %dma_start3A_84 = tpu.memref_squeeze %dma_start3A_83 : memref<1x100xi32, #tpu.memory_space<vmem>> -> memref<100xi32, #tpu.memory_space<vmem>>
      %dma_start3A_85 = arith.constant 0 : i32
      %dma_start3A_86 = arith.constant 0 : i32
      %dma_start3A_87 = tpu.memref_slice %arg12[%dma_start3A_85, %dma_start3A_86] : memref<10112x128xf32, #tpu.memory_space<vmem_shared>> -> memref<10112x128xf32, #tpu.memory_space<vmem_shared>>
      tpu.enqueue_indirect_dma source(%arg11 : memref<100x128xf32, #tpu.memory_space<vmem>>) target(%dma_start3A_87 : memref<10112x128xf32, #tpu.memory_space<vmem_shared>>) offsets(%dma_start3A_84 : memref<100xi32, #tpu.memory_space<vmem>>) semaphore(%arg18 : memref<!tpu.dma_semaphore, #tpu.memory_space<semaphore_mem>>) {add = true}
      %dma_wait3A_88 = arith.constant 0 : i32
      %dma_wait3A_89 = arith.constant 0 : i32
      %dma_wait3A_90 = tpu.memref_slice %arg8[%dma_wait3A_88, %dma_wait3A_89] : memref<25x100xi32, #tpu.memory_space<vmem>> -> memref<1x100xi32, #tpu.memory_space<vmem>>
      %dma_wait3A_91 = tpu.memref_squeeze %dma_wait3A_90 : memref<1x100xi32, #tpu.memory_space<vmem>> -> memref<100xi32, #tpu.memory_space<vmem>>
      %dma_wait3A_92 = arith.constant 0 : i32
      %dma_wait3A_93 = arith.constant 0 : i32
      %dma_wait3A_94 = tpu.memref_slice %arg12[%dma_wait3A_92, %dma_wait3A_93] : memref<10112x128xf32, #tpu.memory_space<vmem_shared>> -> memref<10112x128xf32, #tpu.memory_space<vmem_shared>>
      tpu.wait_indirect_dma semaphore(%arg17 : memref<!tpu.dma_semaphore, #tpu.memory_space<semaphore_mem>>) src(%arg10 : memref<100x128xf32, #tpu.memory_space<vmem>>) dst(%dma_wait3A_94 : memref<10112x128xf32, #tpu.memory_space<vmem_shared>>)
      %dma_start3A_95 = arith.constant 4 : i32
      %dma_start3A_96 = arith.constant 0 : i32
      %dma_start3A_97 = tpu.memref_slice %arg7[%dma_start3A_95, %dma_start3A_96] : memref<25x100xi32, #tpu.memory_space<vmem>> -> memref<1x100xi32, #tpu.memory_space<vmem>>
      %dma_start3A_98 = tpu.memref_squeeze %dma_start3A_97 : memref<1x100xi32, #tpu.memory_space<vmem>> -> memref<100xi32, #tpu.memory_space<vmem>>
      %dma_start3A_99 = arith.constant 0 : i32
      %dma_start3A_100 = arith.constant 0 : i32
      %dma_start3A_101 = tpu.memref_slice %arg2[%dma_start3A_99, %dma_start3A_100] : memref<10000x128xf32, #tpu.memory_space<hbm>> -> memref<10000x128xf32, #tpu.memory_space<hbm>>
      tpu.enqueue_indirect_dma source(%dma_start3A_101 : memref<10000x128xf32, #tpu.memory_space<hbm>>) target(%arg10 : memref<100x128xf32, #tpu.memory_space<vmem>>) offsets(%dma_start3A_98 : memref<100xi32, #tpu.memory_space<vmem>>) semaphore(%arg14 : memref<!tpu.dma_semaphore, #tpu.memory_space<semaphore_mem>>)
      %dma_wait3A_102 = arith.constant 0 : i32
      %dma_wait3A_103 = arith.constant 0 : i32
      %dma_wait3A_104 = tpu.memref_slice %arg7[%dma_wait3A_102, %dma_wait3A_103] : memref<25x100xi32, #tpu.memory_space<vmem>> -> memref<1x100xi32, #tpu.memory_space<vmem>>
      %dma_wait3A_105 = tpu.memref_squeeze %dma_wait3A_104 : memref<1x100xi32, #tpu.memory_space<vmem>> -> memref<100xi32, #tpu.memory_space<vmem>>
      %dma_wait3A_106 = arith.constant 0 : i32
      %dma_wait3A_107 = arith.constant 0 : i32
      %dma_wait3A_108 = tpu.memref_slice %arg2[%dma_wait3A_106, %dma_wait3A_107] : memref<10000x128xf32, #tpu.memory_space<hbm>> -> memref<10000x128xf32, #tpu.memory_space<hbm>>
      tpu.wait_indirect_dma semaphore(%arg13 : memref<!tpu.dma_semaphore, #tpu.memory_space<semaphore_mem>>) src(%dma_wait3A_108 : memref<10000x128xf32, #tpu.memory_space<hbm>>) dst(%arg9 : memref<100x128xf32, #tpu.memory_space<vmem>>)
      %dma_start3A_109 = arith.constant 3 : i32
      %dma_start3A_110 = arith.constant 0 : i32
      %dma_start3A_111 = tpu.memref_slice %arg8[%dma_start3A_109, %dma_start3A_110] : memref<25x100xi32, #tpu.memory_space<vmem>> -> memref<1x100xi32, #tpu.memory_space<vmem>>
      %dma_start3A_112 = tpu.memref_squeeze %dma_start3A_111 : memref<1x100xi32, #tpu.memory_space<vmem>> -> memref<100xi32, #tpu.memory_space<vmem>>
      %dma_start3A_113 = arith.constant 0 : i32
      %dma_start3A_114 = arith.constant 0 : i32
      %dma_start3A_115 = tpu.memref_slice %arg12[%dma_start3A_113, %dma_start3A_114] : memref<10112x128xf32, #tpu.memory_space<vmem_shared>> -> memref<10112x128xf32, #tpu.memory_space<vmem_shared>>
      tpu.enqueue_indirect_dma source(%arg9 : memref<100x128xf32, #tpu.memory_space<vmem>>) target(%dma_start3A_115 : memref<10112x128xf32, #tpu.memory_space<vmem_shared>>) offsets(%dma_start3A_112 : memref<100xi32, #tpu.memory_space<vmem>>) semaphore(%arg16 : memref<!tpu.dma_semaphore, #tpu.memory_space<semaphore_mem>>) {add = true}
      %dma_wait3A_116 = arith.constant 0 : i32
      %dma_wait3A_117 = arith.constant 0 : i32
      %dma_wait3A_118 = tpu.memref_slice %arg8[%dma_wait3A_116, %dma_wait3A_117] : memref<25x100xi32, #tpu.memory_space<vmem>> -> memref<1x100xi32, #tpu.memory_space<vmem>>
      %dma_wait3A_119 = tpu.memref_squeeze %dma_wait3A_118 : memref<1x100xi32, #tpu.memory_space<vmem>> -> memref<100xi32, #tpu.memory_space<vmem>>
      %dma_wait3A_120 = arith.constant 0 : i32
      %dma_wait3A_121 = arith.constant 0 : i32
      %dma_wait3A_122 = tpu.memref_slice %arg12[%dma_wait3A_120, %dma_wait3A_121] : memref<10112x128xf32, #tpu.memory_space<vmem_shared>> -> memref<10112x128xf32, #tpu.memory_space<vmem_shared>>
      tpu.wait_indirect_dma semaphore(%arg18 : memref<!tpu.dma_semaphore, #tpu.memory_space<semaphore_mem>>) src(%arg11 : memref<100x128xf32, #tpu.memory_space<vmem>>) dst(%dma_wait3A_122 : memref<10112x128xf32, #tpu.memory_space<vmem_shared>>)
      %dma_start3A_123 = arith.constant 5 : i32
      %dma_start3A_124 = arith.constant 0 : i32
      %dma_start3A_125 = tpu.memref_slice %arg7[%dma_start3A_123, %dma_start3A_124] : memref<25x100xi32, #tpu.memory_space<vmem>> -> memref<1x100xi32, #tpu.memory_space<vmem>>
      %dma_start3A_126 = tpu.memref_squeeze %dma_start3A_125 : memref<1x100xi32, #tpu.memory_space<vmem>> -> memref<100xi32, #tpu.memory_space<vmem>>
      %dma_start3A_127 = arith.constant 0 : i32
      %dma_start3A_128 = arith.constant 0 : i32
      %dma_start3A_129 = tpu.memref_slice %arg2[%dma_start3A_127, %dma_start3A_128] : memref<10000x128xf32, #tpu.memory_space<hbm>> -> memref<10000x128xf32, #tpu.memory_space<hbm>>
      tpu.enqueue_indirect_dma source(%dma_start3A_129 : memref<10000x128xf32, #tpu.memory_space<hbm>>) target(%arg11 : memref<100x128xf32, #tpu.memory_space<vmem>>) offsets(%dma_start3A_126 : memref<100xi32, #tpu.memory_space<vmem>>) semaphore(%arg15 : memref<!tpu.dma_semaphore, #tpu.memory_space<semaphore_mem>>)
      %dma_wait3A_130 = arith.constant 0 : i32
      %dma_wait3A_131 = arith.constant 0 : i32
      %dma_wait3A_132 = tpu.memref_slice %arg7[%dma_wait3A_130, %dma_wait3A_131] : memref<25x100xi32, #tpu.memory_space<vmem>> -> memref<1x100xi32, #tpu.memory_space<vmem>>
      %dma_wait3A_133 = tpu.memref_squeeze %dma_wait3A_132 : memref<1x100xi32, #tpu.memory_space<vmem>> -> memref<100xi32, #tpu.memory_space<vmem>>
      %dma_wait3A_134 = arith.constant 0 : i32
      %dma_wait3A_135 = arith.constant 0 : i32
      %dma_wait3A_136 = tpu.memref_slice %arg2[%dma_wait3A_134, %dma_wait3A_135] : memref<10000x128xf32, #tpu.memory_space<hbm>> -> memref<10000x128xf32, #tpu.memory_space<hbm>>
      tpu.wait_indirect_dma semaphore(%arg14 : memref<!tpu.dma_semaphore, #tpu.memory_space<semaphore_mem>>) src(%dma_wait3A_136 : memref<10000x128xf32, #tpu.memory_space<hbm>>) dst(%arg10 : memref<100x128xf32, #tpu.memory_space<vmem>>)
      %dma_start3A_137 = arith.constant 4 : i32
      %dma_start3A_138 = arith.constant 0 : i32
      %dma_start3A_139 = tpu.memref_slice %arg8[%dma_start3A_137, %dma_start3A_138] : memref<25x100xi32, #tpu.memory_space<vmem>> -> memref<1x100xi32, #tpu.memory_space<vmem>>
      %dma_start3A_140 = tpu.memref_squeeze %dma_start3A_139 : memref<1x100xi32, #tpu.memory_space<vmem>> -> memref<100xi32, #tpu.memory_space<vmem>>
      %dma_start3A_141 = arith.constant 0 : i32
      %dma_start3A_142 = arith.constant 0 : i32
      %dma_start3A_143 = tpu.memref_slice %arg12[%dma_start3A_141, %dma_start3A_142] : memref<10112x128xf32, #tpu.memory_space<vmem_shared>> -> memref<10112x128xf32, #tpu.memory_space<vmem_shared>>
      tpu.enqueue_indirect_dma source(%arg10 : memref<100x128xf32, #tpu.memory_space<vmem>>) target(%dma_start3A_143 : memref<10112x128xf32, #tpu.memory_space<vmem_shared>>) offsets(%dma_start3A_140 : memref<100xi32, #tpu.memory_space<vmem>>) semaphore(%arg17 : memref<!tpu.dma_semaphore, #tpu.memory_space<semaphore_mem>>) {add = true}
      %dma_wait3A_144 = arith.constant 0 : i32
      %dma_wait3A_145 = arith.constant 0 : i32
      %dma_wait3A_146 = tpu.memref_slice %arg8[%dma_wait3A_144, %dma_wait3A_145] : memref<25x100xi32, #tpu.memory_space<vmem>> -> memref<1x100xi32, #tpu.memory_space<vmem>>
      %dma_wait3A_147 = tpu.memref_squeeze %dma_wait3A_146 : memref<1x100xi32, #tpu.memory_space<vmem>> -> memref<100xi32, #tpu.memory_space<vmem>>
      %dma_wait3A_148 = arith.constant 0 : i32
      %dma_wait3A_149 = arith.constant 0 : i32
      %dma_wait3A_150 = tpu.memref_slice %arg12[%dma_wait3A_148, %dma_wait3A_149] : memref<10112x128xf32, #tpu.memory_space<vmem_shared>> -> memref<10112x128xf32, #tpu.memory_space<vmem_shared>>
      tpu.wait_indirect_dma semaphore(%arg16 : memref<!tpu.dma_semaphore, #tpu.memory_space<semaphore_mem>>) src(%arg9 : memref<100x128xf32, #tpu.memory_space<vmem>>) dst(%dma_wait3A_150 : memref<10112x128xf32, #tpu.memory_space<vmem_shared>>)
      %dma_start3A_151 = arith.constant 6 : i32
      %dma_start3A_152 = arith.constant 0 : i32
      %dma_start3A_153 = tpu.memref_slice %arg7[%dma_start3A_151, %dma_start3A_152] : memref<25x100xi32, #tpu.memory_space<vmem>> -> memref<1x100xi32, #tpu.memory_space<vmem>>
      %dma_start3A_154 = tpu.memref_squeeze %dma_start3A_153 : memref<1x100xi32, #tpu.memory_space<vmem>> -> memref<100xi32, #tpu.memory_space<vmem>>
      %dma_start3A_155 = arith.constant 0 : i32
      %dma_start3A_156 = arith.constant 0 : i32
      %dma_start3A_157 = tpu.memref_slice %arg2[%dma_start3A_155, %dma_start3A_156] : memref<10000x128xf32, #tpu.memory_space<hbm>> -> memref<10000x128xf32, #tpu.memory_space<hbm>>
      tpu.enqueue_indirect_dma source(%dma_start3A_157 : memref<10000x128xf32, #tpu.memory_space<hbm>>) target(%arg9 : memref<100x128xf32, #tpu.memory_space<vmem>>) offsets(%dma_start3A_154 : memref<100xi32, #tpu.memory_space<vmem>>) semaphore(%arg13 : memref<!tpu.dma_semaphore, #tpu.memory_space<semaphore_mem>>)
      %dma_wait3A_158 = arith.constant 0 : i32
      %dma_wait3A_159 = arith.constant 0 : i32
      %dma_wait3A_160 = tpu.memref_slice %arg7[%dma_wait3A_158, %dma_wait3A_159] : memref<25x100xi32, #tpu.memory_space<vmem>> -> memref<1x100xi32, #tpu.memory_space<vmem>>
      %dma_wait3A_161 = tpu.memref_squeeze %dma_wait3A_160 : memref<1x100xi32, #tpu.memory_space<vmem>> -> memref<100xi32, #tpu.memory_space<vmem>>
      %dma_wait3A_162 = arith.constant 0 : i32
      %dma_wait3A_163 = arith.constant 0 : i32
      %dma_wait3A_164 = tpu.memref_slice %arg2[%dma_wait3A_162, %dma_wait3A_163] : memref<10000x128xf32, #tpu.memory_space<hbm>> -> memref<10000x128xf32, #tpu.memory_space<hbm>>
      tpu.wait_indirect_dma semaphore(%arg15 : memref<!tpu.dma_semaphore, #tpu.memory_space<semaphore_mem>>) src(%dma_wait3A_164 : memref<10000x128xf32, #tpu.memory_space<hbm>>) dst(%arg11 : memref<100x128xf32, #tpu.memory_space<vmem>>)
      %dma_start3A_165 = arith.constant 5 : i32
      %dma_start3A_166 = arith.constant 0 : i32
      %dma_start3A_167 = tpu.memref_slice %arg8[%dma_start3A_165, %dma_start3A_166] : memref<25x100xi32, #tpu.memory_space<vmem>> -> memref<1x100xi32, #tpu.memory_space<vmem>>
      %dma_start3A_168 = tpu.memref_squeeze %dma_start3A_167 : memref<1x100xi32, #tpu.memory_space<vmem>> -> memref<100xi32, #tpu.memory_space<vmem>>
      %dma_start3A_169 = arith.constant 0 : i32
      %dma_start3A_170 = arith.constant 0 : i32
      %dma_start3A_171 = tpu.memref_slice %arg12[%dma_start3A_169, %dma_start3A_170] : memref<10112x128xf32, #tpu.memory_space<vmem_shared>> -> memref<10112x128xf32, #tpu.memory_space<vmem_shared>>
      tpu.enqueue_indirect_dma source(%arg11 : memref<100x128xf32, #tpu.memory_space<vmem>>) target(%dma_start3A_171 : memref<10112x128xf32, #tpu.memory_space<vmem_shared>>) offsets(%dma_start3A_168 : memref<100xi32, #tpu.memory_space<vmem>>) semaphore(%arg18 : memref<!tpu.dma_semaphore, #tpu.memory_space<semaphore_mem>>) {add = true}
      %dma_wait3A_172 = arith.constant 0 : i32
      %dma_wait3A_173 = arith.constant 0 : i32
      %dma_wait3A_174 = tpu.memref_slice %arg8[%dma_wait3A_172, %dma_wait3A_173] : memref<25x100xi32, #tpu.memory_space<vmem>> -> memref<1x100xi32, #tpu.memory_space<vmem>>
      %dma_wait3A_175 = tpu.memref_squeeze %dma_wait3A_174 : memref<1x100xi32, #tpu.memory_space<vmem>> -> memref<100xi32, #tpu.memory_space<vmem>>
      %dma_wait3A_176 = arith.constant 0 : i32
      %dma_wait3A_177 = arith.constant 0 : i32
      %dma_wait3A_178 = tpu.memref_slice %arg12[%dma_wait3A_176, %dma_wait3A_177] : memref<10112x128xf32, #tpu.memory_space<vmem_shared>> -> memref<10112x128xf32, #tpu.memory_space<vmem_shared>>
      tpu.wait_indirect_dma semaphore(%arg17 : memref<!tpu.dma_semaphore, #tpu.memory_space<semaphore_mem>>) src(%arg10 : memref<100x128xf32, #tpu.memory_space<vmem>>) dst(%dma_wait3A_178 : memref<10112x128xf32, #tpu.memory_space<vmem_shared>>)
      %dma_start3A_179 = arith.constant 7 : i32
      %dma_start3A_180 = arith.constant 0 : i32
      %dma_start3A_181 = tpu.memref_slice %arg7[%dma_start3A_179, %dma_start3A_180] : memref<25x100xi32, #tpu.memory_space<vmem>> -> memref<1x100xi32, #tpu.memory_space<vmem>>
      %dma_start3A_182 = tpu.memref_squeeze %dma_start3A_181 : memref<1x100xi32, #tpu.memory_space<vmem>> -> memref<100xi32, #tpu.memory_space<vmem>>
      %dma_start3A_183 = arith.constant 0 : i32
      %dma_start3A_184 = arith.constant 0 : i32
      %dma_start3A_185 = tpu.memref_slice %arg2[%dma_start3A_183, %dma_start3A_184] : memref<10000x128xf32, #tpu.memory_space<hbm>> -> memref<10000x128xf32, #tpu.memory_space<hbm>>
      tpu.enqueue_indirect_dma source(%dma_start3A_185 : memref<10000x128xf32, #tpu.memory_space<hbm>>) target(%arg10 : memref<100x128xf32, #tpu.memory_space<vmem>>) offsets(%dma_start3A_182 : memref<100xi32, #tpu.memory_space<vmem>>) semaphore(%arg14 : memref<!tpu.dma_semaphore, #tpu.memory_space<semaphore_mem>>)
      %dma_wait3A_186 = arith.constant 0 : i32
      %dma_wait3A_187 = arith.constant 0 : i32
      %dma_wait3A_188 = tpu.memref_slice %arg7[%dma_wait3A_186, %dma_wait3A_187] : memref<25x100xi32, #tpu.memory_space<vmem>> -> memref<1x100xi32, #tpu.memory_space<vmem>>
      %dma_wait3A_189 = tpu.memref_squeeze %dma_wait3A_188 : memref<1x100xi32, #tpu.memory_space<vmem>> -> memref<100xi32, #tpu.memory_space<vmem>>
      %dma_wait3A_190 = arith.constant 0 : i32
      %dma_wait3A_191 = arith.constant 0 : i32
      %dma_wait3A_192 = tpu.memref_slice %arg2[%dma_wait3A_190, %dma_wait3A_191] : memref<10000x128xf32, #tpu.memory_space<hbm>> -> memref<10000x128xf32, #tpu.memory_space<hbm>>
      tpu.wait_indirect_dma semaphore(%arg13 : memref<!tpu.dma_semaphore, #tpu.memory_space<semaphore_mem>>) src(%dma_wait3A_192 : memref<10000x128xf32, #tpu.memory_space<hbm>>) dst(%arg9 : memref<100x128xf32, #tpu.memory_space<vmem>>)
      %dma_start3A_193 = arith.constant 6 : i32
      %dma_start3A_194 = arith.constant 0 : i32
      %dma_start3A_195 = tpu.memref_slice %arg8[%dma_start3A_193, %dma_start3A_194] : memref<25x100xi32, #tpu.memory_space<vmem>> -> memref<1x100xi32, #tpu.memory_space<vmem>>
      %dma_start3A_196 = tpu.memref_squeeze %dma_start3A_195 : memref<1x100xi32, #tpu.memory_space<vmem>> -> memref<100xi32, #tpu.memory_space<vmem>>
      %dma_start3A_197 = arith.constant 0 : i32
      %dma_start3A_198 = arith.constant 0 : i32
      %dma_start3A_199 = tpu.memref_slice %arg12[%dma_start3A_197, %dma_start3A_198] : memref<10112x128xf32, #tpu.memory_space<vmem_shared>> -> memref<10112x128xf32, #tpu.memory_space<vmem_shared>>
      tpu.enqueue_indirect_dma source(%arg9 : memref<100x128xf32, #tpu.memory_space<vmem>>) target(%dma_start3A_199 : memref<10112x128xf32, #tpu.memory_space<vmem_shared>>) offsets(%dma_start3A_196 : memref<100xi32, #tpu.memory_space<vmem>>) semaphore(%arg16 : memref<!tpu.dma_semaphore, #tpu.memory_space<semaphore_mem>>) {add = true}
      %dma_wait3A_200 = arith.constant 0 : i32
      %dma_wait3A_201 = arith.constant 0 : i32
      %dma_wait3A_202 = tpu.memref_slice %arg8[%dma_wait3A_200, %dma_wait3A_201] : memref<25x100xi32, #tpu.memory_space<vmem>> -> memref<1x100xi32, #tpu.memory_space<vmem>>
      %dma_wait3A_203 = tpu.memref_squeeze %dma_wait3A_202 : memref<1x100xi32, #tpu.memory_space<vmem>> -> memref<100xi32, #tpu.memory_space<vmem>>
      %dma_wait3A_204 = arith.constant 0 : i32
      %dma_wait3A_205 = arith.constant 0 : i32
      %dma_wait3A_206 = tpu.memref_slice %arg12[%dma_wait3A_204, %dma_wait3A_205] : memref<10112x128xf32, #tpu.memory_space<vmem_shared>> -> memref<10112x128xf32, #tpu.memory_space<vmem_shared>>
      tpu.wait_indirect_dma semaphore(%arg18 : memref<!tpu.dma_semaphore, #tpu.memory_space<semaphore_mem>>) src(%arg11 : memref<100x128xf32, #tpu.memory_space<vmem>>) dst(%dma_wait3A_206 : memref<10112x128xf32, #tpu.memory_space<vmem_shared>>)
      %dma_start3A_207 = arith.constant 8 : i32
      %dma_start3A_208 = arith.constant 0 : i32
      %dma_start3A_209 = tpu.memref_slice %arg7[%dma_start3A_207, %dma_start3A_208] : memref<25x100xi32, #tpu.memory_space<vmem>> -> memref<1x100xi32, #tpu.memory_space<vmem>>
      %dma_start3A_210 = tpu.memref_squeeze %dma_start3A_209 : memref<1x100xi32, #tpu.memory_space<vmem>> -> memref<100xi32, #tpu.memory_space<vmem>>
      %dma_start3A_211 = arith.constant 0 : i32
      %dma_start3A_212 = arith.constant 0 : i32
      %dma_start3A_213 = tpu.memref_slice %arg2[%dma_start3A_211, %dma_start3A_212] : memref<10000x128xf32, #tpu.memory_space<hbm>> -> memref<10000x128xf32, #tpu.memory_space<hbm>>
      tpu.enqueue_indirect_dma source(%dma_start3A_213 : memref<10000x128xf32, #tpu.memory_space<hbm>>) target(%arg11 : memref<100x128xf32, #tpu.memory_space<vmem>>) offsets(%dma_start3A_210 : memref<100xi32, #tpu.memory_space<vmem>>) semaphore(%arg15 : memref<!tpu.dma_semaphore, #tpu.memory_space<semaphore_mem>>)
      %dma_wait3A_214 = arith.constant 0 : i32
      %dma_wait3A_215 = arith.constant 0 : i32
      %dma_wait3A_216 = tpu.memref_slice %arg7[%dma_wait3A_214, %dma_wait3A_215] : memref<25x100xi32, #tpu.memory_space<vmem>> -> memref<1x100xi32, #tpu.memory_space<vmem>>
      %dma_wait3A_217 = tpu.memref_squeeze %dma_wait3A_216 : memref<1x100xi32, #tpu.memory_space<vmem>> -> memref<100xi32, #tpu.memory_space<vmem>>
      %dma_wait3A_218 = arith.constant 0 : i32
      %dma_wait3A_219 = arith.constant 0 : i32
      %dma_wait3A_220 = tpu.memref_slice %arg2[%dma_wait3A_218, %dma_wait3A_219] : memref<10000x128xf32, #tpu.memory_space<hbm>> -> memref<10000x128xf32, #tpu.memory_space<hbm>>
      tpu.wait_indirect_dma semaphore(%arg14 : memref<!tpu.dma_semaphore, #tpu.memory_space<semaphore_mem>>) src(%dma_wait3A_220 : memref<10000x128xf32, #tpu.memory_space<hbm>>) dst(%arg10 : memref<100x128xf32, #tpu.memory_space<vmem>>)
      %dma_start3A_221 = arith.constant 7 : i32
      %dma_start3A_222 = arith.constant 0 : i32
      %dma_start3A_223 = tpu.memref_slice %arg8[%dma_start3A_221, %dma_start3A_222] : memref<25x100xi32, #tpu.memory_space<vmem>> -> memref<1x100xi32, #tpu.memory_space<vmem>>
      %dma_start3A_224 = tpu.memref_squeeze %dma_start3A_223 : memref<1x100xi32, #tpu.memory_space<vmem>> -> memref<100xi32, #tpu.memory_space<vmem>>
      %dma_start3A_225 = arith.constant 0 : i32
      %dma_start3A_226 = arith.constant 0 : i32
      %dma_start3A_227 = tpu.memref_slice %arg12[%dma_start3A_225, %dma_start3A_226] : memref<10112x128xf32, #tpu.memory_space<vmem_shared>> -> memref<10112x128xf32, #tpu.memory_space<vmem_shared>>
      tpu.enqueue_indirect_dma source(%arg10 : memref<100x128xf32, #tpu.memory_space<vmem>>) target(%dma_start3A_227 : memref<10112x128xf32, #tpu.memory_space<vmem_shared>>) offsets(%dma_start3A_224 : memref<100xi32, #tpu.memory_space<vmem>>) semaphore(%arg17 : memref<!tpu.dma_semaphore, #tpu.memory_space<semaphore_mem>>) {add = true}
      %dma_wait3A_228 = arith.constant 0 : i32
      %dma_wait3A_229 = arith.constant 0 : i32
      %dma_wait3A_230 = tpu.memref_slice %arg8[%dma_wait3A_228, %dma_wait3A_229] : memref<25x100xi32, #tpu.memory_space<vmem>> -> memref<1x100xi32, #tpu.memory_space<vmem>>
      %dma_wait3A_231 = tpu.memref_squeeze %dma_wait3A_230 : memref<1x100xi32, #tpu.memory_space<vmem>> -> memref<100xi32, #tpu.memory_space<vmem>>
      %dma_wait3A_232 = arith.constant 0 : i32
      %dma_wait3A_233 = arith.constant 0 : i32
      %dma_wait3A_234 = tpu.memref_slice %arg12[%dma_wait3A_232, %dma_wait3A_233] : memref<10112x128xf32, #tpu.memory_space<vmem_shared>> -> memref<10112x128xf32, #tpu.memory_space<vmem_shared>>
      tpu.wait_indirect_dma semaphore(%arg16 : memref<!tpu.dma_semaphore, #tpu.memory_space<semaphore_mem>>) src(%arg9 : memref<100x128xf32, #tpu.memory_space<vmem>>) dst(%dma_wait3A_234 : memref<10112x128xf32, #tpu.memory_space<vmem_shared>>)
      %dma_start3A_235 = arith.constant 9 : i32
      %dma_start3A_236 = arith.constant 0 : i32
      %dma_start3A_237 = tpu.memref_slice %arg7[%dma_start3A_235, %dma_start3A_236] : memref<25x100xi32, #tpu.memory_space<vmem>> -> memref<1x100xi32, #tpu.memory_space<vmem>>
      %dma_start3A_238 = tpu.memref_squeeze %dma_start3A_237 : memref<1x100xi32, #tpu.memory_space<vmem>> -> memref<100xi32, #tpu.memory_space<vmem>>
      %dma_start3A_239 = arith.constant 0 : i32
      %dma_start3A_240 = arith.constant 0 : i32
      %dma_start3A_241 = tpu.memref_slice %arg2[%dma_start3A_239, %dma_start3A_240] : memref<10000x128xf32, #tpu.memory_space<hbm>> -> memref<10000x128xf32, #tpu.memory_space<hbm>>
      tpu.enqueue_indirect_dma source(%dma_start3A_241 : memref<10000x128xf32, #tpu.memory_space<hbm>>) target(%arg9 : memref<100x128xf32, #tpu.memory_space<vmem>>) offsets(%dma_start3A_238 : memref<100xi32, #tpu.memory_space<vmem>>) semaphore(%arg13 : memref<!tpu.dma_semaphore, #tpu.memory_space<semaphore_mem>>)
      %dma_wait3A_242 = arith.constant 0 : i32
      %dma_wait3A_243 = arith.constant 0 : i32
      %dma_wait3A_244 = tpu.memref_slice %arg7[%dma_wait3A_242, %dma_wait3A_243] : memref<25x100xi32, #tpu.memory_space<vmem>> -> memref<1x100xi32, #tpu.memory_space<vmem>>
      %dma_wait3A_245 = tpu.memref_squeeze %dma_wait3A_244 : memref<1x100xi32, #tpu.memory_space<vmem>> -> memref<100xi32, #tpu.memory_space<vmem>>
      %dma_wait3A_246 = arith.constant 0 : i32
      %dma_wait3A_247 = arith.constant 0 : i32
      %dma_wait3A_248 = tpu.memref_slice %arg2[%dma_wait3A_246, %dma_wait3A_247] : memref<10000x128xf32, #tpu.memory_space<hbm>> -> memref<10000x128xf32, #tpu.memory_space<hbm>>
      tpu.wait_indirect_dma semaphore(%arg15 : memref<!tpu.dma_semaphore, #tpu.memory_space<semaphore_mem>>) src(%dma_wait3A_248 : memref<10000x128xf32, #tpu.memory_space<hbm>>) dst(%arg11 : memref<100x128xf32, #tpu.memory_space<vmem>>)
      %dma_start3A_249 = arith.constant 8 : i32
      %dma_start3A_250 = arith.constant 0 : i32
      %dma_start3A_251 = tpu.memref_slice %arg8[%dma_start3A_249, %dma_start3A_250] : memref<25x100xi32, #tpu.memory_space<vmem>> -> memref<1x100xi32, #tpu.memory_space<vmem>>
      %dma_start3A_252 = tpu.memref_squeeze %dma_start3A_251 : memref<1x100xi32, #tpu.memory_space<vmem>> -> memref<100xi32, #tpu.memory_space<vmem>>
      %dma_start3A_253 = arith.constant 0 : i32
      %dma_start3A_254 = arith.constant 0 : i32
      %dma_start3A_255 = tpu.memref_slice %arg12[%dma_start3A_253, %dma_start3A_254] : memref<10112x128xf32, #tpu.memory_space<vmem_shared>> -> memref<10112x128xf32, #tpu.memory_space<vmem_shared>>
      tpu.enqueue_indirect_dma source(%arg11 : memref<100x128xf32, #tpu.memory_space<vmem>>) target(%dma_start3A_255 : memref<10112x128xf32, #tpu.memory_space<vmem_shared>>) offsets(%dma_start3A_252 : memref<100xi32, #tpu.memory_space<vmem>>) semaphore(%arg18 : memref<!tpu.dma_semaphore, #tpu.memory_space<semaphore_mem>>) {add = true}
      %dma_wait3A_256 = arith.constant 0 : i32
      %dma_wait3A_257 = arith.constant 0 : i32
      %dma_wait3A_258 = tpu.memref_slice %arg8[%dma_wait3A_256, %dma_wait3A_257] : memref<25x100xi32, #tpu.memory_space<vmem>> -> memref<1x100xi32, #tpu.memory_space<vmem>>
      %dma_wait3A_259 = tpu.memref_squeeze %dma_wait3A_258 : memref<1x100xi32, #tpu.memory_space<vmem>> -> memref<100xi32, #tpu.memory_space<vmem>>
      %dma_wait3A_260 = arith.constant 0 : i32
      %dma_wait3A_261 = arith.constant 0 : i32
      %dma_wait3A_262 = tpu.memref_slice %arg12[%dma_wait3A_260, %dma_wait3A_261] : memref<10112x128xf32, #tpu.memory_space<vmem_shared>> -> memref<10112x128xf32, #tpu.memory_space<vmem_shared>>
      tpu.wait_indirect_dma semaphore(%arg17 : memref<!tpu.dma_semaphore, #tpu.memory_space<semaphore_mem>>) src(%arg10 : memref<100x128xf32, #tpu.memory_space<vmem>>) dst(%dma_wait3A_262 : memref<10112x128xf32, #tpu.memory_space<vmem_shared>>)
      %dma_start3A_263 = arith.constant 10 : i32
      %dma_start3A_264 = arith.constant 0 : i32
      %dma_start3A_265 = tpu.memref_slice %arg7[%dma_start3A_263, %dma_start3A_264] : memref<25x100xi32, #tpu.memory_space<vmem>> -> memref<1x100xi32, #tpu.memory_space<vmem>>
      %dma_start3A_266 = tpu.memref_squeeze %dma_start3A_265 : memref<1x100xi32, #tpu.memory_space<vmem>> -> memref<100xi32, #tpu.memory_space<vmem>>
      %dma_start3A_267 = arith.constant 0 : i32
      %dma_start3A_268 = arith.constant 0 : i32
      %dma_start3A_269 = tpu.memref_slice %arg2[%dma_start3A_267, %dma_start3A_268] : memref<10000x128xf32, #tpu.memory_space<hbm>> -> memref<10000x128xf32, #tpu.memory_space<hbm>>
      tpu.enqueue_indirect_dma source(%dma_start3A_269 : memref<10000x128xf32, #tpu.memory_space<hbm>>) target(%arg10 : memref<100x128xf32, #tpu.memory_space<vmem>>) offsets(%dma_start3A_266 : memref<100xi32, #tpu.memory_space<vmem>>) semaphore(%arg14 : memref<!tpu.dma_semaphore, #tpu.memory_space<semaphore_mem>>)
      %dma_wait3A_270 = arith.constant 0 : i32
      %dma_wait3A_271 = arith.constant 0 : i32
      %dma_wait3A_272 = tpu.memref_slice %arg7[%dma_wait3A_270, %dma_wait3A_271] : memref<25x100xi32, #tpu.memory_space<vmem>> -> memref<1x100xi32, #tpu.memory_space<vmem>>
      %dma_wait3A_273 = tpu.memref_squeeze %dma_wait3A_272 : memref<1x100xi32, #tpu.memory_space<vmem>> -> memref<100xi32, #tpu.memory_space<vmem>>
      %dma_wait3A_274 = arith.constant 0 : i32
      %dma_wait3A_275 = arith.constant 0 : i32
      %dma_wait3A_276 = tpu.memref_slice %arg2[%dma_wait3A_274, %dma_wait3A_275] : memref<10000x128xf32, #tpu.memory_space<hbm>> -> memref<10000x128xf32, #tpu.memory_space<hbm>>
      tpu.wait_indirect_dma semaphore(%arg13 : memref<!tpu.dma_semaphore, #tpu.memory_space<semaphore_mem>>) src(%dma_wait3A_276 : memref<10000x128xf32, #tpu.memory_space<hbm>>) dst(%arg9 : memref<100x128xf32, #tpu.memory_space<vmem>>)
      %dma_start3A_277 = arith.constant 9 : i32
      %dma_start3A_278 = arith.constant 0 : i32
      %dma_start3A_279 = tpu.memref_slice %arg8[%dma_start3A_277, %dma_start3A_278] : memref<25x100xi32, #tpu.memory_space<vmem>> -> memref<1x100xi32, #tpu.memory_space<vmem>>
      %dma_start3A_280 = tpu.memref_squeeze %dma_start3A_279 : memref<1x100xi32, #tpu.memory_space<vmem>> -> memref<100xi32, #tpu.memory_space<vmem>>
      %dma_start3A_281 = arith.constant 0 : i32
      %dma_start3A_282 = arith.constant 0 : i32
      %dma_start3A_283 = tpu.memref_slice %arg12[%dma_start3A_281, %dma_start3A_282] : memref<10112x128xf32, #tpu.memory_space<vmem_shared>> -> memref<10112x128xf32, #tpu.memory_space<vmem_shared>>
      tpu.enqueue_indirect_dma source(%arg9 : memref<100x128xf32, #tpu.memory_space<vmem>>) target(%dma_start3A_283 : memref<10112x128xf32, #tpu.memory_space<vmem_shared>>) offsets(%dma_start3A_280 : memref<100xi32, #tpu.memory_space<vmem>>) semaphore(%arg16 : memref<!tpu.dma_semaphore, #tpu.memory_space<semaphore_mem>>) {add = true}
      %dma_wait3A_284 = arith.constant 0 : i32
      %dma_wait3A_285 = arith.constant 0 : i32
      %dma_wait3A_286 = tpu.memref_slice %arg8[%dma_wait3A_284, %dma_wait3A_285] : memref<25x100xi32, #tpu.memory_space<vmem>> -> memref<1x100xi32, #tpu.memory_space<vmem>>
      %dma_wait3A_287 = tpu.memref_squeeze %dma_wait3A_286 : memref<1x100xi32, #tpu.memory_space<vmem>> -> memref<100xi32, #tpu.memory_space<vmem>>
      %dma_wait3A_288 = arith.constant 0 : i32
      %dma_wait3A_289 = arith.constant 0 : i32
      %dma_wait3A_290 = tpu.memref_slice %arg12[%dma_wait3A_288, %dma_wait3A_289] : memref<10112x128xf32, #tpu.memory_space<vmem_shared>> -> memref<10112x128xf32, #tpu.memory_space<vmem_shared>>
      tpu.wait_indirect_dma semaphore(%arg18 : memref<!tpu.dma_semaphore, #tpu.memory_space<semaphore_mem>>) src(%arg11 : memref<100x128xf32, #tpu.memory_space<vmem>>) dst(%dma_wait3A_290 : memref<10112x128xf32, #tpu.memory_space<vmem_shared>>)
      %dma_start3A_291 = arith.constant 11 : i32
      %dma_start3A_292 = arith.constant 0 : i32
      %dma_start3A_293 = tpu.memref_slice %arg7[%dma_start3A_291, %dma_start3A_292] : memref<25x100xi32, #tpu.memory_space<vmem>> -> memref<1x100xi32, #tpu.memory_space<vmem>>
      %dma_start3A_294 = tpu.memref_squeeze %dma_start3A_293 : memref<1x100xi32, #tpu.memory_space<vmem>> -> memref<100xi32, #tpu.memory_space<vmem>>
      %dma_start3A_295 = arith.constant 0 : i32
      %dma_start3A_296 = arith.constant 0 : i32
      %dma_start3A_297 = tpu.memref_slice %arg2[%dma_start3A_295, %dma_start3A_296] : memref<10000x128xf32, #tpu.memory_space<hbm>> -> memref<10000x128xf32, #tpu.memory_space<hbm>>
      tpu.enqueue_indirect_dma source(%dma_start3A_297 : memref<10000x128xf32, #tpu.memory_space<hbm>>) target(%arg11 : memref<100x128xf32, #tpu.memory_space<vmem>>) offsets(%dma_start3A_294 : memref<100xi32, #tpu.memory_space<vmem>>) semaphore(%arg15 : memref<!tpu.dma_semaphore, #tpu.memory_space<semaphore_mem>>)
      %dma_wait3A_298 = arith.constant 0 : i32
      %dma_wait3A_299 = arith.constant 0 : i32
      %dma_wait3A_300 = tpu.memref_slice %arg7[%dma_wait3A_298, %dma_wait3A_299] : memref<25x100xi32, #tpu.memory_space<vmem>> -> memref<1x100xi32, #tpu.memory_space<vmem>>
      %dma_wait3A_301 = tpu.memref_squeeze %dma_wait3A_300 : memref<1x100xi32, #tpu.memory_space<vmem>> -> memref<100xi32, #tpu.memory_space<vmem>>
      %dma_wait3A_302 = arith.constant 0 : i32
      %dma_wait3A_303 = arith.constant 0 : i32
      %dma_wait3A_304 = tpu.memref_slice %arg2[%dma_wait3A_302, %dma_wait3A_303] : memref<10000x128xf32, #tpu.memory_space<hbm>> -> memref<10000x128xf32, #tpu.memory_space<hbm>>
      tpu.wait_indirect_dma semaphore(%arg14 : memref<!tpu.dma_semaphore, #tpu.memory_space<semaphore_mem>>) src(%dma_wait3A_304 : memref<10000x128xf32, #tpu.memory_space<hbm>>) dst(%arg10 : memref<100x128xf32, #tpu.memory_space<vmem>>)
      %dma_start3A_305 = arith.constant 10 : i32
      %dma_start3A_306 = arith.constant 0 : i32
      %dma_start3A_307 = tpu.memref_slice %arg8[%dma_start3A_305, %dma_start3A_306] : memref<25x100xi32, #tpu.memory_space<vmem>> -> memref<1x100xi32, #tpu.memory_space<vmem>>
      %dma_start3A_308 = tpu.memref_squeeze %dma_start3A_307 : memref<1x100xi32, #tpu.memory_space<vmem>> -> memref<100xi32, #tpu.memory_space<vmem>>
      %dma_start3A_309 = arith.constant 0 : i32
      %dma_start3A_310 = arith.constant 0 : i32
      %dma_start3A_311 = tpu.memref_slice %arg12[%dma_start3A_309, %dma_start3A_310] : memref<10112x128xf32, #tpu.memory_space<vmem_shared>> -> memref<10112x128xf32, #tpu.memory_space<vmem_shared>>
      tpu.enqueue_indirect_dma source(%arg10 : memref<100x128xf32, #tpu.memory_space<vmem>>) target(%dma_start3A_311 : memref<10112x128xf32, #tpu.memory_space<vmem_shared>>) offsets(%dma_start3A_308 : memref<100xi32, #tpu.memory_space<vmem>>) semaphore(%arg17 : memref<!tpu.dma_semaphore, #tpu.memory_space<semaphore_mem>>) {add = true}
      %dma_wait3A_312 = arith.constant 0 : i32
      %dma_wait3A_313 = arith.constant 0 : i32
      %dma_wait3A_314 = tpu.memref_slice %arg8[%dma_wait3A_312, %dma_wait3A_313] : memref<25x100xi32, #tpu.memory_space<vmem>> -> memref<1x100xi32, #tpu.memory_space<vmem>>
      %dma_wait3A_315 = tpu.memref_squeeze %dma_wait3A_314 : memref<1x100xi32, #tpu.memory_space<vmem>> -> memref<100xi32, #tpu.memory_space<vmem>>
      %dma_wait3A_316 = arith.constant 0 : i32
      %dma_wait3A_317 = arith.constant 0 : i32
      %dma_wait3A_318 = tpu.memref_slice %arg12[%dma_wait3A_316, %dma_wait3A_317] : memref<10112x128xf32, #tpu.memory_space<vmem_shared>> -> memref<10112x128xf32, #tpu.memory_space<vmem_shared>>
      tpu.wait_indirect_dma semaphore(%arg16 : memref<!tpu.dma_semaphore, #tpu.memory_space<semaphore_mem>>) src(%arg9 : memref<100x128xf32, #tpu.memory_space<vmem>>) dst(%dma_wait3A_318 : memref<10112x128xf32, #tpu.memory_space<vmem_shared>>)
      %dma_start3A_319 = arith.constant 12 : i32
      %dma_start3A_320 = arith.constant 0 : i32
      %dma_start3A_321 = tpu.memref_slice %arg7[%dma_start3A_319, %dma_start3A_320] : memref<25x100xi32, #tpu.memory_space<vmem>> -> memref<1x100xi32, #tpu.memory_space<vmem>>
      %dma_start3A_322 = tpu.memref_squeeze %dma_start3A_321 : memref<1x100xi32, #tpu.memory_space<vmem>> -> memref<100xi32, #tpu.memory_space<vmem>>
      %dma_start3A_323 = arith.constant 0 : i32
      %dma_start3A_324 = arith.constant 0 : i32
      %dma_start3A_325 = tpu.memref_slice %arg2[%dma_start3A_323, %dma_start3A_324] : memref<10000x128xf32, #tpu.memory_space<hbm>> -> memref<10000x128xf32, #tpu.memory_space<hbm>>
      tpu.enqueue_indirect_dma source(%dma_start3A_325 : memref<10000x128xf32, #tpu.memory_space<hbm>>) target(%arg9 : memref<100x128xf32, #tpu.memory_space<vmem>>) offsets(%dma_start3A_322 : memref<100xi32, #tpu.memory_space<vmem>>) semaphore(%arg13 : memref<!tpu.dma_semaphore, #tpu.memory_space<semaphore_mem>>)
      %dma_wait3A_326 = arith.constant 0 : i32
      %dma_wait3A_327 = arith.constant 0 : i32
      %dma_wait3A_328 = tpu.memref_slice %arg7[%dma_wait3A_326, %dma_wait3A_327] : memref<25x100xi32, #tpu.memory_space<vmem>> -> memref<1x100xi32, #tpu.memory_space<vmem>>
      %dma_wait3A_329 = tpu.memref_squeeze %dma_wait3A_328 : memref<1x100xi32, #tpu.memory_space<vmem>> -> memref<100xi32, #tpu.memory_space<vmem>>
      %dma_wait3A_330 = arith.constant 0 : i32
      %dma_wait3A_331 = arith.constant 0 : i32
      %dma_wait3A_332 = tpu.memref_slice %arg2[%dma_wait3A_330, %dma_wait3A_331] : memref<10000x128xf32, #tpu.memory_space<hbm>> -> memref<10000x128xf32, #tpu.memory_space<hbm>>
      tpu.wait_indirect_dma semaphore(%arg15 : memref<!tpu.dma_semaphore, #tpu.memory_space<semaphore_mem>>) src(%dma_wait3A_332 : memref<10000x128xf32, #tpu.memory_space<hbm>>) dst(%arg11 : memref<100x128xf32, #tpu.memory_space<vmem>>)
      %dma_start3A_333 = arith.constant 11 : i32
      %dma_start3A_334 = arith.constant 0 : i32
      %dma_start3A_335 = tpu.memref_slice %arg8[%dma_start3A_333, %dma_start3A_334] : memref<25x100xi32, #tpu.memory_space<vmem>> -> memref<1x100xi32, #tpu.memory_space<vmem>>
      %dma_start3A_336 = tpu.memref_squeeze %dma_start3A_335 : memref<1x100xi32, #tpu.memory_space<vmem>> -> memref<100xi32, #tpu.memory_space<vmem>>
      %dma_start3A_337 = arith.constant 0 : i32
      %dma_start3A_338 = arith.constant 0 : i32
      %dma_start3A_339 = tpu.memref_slice %arg12[%dma_start3A_337, %dma_start3A_338] : memref<10112x128xf32, #tpu.memory_space<vmem_shared>> -> memref<10112x128xf32, #tpu.memory_space<vmem_shared>>
      tpu.enqueue_indirect_dma source(%arg11 : memref<100x128xf32, #tpu.memory_space<vmem>>) target(%dma_start3A_339 : memref<10112x128xf32, #tpu.memory_space<vmem_shared>>) offsets(%dma_start3A_336 : memref<100xi32, #tpu.memory_space<vmem>>) semaphore(%arg18 : memref<!tpu.dma_semaphore, #tpu.memory_space<semaphore_mem>>) {add = true}
      %dma_wait3A_340 = arith.constant 0 : i32
      %dma_wait3A_341 = arith.constant 0 : i32
      %dma_wait3A_342 = tpu.memref_slice %arg8[%dma_wait3A_340, %dma_wait3A_341] : memref<25x100xi32, #tpu.memory_space<vmem>> -> memref<1x100xi32, #tpu.memory_space<vmem>>
      %dma_wait3A_343 = tpu.memref_squeeze %dma_wait3A_342 : memref<1x100xi32, #tpu.memory_space<vmem>> -> memref<100xi32, #tpu.memory_space<vmem>>
      %dma_wait3A_344 = arith.constant 0 : i32
      %dma_wait3A_345 = arith.constant 0 : i32
      %dma_wait3A_346 = tpu.memref_slice %arg12[%dma_wait3A_344, %dma_wait3A_345] : memref<10112x128xf32, #tpu.memory_space<vmem_shared>> -> memref<10112x128xf32, #tpu.memory_space<vmem_shared>>
      tpu.wait_indirect_dma semaphore(%arg17 : memref<!tpu.dma_semaphore, #tpu.memory_space<semaphore_mem>>) src(%arg10 : memref<100x128xf32, #tpu.memory_space<vmem>>) dst(%dma_wait3A_346 : memref<10112x128xf32, #tpu.memory_space<vmem_shared>>)
      %dma_start3A_347 = arith.constant 13 : i32
      %dma_start3A_348 = arith.constant 0 : i32
      %dma_start3A_349 = tpu.memref_slice %arg7[%dma_start3A_347, %dma_start3A_348] : memref<25x100xi32, #tpu.memory_space<vmem>> -> memref<1x100xi32, #tpu.memory_space<vmem>>
      %dma_start3A_350 = tpu.memref_squeeze %dma_start3A_349 : memref<1x100xi32, #tpu.memory_space<vmem>> -> memref<100xi32, #tpu.memory_space<vmem>>
      %dma_start3A_351 = arith.constant 0 : i32
      %dma_start3A_352 = arith.constant 0 : i32
      %dma_start3A_353 = tpu.memref_slice %arg2[%dma_start3A_351, %dma_start3A_352] : memref<10000x128xf32, #tpu.memory_space<hbm>> -> memref<10000x128xf32, #tpu.memory_space<hbm>>
      tpu.enqueue_indirect_dma source(%dma_start3A_353 : memref<10000x128xf32, #tpu.memory_space<hbm>>) target(%arg10 : memref<100x128xf32, #tpu.memory_space<vmem>>) offsets(%dma_start3A_350 : memref<100xi32, #tpu.memory_space<vmem>>) semaphore(%arg14 : memref<!tpu.dma_semaphore, #tpu.memory_space<semaphore_mem>>)
      %dma_wait3A_354 = arith.constant 0 : i32
      %dma_wait3A_355 = arith.constant 0 : i32
      %dma_wait3A_356 = tpu.memref_slice %arg7[%dma_wait3A_354, %dma_wait3A_355] : memref<25x100xi32, #tpu.memory_space<vmem>> -> memref<1x100xi32, #tpu.memory_space<vmem>>
      %dma_wait3A_357 = tpu.memref_squeeze %dma_wait3A_356 : memref<1x100xi32, #tpu.memory_space<vmem>> -> memref<100xi32, #tpu.memory_space<vmem>>
      %dma_wait3A_358 = arith.constant 0 : i32
      %dma_wait3A_359 = arith.constant 0 : i32
      %dma_wait3A_360 = tpu.memref_slice %arg2[%dma_wait3A_358, %dma_wait3A_359] : memref<10000x128xf32, #tpu.memory_space<hbm>> -> memref<10000x128xf32, #tpu.memory_space<hbm>>
      tpu.wait_indirect_dma semaphore(%arg13 : memref<!tpu.dma_semaphore, #tpu.memory_space<semaphore_mem>>) src(%dma_wait3A_360 : memref<10000x128xf32, #tpu.memory_space<hbm>>) dst(%arg9 : memref<100x128xf32, #tpu.memory_space<vmem>>)
      %dma_start3A_361 = arith.constant 12 : i32
      %dma_start3A_362 = arith.constant 0 : i32
      %dma_start3A_363 = tpu.memref_slice %arg8[%dma_start3A_361, %dma_start3A_362] : memref<25x100xi32, #tpu.memory_space<vmem>> -> memref<1x100xi32, #tpu.memory_space<vmem>>
      %dma_start3A_364 = tpu.memref_squeeze %dma_start3A_363 : memref<1x100xi32, #tpu.memory_space<vmem>> -> memref<100xi32, #tpu.memory_space<vmem>>
      %dma_start3A_365 = arith.constant 0 : i32
      %dma_start3A_366 = arith.constant 0 : i32
      %dma_start3A_367 = tpu.memref_slice %arg12[%dma_start3A_365, %dma_start3A_366] : memref<10112x128xf32, #tpu.memory_space<vmem_shared>> -> memref<10112x128xf32, #tpu.memory_space<vmem_shared>>
      tpu.enqueue_indirect_dma source(%arg9 : memref<100x128xf32, #tpu.memory_space<vmem>>) target(%dma_start3A_367 : memref<10112x128xf32, #tpu.memory_space<vmem_shared>>) offsets(%dma_start3A_364 : memref<100xi32, #tpu.memory_space<vmem>>) semaphore(%arg16 : memref<!tpu.dma_semaphore, #tpu.memory_space<semaphore_mem>>) {add = true}
      %dma_wait3A_368 = arith.constant 0 : i32
      %dma_wait3A_369 = arith.constant 0 : i32
      %dma_wait3A_370 = tpu.memref_slice %arg8[%dma_wait3A_368, %dma_wait3A_369] : memref<25x100xi32, #tpu.memory_space<vmem>> -> memref<1x100xi32, #tpu.memory_space<vmem>>
      %dma_wait3A_371 = tpu.memref_squeeze %dma_wait3A_370 : memref<1x100xi32, #tpu.memory_space<vmem>> -> memref<100xi32, #tpu.memory_space<vmem>>
      %dma_wait3A_372 = arith.constant 0 : i32
      %dma_wait3A_373 = arith.constant 0 : i32
      %dma_wait3A_374 = tpu.memref_slice %arg12[%dma_wait3A_372, %dma_wait3A_373] : memref<10112x128xf32, #tpu.memory_space<vmem_shared>> -> memref<10112x128xf32, #tpu.memory_space<vmem_shared>>
      tpu.wait_indirect_dma semaphore(%arg18 : memref<!tpu.dma_semaphore, #tpu.memory_space<semaphore_mem>>) src(%arg11 : memref<100x128xf32, #tpu.memory_space<vmem>>) dst(%dma_wait3A_374 : memref<10112x128xf32, #tpu.memory_space<vmem_shared>>)
      %dma_start3A_375 = arith.constant 14 : i32
      %dma_start3A_376 = arith.constant 0 : i32
      %dma_start3A_377 = tpu.memref_slice %arg7[%dma_start3A_375, %dma_start3A_376] : memref<25x100xi32, #tpu.memory_space<vmem>> -> memref<1x100xi32, #tpu.memory_space<vmem>>
      %dma_start3A_378 = tpu.memref_squeeze %dma_start3A_377 : memref<1x100xi32, #tpu.memory_space<vmem>> -> memref<100xi32, #tpu.memory_space<vmem>>
      %dma_start3A_379 = arith.constant 0 : i32
      %dma_start3A_380 = arith.constant 0 : i32
      %dma_start3A_381 = tpu.memref_slice %arg2[%dma_start3A_379, %dma_start3A_380] : memref<10000x128xf32, #tpu.memory_space<hbm>> -> memref<10000x128xf32, #tpu.memory_space<hbm>>
      tpu.enqueue_indirect_dma source(%dma_start3A_381 : memref<10000x128xf32, #tpu.memory_space<hbm>>) target(%arg11 : memref<100x128xf32, #tpu.memory_space<vmem>>) offsets(%dma_start3A_378 : memref<100xi32, #tpu.memory_space<vmem>>) semaphore(%arg15 : memref<!tpu.dma_semaphore, #tpu.memory_space<semaphore_mem>>)
      %dma_wait3A_382 = arith.constant 0 : i32
      %dma_wait3A_383 = arith.constant 0 : i32
      %dma_wait3A_384 = tpu.memref_slice %arg7[%dma_wait3A_382, %dma_wait3A_383] : memref<25x100xi32, #tpu.memory_space<vmem>> -> memref<1x100xi32, #tpu.memory_space<vmem>>
      %dma_wait3A_385 = tpu.memref_squeeze %dma_wait3A_384 : memref<1x100xi32, #tpu.memory_space<vmem>> -> memref<100xi32, #tpu.memory_space<vmem>>
      %dma_wait3A_386 = arith.constant 0 : i32
      %dma_wait3A_387 = arith.constant 0 : i32
      %dma_wait3A_388 = tpu.memref_slice %arg2[%dma_wait3A_386, %dma_wait3A_387] : memref<10000x128xf32, #tpu.memory_space<hbm>> -> memref<10000x128xf32, #tpu.memory_space<hbm>>
      tpu.wait_indirect_dma semaphore(%arg14 : memref<!tpu.dma_semaphore, #tpu.memory_space<semaphore_mem>>) src(%dma_wait3A_388 : memref<10000x128xf32, #tpu.memory_space<hbm>>) dst(%arg10 : memref<100x128xf32, #tpu.memory_space<vmem>>)
      %dma_start3A_389 = arith.constant 13 : i32
      %dma_start3A_390 = arith.constant 0 : i32
      %dma_start3A_391 = tpu.memref_slice %arg8[%dma_start3A_389, %dma_start3A_390] : memref<25x100xi32, #tpu.memory_space<vmem>> -> memref<1x100xi32, #tpu.memory_space<vmem>>
      %dma_start3A_392 = tpu.memref_squeeze %dma_start3A_391 : memref<1x100xi32, #tpu.memory_space<vmem>> -> memref<100xi32, #tpu.memory_space<vmem>>
      %dma_start3A_393 = arith.constant 0 : i32
      %dma_start3A_394 = arith.constant 0 : i32
      %dma_start3A_395 = tpu.memref_slice %arg12[%dma_start3A_393, %dma_start3A_394] : memref<10112x128xf32, #tpu.memory_space<vmem_shared>> -> memref<10112x128xf32, #tpu.memory_space<vmem_shared>>
      tpu.enqueue_indirect_dma source(%arg10 : memref<100x128xf32, #tpu.memory_space<vmem>>) target(%dma_start3A_395 : memref<10112x128xf32, #tpu.memory_space<vmem_shared>>) offsets(%dma_start3A_392 : memref<100xi32, #tpu.memory_space<vmem>>) semaphore(%arg17 : memref<!tpu.dma_semaphore, #tpu.memory_space<semaphore_mem>>) {add = true}
      %dma_wait3A_396 = arith.constant 0 : i32
      %dma_wait3A_397 = arith.constant 0 : i32
      %dma_wait3A_398 = tpu.memref_slice %arg8[%dma_wait3A_396, %dma_wait3A_397] : memref<25x100xi32, #tpu.memory_space<vmem>> -> memref<1x100xi32, #tpu.memory_space<vmem>>
      %dma_wait3A_399 = tpu.memref_squeeze %dma_wait3A_398 : memref<1x100xi32, #tpu.memory_space<vmem>> -> memref<100xi32, #tpu.memory_space<vmem>>
      %dma_wait3A_400 = arith.constant 0 : i32
      %dma_wait3A_401 = arith.constant 0 : i32
      %dma_wait3A_402 = tpu.memref_slice %arg12[%dma_wait3A_400, %dma_wait3A_401] : memref<10112x128xf32, #tpu.memory_space<vmem_shared>> -> memref<10112x128xf32, #tpu.memory_space<vmem_shared>>
      tpu.wait_indirect_dma semaphore(%arg16 : memref<!tpu.dma_semaphore, #tpu.memory_space<semaphore_mem>>) src(%arg9 : memref<100x128xf32, #tpu.memory_space<vmem>>) dst(%dma_wait3A_402 : memref<10112x128xf32, #tpu.memory_space<vmem_shared>>)
      %dma_start3A_403 = arith.constant 15 : i32
      %dma_start3A_404 = arith.constant 0 : i32
      %dma_start3A_405 = tpu.memref_slice %arg7[%dma_start3A_403, %dma_start3A_404] : memref<25x100xi32, #tpu.memory_space<vmem>> -> memref<1x100xi32, #tpu.memory_space<vmem>>
      %dma_start3A_406 = tpu.memref_squeeze %dma_start3A_405 : memref<1x100xi32, #tpu.memory_space<vmem>> -> memref<100xi32, #tpu.memory_space<vmem>>
      %dma_start3A_407 = arith.constant 0 : i32
      %dma_start3A_408 = arith.constant 0 : i32
      %dma_start3A_409 = tpu.memref_slice %arg2[%dma_start3A_407, %dma_start3A_408] : memref<10000x128xf32, #tpu.memory_space<hbm>> -> memref<10000x128xf32, #tpu.memory_space<hbm>>
      tpu.enqueue_indirect_dma source(%dma_start3A_409 : memref<10000x128xf32, #tpu.memory_space<hbm>>) target(%arg9 : memref<100x128xf32, #tpu.memory_space<vmem>>) offsets(%dma_start3A_406 : memref<100xi32, #tpu.memory_space<vmem>>) semaphore(%arg13 : memref<!tpu.dma_semaphore, #tpu.memory_space<semaphore_mem>>)
      %dma_wait3A_410 = arith.constant 0 : i32
      %dma_wait3A_411 = arith.constant 0 : i32
      %dma_wait3A_412 = tpu.memref_slice %arg7[%dma_wait3A_410, %dma_wait3A_411] : memref<25x100xi32, #tpu.memory_space<vmem>> -> memref<1x100xi32, #tpu.memory_space<vmem>>
      %dma_wait3A_413 = tpu.memref_squeeze %dma_wait3A_412 : memref<1x100xi32, #tpu.memory_space<vmem>> -> memref<100xi32, #tpu.memory_space<vmem>>
      %dma_wait3A_414 = arith.constant 0 : i32
      %dma_wait3A_415 = arith.constant 0 : i32
      %dma_wait3A_416 = tpu.memref_slice %arg2[%dma_wait3A_414, %dma_wait3A_415] : memref<10000x128xf32, #tpu.memory_space<hbm>> -> memref<10000x128xf32, #tpu.memory_space<hbm>>
      tpu.wait_indirect_dma semaphore(%arg15 : memref<!tpu.dma_semaphore, #tpu.memory_space<semaphore_mem>>) src(%dma_wait3A_416 : memref<10000x128xf32, #tpu.memory_space<hbm>>) dst(%arg11 : memref<100x128xf32, #tpu.memory_space<vmem>>)
      %dma_start3A_417 = arith.constant 14 : i32
      %dma_start3A_418 = arith.constant 0 : i32
      %dma_start3A_419 = tpu.memref_slice %arg8[%dma_start3A_417, %dma_start3A_418] : memref<25x100xi32, #tpu.memory_space<vmem>> -> memref<1x100xi32, #tpu.memory_space<vmem>>
      %dma_start3A_420 = tpu.memref_squeeze %dma_start3A_419 : memref<1x100xi32, #tpu.memory_space<vmem>> -> memref<100xi32, #tpu.memory_space<vmem>>
      %dma_start3A_421 = arith.constant 0 : i32
      %dma_start3A_422 = arith.constant 0 : i32
      %dma_start3A_423 = tpu.memref_slice %arg12[%dma_start3A_421, %dma_start3A_422] : memref<10112x128xf32, #tpu.memory_space<vmem_shared>> -> memref<10112x128xf32, #tpu.memory_space<vmem_shared>>
      tpu.enqueue_indirect_dma source(%arg11 : memref<100x128xf32, #tpu.memory_space<vmem>>) target(%dma_start3A_423 : memref<10112x128xf32, #tpu.memory_space<vmem_shared>>) offsets(%dma_start3A_420 : memref<100xi32, #tpu.memory_space<vmem>>) semaphore(%arg18 : memref<!tpu.dma_semaphore, #tpu.memory_space<semaphore_mem>>) {add = true}
      %dma_wait3A_424 = arith.constant 0 : i32
      %dma_wait3A_425 = arith.constant 0 : i32
      %dma_wait3A_426 = tpu.memref_slice %arg8[%dma_wait3A_424, %dma_wait3A_425] : memref<25x100xi32, #tpu.memory_space<vmem>> -> memref<1x100xi32, #tpu.memory_space<vmem>>
      %dma_wait3A_427 = tpu.memref_squeeze %dma_wait3A_426 : memref<1x100xi32, #tpu.memory_space<vmem>> -> memref<100xi32, #tpu.memory_space<vmem>>
      %dma_wait3A_428 = arith.constant 0 : i32
      %dma_wait3A_429 = arith.constant 0 : i32
      %dma_wait3A_430 = tpu.memref_slice %arg12[%dma_wait3A_428, %dma_wait3A_429] : memref<10112x128xf32, #tpu.memory_space<vmem_shared>> -> memref<10112x128xf32, #tpu.memory_space<vmem_shared>>
      tpu.wait_indirect_dma semaphore(%arg17 : memref<!tpu.dma_semaphore, #tpu.memory_space<semaphore_mem>>) src(%arg10 : memref<100x128xf32, #tpu.memory_space<vmem>>) dst(%dma_wait3A_430 : memref<10112x128xf32, #tpu.memory_space<vmem_shared>>)
      %dma_start3A_431 = arith.constant 16 : i32
      %dma_start3A_432 = arith.constant 0 : i32
      %dma_start3A_433 = tpu.memref_slice %arg7[%dma_start3A_431, %dma_start3A_432] : memref<25x100xi32, #tpu.memory_space<vmem>> -> memref<1x100xi32, #tpu.memory_space<vmem>>
      %dma_start3A_434 = tpu.memref_squeeze %dma_start3A_433 : memref<1x100xi32, #tpu.memory_space<vmem>> -> memref<100xi32, #tpu.memory_space<vmem>>
      %dma_start3A_435 = arith.constant 0 : i32
      %dma_start3A_436 = arith.constant 0 : i32
      %dma_start3A_437 = tpu.memref_slice %arg2[%dma_start3A_435, %dma_start3A_436] : memref<10000x128xf32, #tpu.memory_space<hbm>> -> memref<10000x128xf32, #tpu.memory_space<hbm>>
      tpu.enqueue_indirect_dma source(%dma_start3A_437 : memref<10000x128xf32, #tpu.memory_space<hbm>>) target(%arg10 : memref<100x128xf32, #tpu.memory_space<vmem>>) offsets(%dma_start3A_434 : memref<100xi32, #tpu.memory_space<vmem>>) semaphore(%arg14 : memref<!tpu.dma_semaphore, #tpu.memory_space<semaphore_mem>>)
      %dma_wait3A_438 = arith.constant 0 : i32
      %dma_wait3A_439 = arith.constant 0 : i32
      %dma_wait3A_440 = tpu.memref_slice %arg7[%dma_wait3A_438, %dma_wait3A_439] : memref<25x100xi32, #tpu.memory_space<vmem>> -> memref<1x100xi32, #tpu.memory_space<vmem>>
      %dma_wait3A_441 = tpu.memref_squeeze %dma_wait3A_440 : memref<1x100xi32, #tpu.memory_space<vmem>> -> memref<100xi32, #tpu.memory_space<vmem>>
      %dma_wait3A_442 = arith.constant 0 : i32
      %dma_wait3A_443 = arith.constant 0 : i32
      %dma_wait3A_444 = tpu.memref_slice %arg2[%dma_wait3A_442, %dma_wait3A_443] : memref<10000x128xf32, #tpu.memory_space<hbm>> -> memref<10000x128xf32, #tpu.memory_space<hbm>>
      tpu.wait_indirect_dma semaphore(%arg13 : memref<!tpu.dma_semaphore, #tpu.memory_space<semaphore_mem>>) src(%dma_wait3A_444 : memref<10000x128xf32, #tpu.memory_space<hbm>>) dst(%arg9 : memref<100x128xf32, #tpu.memory_space<vmem>>)
      %dma_start3A_445 = arith.constant 15 : i32
      %dma_start3A_446 = arith.constant 0 : i32
      %dma_start3A_447 = tpu.memref_slice %arg8[%dma_start3A_445, %dma_start3A_446] : memref<25x100xi32, #tpu.memory_space<vmem>> -> memref<1x100xi32, #tpu.memory_space<vmem>>
      %dma_start3A_448 = tpu.memref_squeeze %dma_start3A_447 : memref<1x100xi32, #tpu.memory_space<vmem>> -> memref<100xi32, #tpu.memory_space<vmem>>
      %dma_start3A_449 = arith.constant 0 : i32
      %dma_start3A_450 = arith.constant 0 : i32
      %dma_start3A_451 = tpu.memref_slice %arg12[%dma_start3A_449, %dma_start3A_450] : memref<10112x128xf32, #tpu.memory_space<vmem_shared>> -> memref<10112x128xf32, #tpu.memory_space<vmem_shared>>
      tpu.enqueue_indirect_dma source(%arg9 : memref<100x128xf32, #tpu.memory_space<vmem>>) target(%dma_start3A_451 : memref<10112x128xf32, #tpu.memory_space<vmem_shared>>) offsets(%dma_start3A_448 : memref<100xi32, #tpu.memory_space<vmem>>) semaphore(%arg16 : memref<!tpu.dma_semaphore, #tpu.memory_space<semaphore_mem>>) {add = true}
      %dma_wait3A_452 = arith.constant 0 : i32
      %dma_wait3A_453 = arith.constant 0 : i32
      %dma_wait3A_454 = tpu.memref_slice %arg8[%dma_wait3A_452, %dma_wait3A_453] : memref<25x100xi32, #tpu.memory_space<vmem>> -> memref<1x100xi32, #tpu.memory_space<vmem>>
      %dma_wait3A_455 = tpu.memref_squeeze %dma_wait3A_454 : memref<1x100xi32, #tpu.memory_space<vmem>> -> memref<100xi32, #tpu.memory_space<vmem>>
      %dma_wait3A_456 = arith.constant 0 : i32
      %dma_wait3A_457 = arith.constant 0 : i32
      %dma_wait3A_458 = tpu.memref_slice %arg12[%dma_wait3A_456, %dma_wait3A_457] : memref<10112x128xf32, #tpu.memory_space<vmem_shared>> -> memref<10112x128xf32, #tpu.memory_space<vmem_shared>>
      tpu.wait_indirect_dma semaphore(%arg18 : memref<!tpu.dma_semaphore, #tpu.memory_space<semaphore_mem>>) src(%arg11 : memref<100x128xf32, #tpu.memory_space<vmem>>) dst(%dma_wait3A_458 : memref<10112x128xf32, #tpu.memory_space<vmem_shared>>)
      %dma_start3A_459 = arith.constant 17 : i32
      %dma_start3A_460 = arith.constant 0 : i32
      %dma_start3A_461 = tpu.memref_slice %arg7[%dma_start3A_459, %dma_start3A_460] : memref<25x100xi32, #tpu.memory_space<vmem>> -> memref<1x100xi32, #tpu.memory_space<vmem>>
      %dma_start3A_462 = tpu.memref_squeeze %dma_start3A_461 : memref<1x100xi32, #tpu.memory_space<vmem>> -> memref<100xi32, #tpu.memory_space<vmem>>
      %dma_start3A_463 = arith.constant 0 : i32
      %dma_start3A_464 = arith.constant 0 : i32
      %dma_start3A_465 = tpu.memref_slice %arg2[%dma_start3A_463, %dma_start3A_464] : memref<10000x128xf32, #tpu.memory_space<hbm>> -> memref<10000x128xf32, #tpu.memory_space<hbm>>
      tpu.enqueue_indirect_dma source(%dma_start3A_465 : memref<10000x128xf32, #tpu.memory_space<hbm>>) target(%arg11 : memref<100x128xf32, #tpu.memory_space<vmem>>) offsets(%dma_start3A_462 : memref<100xi32, #tpu.memory_space<vmem>>) semaphore(%arg15 : memref<!tpu.dma_semaphore, #tpu.memory_space<semaphore_mem>>)
      %dma_wait3A_466 = arith.constant 0 : i32
      %dma_wait3A_467 = arith.constant 0 : i32
      %dma_wait3A_468 = tpu.memref_slice %arg7[%dma_wait3A_466, %dma_wait3A_467] : memref<25x100xi32, #tpu.memory_space<vmem>> -> memref<1x100xi32, #tpu.memory_space<vmem>>
      %dma_wait3A_469 = tpu.memref_squeeze %dma_wait3A_468 : memref<1x100xi32, #tpu.memory_space<vmem>> -> memref<100xi32, #tpu.memory_space<vmem>>
      %dma_wait3A_470 = arith.constant 0 : i32
      %dma_wait3A_471 = arith.constant 0 : i32
      %dma_wait3A_472 = tpu.memref_slice %arg2[%dma_wait3A_470, %dma_wait3A_471] : memref<10000x128xf32, #tpu.memory_space<hbm>> -> memref<10000x128xf32, #tpu.memory_space<hbm>>
      tpu.wait_indirect_dma semaphore(%arg14 : memref<!tpu.dma_semaphore, #tpu.memory_space<semaphore_mem>>) src(%dma_wait3A_472 : memref<10000x128xf32, #tpu.memory_space<hbm>>) dst(%arg10 : memref<100x128xf32, #tpu.memory_space<vmem>>)
      %dma_start3A_473 = arith.constant 16 : i32
      %dma_start3A_474 = arith.constant 0 : i32
      %dma_start3A_475 = tpu.memref_slice %arg8[%dma_start3A_473, %dma_start3A_474] : memref<25x100xi32, #tpu.memory_space<vmem>> -> memref<1x100xi32, #tpu.memory_space<vmem>>
      %dma_start3A_476 = tpu.memref_squeeze %dma_start3A_475 : memref<1x100xi32, #tpu.memory_space<vmem>> -> memref<100xi32, #tpu.memory_space<vmem>>
      %dma_start3A_477 = arith.constant 0 : i32
      %dma_start3A_478 = arith.constant 0 : i32
      %dma_start3A_479 = tpu.memref_slice %arg12[%dma_start3A_477, %dma_start3A_478] : memref<10112x128xf32, #tpu.memory_space<vmem_shared>> -> memref<10112x128xf32, #tpu.memory_space<vmem_shared>>
      tpu.enqueue_indirect_dma source(%arg10 : memref<100x128xf32, #tpu.memory_space<vmem>>) target(%dma_start3A_479 : memref<10112x128xf32, #tpu.memory_space<vmem_shared>>) offsets(%dma_start3A_476 : memref<100xi32, #tpu.memory_space<vmem>>) semaphore(%arg17 : memref<!tpu.dma_semaphore, #tpu.memory_space<semaphore_mem>>) {add = true}
      %dma_wait3A_480 = arith.constant 0 : i32
      %dma_wait3A_481 = arith.constant 0 : i32
      %dma_wait3A_482 = tpu.memref_slice %arg8[%dma_wait3A_480, %dma_wait3A_481] : memref<25x100xi32, #tpu.memory_space<vmem>> -> memref<1x100xi32, #tpu.memory_space<vmem>>
      %dma_wait3A_483 = tpu.memref_squeeze %dma_wait3A_482 : memref<1x100xi32, #tpu.memory_space<vmem>> -> memref<100xi32, #tpu.memory_space<vmem>>
      %dma_wait3A_484 = arith.constant 0 : i32
      %dma_wait3A_485 = arith.constant 0 : i32
      %dma_wait3A_486 = tpu.memref_slice %arg12[%dma_wait3A_484, %dma_wait3A_485] : memref<10112x128xf32, #tpu.memory_space<vmem_shared>> -> memref<10112x128xf32, #tpu.memory_space<vmem_shared>>
      tpu.wait_indirect_dma semaphore(%arg16 : memref<!tpu.dma_semaphore, #tpu.memory_space<semaphore_mem>>) src(%arg9 : memref<100x128xf32, #tpu.memory_space<vmem>>) dst(%dma_wait3A_486 : memref<10112x128xf32, #tpu.memory_space<vmem_shared>>)
      %dma_start3A_487 = arith.constant 18 : i32
      %dma_start3A_488 = arith.constant 0 : i32
      %dma_start3A_489 = tpu.memref_slice %arg7[%dma_start3A_487, %dma_start3A_488] : memref<25x100xi32, #tpu.memory_space<vmem>> -> memref<1x100xi32, #tpu.memory_space<vmem>>
      %dma_start3A_490 = tpu.memref_squeeze %dma_start3A_489 : memref<1x100xi32, #tpu.memory_space<vmem>> -> memref<100xi32, #tpu.memory_space<vmem>>
      %dma_start3A_491 = arith.constant 0 : i32
      %dma_start3A_492 = arith.constant 0 : i32
      %dma_start3A_493 = tpu.memref_slice %arg2[%dma_start3A_491, %dma_start3A_492] : memref<10000x128xf32, #tpu.memory_space<hbm>> -> memref<10000x128xf32, #tpu.memory_space<hbm>>
      tpu.enqueue_indirect_dma source(%dma_start3A_493 : memref<10000x128xf32, #tpu.memory_space<hbm>>) target(%arg9 : memref<100x128xf32, #tpu.memory_space<vmem>>) offsets(%dma_start3A_490 : memref<100xi32, #tpu.memory_space<vmem>>) semaphore(%arg13 : memref<!tpu.dma_semaphore, #tpu.memory_space<semaphore_mem>>)
      %dma_wait3A_494 = arith.constant 0 : i32
      %dma_wait3A_495 = arith.constant 0 : i32
      %dma_wait3A_496 = tpu.memref_slice %arg7[%dma_wait3A_494, %dma_wait3A_495] : memref<25x100xi32, #tpu.memory_space<vmem>> -> memref<1x100xi32, #tpu.memory_space<vmem>>
      %dma_wait3A_497 = tpu.memref_squeeze %dma_wait3A_496 : memref<1x100xi32, #tpu.memory_space<vmem>> -> memref<100xi32, #tpu.memory_space<vmem>>
      %dma_wait3A_498 = arith.constant 0 : i32
      %dma_wait3A_499 = arith.constant 0 : i32
      %dma_wait3A_500 = tpu.memref_slice %arg2[%dma_wait3A_498, %dma_wait3A_499] : memref<10000x128xf32, #tpu.memory_space<hbm>> -> memref<10000x128xf32, #tpu.memory_space<hbm>>
      tpu.wait_indirect_dma semaphore(%arg15 : memref<!tpu.dma_semaphore, #tpu.memory_space<semaphore_mem>>) src(%dma_wait3A_500 : memref<10000x128xf32, #tpu.memory_space<hbm>>) dst(%arg11 : memref<100x128xf32, #tpu.memory_space<vmem>>)
      %dma_start3A_501 = arith.constant 17 : i32
      %dma_start3A_502 = arith.constant 0 : i32
      %dma_start3A_503 = tpu.memref_slice %arg8[%dma_start3A_501, %dma_start3A_502] : memref<25x100xi32, #tpu.memory_space<vmem>> -> memref<1x100xi32, #tpu.memory_space<vmem>>
      %dma_start3A_504 = tpu.memref_squeeze %dma_start3A_503 : memref<1x100xi32, #tpu.memory_space<vmem>> -> memref<100xi32, #tpu.memory_space<vmem>>
      %dma_start3A_505 = arith.constant 0 : i32
      %dma_start3A_506 = arith.constant 0 : i32
      %dma_start3A_507 = tpu.memref_slice %arg12[%dma_start3A_505, %dma_start3A_506] : memref<10112x128xf32, #tpu.memory_space<vmem_shared>> -> memref<10112x128xf32, #tpu.memory_space<vmem_shared>>
      tpu.enqueue_indirect_dma source(%arg11 : memref<100x128xf32, #tpu.memory_space<vmem>>) target(%dma_start3A_507 : memref<10112x128xf32, #tpu.memory_space<vmem_shared>>) offsets(%dma_start3A_504 : memref<100xi32, #tpu.memory_space<vmem>>) semaphore(%arg18 : memref<!tpu.dma_semaphore, #tpu.memory_space<semaphore_mem>>) {add = true}
      %dma_wait3A_508 = arith.constant 0 : i32
      %dma_wait3A_509 = arith.constant 0 : i32
      %dma_wait3A_510 = tpu.memref_slice %arg8[%dma_wait3A_508, %dma_wait3A_509] : memref<25x100xi32, #tpu.memory_space<vmem>> -> memref<1x100xi32, #tpu.memory_space<vmem>>
      %dma_wait3A_511 = tpu.memref_squeeze %dma_wait3A_510 : memref<1x100xi32, #tpu.memory_space<vmem>> -> memref<100xi32, #tpu.memory_space<vmem>>
      %dma_wait3A_512 = arith.constant 0 : i32
      %dma_wait3A_513 = arith.constant 0 : i32
      %dma_wait3A_514 = tpu.memref_slice %arg12[%dma_wait3A_512, %dma_wait3A_513] : memref<10112x128xf32, #tpu.memory_space<vmem_shared>> -> memref<10112x128xf32, #tpu.memory_space<vmem_shared>>
      tpu.wait_indirect_dma semaphore(%arg17 : memref<!tpu.dma_semaphore, #tpu.memory_space<semaphore_mem>>) src(%arg10 : memref<100x128xf32, #tpu.memory_space<vmem>>) dst(%dma_wait3A_514 : memref<10112x128xf32, #tpu.memory_space<vmem_shared>>)
      %dma_start3A_515 = arith.constant 19 : i32
      %dma_start3A_516 = arith.constant 0 : i32
      %dma_start3A_517 = tpu.memref_slice %arg7[%dma_start3A_515, %dma_start3A_516] : memref<25x100xi32, #tpu.memory_space<vmem>> -> memref<1x100xi32, #tpu.memory_space<vmem>>
      %dma_start3A_518 = tpu.memref_squeeze %dma_start3A_517 : memref<1x100xi32, #tpu.memory_space<vmem>> -> memref<100xi32, #tpu.memory_space<vmem>>
      %dma_start3A_519 = arith.constant 0 : i32
      %dma_start3A_520 = arith.constant 0 : i32
      %dma_start3A_521 = tpu.memref_slice %arg2[%dma_start3A_519, %dma_start3A_520] : memref<10000x128xf32, #tpu.memory_space<hbm>> -> memref<10000x128xf32, #tpu.memory_space<hbm>>
      tpu.enqueue_indirect_dma source(%dma_start3A_521 : memref<10000x128xf32, #tpu.memory_space<hbm>>) target(%arg10 : memref<100x128xf32, #tpu.memory_space<vmem>>) offsets(%dma_start3A_518 : memref<100xi32, #tpu.memory_space<vmem>>) semaphore(%arg14 : memref<!tpu.dma_semaphore, #tpu.memory_space<semaphore_mem>>)
      %dma_wait3A_522 = arith.constant 0 : i32
      %dma_wait3A_523 = arith.constant 0 : i32
      %dma_wait3A_524 = tpu.memref_slice %arg7[%dma_wait3A_522, %dma_wait3A_523] : memref<25x100xi32, #tpu.memory_space<vmem>> -> memref<1x100xi32, #tpu.memory_space<vmem>>
      %dma_wait3A_525 = tpu.memref_squeeze %dma_wait3A_524 : memref<1x100xi32, #tpu.memory_space<vmem>> -> memref<100xi32, #tpu.memory_space<vmem>>
      %dma_wait3A_526 = arith.constant 0 : i32
      %dma_wait3A_527 = arith.constant 0 : i32
      %dma_wait3A_528 = tpu.memref_slice %arg2[%dma_wait3A_526, %dma_wait3A_527] : memref<10000x128xf32, #tpu.memory_space<hbm>> -> memref<10000x128xf32, #tpu.memory_space<hbm>>
      tpu.wait_indirect_dma semaphore(%arg13 : memref<!tpu.dma_semaphore, #tpu.memory_space<semaphore_mem>>) src(%dma_wait3A_528 : memref<10000x128xf32, #tpu.memory_space<hbm>>) dst(%arg9 : memref<100x128xf32, #tpu.memory_space<vmem>>)
      %dma_start3A_529 = arith.constant 18 : i32
      %dma_start3A_530 = arith.constant 0 : i32
      %dma_start3A_531 = tpu.memref_slice %arg8[%dma_start3A_529, %dma_start3A_530] : memref<25x100xi32, #tpu.memory_space<vmem>> -> memref<1x100xi32, #tpu.memory_space<vmem>>
      %dma_start3A_532 = tpu.memref_squeeze %dma_start3A_531 : memref<1x100xi32, #tpu.memory_space<vmem>> -> memref<100xi32, #tpu.memory_space<vmem>>
      %dma_start3A_533 = arith.constant 0 : i32
      %dma_start3A_534 = arith.constant 0 : i32
      %dma_start3A_535 = tpu.memref_slice %arg12[%dma_start3A_533, %dma_start3A_534] : memref<10112x128xf32, #tpu.memory_space<vmem_shared>> -> memref<10112x128xf32, #tpu.memory_space<vmem_shared>>
      tpu.enqueue_indirect_dma source(%arg9 : memref<100x128xf32, #tpu.memory_space<vmem>>) target(%dma_start3A_535 : memref<10112x128xf32, #tpu.memory_space<vmem_shared>>) offsets(%dma_start3A_532 : memref<100xi32, #tpu.memory_space<vmem>>) semaphore(%arg16 : memref<!tpu.dma_semaphore, #tpu.memory_space<semaphore_mem>>) {add = true}
      %dma_wait3A_536 = arith.constant 0 : i32
      %dma_wait3A_537 = arith.constant 0 : i32
      %dma_wait3A_538 = tpu.memref_slice %arg8[%dma_wait3A_536, %dma_wait3A_537] : memref<25x100xi32, #tpu.memory_space<vmem>> -> memref<1x100xi32, #tpu.memory_space<vmem>>
      %dma_wait3A_539 = tpu.memref_squeeze %dma_wait3A_538 : memref<1x100xi32, #tpu.memory_space<vmem>> -> memref<100xi32, #tpu.memory_space<vmem>>
      %dma_wait3A_540 = arith.constant 0 : i32
      %dma_wait3A_541 = arith.constant 0 : i32
      %dma_wait3A_542 = tpu.memref_slice %arg12[%dma_wait3A_540, %dma_wait3A_541] : memref<10112x128xf32, #tpu.memory_space<vmem_shared>> -> memref<10112x128xf32, #tpu.memory_space<vmem_shared>>
      tpu.wait_indirect_dma semaphore(%arg18 : memref<!tpu.dma_semaphore, #tpu.memory_space<semaphore_mem>>) src(%arg11 : memref<100x128xf32, #tpu.memory_space<vmem>>) dst(%dma_wait3A_542 : memref<10112x128xf32, #tpu.memory_space<vmem_shared>>)
      %dma_start3A_543 = arith.constant 20 : i32
      %dma_start3A_544 = arith.constant 0 : i32
      %dma_start3A_545 = tpu.memref_slice %arg7[%dma_start3A_543, %dma_start3A_544] : memref<25x100xi32, #tpu.memory_space<vmem>> -> memref<1x100xi32, #tpu.memory_space<vmem>>
      %dma_start3A_546 = tpu.memref_squeeze %dma_start3A_545 : memref<1x100xi32, #tpu.memory_space<vmem>> -> memref<100xi32, #tpu.memory_space<vmem>>
      %dma_start3A_547 = arith.constant 0 : i32
      %dma_start3A_548 = arith.constant 0 : i32
      %dma_start3A_549 = tpu.memref_slice %arg2[%dma_start3A_547, %dma_start3A_548] : memref<10000x128xf32, #tpu.memory_space<hbm>> -> memref<10000x128xf32, #tpu.memory_space<hbm>>
      tpu.enqueue_indirect_dma source(%dma_start3A_549 : memref<10000x128xf32, #tpu.memory_space<hbm>>) target(%arg11 : memref<100x128xf32, #tpu.memory_space<vmem>>) offsets(%dma_start3A_546 : memref<100xi32, #tpu.memory_space<vmem>>) semaphore(%arg15 : memref<!tpu.dma_semaphore, #tpu.memory_space<semaphore_mem>>)
      %dma_wait3A_550 = arith.constant 0 : i32
      %dma_wait3A_551 = arith.constant 0 : i32
      %dma_wait3A_552 = tpu.memref_slice %arg7[%dma_wait3A_550, %dma_wait3A_551] : memref<25x100xi32, #tpu.memory_space<vmem>> -> memref<1x100xi32, #tpu.memory_space<vmem>>
      %dma_wait3A_553 = tpu.memref_squeeze %dma_wait3A_552 : memref<1x100xi32, #tpu.memory_space<vmem>> -> memref<100xi32, #tpu.memory_space<vmem>>
      %dma_wait3A_554 = arith.constant 0 : i32
      %dma_wait3A_555 = arith.constant 0 : i32
      %dma_wait3A_556 = tpu.memref_slice %arg2[%dma_wait3A_554, %dma_wait3A_555] : memref<10000x128xf32, #tpu.memory_space<hbm>> -> memref<10000x128xf32, #tpu.memory_space<hbm>>
      tpu.wait_indirect_dma semaphore(%arg14 : memref<!tpu.dma_semaphore, #tpu.memory_space<semaphore_mem>>) src(%dma_wait3A_556 : memref<10000x128xf32, #tpu.memory_space<hbm>>) dst(%arg10 : memref<100x128xf32, #tpu.memory_space<vmem>>)
      %dma_start3A_557 = arith.constant 19 : i32
      %dma_start3A_558 = arith.constant 0 : i32
      %dma_start3A_559 = tpu.memref_slice %arg8[%dma_start3A_557, %dma_start3A_558] : memref<25x100xi32, #tpu.memory_space<vmem>> -> memref<1x100xi32, #tpu.memory_space<vmem>>
      %dma_start3A_560 = tpu.memref_squeeze %dma_start3A_559 : memref<1x100xi32, #tpu.memory_space<vmem>> -> memref<100xi32, #tpu.memory_space<vmem>>
      %dma_start3A_561 = arith.constant 0 : i32
      %dma_start3A_562 = arith.constant 0 : i32
      %dma_start3A_563 = tpu.memref_slice %arg12[%dma_start3A_561, %dma_start3A_562] : memref<10112x128xf32, #tpu.memory_space<vmem_shared>> -> memref<10112x128xf32, #tpu.memory_space<vmem_shared>>
      tpu.enqueue_indirect_dma source(%arg10 : memref<100x128xf32, #tpu.memory_space<vmem>>) target(%dma_start3A_563 : memref<10112x128xf32, #tpu.memory_space<vmem_shared>>) offsets(%dma_start3A_560 : memref<100xi32, #tpu.memory_space<vmem>>) semaphore(%arg17 : memref<!tpu.dma_semaphore, #tpu.memory_space<semaphore_mem>>) {add = true}
      %dma_wait3A_564 = arith.constant 0 : i32
      %dma_wait3A_565 = arith.constant 0 : i32
      %dma_wait3A_566 = tpu.memref_slice %arg8[%dma_wait3A_564, %dma_wait3A_565] : memref<25x100xi32, #tpu.memory_space<vmem>> -> memref<1x100xi32, #tpu.memory_space<vmem>>
      %dma_wait3A_567 = tpu.memref_squeeze %dma_wait3A_566 : memref<1x100xi32, #tpu.memory_space<vmem>> -> memref<100xi32, #tpu.memory_space<vmem>>
      %dma_wait3A_568 = arith.constant 0 : i32
      %dma_wait3A_569 = arith.constant 0 : i32
      %dma_wait3A_570 = tpu.memref_slice %arg12[%dma_wait3A_568, %dma_wait3A_569] : memref<10112x128xf32, #tpu.memory_space<vmem_shared>> -> memref<10112x128xf32, #tpu.memory_space<vmem_shared>>
      tpu.wait_indirect_dma semaphore(%arg16 : memref<!tpu.dma_semaphore, #tpu.memory_space<semaphore_mem>>) src(%arg9 : memref<100x128xf32, #tpu.memory_space<vmem>>) dst(%dma_wait3A_570 : memref<10112x128xf32, #tpu.memory_space<vmem_shared>>)
      %dma_start3A_571 = arith.constant 21 : i32
      %dma_start3A_572 = arith.constant 0 : i32
      %dma_start3A_573 = tpu.memref_slice %arg7[%dma_start3A_571, %dma_start3A_572] : memref<25x100xi32, #tpu.memory_space<vmem>> -> memref<1x100xi32, #tpu.memory_space<vmem>>
      %dma_start3A_574 = tpu.memref_squeeze %dma_start3A_573 : memref<1x100xi32, #tpu.memory_space<vmem>> -> memref<100xi32, #tpu.memory_space<vmem>>
      %dma_start3A_575 = arith.constant 0 : i32
      %dma_start3A_576 = arith.constant 0 : i32
      %dma_start3A_577 = tpu.memref_slice %arg2[%dma_start3A_575, %dma_start3A_576] : memref<10000x128xf32, #tpu.memory_space<hbm>> -> memref<10000x128xf32, #tpu.memory_space<hbm>>
      tpu.enqueue_indirect_dma source(%dma_start3A_577 : memref<10000x128xf32, #tpu.memory_space<hbm>>) target(%arg9 : memref<100x128xf32, #tpu.memory_space<vmem>>) offsets(%dma_start3A_574 : memref<100xi32, #tpu.memory_space<vmem>>) semaphore(%arg13 : memref<!tpu.dma_semaphore, #tpu.memory_space<semaphore_mem>>)
      %dma_wait3A_578 = arith.constant 0 : i32
      %dma_wait3A_579 = arith.constant 0 : i32
      %dma_wait3A_580 = tpu.memref_slice %arg7[%dma_wait3A_578, %dma_wait3A_579] : memref<25x100xi32, #tpu.memory_space<vmem>> -> memref<1x100xi32, #tpu.memory_space<vmem>>
      %dma_wait3A_581 = tpu.memref_squeeze %dma_wait3A_580 : memref<1x100xi32, #tpu.memory_space<vmem>> -> memref<100xi32, #tpu.memory_space<vmem>>
      %dma_wait3A_582 = arith.constant 0 : i32
      %dma_wait3A_583 = arith.constant 0 : i32
      %dma_wait3A_584 = tpu.memref_slice %arg2[%dma_wait3A_582, %dma_wait3A_583] : memref<10000x128xf32, #tpu.memory_space<hbm>> -> memref<10000x128xf32, #tpu.memory_space<hbm>>
      tpu.wait_indirect_dma semaphore(%arg15 : memref<!tpu.dma_semaphore, #tpu.memory_space<semaphore_mem>>) src(%dma_wait3A_584 : memref<10000x128xf32, #tpu.memory_space<hbm>>) dst(%arg11 : memref<100x128xf32, #tpu.memory_space<vmem>>)
      %dma_start3A_585 = arith.constant 20 : i32
      %dma_start3A_586 = arith.constant 0 : i32
      %dma_start3A_587 = tpu.memref_slice %arg8[%dma_start3A_585, %dma_start3A_586] : memref<25x100xi32, #tpu.memory_space<vmem>> -> memref<1x100xi32, #tpu.memory_space<vmem>>
      %dma_start3A_588 = tpu.memref_squeeze %dma_start3A_587 : memref<1x100xi32, #tpu.memory_space<vmem>> -> memref<100xi32, #tpu.memory_space<vmem>>
      %dma_start3A_589 = arith.constant 0 : i32
      %dma_start3A_590 = arith.constant 0 : i32
      %dma_start3A_591 = tpu.memref_slice %arg12[%dma_start3A_589, %dma_start3A_590] : memref<10112x128xf32, #tpu.memory_space<vmem_shared>> -> memref<10112x128xf32, #tpu.memory_space<vmem_shared>>
      tpu.enqueue_indirect_dma source(%arg11 : memref<100x128xf32, #tpu.memory_space<vmem>>) target(%dma_start3A_591 : memref<10112x128xf32, #tpu.memory_space<vmem_shared>>) offsets(%dma_start3A_588 : memref<100xi32, #tpu.memory_space<vmem>>) semaphore(%arg18 : memref<!tpu.dma_semaphore, #tpu.memory_space<semaphore_mem>>) {add = true}
      %dma_wait3A_592 = arith.constant 0 : i32
      %dma_wait3A_593 = arith.constant 0 : i32
      %dma_wait3A_594 = tpu.memref_slice %arg8[%dma_wait3A_592, %dma_wait3A_593] : memref<25x100xi32, #tpu.memory_space<vmem>> -> memref<1x100xi32, #tpu.memory_space<vmem>>
      %dma_wait3A_595 = tpu.memref_squeeze %dma_wait3A_594 : memref<1x100xi32, #tpu.memory_space<vmem>> -> memref<100xi32, #tpu.memory_space<vmem>>
      %dma_wait3A_596 = arith.constant 0 : i32
      %dma_wait3A_597 = arith.constant 0 : i32
      %dma_wait3A_598 = tpu.memref_slice %arg12[%dma_wait3A_596, %dma_wait3A_597] : memref<10112x128xf32, #tpu.memory_space<vmem_shared>> -> memref<10112x128xf32, #tpu.memory_space<vmem_shared>>
      tpu.wait_indirect_dma semaphore(%arg17 : memref<!tpu.dma_semaphore, #tpu.memory_space<semaphore_mem>>) src(%arg10 : memref<100x128xf32, #tpu.memory_space<vmem>>) dst(%dma_wait3A_598 : memref<10112x128xf32, #tpu.memory_space<vmem_shared>>)
      %dma_start3A_599 = arith.constant 22 : i32
      %dma_start3A_600 = arith.constant 0 : i32
      %dma_start3A_601 = tpu.memref_slice %arg7[%dma_start3A_599, %dma_start3A_600] : memref<25x100xi32, #tpu.memory_space<vmem>> -> memref<1x100xi32, #tpu.memory_space<vmem>>
      %dma_start3A_602 = tpu.memref_squeeze %dma_start3A_601 : memref<1x100xi32, #tpu.memory_space<vmem>> -> memref<100xi32, #tpu.memory_space<vmem>>
      %dma_start3A_603 = arith.constant 0 : i32
      %dma_start3A_604 = arith.constant 0 : i32
      %dma_start3A_605 = tpu.memref_slice %arg2[%dma_start3A_603, %dma_start3A_604] : memref<10000x128xf32, #tpu.memory_space<hbm>> -> memref<10000x128xf32, #tpu.memory_space<hbm>>
      tpu.enqueue_indirect_dma source(%dma_start3A_605 : memref<10000x128xf32, #tpu.memory_space<hbm>>) target(%arg10 : memref<100x128xf32, #tpu.memory_space<vmem>>) offsets(%dma_start3A_602 : memref<100xi32, #tpu.memory_space<vmem>>) semaphore(%arg14 : memref<!tpu.dma_semaphore, #tpu.memory_space<semaphore_mem>>)
      %dma_wait3A_606 = arith.constant 0 : i32
      %dma_wait3A_607 = arith.constant 0 : i32
      %dma_wait3A_608 = tpu.memref_slice %arg7[%dma_wait3A_606, %dma_wait3A_607] : memref<25x100xi32, #tpu.memory_space<vmem>> -> memref<1x100xi32, #tpu.memory_space<vmem>>
      %dma_wait3A_609 = tpu.memref_squeeze %dma_wait3A_608 : memref<1x100xi32, #tpu.memory_space<vmem>> -> memref<100xi32, #tpu.memory_space<vmem>>
      %dma_wait3A_610 = arith.constant 0 : i32
      %dma_wait3A_611 = arith.constant 0 : i32
      %dma_wait3A_612 = tpu.memref_slice %arg2[%dma_wait3A_610, %dma_wait3A_611] : memref<10000x128xf32, #tpu.memory_space<hbm>> -> memref<10000x128xf32, #tpu.memory_space<hbm>>
      tpu.wait_indirect_dma semaphore(%arg13 : memref<!tpu.dma_semaphore, #tpu.memory_space<semaphore_mem>>) src(%dma_wait3A_612 : memref<10000x128xf32, #tpu.memory_space<hbm>>) dst(%arg9 : memref<100x128xf32, #tpu.memory_space<vmem>>)
      %dma_start3A_613 = arith.constant 21 : i32
      %dma_start3A_614 = arith.constant 0 : i32
      %dma_start3A_615 = tpu.memref_slice %arg8[%dma_start3A_613, %dma_start3A_614] : memref<25x100xi32, #tpu.memory_space<vmem>> -> memref<1x100xi32, #tpu.memory_space<vmem>>
      %dma_start3A_616 = tpu.memref_squeeze %dma_start3A_615 : memref<1x100xi32, #tpu.memory_space<vmem>> -> memref<100xi32, #tpu.memory_space<vmem>>
      %dma_start3A_617 = arith.constant 0 : i32
      %dma_start3A_618 = arith.constant 0 : i32
      %dma_start3A_619 = tpu.memref_slice %arg12[%dma_start3A_617, %dma_start3A_618] : memref<10112x128xf32, #tpu.memory_space<vmem_shared>> -> memref<10112x128xf32, #tpu.memory_space<vmem_shared>>
      tpu.enqueue_indirect_dma source(%arg9 : memref<100x128xf32, #tpu.memory_space<vmem>>) target(%dma_start3A_619 : memref<10112x128xf32, #tpu.memory_space<vmem_shared>>) offsets(%dma_start3A_616 : memref<100xi32, #tpu.memory_space<vmem>>) semaphore(%arg16 : memref<!tpu.dma_semaphore, #tpu.memory_space<semaphore_mem>>) {add = true}
      %dma_wait3A_620 = arith.constant 0 : i32
      %dma_wait3A_621 = arith.constant 0 : i32
      %dma_wait3A_622 = tpu.memref_slice %arg8[%dma_wait3A_620, %dma_wait3A_621] : memref<25x100xi32, #tpu.memory_space<vmem>> -> memref<1x100xi32, #tpu.memory_space<vmem>>
      %dma_wait3A_623 = tpu.memref_squeeze %dma_wait3A_622 : memref<1x100xi32, #tpu.memory_space<vmem>> -> memref<100xi32, #tpu.memory_space<vmem>>
      %dma_wait3A_624 = arith.constant 0 : i32
      %dma_wait3A_625 = arith.constant 0 : i32
      %dma_wait3A_626 = tpu.memref_slice %arg12[%dma_wait3A_624, %dma_wait3A_625] : memref<10112x128xf32, #tpu.memory_space<vmem_shared>> -> memref<10112x128xf32, #tpu.memory_space<vmem_shared>>
      tpu.wait_indirect_dma semaphore(%arg18 : memref<!tpu.dma_semaphore, #tpu.memory_space<semaphore_mem>>) src(%arg11 : memref<100x128xf32, #tpu.memory_space<vmem>>) dst(%dma_wait3A_626 : memref<10112x128xf32, #tpu.memory_space<vmem_shared>>)
      %dma_start3A_627 = arith.constant 23 : i32
      %dma_start3A_628 = arith.constant 0 : i32
      %dma_start3A_629 = tpu.memref_slice %arg7[%dma_start3A_627, %dma_start3A_628] : memref<25x100xi32, #tpu.memory_space<vmem>> -> memref<1x100xi32, #tpu.memory_space<vmem>>
      %dma_start3A_630 = tpu.memref_squeeze %dma_start3A_629 : memref<1x100xi32, #tpu.memory_space<vmem>> -> memref<100xi32, #tpu.memory_space<vmem>>
      %dma_start3A_631 = arith.constant 0 : i32
      %dma_start3A_632 = arith.constant 0 : i32
      %dma_start3A_633 = tpu.memref_slice %arg2[%dma_start3A_631, %dma_start3A_632] : memref<10000x128xf32, #tpu.memory_space<hbm>> -> memref<10000x128xf32, #tpu.memory_space<hbm>>
      tpu.enqueue_indirect_dma source(%dma_start3A_633 : memref<10000x128xf32, #tpu.memory_space<hbm>>) target(%arg11 : memref<100x128xf32, #tpu.memory_space<vmem>>) offsets(%dma_start3A_630 : memref<100xi32, #tpu.memory_space<vmem>>) semaphore(%arg15 : memref<!tpu.dma_semaphore, #tpu.memory_space<semaphore_mem>>)
      %dma_wait3A_634 = arith.constant 0 : i32
      %dma_wait3A_635 = arith.constant 0 : i32
      %dma_wait3A_636 = tpu.memref_slice %arg7[%dma_wait3A_634, %dma_wait3A_635] : memref<25x100xi32, #tpu.memory_space<vmem>> -> memref<1x100xi32, #tpu.memory_space<vmem>>
      %dma_wait3A_637 = tpu.memref_squeeze %dma_wait3A_636 : memref<1x100xi32, #tpu.memory_space<vmem>> -> memref<100xi32, #tpu.memory_space<vmem>>
      %dma_wait3A_638 = arith.constant 0 : i32
      %dma_wait3A_639 = arith.constant 0 : i32
      %dma_wait3A_640 = tpu.memref_slice %arg2[%dma_wait3A_638, %dma_wait3A_639] : memref<10000x128xf32, #tpu.memory_space<hbm>> -> memref<10000x128xf32, #tpu.memory_space<hbm>>
      tpu.wait_indirect_dma semaphore(%arg14 : memref<!tpu.dma_semaphore, #tpu.memory_space<semaphore_mem>>) src(%dma_wait3A_640 : memref<10000x128xf32, #tpu.memory_space<hbm>>) dst(%arg10 : memref<100x128xf32, #tpu.memory_space<vmem>>)
      %dma_start3A_641 = arith.constant 22 : i32
      %dma_start3A_642 = arith.constant 0 : i32
      %dma_start3A_643 = tpu.memref_slice %arg8[%dma_start3A_641, %dma_start3A_642] : memref<25x100xi32, #tpu.memory_space<vmem>> -> memref<1x100xi32, #tpu.memory_space<vmem>>
      %dma_start3A_644 = tpu.memref_squeeze %dma_start3A_643 : memref<1x100xi32, #tpu.memory_space<vmem>> -> memref<100xi32, #tpu.memory_space<vmem>>
      %dma_start3A_645 = arith.constant 0 : i32
      %dma_start3A_646 = arith.constant 0 : i32
      %dma_start3A_647 = tpu.memref_slice %arg12[%dma_start3A_645, %dma_start3A_646] : memref<10112x128xf32, #tpu.memory_space<vmem_shared>> -> memref<10112x128xf32, #tpu.memory_space<vmem_shared>>
      tpu.enqueue_indirect_dma source(%arg10 : memref<100x128xf32, #tpu.memory_space<vmem>>) target(%dma_start3A_647 : memref<10112x128xf32, #tpu.memory_space<vmem_shared>>) offsets(%dma_start3A_644 : memref<100xi32, #tpu.memory_space<vmem>>) semaphore(%arg17 : memref<!tpu.dma_semaphore, #tpu.memory_space<semaphore_mem>>) {add = true}
      %dma_wait3A_648 = arith.constant 0 : i32
      %dma_wait3A_649 = arith.constant 0 : i32
      %dma_wait3A_650 = tpu.memref_slice %arg8[%dma_wait3A_648, %dma_wait3A_649] : memref<25x100xi32, #tpu.memory_space<vmem>> -> memref<1x100xi32, #tpu.memory_space<vmem>>
      %dma_wait3A_651 = tpu.memref_squeeze %dma_wait3A_650 : memref<1x100xi32, #tpu.memory_space<vmem>> -> memref<100xi32, #tpu.memory_space<vmem>>
      %dma_wait3A_652 = arith.constant 0 : i32
      %dma_wait3A_653 = arith.constant 0 : i32
      %dma_wait3A_654 = tpu.memref_slice %arg12[%dma_wait3A_652, %dma_wait3A_653] : memref<10112x128xf32, #tpu.memory_space<vmem_shared>> -> memref<10112x128xf32, #tpu.memory_space<vmem_shared>>
      tpu.wait_indirect_dma semaphore(%arg16 : memref<!tpu.dma_semaphore, #tpu.memory_space<semaphore_mem>>) src(%arg9 : memref<100x128xf32, #tpu.memory_space<vmem>>) dst(%dma_wait3A_654 : memref<10112x128xf32, #tpu.memory_space<vmem_shared>>)
      %dma_start3A_655 = arith.constant 24 : i32
      %dma_start3A_656 = arith.constant 0 : i32
      %dma_start3A_657 = tpu.memref_slice %arg7[%dma_start3A_655, %dma_start3A_656] : memref<25x100xi32, #tpu.memory_space<vmem>> -> memref<1x100xi32, #tpu.memory_space<vmem>>
      %dma_start3A_658 = tpu.memref_squeeze %dma_start3A_657 : memref<1x100xi32, #tpu.memory_space<vmem>> -> memref<100xi32, #tpu.memory_space<vmem>>
      %dma_start3A_659 = arith.constant 0 : i32
      %dma_start3A_660 = arith.constant 0 : i32
      %dma_start3A_661 = tpu.memref_slice %arg2[%dma_start3A_659, %dma_start3A_660] : memref<10000x128xf32, #tpu.memory_space<hbm>> -> memref<10000x128xf32, #tpu.memory_space<hbm>>
      tpu.enqueue_indirect_dma source(%dma_start3A_661 : memref<10000x128xf32, #tpu.memory_space<hbm>>) target(%arg9 : memref<100x128xf32, #tpu.memory_space<vmem>>) offsets(%dma_start3A_658 : memref<100xi32, #tpu.memory_space<vmem>>) semaphore(%arg13 : memref<!tpu.dma_semaphore, #tpu.memory_space<semaphore_mem>>)
      %dma_wait3A_662 = arith.constant 0 : i32
      %dma_wait3A_663 = arith.constant 0 : i32
      %dma_wait3A_664 = tpu.memref_slice %arg7[%dma_wait3A_662, %dma_wait3A_663] : memref<25x100xi32, #tpu.memory_space<vmem>> -> memref<1x100xi32, #tpu.memory_space<vmem>>
      %dma_wait3A_665 = tpu.memref_squeeze %dma_wait3A_664 : memref<1x100xi32, #tpu.memory_space<vmem>> -> memref<100xi32, #tpu.memory_space<vmem>>
      %dma_wait3A_666 = arith.constant 0 : i32
      %dma_wait3A_667 = arith.constant 0 : i32
      %dma_wait3A_668 = tpu.memref_slice %arg2[%dma_wait3A_666, %dma_wait3A_667] : memref<10000x128xf32, #tpu.memory_space<hbm>> -> memref<10000x128xf32, #tpu.memory_space<hbm>>
      tpu.wait_indirect_dma semaphore(%arg15 : memref<!tpu.dma_semaphore, #tpu.memory_space<semaphore_mem>>) src(%dma_wait3A_668 : memref<10000x128xf32, #tpu.memory_space<hbm>>) dst(%arg11 : memref<100x128xf32, #tpu.memory_space<vmem>>)
      %dma_start3A_669 = arith.constant 23 : i32
      %dma_start3A_670 = arith.constant 0 : i32
      %dma_start3A_671 = tpu.memref_slice %arg8[%dma_start3A_669, %dma_start3A_670] : memref<25x100xi32, #tpu.memory_space<vmem>> -> memref<1x100xi32, #tpu.memory_space<vmem>>
      %dma_start3A_672 = tpu.memref_squeeze %dma_start3A_671 : memref<1x100xi32, #tpu.memory_space<vmem>> -> memref<100xi32, #tpu.memory_space<vmem>>
      %dma_start3A_673 = arith.constant 0 : i32
      %dma_start3A_674 = arith.constant 0 : i32
      %dma_start3A_675 = tpu.memref_slice %arg12[%dma_start3A_673, %dma_start3A_674] : memref<10112x128xf32, #tpu.memory_space<vmem_shared>> -> memref<10112x128xf32, #tpu.memory_space<vmem_shared>>
      tpu.enqueue_indirect_dma source(%arg11 : memref<100x128xf32, #tpu.memory_space<vmem>>) target(%dma_start3A_675 : memref<10112x128xf32, #tpu.memory_space<vmem_shared>>) offsets(%dma_start3A_672 : memref<100xi32, #tpu.memory_space<vmem>>) semaphore(%arg18 : memref<!tpu.dma_semaphore, #tpu.memory_space<semaphore_mem>>) {add = true}
      %dma_wait3A_676 = arith.constant 0 : i32
      %dma_wait3A_677 = arith.constant 0 : i32
      %dma_wait3A_678 = tpu.memref_slice %arg8[%dma_wait3A_676, %dma_wait3A_677] : memref<25x100xi32, #tpu.memory_space<vmem>> -> memref<1x100xi32, #tpu.memory_space<vmem>>
      %dma_wait3A_679 = tpu.memref_squeeze %dma_wait3A_678 : memref<1x100xi32, #tpu.memory_space<vmem>> -> memref<100xi32, #tpu.memory_space<vmem>>
      %dma_wait3A_680 = arith.constant 0 : i32
      %dma_wait3A_681 = arith.constant 0 : i32
      %dma_wait3A_682 = tpu.memref_slice %arg12[%dma_wait3A_680, %dma_wait3A_681] : memref<10112x128xf32, #tpu.memory_space<vmem_shared>> -> memref<10112x128xf32, #tpu.memory_space<vmem_shared>>
      tpu.wait_indirect_dma semaphore(%arg17 : memref<!tpu.dma_semaphore, #tpu.memory_space<semaphore_mem>>) src(%arg10 : memref<100x128xf32, #tpu.memory_space<vmem>>) dst(%dma_wait3A_682 : memref<10112x128xf32, #tpu.memory_space<vmem_shared>>)
      %dma_wait3A_683 = arith.constant 0 : i32
      %dma_wait3A_684 = arith.constant 0 : i32
      %dma_wait3A_685 = tpu.memref_slice %arg7[%dma_wait3A_683, %dma_wait3A_684] : memref<25x100xi32, #tpu.memory_space<vmem>> -> memref<1x100xi32, #tpu.memory_space<vmem>>
      %dma_wait3A_686 = tpu.memref_squeeze %dma_wait3A_685 : memref<1x100xi32, #tpu.memory_space<vmem>> -> memref<100xi32, #tpu.memory_space<vmem>>
      %dma_wait3A_687 = arith.constant 0 : i32
      %dma_wait3A_688 = arith.constant 0 : i32
      %dma_wait3A_689 = tpu.memref_slice %arg2[%dma_wait3A_687, %dma_wait3A_688] : memref<10000x128xf32, #tpu.memory_space<hbm>> -> memref<10000x128xf32, #tpu.memory_space<hbm>>
      tpu.wait_indirect_dma semaphore(%arg13 : memref<!tpu.dma_semaphore, #tpu.memory_space<semaphore_mem>>) src(%dma_wait3A_689 : memref<10000x128xf32, #tpu.memory_space<hbm>>) dst(%arg9 : memref<100x128xf32, #tpu.memory_space<vmem>>)
      %dma_start3A_690 = arith.constant 24 : i32
      %dma_start3A_691 = arith.constant 0 : i32
      %dma_start3A_692 = tpu.memref_slice %arg8[%dma_start3A_690, %dma_start3A_691] : memref<25x100xi32, #tpu.memory_space<vmem>> -> memref<1x100xi32, #tpu.memory_space<vmem>>
      %dma_start3A_693 = tpu.memref_squeeze %dma_start3A_692 : memref<1x100xi32, #tpu.memory_space<vmem>> -> memref<100xi32, #tpu.memory_space<vmem>>
      %dma_start3A_694 = arith.constant 0 : i32
      %dma_start3A_695 = arith.constant 0 : i32
      %dma_start3A_696 = tpu.memref_slice %arg12[%dma_start3A_694, %dma_start3A_695] : memref<10112x128xf32, #tpu.memory_space<vmem_shared>> -> memref<10112x128xf32, #tpu.memory_space<vmem_shared>>
      tpu.enqueue_indirect_dma source(%arg9 : memref<100x128xf32, #tpu.memory_space<vmem>>) target(%dma_start3A_696 : memref<10112x128xf32, #tpu.memory_space<vmem_shared>>) offsets(%dma_start3A_693 : memref<100xi32, #tpu.memory_space<vmem>>) semaphore(%arg16 : memref<!tpu.dma_semaphore, #tpu.memory_space<semaphore_mem>>) {add = true}
      %dma_wait3A_697 = arith.constant 0 : i32
      %dma_wait3A_698 = arith.constant 0 : i32
      %dma_wait3A_699 = tpu.memref_slice %arg8[%dma_wait3A_697, %dma_wait3A_698] : memref<25x100xi32, #tpu.memory_space<vmem>> -> memref<1x100xi32, #tpu.memory_space<vmem>>
      %dma_wait3A_700 = tpu.memref_squeeze %dma_wait3A_699 : memref<1x100xi32, #tpu.memory_space<vmem>> -> memref<100xi32, #tpu.memory_space<vmem>>
      %dma_wait3A_701 = arith.constant 0 : i32
      %dma_wait3A_702 = arith.constant 0 : i32
      %dma_wait3A_703 = tpu.memref_slice %arg12[%dma_wait3A_701, %dma_wait3A_702] : memref<10112x128xf32, #tpu.memory_space<vmem_shared>> -> memref<10112x128xf32, #tpu.memory_space<vmem_shared>>
      tpu.wait_indirect_dma semaphore(%arg18 : memref<!tpu.dma_semaphore, #tpu.memory_space<semaphore_mem>>) src(%arg11 : memref<100x128xf32, #tpu.memory_space<vmem>>) dst(%dma_wait3A_703 : memref<10112x128xf32, #tpu.memory_space<vmem_shared>>)
      %dma_wait3A_704 = arith.constant 0 : i32
      %dma_wait3A_705 = arith.constant 0 : i32
      %dma_wait3A_706 = tpu.memref_slice %arg8[%dma_wait3A_704, %dma_wait3A_705] : memref<25x100xi32, #tpu.memory_space<vmem>> -> memref<1x100xi32, #tpu.memory_space<vmem>>
      %dma_wait3A_707 = tpu.memref_squeeze %dma_wait3A_706 : memref<1x100xi32, #tpu.memory_space<vmem>> -> memref<100xi32, #tpu.memory_space<vmem>>
      %dma_wait3A_708 = arith.constant 0 : i32
      %dma_wait3A_709 = arith.constant 0 : i32
      %dma_wait3A_710 = tpu.memref_slice %arg12[%dma_wait3A_708, %dma_wait3A_709] : memref<10112x128xf32, #tpu.memory_space<vmem_shared>> -> memref<10112x128xf32, #tpu.memory_space<vmem_shared>>
      tpu.wait_indirect_dma semaphore(%arg16 : memref<!tpu.dma_semaphore, #tpu.memory_space<semaphore_mem>>) src(%arg9 : memref<100x128xf32, #tpu.memory_space<vmem>>) dst(%dma_wait3A_710 : memref<10112x128xf32, #tpu.memory_space<vmem_shared>>)
    }
    %scan3A_7 = arith.constant 4 : i32
    %barrier3A_8 = arith.constant 0 : index
    tpu.barrier barrier_id(%barrier3A_8)
    %mul3A_9 = arith.constant 10112 : i32
    %mul3A_10 = arith.muli %arg0, %mul3A_9 : i32
    %add3A_11 = arith.addi %mul3A_10, %mul3A_2 : i32
    "tpu.region"() ({
      %run_scoped3A = tpu.sem_alloc : memref<!tpu.dma_semaphore, #tpu.memory_space<semaphore_mem>>
      %dma_start3A = arith.constant 0 : i32
      %dma_start3A_12 = tpu.memref_slice %arg6[%add3A_11, %dma_start3A] : memref<20224x128xf32, #tpu.memory_space<hbm>> -> memref<632x128xf32, #tpu.memory_space<hbm>>
      %dma_start3A_13 = arith.constant 0 : i32
      %dma_start3A_14 = tpu.memref_slice %arg12[%mul3A_2, %dma_start3A_13] : memref<10112x128xf32, #tpu.memory_space<vmem_shared>> -> memref<632x128xf32, #tpu.memory_space<vmem_shared>>
      tpu.enqueue_dma source(%dma_start3A_14 : memref<632x128xf32, #tpu.memory_space<vmem_shared>>) target(%dma_start3A_12 : memref<632x128xf32, #tpu.memory_space<hbm>>) target_semaphore(%run_scoped3A : memref<!tpu.dma_semaphore, #tpu.memory_space<semaphore_mem>>)
      %dma_wait3A = arith.constant 0 : i32
      %dma_wait3A_15 = tpu.memref_slice %arg6[%add3A_11, %dma_wait3A] : memref<20224x128xf32, #tpu.memory_space<hbm>> -> memref<632x128xf32, #tpu.memory_space<hbm>>
      %dma_wait3A_16 = arith.constant 0 : i32
      %dma_wait3A_17 = tpu.memref_slice %arg12[%mul3A_2, %dma_wait3A_16] : memref<10112x128xf32, #tpu.memory_space<vmem_shared>> -> memref<632x128xf32, #tpu.memory_space<vmem_shared>>
      tpu.wait_dma2 semaphore(%run_scoped3A : memref<!tpu.dma_semaphore, #tpu.memory_space<semaphore_mem>>) src(%dma_wait3A_17 : memref<632x128xf32, #tpu.memory_space<vmem_shared>>) dst(%dma_wait3A_15 : memref<632x128xf32, #tpu.memory_space<hbm>>)
      tpu.yield
    }) : () -> ()
    return
  }
}

module attributes {stable_mosaic.version = 14 : i64} {
  func.func @_gin0_body(%arg0: memref<10000x128xf32, #tpu.memory_space<vmem>>, %arg1: memref<20224x128xf32, #tpu.memory_space<vmem>>, %arg2: memref<128x256xf32, #tpu.memory_space<vmem>>, %arg3: memref<1x256xf32, #tpu.memory_space<vmem>>, %arg4: memref<1x256xf32, #tpu.memory_space<vmem>>, %arg5: memref<1x256xf32, #tpu.memory_space<vmem>>, %arg6: memref<256x128xf32, #tpu.memory_space<vmem>>, %arg7: memref<1x128xf32, #tpu.memory_space<vmem>>, %arg8: memref<1x1xf32, #tpu.memory_space<vmem>>, %arg9: memref<1x128xf32, #tpu.memory_space<vmem>>, %arg10: memref<1x128xf32, #tpu.memory_space<vmem>>, %arg11: memref<10000x128xf32, #tpu.memory_space<vmem>>) attributes {dimension_semantics = [], scalar_prefetch = 0 : i64, scratch_operands = 0 : i64, tpu.core_type = #tpu.core_type<tc>} {
    %get3A = arith.constant 0 : index
    %get3A_0 = arith.constant 0 : index
    %get3A_1 = vector.load %arg1[%get3A, %get3A_0] : memref<20224x128xf32, #tpu.memory_space<vmem>>, vector<20224x128xf32>
    %slice3A = vector.extract_strided_slice %get3A_1 {offsets = [0, 0], sizes = [10000, 128], strides = [1, 1]} : vector<20224x128xf32> to vector<10000x128xf32>
    %slice3A_2 = vector.extract_strided_slice %get3A_1 {offsets = [10112, 0], sizes = [10000, 128], strides = [1, 1]} : vector<20224x128xf32> to vector<10000x128xf32>
    %add3A = arith.addf %slice3A, %slice3A_2 : vector<10000x128xf32>
    %get3A_3 = arith.constant 0 : index
    %get3A_4 = arith.constant 0 : index
    %get3A_5 = vector.load %arg0[%get3A_3, %get3A_4] : memref<10000x128xf32, #tpu.memory_space<vmem>>, vector<10000x128xf32>
    %get3A_6 = arith.constant 0 : index
    %get3A_7 = arith.constant 0 : index
    %get3A_8 = vector.load %arg2[%get3A_6, %get3A_7] : memref<128x256xf32, #tpu.memory_space<vmem>>, vector<128x256xf32>
    %get3A_9 = arith.constant 0 : index
    %get3A_10 = arith.constant 0 : index
    %get3A_11 = vector.load %arg3[%get3A_9, %get3A_10] : memref<1x256xf32, #tpu.memory_space<vmem>>, vector<1x256xf32>
    %get3A_12 = arith.constant 0 : index
    %get3A_13 = arith.constant 0 : index
    %get3A_14 = vector.load %arg4[%get3A_12, %get3A_13] : memref<1x256xf32, #tpu.memory_space<vmem>>, vector<1x256xf32>
    %get3A_15 = arith.constant 0 : index
    %get3A_16 = arith.constant 0 : index
    %get3A_17 = vector.load %arg5[%get3A_15, %get3A_16] : memref<1x256xf32, #tpu.memory_space<vmem>>, vector<1x256xf32>
    %get3A_18 = arith.constant 0 : index
    %get3A_19 = arith.constant 0 : index
    %get3A_20 = vector.load %arg6[%get3A_18, %get3A_19] : memref<256x128xf32, #tpu.memory_space<vmem>>, vector<256x128xf32>
    %get3A_21 = arith.constant 0 : index
    %get3A_22 = arith.constant 0 : index
    %get3A_23 = vector.load %arg7[%get3A_21, %get3A_22] : memref<1x128xf32, #tpu.memory_space<vmem>>, vector<1x128xf32>
    %get3A_24 = arith.constant 0 : index
    %get3A_25 = arith.constant 0 : index
    %get3A_26 = vector.load %arg8[%get3A_24, %get3A_25] : memref<1x1xf32, #tpu.memory_space<vmem>>, vector<1x1xf32>
    %get3A_27 = vector.extract %get3A_26[0, 0] : f32 from vector<1x1xf32>
    %get3A_28 = arith.constant 0 : index
    %get3A_29 = arith.constant 0 : index
    %get3A_30 = vector.load %arg9[%get3A_28, %get3A_29] : memref<1x128xf32, #tpu.memory_space<vmem>>, vector<1x128xf32>
    %get3A_31 = arith.constant 0 : index
    %get3A_32 = arith.constant 0 : index
    %get3A_33 = vector.load %arg10[%get3A_31, %get3A_32] : memref<1x128xf32, #tpu.memory_space<vmem>>, vector<1x128xf32>
    %add3A_34 = arith.constant 1.000000e+00 : f32
    %add3A_35 = arith.addf %add3A_34, %get3A_27 : f32
    %mul3A = vector.broadcast %add3A_35 : f32 to vector<10000x128xf32>
    %mul3A_36 = arith.mulf %mul3A, %get3A_5 : vector<10000x128xf32>
    %add3A_37 = arith.addf %mul3A_36, %add3A : vector<10000x128xf32>
    %dot_general3A = arith.constant dense<0.000000e+00> : vector<10000x256xf32>
    %dot_general3A_38 = tpu.matmul %add3A_37, %get3A_8, %dot_general3A {dimension_numbers = #tpu.dot_dimension_numbers<[1], [0], [0], [1], [0, 0, 1, 1], [], []>, transpose_lhs_hint = false} : vector<10000x128xf32>, vector<128x256xf32>, vector<10000x256xf32> -> vector<10000x256xf32>
    %add3A_39 = vector.broadcast %get3A_11 : vector<1x256xf32> to vector<10000x256xf32>
    %add3A_40 = arith.addf %dot_general3A_38, %add3A_39 : vector<10000x256xf32>
    %reduce_sum3A = arith.constant dense<0.000000e+00> : vector<256xf32>
    %reduce_sum3A_41 = vector.multi_reduction <add>, %add3A_40, %reduce_sum3A [0] : vector<10000x256xf32> to vector<256xf32>
    %mul3A_42 = arith.mulf %add3A_40, %add3A_40 : vector<10000x256xf32>
    %reduce_sum3A_43 = arith.constant dense<0.000000e+00> : vector<256xf32>
    %reduce_sum3A_44 = vector.multi_reduction <add>, %mul3A_42, %reduce_sum3A_43 [0] : vector<10000x256xf32> to vector<256xf32>
    %mul3A_45 = arith.constant 9.99999974E-5 : f32
    %mul3A_46 = vector.broadcast %mul3A_45 : f32 to vector<256xf32>
    %mul3A_47 = arith.mulf %reduce_sum3A_41, %mul3A_46 : vector<256xf32>
    %mul3A_48 = arith.constant 9.99999974E-5 : f32
    %mul3A_49 = vector.broadcast %mul3A_48 : f32 to vector<256xf32>
    %mul3A_50 = arith.mulf %reduce_sum3A_44, %mul3A_49 : vector<256xf32>
    %mul3A_51 = arith.mulf %mul3A_47, %mul3A_47 : vector<256xf32>
    %sub3A = arith.subf %mul3A_50, %mul3A_51 : vector<256xf32>
    %broadcast_in_dim3A = vector.shape_cast %mul3A_47 : vector<256xf32> to vector<1x256xf32>
    %sub3A_52 = vector.broadcast %broadcast_in_dim3A : vector<1x256xf32> to vector<10000x256xf32>
    %sub3A_53 = arith.subf %add3A_40, %sub3A_52 : vector<10000x256xf32>
    %add3A_54 = arith.constant 9.99999974E-6 : f32
    %add3A_55 = vector.broadcast %add3A_54 : f32 to vector<256xf32>
    %add3A_56 = arith.addf %sub3A, %add3A_55 : vector<256xf32>
    %rsqrt3A = math.rsqrt %add3A_56 : vector<256xf32>
    %broadcast_in_dim3A_57 = vector.shape_cast %rsqrt3A : vector<256xf32> to vector<1x256xf32>
    %mul3A_58 = vector.broadcast %broadcast_in_dim3A_57 : vector<1x256xf32> to vector<10000x256xf32>
    %mul3A_59 = arith.mulf %sub3A_53, %mul3A_58 : vector<10000x256xf32>
    %mul3A_60 = vector.broadcast %get3A_14 : vector<1x256xf32> to vector<10000x256xf32>
    %mul3A_61 = arith.mulf %mul3A_59, %mul3A_60 : vector<10000x256xf32>
    %add3A_62 = vector.broadcast %get3A_17 : vector<1x256xf32> to vector<10000x256xf32>
    %add3A_63 = arith.addf %mul3A_61, %add3A_62 : vector<10000x256xf32>
    %max3A = arith.constant 0.000000e+00 : f32
    %max3A_64 = vector.broadcast %max3A : f32 to vector<10000x256xf32>
    %max3A_65 = arith.maximumf %add3A_63, %max3A_64 : vector<10000x256xf32>
    %dot_general3A_66 = arith.constant dense<0.000000e+00> : vector<10000x128xf32>
    %dot_general3A_67 = tpu.matmul %max3A_65, %get3A_20, %dot_general3A_66 {dimension_numbers = #tpu.dot_dimension_numbers<[1], [0], [0], [1], [0, 0, 1, 1], [], []>, transpose_lhs_hint = false} : vector<10000x256xf32>, vector<256x128xf32>, vector<10000x128xf32> -> vector<10000x128xf32>
    %add3A_68 = vector.broadcast %get3A_23 : vector<1x128xf32> to vector<10000x128xf32>
    %add3A_69 = arith.addf %dot_general3A_67, %add3A_68 : vector<10000x128xf32>
    %reduce_sum3A_70 = arith.constant dense<0.000000e+00> : vector<128xf32>
    %reduce_sum3A_71 = vector.multi_reduction <add>, %add3A_69, %reduce_sum3A_70 [0] : vector<10000x128xf32> to vector<128xf32>
    %mul3A_72 = arith.mulf %add3A_69, %add3A_69 : vector<10000x128xf32>
    %reduce_sum3A_73 = arith.constant dense<0.000000e+00> : vector<128xf32>
    %reduce_sum3A_74 = vector.multi_reduction <add>, %mul3A_72, %reduce_sum3A_73 [0] : vector<10000x128xf32> to vector<128xf32>
    %mul3A_75 = arith.constant 9.99999974E-5 : f32
    %mul3A_76 = vector.broadcast %mul3A_75 : f32 to vector<128xf32>
    %mul3A_77 = arith.mulf %reduce_sum3A_71, %mul3A_76 : vector<128xf32>
    %mul3A_78 = arith.constant 9.99999974E-5 : f32
    %mul3A_79 = vector.broadcast %mul3A_78 : f32 to vector<128xf32>
    %mul3A_80 = arith.mulf %reduce_sum3A_74, %mul3A_79 : vector<128xf32>
    %mul3A_81 = arith.mulf %mul3A_77, %mul3A_77 : vector<128xf32>
    %sub3A_82 = arith.subf %mul3A_80, %mul3A_81 : vector<128xf32>
    %broadcast_in_dim3A_83 = vector.shape_cast %mul3A_77 : vector<128xf32> to vector<1x128xf32>
    %sub3A_84 = vector.broadcast %broadcast_in_dim3A_83 : vector<1x128xf32> to vector<10000x128xf32>
    %sub3A_85 = arith.subf %add3A_69, %sub3A_84 : vector<10000x128xf32>
    %add3A_86 = arith.constant 9.99999974E-6 : f32
    %add3A_87 = vector.broadcast %add3A_86 : f32 to vector<128xf32>
    %add3A_88 = arith.addf %sub3A_82, %add3A_87 : vector<128xf32>
    %rsqrt3A_89 = math.rsqrt %add3A_88 : vector<128xf32>
    %broadcast_in_dim3A_90 = vector.shape_cast %rsqrt3A_89 : vector<128xf32> to vector<1x128xf32>
    %mul3A_91 = vector.broadcast %broadcast_in_dim3A_90 : vector<1x128xf32> to vector<10000x128xf32>
    %mul3A_92 = arith.mulf %sub3A_85, %mul3A_91 : vector<10000x128xf32>
    %mul3A_93 = vector.broadcast %get3A_30 : vector<1x128xf32> to vector<10000x128xf32>
    %mul3A_94 = arith.mulf %mul3A_92, %mul3A_93 : vector<10000x128xf32>
    %add3A_95 = vector.broadcast %get3A_33 : vector<1x128xf32> to vector<10000x128xf32>
    %add3A_96 = arith.addf %mul3A_94, %add3A_95 : vector<10000x128xf32>
    %max3A_97 = arith.constant 0.000000e+00 : f32
    %max3A_98 = vector.broadcast %max3A_97 : f32 to vector<10000x128xf32>
    %max3A_99 = arith.maximumf %add3A_96, %max3A_98 : vector<10000x128xf32>
    %swap3A = arith.constant 0 : index
    %swap3A_100 = arith.constant 0 : index
    %swap3A_101 = vector.load %arg11[%swap3A, %swap3A_100] : memref<10000x128xf32, #tpu.memory_space<vmem>>, vector<10000x128xf32>
    tpu.vector_store %arg11[%swap3A, %swap3A_100], %max3A_99 {strides = array<i32>} : memref<10000x128xf32, #tpu.memory_space<vmem>>, vector<10000x128xf32>,
    return
  }
}

module attributes {stable_mosaic.version = 14 : i64} {
  func.func @_gin1_body(%arg0: memref<10000x128xf32, #tpu.memory_space<vmem>>, %arg1: memref<20224x128xf32, #tpu.memory_space<vmem>>, %arg2: memref<128x256xf32, #tpu.memory_space<vmem>>, %arg3: memref<1x256xf32, #tpu.memory_space<vmem>>, %arg4: memref<1x256xf32, #tpu.memory_space<vmem>>, %arg5: memref<1x256xf32, #tpu.memory_space<vmem>>, %arg6: memref<256x128xf32, #tpu.memory_space<vmem>>, %arg7: memref<1x128xf32, #tpu.memory_space<vmem>>, %arg8: memref<1x1xf32, #tpu.memory_space<vmem>>, %arg9: memref<1x128xf32, #tpu.memory_space<vmem>>, %arg10: memref<1x128xf32, #tpu.memory_space<vmem>>, %arg11: memref<256x1xf32, #tpu.memory_space<vmem>>, %arg12: memref<1x1xf32, #tpu.memory_space<vmem>>, %arg13: memref<10000x2xf32, #tpu.memory_space<vmem>>) attributes {dimension_semantics = [], scalar_prefetch = 0 : i64, scratch_operands = 0 : i64, tpu.core_type = #tpu.core_type<tc>} {
    %get3A = arith.constant 0 : index
    %get3A_0 = arith.constant 0 : index
    %get3A_1 = vector.load %arg1[%get3A, %get3A_0] : memref<20224x128xf32, #tpu.memory_space<vmem>>, vector<20224x128xf32>
    %slice3A = vector.extract_strided_slice %get3A_1 {offsets = [0, 0], sizes = [10000, 128], strides = [1, 1]} : vector<20224x128xf32> to vector<10000x128xf32>
    %slice3A_2 = vector.extract_strided_slice %get3A_1 {offsets = [10112, 0], sizes = [10000, 128], strides = [1, 1]} : vector<20224x128xf32> to vector<10000x128xf32>
    %add3A = arith.addf %slice3A, %slice3A_2 : vector<10000x128xf32>
    %get3A_3 = arith.constant 0 : index
    %get3A_4 = arith.constant 0 : index
    %get3A_5 = vector.load %arg0[%get3A_3, %get3A_4] : memref<10000x128xf32, #tpu.memory_space<vmem>>, vector<10000x128xf32>
    %get3A_6 = arith.constant 0 : index
    %get3A_7 = arith.constant 0 : index
    %get3A_8 = vector.load %arg2[%get3A_6, %get3A_7] : memref<128x256xf32, #tpu.memory_space<vmem>>, vector<128x256xf32>
    %get3A_9 = arith.constant 0 : index
    %get3A_10 = arith.constant 0 : index
    %get3A_11 = vector.load %arg3[%get3A_9, %get3A_10] : memref<1x256xf32, #tpu.memory_space<vmem>>, vector<1x256xf32>
    %get3A_12 = arith.constant 0 : index
    %get3A_13 = arith.constant 0 : index
    %get3A_14 = vector.load %arg4[%get3A_12, %get3A_13] : memref<1x256xf32, #tpu.memory_space<vmem>>, vector<1x256xf32>
    %get3A_15 = arith.constant 0 : index
    %get3A_16 = arith.constant 0 : index
    %get3A_17 = vector.load %arg5[%get3A_15, %get3A_16] : memref<1x256xf32, #tpu.memory_space<vmem>>, vector<1x256xf32>
    %get3A_18 = arith.constant 0 : index
    %get3A_19 = arith.constant 0 : index
    %get3A_20 = vector.load %arg6[%get3A_18, %get3A_19] : memref<256x128xf32, #tpu.memory_space<vmem>>, vector<256x128xf32>
    %get3A_21 = arith.constant 0 : index
    %get3A_22 = arith.constant 0 : index
    %get3A_23 = vector.load %arg7[%get3A_21, %get3A_22] : memref<1x128xf32, #tpu.memory_space<vmem>>, vector<1x128xf32>
    %get3A_24 = arith.constant 0 : index
    %get3A_25 = arith.constant 0 : index
    %get3A_26 = vector.load %arg8[%get3A_24, %get3A_25] : memref<1x1xf32, #tpu.memory_space<vmem>>, vector<1x1xf32>
    %get3A_27 = vector.extract %get3A_26[0, 0] : f32 from vector<1x1xf32>
    %get3A_28 = arith.constant 0 : index
    %get3A_29 = arith.constant 0 : index
    %get3A_30 = vector.load %arg9[%get3A_28, %get3A_29] : memref<1x128xf32, #tpu.memory_space<vmem>>, vector<1x128xf32>
    %get3A_31 = arith.constant 0 : index
    %get3A_32 = arith.constant 0 : index
    %get3A_33 = vector.load %arg10[%get3A_31, %get3A_32] : memref<1x128xf32, #tpu.memory_space<vmem>>, vector<1x128xf32>
    %add3A_34 = arith.constant 1.000000e+00 : f32
    %add3A_35 = arith.addf %add3A_34, %get3A_27 : f32
    %mul3A = vector.broadcast %add3A_35 : f32 to vector<10000x128xf32>
    %mul3A_36 = arith.mulf %mul3A, %get3A_5 : vector<10000x128xf32>
    %add3A_37 = arith.addf %mul3A_36, %add3A : vector<10000x128xf32>
    %dot_general3A = arith.constant dense<0.000000e+00> : vector<10000x256xf32>
    %dot_general3A_38 = tpu.matmul %add3A_37, %get3A_8, %dot_general3A {dimension_numbers = #tpu.dot_dimension_numbers<[1], [0], [0], [1], [0, 0, 1, 1], [], []>, transpose_lhs_hint = false} : vector<10000x128xf32>, vector<128x256xf32>, vector<10000x256xf32> -> vector<10000x256xf32>
    %add3A_39 = vector.broadcast %get3A_11 : vector<1x256xf32> to vector<10000x256xf32>
    %add3A_40 = arith.addf %dot_general3A_38, %add3A_39 : vector<10000x256xf32>
    %reduce_sum3A = arith.constant dense<0.000000e+00> : vector<256xf32>
    %reduce_sum3A_41 = vector.multi_reduction <add>, %add3A_40, %reduce_sum3A [0] : vector<10000x256xf32> to vector<256xf32>
    %mul3A_42 = arith.mulf %add3A_40, %add3A_40 : vector<10000x256xf32>
    %reduce_sum3A_43 = arith.constant dense<0.000000e+00> : vector<256xf32>
    %reduce_sum3A_44 = vector.multi_reduction <add>, %mul3A_42, %reduce_sum3A_43 [0] : vector<10000x256xf32> to vector<256xf32>
    %mul3A_45 = arith.constant 9.99999974E-5 : f32
    %mul3A_46 = vector.broadcast %mul3A_45 : f32 to vector<256xf32>
    %mul3A_47 = arith.mulf %reduce_sum3A_41, %mul3A_46 : vector<256xf32>
    %mul3A_48 = arith.constant 9.99999974E-5 : f32
    %mul3A_49 = vector.broadcast %mul3A_48 : f32 to vector<256xf32>
    %mul3A_50 = arith.mulf %reduce_sum3A_44, %mul3A_49 : vector<256xf32>
    %mul3A_51 = arith.mulf %mul3A_47, %mul3A_47 : vector<256xf32>
    %sub3A = arith.subf %mul3A_50, %mul3A_51 : vector<256xf32>
    %broadcast_in_dim3A = vector.shape_cast %mul3A_47 : vector<256xf32> to vector<1x256xf32>
    %sub3A_52 = vector.broadcast %broadcast_in_dim3A : vector<1x256xf32> to vector<10000x256xf32>
    %sub3A_53 = arith.subf %add3A_40, %sub3A_52 : vector<10000x256xf32>
    %add3A_54 = arith.constant 9.99999974E-6 : f32
    %add3A_55 = vector.broadcast %add3A_54 : f32 to vector<256xf32>
    %add3A_56 = arith.addf %sub3A, %add3A_55 : vector<256xf32>
    %rsqrt3A = math.rsqrt %add3A_56 : vector<256xf32>
    %broadcast_in_dim3A_57 = vector.shape_cast %rsqrt3A : vector<256xf32> to vector<1x256xf32>
    %mul3A_58 = vector.broadcast %broadcast_in_dim3A_57 : vector<1x256xf32> to vector<10000x256xf32>
    %mul3A_59 = arith.mulf %sub3A_53, %mul3A_58 : vector<10000x256xf32>
    %mul3A_60 = vector.broadcast %get3A_14 : vector<1x256xf32> to vector<10000x256xf32>
    %mul3A_61 = arith.mulf %mul3A_59, %mul3A_60 : vector<10000x256xf32>
    %add3A_62 = vector.broadcast %get3A_17 : vector<1x256xf32> to vector<10000x256xf32>
    %add3A_63 = arith.addf %mul3A_61, %add3A_62 : vector<10000x256xf32>
    %max3A = arith.constant 0.000000e+00 : f32
    %max3A_64 = vector.broadcast %max3A : f32 to vector<10000x256xf32>
    %max3A_65 = arith.maximumf %add3A_63, %max3A_64 : vector<10000x256xf32>
    %dot_general3A_66 = arith.constant dense<0.000000e+00> : vector<10000x128xf32>
    %dot_general3A_67 = tpu.matmul %max3A_65, %get3A_20, %dot_general3A_66 {dimension_numbers = #tpu.dot_dimension_numbers<[1], [0], [0], [1], [0, 0, 1, 1], [], []>, transpose_lhs_hint = false} : vector<10000x256xf32>, vector<256x128xf32>, vector<10000x128xf32> -> vector<10000x128xf32>
    %add3A_68 = vector.broadcast %get3A_23 : vector<1x128xf32> to vector<10000x128xf32>
    %add3A_69 = arith.addf %dot_general3A_67, %add3A_68 : vector<10000x128xf32>
    %reduce_sum3A_70 = arith.constant dense<0.000000e+00> : vector<128xf32>
    %reduce_sum3A_71 = vector.multi_reduction <add>, %add3A_69, %reduce_sum3A_70 [0] : vector<10000x128xf32> to vector<128xf32>
    %mul3A_72 = arith.mulf %add3A_69, %add3A_69 : vector<10000x128xf32>
    %reduce_sum3A_73 = arith.constant dense<0.000000e+00> : vector<128xf32>
    %reduce_sum3A_74 = vector.multi_reduction <add>, %mul3A_72, %reduce_sum3A_73 [0] : vector<10000x128xf32> to vector<128xf32>
    %mul3A_75 = arith.constant 9.99999974E-5 : f32
    %mul3A_76 = vector.broadcast %mul3A_75 : f32 to vector<128xf32>
    %mul3A_77 = arith.mulf %reduce_sum3A_71, %mul3A_76 : vector<128xf32>
    %mul3A_78 = arith.constant 9.99999974E-5 : f32
    %mul3A_79 = vector.broadcast %mul3A_78 : f32 to vector<128xf32>
    %mul3A_80 = arith.mulf %reduce_sum3A_74, %mul3A_79 : vector<128xf32>
    %mul3A_81 = arith.mulf %mul3A_77, %mul3A_77 : vector<128xf32>
    %sub3A_82 = arith.subf %mul3A_80, %mul3A_81 : vector<128xf32>
    %broadcast_in_dim3A_83 = vector.shape_cast %mul3A_77 : vector<128xf32> to vector<1x128xf32>
    %sub3A_84 = vector.broadcast %broadcast_in_dim3A_83 : vector<1x128xf32> to vector<10000x128xf32>
    %sub3A_85 = arith.subf %add3A_69, %sub3A_84 : vector<10000x128xf32>
    %add3A_86 = arith.constant 9.99999974E-6 : f32
    %add3A_87 = vector.broadcast %add3A_86 : f32 to vector<128xf32>
    %add3A_88 = arith.addf %sub3A_82, %add3A_87 : vector<128xf32>
    %rsqrt3A_89 = math.rsqrt %add3A_88 : vector<128xf32>
    %broadcast_in_dim3A_90 = vector.shape_cast %rsqrt3A_89 : vector<128xf32> to vector<1x128xf32>
    %mul3A_91 = vector.broadcast %broadcast_in_dim3A_90 : vector<1x128xf32> to vector<10000x128xf32>
    %mul3A_92 = arith.mulf %sub3A_85, %mul3A_91 : vector<10000x128xf32>
    %mul3A_93 = vector.broadcast %get3A_30 : vector<1x128xf32> to vector<10000x128xf32>
    %mul3A_94 = arith.mulf %mul3A_92, %mul3A_93 : vector<10000x128xf32>
    %add3A_95 = vector.broadcast %get3A_33 : vector<1x128xf32> to vector<10000x128xf32>
    %add3A_96 = arith.addf %mul3A_94, %add3A_95 : vector<10000x128xf32>
    %get3A_97 = arith.constant 0 : index
    %get3A_98 = arith.constant 0 : index
    %get3A_99 = vector.load %arg11[%get3A_97, %get3A_98] : memref<256x1xf32, #tpu.memory_space<vmem>>, vector<256x1xf32>
    %slice3A_100 = vector.extract_strided_slice %get3A_99 {offsets = [0, 0], sizes = [128, 1], strides = [1, 1]} : vector<256x1xf32> to vector<128x1xf32>
    %dot_general3A_101 = arith.constant dense<0.000000e+00> : vector<10000x1xf32>
    %dot_general3A_102 = tpu.matmul %add3A_96, %slice3A_100, %dot_general3A_101 {dimension_numbers = #tpu.dot_dimension_numbers<[1], [0], [0], [1], [0, 0, 1, 1], [], []>, transpose_lhs_hint = false} : vector<10000x128xf32>, vector<128x1xf32>, vector<10000x1xf32> -> vector<10000x1xf32>
    %get3A_103 = arith.constant 0 : index
    %get3A_104 = arith.constant 0 : index
    %get3A_105 = vector.load %arg12[%get3A_103, %get3A_104] : memref<1x1xf32, #tpu.memory_space<vmem>>, vector<1x1xf32>
    %get3A_106 = vector.extract %get3A_105[0, 0] : f32 from vector<1x1xf32>
    %add3A_107 = vector.broadcast %get3A_106 : f32 to vector<10000x1xf32>
    %add3A_108 = arith.addf %dot_general3A_102, %add3A_107 : vector<10000x1xf32>
    %slice3A_109 = vector.extract_strided_slice %get3A_99 {offsets = [128, 0], sizes = [128, 1], strides = [1, 1]} : vector<256x1xf32> to vector<128x1xf32>
    %dot_general3A_110 = arith.constant dense<0.000000e+00> : vector<10000x1xf32>
    %dot_general3A_111 = tpu.matmul %add3A_96, %slice3A_109, %dot_general3A_110 {dimension_numbers = #tpu.dot_dimension_numbers<[1], [0], [0], [1], [0, 0, 1, 1], [], []>, transpose_lhs_hint = false} : vector<10000x128xf32>, vector<128x1xf32>, vector<10000x1xf32> -> vector<10000x1xf32>
    %concatenate3A = tpu.concatenate %add3A_108, %dot_general3A_111 in 1 : vector<10000x1xf32>, vector<10000x1xf32> -> vector<10000x2xf32>
    %swap3A = arith.constant 0 : index
    %swap3A_112 = arith.constant 0 : index
    %swap3A_113 = vector.load %arg13[%swap3A, %swap3A_112] : memref<10000x2xf32, #tpu.memory_space<vmem>>, vector<10000x2xf32>
    tpu.vector_store %arg13[%swap3A, %swap3A_112], %concatenate3A {strides = array<i32>} : memref<10000x2xf32, #tpu.memory_space<vmem>>, vector<10000x2xf32>,
    return
  }
}

</mosaic_0001>

<sc_bundles>
// kernel: kernel.10.cloned.1.call-start
scs
__scs_entry_jumppad:
0x0: {  	(pc) =	sbr.rel $0x88, $3  }
0x1: {  	(tag) =	ssettag $0x0;
	lr =	simm.s32 $0x1  }
0x2: {  	[smem:$0x3F8B] =	sst lr;
	_ =	strace $0xD0000000  }
0x3: {  	_ = 	snop  }
0x4: {  	_ = 	snop  }
0x5: {  	_ = 	snop  }
0x6: {  	_ = 	snop  }
0x7: {  	_ = 	snop  }
__scs_overlays_trampoline_lowered:
0x8: {  	[smem:$0x3F9A] =	sst s0  }
0x9: {  	[smem:$0x3F9B] =	sst s1  }
0xa: {  	[smem:$0x3F9C] =	sst s2  }
0xb: {  	[smem:$0x3F9D] =	sst s3  }
0xc: {  	[smem:$0x3F9E] =	sst s4  }
0xd: {  	[smem:$0x3F9F] =	sst s5  }
0xe: {  	[smem:$0x3FA0] =	sst s6  }
0xf: {  	[smem:$0x3FA1] =	sst s7  }
0x10: {  	[smem:$0x3FA2] =	sst s8  }
0x11: {  	[smem:$0x3FA3] =	sst s9;
	s0 =	simm.s32 @!p0 $0x0  }
0x12: {  	s1 =	sld [smem:$0x3F89];
	s0 =	simm.s32 @p0 $0x1  }
0x13: {  	[smem:$0x3FA4] =	sst s0;
	s0 =	simm.s32 @!p1 $0x0  }
0x14: {  	s2 =	sld [smem:$0x3F88];
	s0 =	simm.s32 @p1 $0x1  }
0x15: {  	[smem:$0x3FA5] =	sst s0;
	s0 =	simm.s32 @!p2 $0x0  }
0x16: {  	s3 =	sld [smem:$0x3FDB];
	s0 =	simm.s32 @p2 $0x1  }
0x17: {  	s4 =	simm.s32 $0x1BF5;
	[smem:$0x3FA7] =	sst s0  }
0x18: {  	s0 =	sld [smem:$0x3F8A];
	_ =	swait.ge [sflag:s4], $0x0  }
0x19: {  	s7 =	sld [smem:$0x3F8B]  }
0x1a: {  	s8 =	sadd.s32 $0xFFFFE003, lr  }
0x1b: {  	s9 =	sadd.s32 $0xFFFFFEF7, lr;
	s5 =	simm.s32 $0xFFFFFFFF;
	p2 =	slt.u32 s8, $0xFFFFF086  }
0x1c: {  	p1 =	slt.u32 s9, $0xF7A;
	s5 =	simm.s32 @!p2 $0x0  }
0x1d: {  	s5 =	simm.s32 @p1 $0x1;
	p0 =	seq.s32 s7, s2  }
0x1e: {  	s7 =	smul.u32 @!p0 $0xF7A, s2;
	p2 =	seq.s32 @!p0 s5, $0x0  }
0x1f: {  	s9 =	smul.u32 $0xF7A, s1;
	s8 =	simm.s32 @!p0 $0x1BF5;
	p2 =	por !p2, p0  }
0x20: {  	[sflag:s8] =	ssyncset.s32 @!p0 $0xFFFFF086;
	s6 =	sadd.s32 @!p0 s3, s7;
	s7 =	simm.s32 @!p0 $0x108  }
0x21: {  	s3 =	sadd.s32 s3, s9;
	s6 =	sadd.s32 @!p0 $0x88, s6;
	s7 =	simm.s32 @p2 $0x1082  }
0x22: {  	[simem:s7], [sflag:s8] =	dma.local @!p0 [hbm:s6], $0xF7A  }
0x23: {  	s9 =	sor.u32 $0xD0000000, s2;
	s6 =	simm.s32 $0x108;
	_ =	swait.ge @!p0 [sflag:s8], $0x0  }
0x24: {  	s3 =	sadd.s32 $0x88, s3;
	s6 =	simm.s32 @!p1 $0x1082;
	[sflag:s4] =	ssyncset.s32 $0xFFFFF086  }
0x25: {  	[simem:s6], [sflag:s4] =	dma.local [hbm:s3], $0xF7A  }
0x26: {  	[smem:$0x3F8B] =	sst s1;
	(tag) =	ssettag s2;
	_ =	strace s9  }
0x27: {  	s1 =	sld [smem:$0x3F9B]  }
0x28: {  	s2 =	sld [smem:$0x3F9C]  }
0x29: {  	s4 =	sld [smem:$0x3F9E]  }
0x2a: {  	p0 =	seq.s32 s5, $0x0;
	s5 =	sld [smem:$0x3F9F]  }
0x2b: {  	s6 =	sld [smem:$0x3FA0]  }
0x2c: {  	s7 =	sld [smem:$0x3FA1]  }
0x2d: {  	s3 =	simm.s32 $0x108;
	s8 =	sld [smem:$0x3FA2]  }
0x2e: {  	s3 =	simm.s32 @!p0 $0x1082;
	s9 =	sld [smem:$0x3FA3]  }
0x2f: {  	lr =	sadd.s32 s0, s3;
	s0 =	sld [smem:$0x3F9A]  }
0x30: {  	s3 =	sld [smem:$0x3F9D]  }
0x31: {  	[smem:$0x3FA6] =	sst s10  }
0x32: {  	s10 =	sld [smem:$0x3FA4];
	_ =	sdelay $0x3  }
0x33: {  	p0 =	seq.s32 s10, $0x1;
	s10 =	sld [smem:$0x3FA6];
	_ =	sdelay $0x3  }
0x34: {  	[smem:$0x3FA6] =	sst s10  }
0x35: {  	s10 =	sld [smem:$0x3FA5];
	_ =	sdelay $0x3  }
0x36: {  	p1 =	seq.s32 s10, $0x1;
	s10 =	sld [smem:$0x3FA6];
	_ =	sdelay $0x3  }
0x37: {  	[smem:$0x3FA6] =	sst s10  }
0x38: {  	s10 =	sld [smem:$0x3FA7]  }
0x39: {  	_ = 	snop;
	(pc) =	sbr.ind lr, $3  }
0x3a: {  	_ = 	snop  }
0x3b: {  	_ = 	snop  }
0x3c: {  	p2 =	seq.s32 s10, $0x1;
	s10 =	sld [smem:$0x3FA6]  }
0x3d: {  	_ =	shalt  }
0x3e: {  	_ =	shalt  }
0x3f: {  	_ =	shalt  }
0x40: {  	_ =	shalt  }
0x41: {  	_ =	shalt  }
0x42: {  	_ =	shalt  }
0x43: {  	_ =	shalt  }
0x44: {  	_ =	shalt  }
0x45: {  	_ =	shalt  }
0x46: {  	_ =	shalt  }
0x47: {  	_ =	shalt  }
0x48: {  	_ =	shalt  }
0x49: {  	_ =	shalt  }
0x4a: {  	_ =	shalt  }
0x4b: {  	_ =	shalt  }
0x4c: {  	_ =	shalt  }
0x4d: {  	_ =	shalt  }
0x4e: {  	_ =	shalt  }
0x4f: {  	_ =	shalt  }
0x50: {  	_ =	shalt  }
0x51: {  	_ =	shalt  }
0x52: {  	_ =	shalt  }
0x53: {  	_ =	shalt  }
0x54: {  	_ =	shalt  }
0x55: {  	_ =	shalt  }
0x56: {  	_ =	shalt  }
0x57: {  	_ =	shalt  }
0x58: {  	_ =	shalt  }
0x59: {  	_ =	shalt  }
0x5a: {  	_ =	shalt  }
0x5b: {  	_ =	shalt  }
0x5c: {  	_ =	shalt  }
0x5d: {  	_ =	shalt  }
0x5e: {  	_ =	shalt  }
0x5f: {  	_ =	shalt  }
0x60: {  	_ =	shalt  }
0x61: {  	_ =	shalt  }
0x62: {  	_ =	shalt  }
0x63: {  	_ =	shalt  }
0x64: {  	_ =	shalt  }
0x65: {  	_ =	shalt  }
0x66: {  	_ =	shalt  }
0x67: {  	_ =	shalt  }
0x68: {  	_ =	shalt  }
0x69: {  	_ =	shalt  }
0x6a: {  	_ =	shalt  }
0x6b: {  	_ =	shalt  }
0x6c: {  	_ =	shalt  }
0x6d: {  	_ =	shalt  }
0x6e: {  	_ =	shalt  }
0x6f: {  	_ =	shalt  }
0x70: {  	_ =	shalt  }
0x71: {  	_ =	shalt  }
0x72: {  	_ =	shalt  }
0x73: {  	_ =	shalt  }
0x74: {  	_ =	shalt  }
0x75: {  	_ =	shalt  }
0x76: {  	_ =	shalt  }
0x77: {  	_ =	shalt  }
0x78: {  	_ =	shalt  }
0x79: {  	_ =	shalt  }
0x7a: {  	_ =	shalt  }
0x7b: {  	_ =	shalt  }
0x7c: {  	_ =	shalt  }
0x7d: {  	_ =	shalt  }
0x7e: {  	_ =	shalt  }
0x7f: {  	_ =	shalt  }
0x80: {  	_ =	shalt  }
0x81: {  	_ =	shalt  }
0x82: {  	_ =	shalt  }
0x83: {  	_ =	shalt  }
0x84: {  	_ =	shalt  }
0x85: {  	_ =	shalt  }
0x86: {  	_ =	shalt  }
0x87: {  	_ =	shalt  }
.Lfunc_end0:
.L_simem_size_0:
called_computation.1_lowered:
.L_overlay_start_0:
0x88: {  	s2 =	sld [smem:$0x3FD9]  }
0x89: {  	s3 =	sld [smem:$0x3FFE];
	_ =	sdelay $0x1  }
0x8a: {  	s1 =	srdreg.scid  }
0x8b: {  	s0 =	sand.u32 $0x1, s1  }
0x8c: {  	s16 =	sshll.u32 s0, $0xA;
	s2 =	sadd.s32 s3, s2  }
0x8d: {  	s2 =	sadd.s32 s2, s16  }
0x8e: {  	[smem:$0x3FB2] =	sst s2  }
0x8f: {  	_ = 	snop  }
0x90: {  	(tm) =	ssettm $0x1  }
0x91: {  	s17 =	sld [smem:$0x3FFB];
	_ =	sdelay $0x3  }
0x92: {  	_ =	strace s17  }
0x93: {  	s2 =	sld [smem:$0x3FFC];
	_ =	sdelay $0x3  }
0x94: {  	_ =	strace s2  }
0x95: {  	s2 =	sld [smem:$0x3FFD];
	_ =	sdelay $0x3  }
0x96: {  	_ =	strace s2  }
0x97: {  	_ =	strace $0x8FFFFFFF  }
0x98: {  	s18 =	sld [smem:$0x3FDB];
	_ =	sdelay $0x1  }
0x99: {  	s19 =	simm.s32 $_scs_section_size  }
0x9a: {  	s4 =	simm.s32 $_size__tile_overlayer_lowered;
	s5 =	simm.s32 $_tile_overlayer_lowered  }
0x9b: {  	s22 =	simm.s32 $0x1BFF;
	s21 =	sshll.u32 s5, $0x1;
	s2 =	sadd.s32 s19, s18  }
0x9c: {  	s6 =	simm.s32 $0x0;
	s20 =	sshll.u32 s4, $0x1;
	s4 =	sadd.s32 s21, s2  }
0x9d: {  	[timem:s6], [sflag:s22] =	dma.local [hbm:s4], s20  }
0x9e: {  	_ =	swait.ge [sflag:s22], s20  }
0x9f: {  	s3 =	ssub.s32 $0x0, s20;
	[sflag:s22] =	ssyncset.done $0x0  }
0xa0: {  	[sflag:s22] =	ssyncadd.s32 s3;
	_ =	sdelay $0x1  }
0xa1: {  	s23 =	simm.s32 $0x1B8B  }
0xa2: {  	_ =	swait.ge [sflag:s23], $0x1  }
0xa3: {  	[sflag:s23] =	ssyncset.done $0x0  }
0xa4: {  	s25 =	simm.s32 $0x1B8E;
	s24 =	sld [smem:$0x3FFE];
	[sflag:s23] =	ssyncadd.s32 $0xFFFFFFFF  }
0xa5: {  	s26 =	simm.s32 $execute0_lowered;
	[smem:$0x3FD2] =	sst s25  }
0xa6: {  	s4 =	sshll.u32 s26, $0x1;
	_ =	strace $0x80000049;
	[dreg:$0x1] =	wrdreg $0xFFFFFFFF  }
0xa7: {  	s28 =	simm.s32 $_size_execute0_lowered;
	s2 =	sadd.s32 s2, s4;
	[dreg:$0x0] =	wrdreg $0x0  }
0xa8: {  	s4 =	sshll.u32 s28, $0x1;
	[dreg:$0x2] =	wrdreg s2  }
0xa9: {  	[dreg:$0x3] =	wrdreg s4  }
0xaa: {  	[dreg:$0x4] =	wrdreg $0xC0  }
0xab: {  	_ =	task [dreg:s6], $0x5FFFF  }
0xac: {  	[dreg:$0x1] =	wrdreg $0xFFFFFFFF  }
0xad: {  	[dreg:$0x0] =	wrdreg $0x60  }
0xae: {  	[dreg:$0x2] =	wrdreg s24  }
0xaf: {  	[dreg:$0x3] =	wrdreg $0xBC000  }
0xb0: {  	[dreg:$0x4] =	wrdreg $0x9  }
0xb1: {  	_ =	task.clear_ibuf [dreg:s6], $0x5FFFF;
	_ =	strace $0x90000049  }
0xb2: {  	s29 =	simm.s32 $0x9;
	_ =	strace $0x8000004B  }
0xb3: {  	_ =	swait.ge [sflag:s29], $0x1  }
0xb4: {  	[sflag:s29] =	ssyncadd.s32 $0xFFFFFFFF  }
0xb5: {  	_ =	strace $0x9000004B  }
0xb6: {  	_ =	sfence  }
0xb7: {  	s30 =	sld [smem:$0x0];
	_ =	sdelay $0x2  }
0xb8: {  	s31 =	sshll.u32 s1, $0xD;
	s1 =	sshrl.u32 s1, $0x2  }
0xb9: {  	s3 =	sand.u32 $0x4000, s31;
	s1 =	sadd.s32 s1, s30  }
0xba: {  	s0 =	sor.u32 s3, s0;
	s1 =	sshll.u32 s1, $0x11  }
0xbb: {  	s0 =	sor.u32 s1, s0  }
0xbc: {  	s0 =	sadd.s32 $0x8F2B, s0  }
0xbd: {  	[sflag:s0] =	ssyncadd.remote.s32 $0x1  }
0xbe: {  	_ =	sfence.sel $0xFFFF  }
0xbf: {  	[dreg:$0x0] =	wrdreg $0xFFFFFFFF;
	(pc) =	sbr.abs _section_cstart, $3  }
0xc0: {  	[dreg:$0x1] =	wrdreg $0xFFFFFFFF  }
0xc1: {  	_ =	task.clear_ibuf [dreg:s6], $0x2FFFF;
	_ =	strace $0x9FFFFFFF  }
0xc2: {  	(tm) =	ssettm $0x7FFFFFFF  }
0xc3: {  	_ =	shalt  }
tec
execute0_lowered:
.L_overlay_start_1:
0x0: {  	(tag) =	ssettag $0x1  }
0x1: {  	s1 =	rddreg [dreg:$0x0]  }
0x2: {  	s2 =	rddreg [dreg:$0x1];
	s3 =	simm.s32 $0x0  }
0x3: {  	s25 =	simm.s32 $0x80;
	[smem:$0x7FF] =	sst s3  }
0x4: {  	s26 =	simm.s32 $0x100;
	_ =	strace $0x8000004A;
	[dreg:$0x5] =	wrdreg s25  }
0x5: {  	s6 =	simm.s32 $0x180;
	[dreg:$0x6] =	wrdreg s26  }
0x6: {  	s0 =	srdreg.scid;
	s7 =	simm.s32 $0x1100;
	[dreg:$0x8] =	wrdreg s6  }
0x7: {  	s9 =	stileid.u32;
	s8 =	simm.s32 $0x200;
	[dreg:$0x9] =	wrdreg s7  }
0x8: {  	s10 =	simm.s32 $0x1180;
	s11 =	simm.s32 $0x280;
	[dreg:$0xa] =	wrdreg s8  }
0x9: {  	s12 =	simm.s32 $0x1200;
	s13 =	simm.s32 $0x300;
	[dreg:$0xb] =	wrdreg s10  }
0xa: {  	s14 =	simm.s32 $0x1280;
	s15 =	simm.s32 $0x380;
	[dreg:$0xc] =	wrdreg s11  }
0xb: {  	s16 =	simm.s32 $0x1300;
	s17 =	simm.s32 $0x400;
	[dreg:$0xd] =	wrdreg s12  }
0xc: {  	s19 =	simm.s32 $0x1380;
	s21 =	simm.s32 $0x480;
	[dreg:$0xe] =	wrdreg s13  }
0xd: {  	s22 =	simm.s32 $0x1400;
	s28 =	simm.s32 $0xB00;
	[dreg:$0xf] =	wrdreg s14  }
0xe: {  	s29 =	simm.s32 $0x1A80;
	s30 =	simm.s32 $0xB80;
	[dreg:$0x10] =	wrdreg s15  }
0xf: {  	s31 =	simm.s32 $0x1B00;
	s0 =	sand.u32 $0x1, s0;
	[dreg:$0x11] =	wrdreg s16  }
0x10: {  	s4 =	sshll.u32 s9, $0xC;
	s20 =	smul.u32 $0x4F000, s9;
	[dreg:$0x12] =	wrdreg s17  }
0x11: {  	s5 =	sshll.u32 s0, $0xB;
	s6 =	smul.u32 $0x2780, s9;
	[dreg:$0x13] =	wrdreg s19  }
0x12: {  	s7 =	smul.u32 $0x27800, s0;
	s0 =	ssub.s32 $0x2, s0;
	[dreg:$0x14] =	wrdreg s21  }
0x13: {  	[dreg:$0x15] =	wrdreg s22;
	s25 =	simm.s32 $0x1480;
	s10 =	sshll.u32 s9, $0x6  }
0x14: {  	s11 =	simm.s32 $0x1500;
	s12 =	simm.s32 $0x600;
	s13 =	simm.s32 $0x1580  }
0x15: {  	s14 =	simm.s32 $0x680;
	s15 =	simm.s32 $0x1600;
	[dreg:$0x17] =	wrdreg s25  }
0x16: {  	s16 =	simm.s32 $0x700;
	s17 =	simm.s32 $0x1680;
	[dreg:$0x19] =	wrdreg s11  }
0x17: {  	s19 =	simm.s32 $0x1700;
	s21 =	simm.s32 $0x1780;
	[dreg:$0x1a] =	wrdreg s12  }
0x18: {  	s22 =	simm.s32 $0x880;
	s9 =	simm.s32 $0x0;
	[dreg:$0x1b] =	wrdreg s13  }
0x19: {  	s4 =	sor.u32 s5, s4;
	s5 =	simm.s32 $0x1080;
	[dreg:$0x1c] =	wrdreg s14  }
0x1a: {  	s18 =	sshrl.u32 s0, $0x1;
	s23 =	sshrl.u32 s20, $0x2;
	[dreg:$0x1d] =	wrdreg s15  }
0x1b: {  	s11 =	simm.s32 $0x1000;
	[dreg:$0x1e] =	wrdreg s16;
	s12 =	simm.s32 $0x64  }
0x1c: {  	[dreg:$0x1f] =	wrdreg s17;
	s13 =	simm.s32 $0x2000;
	s14 =	simm.s32 $0x5400  }
0x1d: {  	[smem:$0x7F4] =	sst s19;
	s20 =	simm.s32 $0x800;
	s15 =	simm.s32 $0x1  }
0x1e: {  	s16 =	simm.s32 $0x8800;
	[smem:$0x7F6] =	sst s21;
	s17 =	simm.s32 $0x2  }
0x1f: {  	[smem:$0x7F7] =	sst s22;
	s19 =	simm.s32 $0x3;
	s25 =	simm.s32 $0x1880  }
0x20: {  	s21 =	simm.s32 $0x6;
	s22 =	simm.s32 $0x1900;
	[dreg:$0x7] =	wrdreg s5  }
0x21: {  	s4 =	sadd.s32 s4, s1;
	s8 =	sadd.s32 s6, s1;
	[smem:$0x7F5] =	sst s20  }
0x22: {  	s0 =	ssub.s32 s0, s18;
	s18 =	simm.s32 $0x780;
	[smem:$0x7FA] =	sst s25  }
0x23: {  	s6 =	sadd.s32 s6, s7;
	s7 =	sor.u32 $0x1C07, s10;
	[smem:$0x7F3] =	sst s18  }
0x24: {  	s10 =	simm.s32 $0x7;
	s24 =	sadd.s32 $0x16C00, s4;
	[smem:$0x7FC] =	sst s7  }
0x25: {  	s20 =	simm.s32 $0x5;
	s4 =	sadd.s32 $0x26C00, s4;
	[dreg:$0x3] =	wrdreg s24  }
0x26: {  	s25 =	simm.s32 $0xA80;
	s26 =	sadd.s32 $0x36C00, s8;
	[dreg:$0x4] =	wrdreg s4  }
0x27: {  	s5 =	simm.s32 $0x1C00;
	s8 =	simm.s32 $0x580;
	[smem:$0x7F0] =	sst s26  }
0x28: {  	s0 =	smax.u32 s0, $0x1;
	s4 =	sadd.s32 $0x5E400, s1;
	[dreg:$0x18] =	wrdreg s8  }
0x29: {  	s1 =	sadd.s32 s6, s1;
	s24 =	simm.s32 $0x500;
	[smem:$0x7F2] =	sst s0  }
0x2a: {  	s6 =	sadd.s32 s23, s2;
	s23 =	simm.s32 $0x1800;
	[dreg:$0x16] =	wrdreg s24  }
0x2b: {  	s18 =	simm.s32 $0x4;
	s26 =	simm.s32 $0x980;
	[smem:$0x7F8] =	sst s23  }
0x2c: {  	s0 =	simm.s32 $0x1B80;
	s1 =	sadd.s32 $0x85600, s1;
	[smem:$0x7FB] =	sst s26  }
0x2d: {  	s8 =	sshrl.u32 s6, $0x3;
	s24 =	simm.s32 $0x900;
	[smem:$0x7F1] =	sst s1  }
0x2e: {  	s23 =	simm.s32 $0xA00;
	s26 =	simm.s32 $0x1A00;
	[smem:$0x7F9] =	sst s24  }
0x2f: {  	s24 =	simm.s32 $0x1980;
	s1 =	simm.s32 $0xC00;
	[smem:$0x7FD] =	sst s8  }
.LBB2_1:
0x30: {  	s6 =	sld [smem:$0x7F0];
	_ =	sdelay $0x1  }
0x31: {  	[smem:$0x7EF] =	sst s9  }
0x32: {  	[spmem:s8], [sflag:s7] =	dma.local [hbm:s6], $0x2780  }
0x33: {  	_ =	swait.ge [sflag:s10], $0x2780  }
0x34: {  	[sflag:s10] =	ssyncset.done $0x0  }
0x35: {  	[sflag:s10] =	ssyncadd.s32 $0xFFFFD880  }
0x36: {  	[bflag:$0x0] =	sbarrier.arrive $0xFFFF  }
0x37: {  	s8 =	rddreg [dreg:$0x3]  }
0x38: {  	s6 =	sadd.s32 $0x0, s8  }
0x39: {  	[tilespmem:s3], [sflag:$0x7] =	stream.linear.gather [hbm4b:s6+s3], $0xC80, $0x38;
	[tilespmem:$0x1F800] =	vst v63  }
0x3a: {  	_ =	swait.ge [sflag:s10], $0xC80  }
0x3b: {  	s9 =	rddreg [dreg:$0x4];
	[sflag:s10] =	ssyncset.done $0x0  }
0x3c: {  	[sflag:s10] =	ssyncadd.s32 $0xFFFFF380;
	s6 =	sadd.s32 $0x0, s9  }
0x3d: {  	[tilespmem:s11], [sflag:$0x7] =	stream.linear.gather [hbm4b:s6+s3], $0xC80, $0x38;
	[tilespmem:$0x1F800] =	vst v63  }
0x3e: {  	_ =	swait.ge [sflag:s10], $0xC80  }
0x3f: {  	[sflag:s10] =	ssyncset.done $0x0  }
0x40: {  	[sflag:s10] =	ssyncadd.s32 $0xFFFFF380  }
0x41: {  	[tilespmem:s13], [sflag:$0x1] =	stream.indirect.gather [hbm4b:s4+s12], $0x80, s3, s12, $0xb8;
	[tilespmem:$0x1F800] =	vst v63  }
0x42: {  	s7 =	rddreg [dreg:$0x5]  }
0x43: {  	[tilespmem:s14], [sflag:$0x2] =	stream.indirect.gather [hbm4b:s4+s12], $0x80, s7, s12, $0xb8;
	[tilespmem:$0x1F800] =	vst v63  }
0x44: {  	_ =	swait.ge [sflag:s15], $0x3200  }
0x45: {  	[sflag:s15] =	ssyncset.done $0x0  }
0x46: {  	[sflag:s15] =	ssyncadd.s32 $0xFFFFCE00  }
0x47: {  	[spmem:s2] =	stream.indirect.scatter.add.f32 [tilespmem:s13], [sflag:$0x4], $0x80, s11, s12, $0xb8;
	[tilespmem:$0x1F800] =	vst v63  }
0x48: {  	s8 =	rddreg [dreg:$0x6]  }
0x49: {  	[tilespmem:s16], [sflag:$0x3] =	stream.indirect.gather [hbm4b:s4+s12], $0x80, s8, s12, $0xb8;
	[tilespmem:$0x1F800] =	vst v63  }
0x4a: {  	_ =	swait.ge [sflag:s17], $0x3200  }
0x4b: {  	[sflag:s17] =	ssyncset.done $0x0  }
0x4c: {  	s9 =	rddreg [dreg:$0x7];
	[sflag:s17] =	ssyncadd.s32 $0xFFFFCE00  }
0x4d: {  	[spmem:s2] =	stream.indirect.scatter.add.f32 [tilespmem:s14], [sflag:$0x5], $0x80, s9, s12, $0xb8;
	[tilespmem:$0x1F800] =	vst v63  }
0x4e: {  	_ =	swait.ge [sflag:s18], $0x3200  }
0x4f: {  	[sflag:s18] =	ssyncset.done $0x0  }
0x50: {  	s7 =	rddreg [dreg:$0x8];
	[sflag:s18] =	ssyncadd.s32 $0xFFFFCE00  }
0x51: {  	[tilespmem:s13], [sflag:$0x1] =	stream.indirect.gather [hbm4b:s4+s12], $0x80, s7, s12, $0xb8;
	[tilespmem:$0x1F800] =	vst v63  }
0x52: {  	_ =	swait.ge [sflag:s19], $0x3200  }
0x53: {  	[sflag:s19] =	ssyncset.done $0x0  }
0x54: {  	s8 =	rddreg [dreg:$0x9];
	[sflag:s19] =	ssyncadd.s32 $0xFFFFCE00  }
0x55: {  	[spmem:s2] =	stream.indirect.scatter.add.f32 [tilespmem:s16], [sflag:$0x6], $0x80, s8, s12, $0xb8;
	[tilespmem:$0x1F800] =	vst v63  }
0x56: {  	_ =	swait.ge [sflag:s20], $0x3200  }
0x57: {  	[sflag:s20] =	ssyncset.done $0x0  }
0x58: {  	s9 =	rddreg [dreg:$0xa];
	[sflag:s20] =	ssyncadd.s32 $0xFFFFCE00  }
0x59: {  	[tilespmem:s14], [sflag:$0x2] =	stream.indirect.gather [hbm4b:s4+s12], $0x80, s9, s12, $0xb8;
	[tilespmem:$0x1F800] =	vst v63  }
0x5a: {  	_ =	swait.ge [sflag:s15], $0x3200  }
0x5b: {  	[sflag:s15] =	ssyncset.done $0x0  }
0x5c: {  	s7 =	rddreg [dreg:$0xb];
	[sflag:s15] =	ssyncadd.s32 $0xFFFFCE00  }
0x5d: {  	[spmem:s2] =	stream.indirect.scatter.add.f32 [tilespmem:s13], [sflag:$0x4], $0x80, s7, s12, $0xb8;
	[tilespmem:$0x1F800] =	vst v63  }
0x5e: {  	_ =	swait.ge [sflag:s21], $0x3200  }
0x5f: {  	[sflag:s21] =	ssyncset.done $0x0  }
0x60: {  	s8 =	rddreg [dreg:$0xc];
	[sflag:s21] =	ssyncadd.s32 $0xFFFFCE00  }
0x61: {  	[tilespmem:s16], [sflag:$0x3] =	stream.indirect.gather [hbm4b:s4+s12], $0x80, s8, s12, $0xb8;
	[tilespmem:$0x1F800] =	vst v63  }
0x62: {  	_ =	swait.ge [sflag:s17], $0x3200  }
0x63: {  	[sflag:s17] =	ssyncset.done $0x0  }
0x64: {  	s9 =	rddreg [dreg:$0xd];
	[sflag:s17] =	ssyncadd.s32 $0xFFFFCE00  }
0x65: {  	[spmem:s2] =	stream.indirect.scatter.add.f32 [tilespmem:s14], [sflag:$0x5], $0x80, s9, s12, $0xb8;
	[tilespmem:$0x1F800] =	vst v63  }
0x66: {  	_ =	swait.ge [sflag:s18], $0x3200  }
0x67: {  	[sflag:s18] =	ssyncset.done $0x0  }
0x68: {  	s7 =	rddreg [dreg:$0xe];
	[sflag:s18] =	ssyncadd.s32 $0xFFFFCE00  }
0x69: {  	[tilespmem:s13], [sflag:$0x1] =	stream.indirect.gather [hbm4b:s4+s12], $0x80, s7, s12, $0xb8;
	[tilespmem:$0x1F800] =	vst v63  }
0x6a: {  	_ =	swait.ge [sflag:s19], $0x3200  }
0x6b: {  	[sflag:s19] =	ssyncset.done $0x0  }
0x6c: {  	s8 =	rddreg [dreg:$0xf];
	[sflag:s19] =	ssyncadd.s32 $0xFFFFCE00  }
0x6d: {  	[spmem:s2] =	stream.indirect.scatter.add.f32 [tilespmem:s16], [sflag:$0x6], $0x80, s8, s12, $0xb8;
	[tilespmem:$0x1F800] =	vst v63  }
0x6e: {  	_ =	swait.ge [sflag:s20], $0x3200  }
0x6f: {  	[sflag:s20] =	ssyncset.done $0x0  }
0x70: {  	s9 =	rddreg [dreg:$0x10];
	[sflag:s20] =	ssyncadd.s32 $0xFFFFCE00  }
0x71: {  	[tilespmem:s14], [sflag:$0x2] =	stream.indirect.gather [hbm4b:s4+s12], $0x80, s9, s12, $0xb8;
	[tilespmem:$0x1F800] =	vst v63  }
0x72: {  	_ =	swait.ge [sflag:s15], $0x3200  }
0x73: {  	[sflag:s15] =	ssyncset.done $0x0  }
0x74: {  	s7 =	rddreg [dreg:$0x11];
	[sflag:s15] =	ssyncadd.s32 $0xFFFFCE00  }
0x75: {  	[spmem:s2] =	stream.indirect.scatter.add.f32 [tilespmem:s13], [sflag:$0x4], $0x80, s7, s12, $0xb8;
	[tilespmem:$0x1F800] =	vst v63  }
0x76: {  	_ =	swait.ge [sflag:s21], $0x3200  }
0x77: {  	[sflag:s21] =	ssyncset.done $0x0  }
0x78: {  	s8 =	rddreg [dreg:$0x12];
	[sflag:s21] =	ssyncadd.s32 $0xFFFFCE00  }
0x79: {  	[tilespmem:s16], [sflag:$0x3] =	stream.indirect.gather [hbm4b:s4+s12], $0x80, s8, s12, $0xb8;
	[tilespmem:$0x1F800] =	vst v63  }
0x7a: {  	_ =	swait.ge [sflag:s17], $0x3200  }
0x7b: {  	[sflag:s17] =	ssyncset.done $0x0  }
0x7c: {  	s9 =	rddreg [dreg:$0x13];
	[sflag:s17] =	ssyncadd.s32 $0xFFFFCE00  }
0x7d: {  	[spmem:s2] =	stream.indirect.scatter.add.f32 [tilespmem:s14], [sflag:$0x5], $0x80, s9, s12, $0xb8;
	[tilespmem:$0x1F800] =	vst v63  }
0x7e: {  	_ =	swait.ge [sflag:s18], $0x3200  }
0x7f: {  	[sflag:s18] =	ssyncset.done $0x0  }
0x80: {  	s7 =	rddreg [dreg:$0x14];
	[sflag:s18] =	ssyncadd.s32 $0xFFFFCE00  }
0x81: {  	[tilespmem:s13], [sflag:$0x1] =	stream.indirect.gather [hbm4b:s4+s12], $0x80, s7, s12, $0xb8;
	[tilespmem:$0x1F800] =	vst v63  }
0x82: {  	_ =	swait.ge [sflag:s19], $0x3200  }
0x83: {  	[sflag:s19] =	ssyncset.done $0x0  }
0x84: {  	s8 =	rddreg [dreg:$0x15];
	[sflag:s19] =	ssyncadd.s32 $0xFFFFCE00  }
0x85: {  	[spmem:s2] =	stream.indirect.scatter.add.f32 [tilespmem:s16], [sflag:$0x6], $0x80, s8, s12, $0xb8;
	[tilespmem:$0x1F800] =	vst v63  }
0x86: {  	_ =	swait.ge [sflag:s20], $0x3200  }
0x87: {  	[sflag:s20] =	ssyncset.done $0x0  }
0x88: {  	s9 =	rddreg [dreg:$0x16];
	[sflag:s20] =	ssyncadd.s32 $0xFFFFCE00  }
0x89: {  	[tilespmem:s14], [sflag:$0x2] =	stream.indirect.gather [hbm4b:s4+s12], $0x80, s9, s12, $0xb8;
	[tilespmem:$0x1F800] =	vst v63  }
0x8a: {  	_ =	swait.ge [sflag:s15], $0x3200  }
0x8b: {  	[sflag:s15] =	ssyncset.done $0x0  }
0x8c: {  	s7 =	rddreg [dreg:$0x17];
	[sflag:s15] =	ssyncadd.s32 $0xFFFFCE00  }
0x8d: {  	[spmem:s2] =	stream.indirect.scatter.add.f32 [tilespmem:s13], [sflag:$0x4], $0x80, s7, s12, $0xb8;
	[tilespmem:$0x1F800] =	vst v63  }
0x8e: {  	_ =	swait.ge [sflag:s21], $0x3200  }
0x8f: {  	[sflag:s21] =	ssyncset.done $0x0  }
0x90: {  	s8 =	rddreg [dreg:$0x18];
	[sflag:s21] =	ssyncadd.s32 $0xFFFFCE00  }
0x91: {  	[tilespmem:s16], [sflag:$0x3] =	stream.indirect.gather [hbm4b:s4+s12], $0x80, s8, s12, $0xb8;
	[tilespmem:$0x1F800] =	vst v63  }
0x92: {  	_ =	swait.ge [sflag:s17], $0x3200  }
0x93: {  	[sflag:s17] =	ssyncset.done $0x0  }
0x94: {  	s9 =	rddreg [dreg:$0x19];
	[sflag:s17] =	ssyncadd.s32 $0xFFFFCE00  }
0x95: {  	[spmem:s2] =	stream.indirect.scatter.add.f32 [tilespmem:s14], [sflag:$0x5], $0x80, s9, s12, $0xb8;
	[tilespmem:$0x1F800] =	vst v63  }
0x96: {  	_ =	swait.ge [sflag:s18], $0x3200  }
0x97: {  	[sflag:s18] =	ssyncset.done $0x0  }
0x98: {  	s7 =	rddreg [dreg:$0x1a];
	[sflag:s18] =	ssyncadd.s32 $0xFFFFCE00  }
0x99: {  	[tilespmem:s13], [sflag:$0x1] =	stream.indirect.gather [hbm4b:s4+s12], $0x80, s7, s12, $0xb8;
	[tilespmem:$0x1F800] =	vst v63  }
0x9a: {  	_ =	swait.ge [sflag:s19], $0x3200  }
0x9b: {  	[sflag:s19] =	ssyncset.done $0x0  }
0x9c: {  	s8 =	rddreg [dreg:$0x1b];
	[sflag:s19] =	ssyncadd.s32 $0xFFFFCE00  }
0x9d: {  	[spmem:s2] =	stream.indirect.scatter.add.f32 [tilespmem:s16], [sflag:$0x6], $0x80, s8, s12, $0xb8;
	[tilespmem:$0x1F800] =	vst v63  }
0x9e: {  	_ =	swait.ge [sflag:s20], $0x3200  }
0x9f: {  	[sflag:s20] =	ssyncset.done $0x0  }
0xa0: {  	s9 =	rddreg [dreg:$0x1c];
	[sflag:s20] =	ssyncadd.s32 $0xFFFFCE00  }
0xa1: {  	[tilespmem:s14], [sflag:$0x2] =	stream.indirect.gather [hbm4b:s4+s12], $0x80, s9, s12, $0xb8;
	[tilespmem:$0x1F800] =	vst v63  }
0xa2: {  	_ =	swait.ge [sflag:s15], $0x3200  }
0xa3: {  	[sflag:s15] =	ssyncset.done $0x0  }
0xa4: {  	s7 =	rddreg [dreg:$0x1d];
	[sflag:s15] =	ssyncadd.s32 $0xFFFFCE00  }
0xa5: {  	[spmem:s2] =	stream.indirect.scatter.add.f32 [tilespmem:s13], [sflag:$0x4], $0x80, s7, s12, $0xb8;
	[tilespmem:$0x1F800] =	vst v63  }
0xa6: {  	_ =	swait.ge [sflag:s21], $0x3200  }
0xa7: {  	[sflag:s21] =	ssyncset.done $0x0  }
0xa8: {  	s8 =	rddreg [dreg:$0x1e];
	[sflag:s21] =	ssyncadd.s32 $0xFFFFCE00  }
0xa9: {  	[tilespmem:s16], [sflag:$0x3] =	stream.indirect.gather [hbm4b:s4+s12], $0x80, s8, s12, $0xb8;
	[tilespmem:$0x1F800] =	vst v63  }
0xaa: {  	_ =	swait.ge [sflag:s17], $0x3200  }
0xab: {  	[sflag:s17] =	ssyncset.done $0x0  }
0xac: {  	s9 =	rddreg [dreg:$0x1f];
	[sflag:s17] =	ssyncadd.s32 $0xFFFFCE00  }
0xad: {  	[spmem:s2] =	stream.indirect.scatter.add.f32 [tilespmem:s14], [sflag:$0x5], $0x80, s9, s12, $0xb8;
	[tilespmem:$0x1F800] =	vst v63  }
0xae: {  	_ =	swait.ge [sflag:s18], $0x3200  }
0xaf: {  	s7 =	sld [smem:$0x7F3]  }
0xb0: {  	[sflag:s18] =	ssyncset.done $0x0  }
0xb1: {  	[sflag:s18] =	ssyncadd.s32 $0xFFFFCE00  }
0xb2: {  	[tilespmem:s13], [sflag:$0x1] =	stream.indirect.gather [hbm4b:s4+s12], $0x80, s7, s12, $0xb8;
	[tilespmem:$0x1F800] =	vst v63  }
0xb3: {  	_ =	swait.ge [sflag:s19], $0x3200  }
0xb4: {  	s8 =	sld [smem:$0x7F4]  }
0xb5: {  	[sflag:s19] =	ssyncset.done $0x0  }
0xb6: {  	[sflag:s19] =	ssyncadd.s32 $0xFFFFCE00  }
0xb7: {  	[spmem:s2] =	stream.indirect.scatter.add.f32 [tilespmem:s16], [sflag:$0x6], $0x80, s8, s12, $0xb8;
	[tilespmem:$0x1F800] =	vst v63  }
0xb8: {  	_ =	swait.ge [sflag:s20], $0x3200  }
0xb9: {  	s9 =	sld [smem:$0x7F5]  }
0xba: {  	[sflag:s20] =	ssyncset.done $0x0  }
0xbb: {  	[sflag:s20] =	ssyncadd.s32 $0xFFFFCE00  }
0xbc: {  	[tilespmem:s14], [sflag:$0x2] =	stream.indirect.gather [hbm4b:s4+s12], $0x80, s9, s12, $0xb8;
	[tilespmem:$0x1F800] =	vst v63  }
0xbd: {  	_ =	swait.ge [sflag:s15], $0x3200  }
0xbe: {  	s7 =	sld [smem:$0x7F6]  }
0xbf: {  	[sflag:s15] =	ssyncset.done $0x0  }
0xc0: {  	[sflag:s15] =	ssyncadd.s32 $0xFFFFCE00  }
0xc1: {  	[spmem:s2] =	stream.indirect.scatter.add.f32 [tilespmem:s13], [sflag:$0x4], $0x80, s7, s12, $0xb8;
	[tilespmem:$0x1F800] =	vst v63  }
0xc2: {  	_ =	swait.ge [sflag:s21], $0x3200  }
0xc3: {  	s8 =	sld [smem:$0x7F7]  }
0xc4: {  	[sflag:s21] =	ssyncset.done $0x0  }
0xc5: {  	[sflag:s21] =	ssyncadd.s32 $0xFFFFCE00  }
0xc6: {  	[tilespmem:s16], [sflag:$0x3] =	stream.indirect.gather [hbm4b:s4+s12], $0x80, s8, s12, $0xb8;
	[tilespmem:$0x1F800] =	vst v63  }
0xc7: {  	_ =	swait.ge [sflag:s17], $0x3200  }
0xc8: {  	s9 =	sld [smem:$0x7F8]  }
0xc9: {  	[sflag:s17] =	ssyncset.done $0x0  }
0xca: {  	[sflag:s17] =	ssyncadd.s32 $0xFFFFCE00  }
0xcb: {  	[spmem:s2] =	stream.indirect.scatter.add.f32 [tilespmem:s14], [sflag:$0x5], $0x80, s9, s12, $0xb8;
	[tilespmem:$0x1F800] =	vst v63  }
0xcc: {  	_ =	swait.ge [sflag:s18], $0x3200  }
0xcd: {  	s7 =	sld [smem:$0x7F9]  }
0xce: {  	[sflag:s18] =	ssyncset.done $0x0  }
0xcf: {  	[sflag:s18] =	ssyncadd.s32 $0xFFFFCE00  }
0xd0: {  	[tilespmem:s13], [sflag:$0x1] =	stream.indirect.gather [hbm4b:s4+s12], $0x80, s7, s12, $0xb8;
	[tilespmem:$0x1F800] =	vst v63  }
0xd1: {  	_ =	swait.ge [sflag:s19], $0x3200  }
0xd2: {  	s8 =	sld [smem:$0x7FA]  }
0xd3: {  	[sflag:s19] =	ssyncset.done $0x0  }
0xd4: {  	[sflag:s19] =	ssyncadd.s32 $0xFFFFCE00  }
0xd5: {  	[spmem:s2] =	stream.indirect.scatter.add.f32 [tilespmem:s16], [sflag:$0x6], $0x80, s8, s12, $0xb8;
	[tilespmem:$0x1F800] =	vst v63  }
0xd6: {  	_ =	swait.ge [sflag:s20], $0x3200  }
0xd7: {  	s9 =	sld [smem:$0x7FB]  }
0xd8: {  	[sflag:s20] =	ssyncset.done $0x0  }
0xd9: {  	[sflag:s20] =	ssyncadd.s32 $0xFFFFCE00  }
0xda: {  	[tilespmem:s14], [sflag:$0x2] =	stream.indirect.gather [hbm4b:s4+s12], $0x80, s9, s12, $0xb8;
	[tilespmem:$0x1F800] =	vst v63  }
0xdb: {  	_ =	swait.ge [sflag:s15], $0x3200  }
0xdc: {  	[sflag:s15] =	ssyncset.done $0x0  }
0xdd: {  	[sflag:s15] =	ssyncadd.s32 $0xFFFFCE00  }
0xde: {  	[spmem:s2] =	stream.indirect.scatter.add.f32 [tilespmem:s13], [sflag:$0x4], $0x80, s22, s12, $0xb8;
	[tilespmem:$0x1F800] =	vst v63  }
0xdf: {  	_ =	swait.ge [sflag:s21], $0x3200  }
0xe0: {  	[sflag:s21] =	ssyncset.done $0x0  }
0xe1: {  	[sflag:s21] =	ssyncadd.s32 $0xFFFFCE00  }
0xe2: {  	[tilespmem:s16], [sflag:$0x3] =	stream.indirect.gather [hbm4b:s4+s12], $0x80, s23, s12, $0xb8;
	[tilespmem:$0x1F800] =	vst v63  }
0xe3: {  	_ =	swait.ge [sflag:s17], $0x3200  }
0xe4: {  	[sflag:s17] =	ssyncset.done $0x0  }
0xe5: {  	[sflag:s17] =	ssyncadd.s32 $0xFFFFCE00  }
0xe6: {  	[spmem:s2] =	stream.indirect.scatter.add.f32 [tilespmem:s14], [sflag:$0x5], $0x80, s24, s12, $0xb8;
	[tilespmem:$0x1F800] =	vst v63  }
0xe7: {  	_ =	swait.ge [sflag:s18], $0x3200  }
0xe8: {  	[sflag:s18] =	ssyncset.done $0x0  }
0xe9: {  	[sflag:s18] =	ssyncadd.s32 $0xFFFFCE00  }
0xea: {  	[tilespmem:s13], [sflag:$0x1] =	stream.indirect.gather [hbm4b:s4+s12], $0x80, s25, s12, $0xb8;
	[tilespmem:$0x1F800] =	vst v63  }
0xeb: {  	_ =	swait.ge [sflag:s19], $0x3200  }
0xec: {  	[sflag:s19] =	ssyncset.done $0x0  }
0xed: {  	[sflag:s19] =	ssyncadd.s32 $0xFFFFCE00  }
0xee: {  	[spmem:s2] =	stream.indirect.scatter.add.f32 [tilespmem:s16], [sflag:$0x6], $0x80, s26, s12, $0xb8;
	[tilespmem:$0x1F800] =	vst v63  }
0xef: {  	_ =	swait.ge [sflag:s20], $0x3200  }
0xf0: {  	[sflag:s20] =	ssyncset.done $0x0  }
0xf1: {  	[sflag:s20] =	ssyncadd.s32 $0xFFFFCE00  }
0xf2: {  	[tilespmem:s14], [sflag:$0x2] =	stream.indirect.gather [hbm4b:s4+s12], $0x80, s28, s12, $0xb8;
	[tilespmem:$0x1F800] =	vst v63  }
0xf3: {  	_ =	swait.ge [sflag:s15], $0x3200  }
0xf4: {  	[sflag:s15] =	ssyncset.done $0x0  }
0xf5: {  	[sflag:s15] =	ssyncadd.s32 $0xFFFFCE00  }
0xf6: {  	[spmem:s2] =	stream.indirect.scatter.add.f32 [tilespmem:s13], [sflag:$0x4], $0x80, s29, s12, $0xb8;
	[tilespmem:$0x1F800] =	vst v63  }
0xf7: {  	_ =	swait.ge [sflag:s21], $0x3200  }
0xf8: {  	[sflag:s21] =	ssyncset.done $0x0  }
0xf9: {  	[sflag:s21] =	ssyncadd.s32 $0xFFFFCE00  }
0xfa: {  	[tilespmem:s16], [sflag:$0x3] =	stream.indirect.gather [hbm4b:s4+s12], $0x80, s30, s12, $0xb8;
	[tilespmem:$0x1F800] =	vst v63  }
0xfb: {  	_ =	swait.ge [sflag:s17], $0x3200  }
0xfc: {  	[sflag:s17] =	ssyncset.done $0x0  }
0xfd: {  	[sflag:s17] =	ssyncadd.s32 $0xFFFFCE00  }
0xfe: {  	[spmem:s2] =	stream.indirect.scatter.add.f32 [tilespmem:s14], [sflag:$0x5], $0x80, s31, s12, $0xb8;
	[tilespmem:$0x1F800] =	vst v63  }
0xff: {  	_ =	swait.ge [sflag:s18], $0x3200  }
0x100: {  	[sflag:s18] =	ssyncset.done $0x0  }
0x101: {  	[sflag:s18] =	ssyncadd.s32 $0xFFFFCE00  }
0x102: {  	[tilespmem:s13], [sflag:$0x1] =	stream.indirect.gather [hbm4b:s4+s12], $0x80, s1, s12, $0xb8;
	[tilespmem:$0x1F800] =	vst v63  }
0x103: {  	_ =	swait.ge [sflag:s19], $0x3200  }
0x104: {  	[sflag:s19] =	ssyncset.done $0x0  }
0x105: {  	[sflag:s19] =	ssyncadd.s32 $0xFFFFCE00  }
0x106: {  	[spmem:s2] =	stream.indirect.scatter.add.f32 [tilespmem:s16], [sflag:$0x6], $0x80, s0, s12, $0xb8;
	[tilespmem:$0x1F800] =	vst v63  }
0x107: {  	_ =	swait.ge [sflag:s20], $0x3200  }
0x108: {  	[sflag:s20] =	ssyncset.done $0x0  }
0x109: {  	[sflag:s20] =	ssyncadd.s32 $0xFFFFCE00  }
0x10a: {  	_ =	swait.ge [sflag:s15], $0x3200  }
0x10b: {  	[sflag:s15] =	ssyncset.done $0x0  }
0x10c: {  	[sflag:s15] =	ssyncadd.s32 $0xFFFFCE00  }
0x10d: {  	[spmem:s2] =	stream.indirect.scatter.add.f32 [tilespmem:s13], [sflag:$0x4], $0x80, s5, s12, $0xb8;
	[tilespmem:$0x1F800] =	vst v63  }
0x10e: {  	_ =	swait.ge [sflag:s21], $0x3200  }
0x10f: {  	[sflag:s21] =	ssyncset.done $0x0  }
0x110: {  	[sflag:s21] =	ssyncadd.s32 $0xFFFFCE00  }
0x111: {  	s6 =	simm.s32 $0x400;
	_ =	swait.ge [sflag:s18], $0x3200  }
0x112: {  	s8 =	simm.s32 $0x200;
	s9 =	rddreg [dreg:$0x3];
	[sflag:s18] =	ssyncset.done $0x0  }
.LBB2_2:
0x113: {  	[sflag:s18] =	ssyncadd.s32 $0xFFFFCE00;
	s9 =	sadd.s32 s8, s9  }
0x114: {  	[tilespmem:s3], [sflag:$0x7] =	stream.linear.gather [hbm4b:s9+s3], $0xC80, $0x38;
	[tilespmem:$0x1F800] =	vst v63  }
0x115: {  	_ =	swait.ge [sflag:s10], $0xC80  }
0x116: {  	s9 =	rddreg [dreg:$0x4];
	[sflag:s10] =	ssyncset.done $0x0  }
0x117: {  	[sflag:s10] =	ssyncadd.s32 $0xFFFFF380;
	s9 =	sadd.s32 s8, s9  }
0x118: {  	[tilespmem:s11], [sflag:$0x7] =	stream.linear.gather [hbm4b:s9+s3], $0xC80, $0x38;
	[tilespmem:$0x1F800] =	vst v63  }
0x119: {  	_ =	swait.ge [sflag:s10], $0xC80  }
0x11a: {  	[sflag:s10] =	ssyncset.done $0x0  }
0x11b: {  	[sflag:s10] =	ssyncadd.s32 $0xFFFFF380  }
0x11c: {  	[tilespmem:s13], [sflag:$0x1] =	stream.indirect.gather [hbm4b:s4+s12], $0x80, s3, s12, $0xb8;
	[tilespmem:$0x1F800] =	vst v63  }
0x11d: {  	s9 =	rddreg [dreg:$0x5]  }
0x11e: {  	[tilespmem:s14], [sflag:$0x2] =	stream.indirect.gather [hbm4b:s4+s12], $0x80, s9, s12, $0xb8;
	[tilespmem:$0x1F800] =	vst v63  }
0x11f: {  	_ =	swait.ge [sflag:s15], $0x3200  }
0x120: {  	[sflag:s15] =	ssyncset.done $0x0  }
0x121: {  	[sflag:s15] =	ssyncadd.s32 $0xFFFFCE00  }
0x122: {  	[spmem:s2] =	stream.indirect.scatter.add.f32 [tilespmem:s13], [sflag:$0x4], $0x80, s11, s12, $0xb8;
	[tilespmem:$0x1F800] =	vst v63  }
0x123: {  	s9 =	rddreg [dreg:$0x6]  }
0x124: {  	[tilespmem:s16], [sflag:$0x3] =	stream.indirect.gather [hbm4b:s4+s12], $0x80, s9, s12, $0xb8;
	[tilespmem:$0x1F800] =	vst v63  }
0x125: {  	_ =	swait.ge [sflag:s17], $0x3200  }
0x126: {  	[sflag:s17] =	ssyncset.done $0x0  }
0x127: {  	s9 =	rddreg [dreg:$0x7];
	[sflag:s17] =	ssyncadd.s32 $0xFFFFCE00  }
0x128: {  	[spmem:s2] =	stream.indirect.scatter.add.f32 [tilespmem:s14], [sflag:$0x5], $0x80, s9, s12, $0xb8;
	[tilespmem:$0x1F800] =	vst v63  }
0x129: {  	_ =	swait.ge [sflag:s18], $0x3200  }
0x12a: {  	[sflag:s18] =	ssyncset.done $0x0  }
0x12b: {  	s9 =	rddreg [dreg:$0x8];
	[sflag:s18] =	ssyncadd.s32 $0xFFFFCE00  }
0x12c: {  	[tilespmem:s13], [sflag:$0x1] =	stream.indirect.gather [hbm4b:s4+s12], $0x80, s9, s12, $0xb8;
	[tilespmem:$0x1F800] =	vst v63  }
0x12d: {  	_ =	swait.ge [sflag:s19], $0x3200  }
0x12e: {  	[sflag:s19] =	ssyncset.done $0x0  }
0x12f: {  	s9 =	rddreg [dreg:$0x9];
	[sflag:s19] =	ssyncadd.s32 $0xFFFFCE00  }
0x130: {  	[spmem:s2] =	stream.indirect.scatter.add.f32 [tilespmem:s16], [sflag:$0x6], $0x80, s9, s12, $0xb8;
	[tilespmem:$0x1F800] =	vst v63  }
0x131: {  	_ =	swait.ge [sflag:s20], $0x3200  }
0x132: {  	[sflag:s20] =	ssyncset.done $0x0  }
0x133: {  	s9 =	rddreg [dreg:$0xa];
	[sflag:s20] =	ssyncadd.s32 $0xFFFFCE00  }
0x134: {  	[tilespmem:s14], [sflag:$0x2] =	stream.indirect.gather [hbm4b:s4+s12], $0x80, s9, s12, $0xb8;
	[tilespmem:$0x1F800] =	vst v63  }
0x135: {  	_ =	swait.ge [sflag:s15], $0x3200  }
0x136: {  	[sflag:s15] =	ssyncset.done $0x0  }
0x137: {  	s9 =	rddreg [dreg:$0xb];
	[sflag:s15] =	ssyncadd.s32 $0xFFFFCE00  }
0x138: {  	[spmem:s2] =	stream.indirect.scatter.add.f32 [tilespmem:s13], [sflag:$0x4], $0x80, s9, s12, $0xb8;
	[tilespmem:$0x1F800] =	vst v63  }
0x139: {  	_ =	swait.ge [sflag:s21], $0x3200  }
0x13a: {  	[sflag:s21] =	ssyncset.done $0x0  }
0x13b: {  	s9 =	rddreg [dreg:$0xc];
	[sflag:s21] =	ssyncadd.s32 $0xFFFFCE00  }
0x13c: {  	[tilespmem:s16], [sflag:$0x3] =	stream.indirect.gather [hbm4b:s4+s12], $0x80, s9, s12, $0xb8;
	[tilespmem:$0x1F800] =	vst v63  }
0x13d: {  	_ =	swait.ge [sflag:s17], $0x3200  }
0x13e: {  	[sflag:s17] =	ssyncset.done $0x0  }
0x13f: {  	s9 =	rddreg [dreg:$0xd];
	[sflag:s17] =	ssyncadd.s32 $0xFFFFCE00  }
0x140: {  	[spmem:s2] =	stream.indirect.scatter.add.f32 [tilespmem:s14], [sflag:$0x5], $0x80, s9, s12, $0xb8;
	[tilespmem:$0x1F800] =	vst v63  }
0x141: {  	_ =	swait.ge [sflag:s18], $0x3200  }
0x142: {  	[sflag:s18] =	ssyncset.done $0x0  }
0x143: {  	s9 =	rddreg [dreg:$0xe];
	[sflag:s18] =	ssyncadd.s32 $0xFFFFCE00  }
0x144: {  	[tilespmem:s13], [sflag:$0x1] =	stream.indirect.gather [hbm4b:s4+s12], $0x80, s9, s12, $0xb8;
	[tilespmem:$0x1F800] =	vst v63  }
0x145: {  	_ =	swait.ge [sflag:s19], $0x3200  }
0x146: {  	[sflag:s19] =	ssyncset.done $0x0  }
0x147: {  	s9 =	rddreg [dreg:$0xf];
	[sflag:s19] =	ssyncadd.s32 $0xFFFFCE00  }
0x148: {  	[spmem:s2] =	stream.indirect.scatter.add.f32 [tilespmem:s16], [sflag:$0x6], $0x80, s9, s12, $0xb8;
	[tilespmem:$0x1F800] =	vst v63  }
0x149: {  	_ =	swait.ge [sflag:s20], $0x3200  }
0x14a: {  	[sflag:s20] =	ssyncset.done $0x0  }
0x14b: {  	s9 =	rddreg [dreg:$0x10];
	[sflag:s20] =	ssyncadd.s32 $0xFFFFCE00  }
0x14c: {  	[tilespmem:s14], [sflag:$0x2] =	stream.indirect.gather [hbm4b:s4+s12], $0x80, s9, s12, $0xb8;
	[tilespmem:$0x1F800] =	vst v63  }
0x14d: {  	_ =	swait.ge [sflag:s15], $0x3200  }
0x14e: {  	[sflag:s15] =	ssyncset.done $0x0  }
0x14f: {  	s9 =	rddreg [dreg:$0x11];
	[sflag:s15] =	ssyncadd.s32 $0xFFFFCE00  }
0x150: {  	[spmem:s2] =	stream.indirect.scatter.add.f32 [tilespmem:s13], [sflag:$0x4], $0x80, s9, s12, $0xb8;
	[tilespmem:$0x1F800] =	vst v63  }
0x151: {  	_ =	swait.ge [sflag:s21], $0x3200  }
0x152: {  	[sflag:s21] =	ssyncset.done $0x0  }
0x153: {  	s9 =	rddreg [dreg:$0x12];
	[sflag:s21] =	ssyncadd.s32 $0xFFFFCE00  }
0x154: {  	[tilespmem:s16], [sflag:$0x3] =	stream.indirect.gather [hbm4b:s4+s12], $0x80, s9, s12, $0xb8;
	[tilespmem:$0x1F800] =	vst v63  }
0x155: {  	_ =	swait.ge [sflag:s17], $0x3200  }
0x156: {  	[sflag:s17] =	ssyncset.done $0x0  }
0x157: {  	s9 =	rddreg [dreg:$0x13];
	[sflag:s17] =	ssyncadd.s32 $0xFFFFCE00  }
0x158: {  	[spmem:s2] =	stream.indirect.scatter.add.f32 [tilespmem:s14], [sflag:$0x5], $0x80, s9, s12, $0xb8;
	[tilespmem:$0x1F800] =	vst v63  }
0x159: {  	_ =	swait.ge [sflag:s18], $0x3200  }
0x15a: {  	[sflag:s18] =	ssyncset.done $0x0  }
0x15b: {  	s9 =	rddreg [dreg:$0x14];
	[sflag:s18] =	ssyncadd.s32 $0xFFFFCE00  }
0x15c: {  	[tilespmem:s13], [sflag:$0x1] =	stream.indirect.gather [hbm4b:s4+s12], $0x80, s9, s12, $0xb8;
	[tilespmem:$0x1F800] =	vst v63  }
0x15d: {  	_ =	swait.ge [sflag:s19], $0x3200  }
0x15e: {  	[sflag:s19] =	ssyncset.done $0x0  }
0x15f: {  	s9 =	rddreg [dreg:$0x15];
	[sflag:s19] =	ssyncadd.s32 $0xFFFFCE00  }
0x160: {  	[spmem:s2] =	stream.indirect.scatter.add.f32 [tilespmem:s16], [sflag:$0x6], $0x80, s9, s12, $0xb8;
	[tilespmem:$0x1F800] =	vst v63  }
0x161: {  	_ =	swait.ge [sflag:s20], $0x3200  }
0x162: {  	[sflag:s20] =	ssyncset.done $0x0  }
0x163: {  	s9 =	rddreg [dreg:$0x16];
	[sflag:s20] =	ssyncadd.s32 $0xFFFFCE00  }
0x164: {  	[tilespmem:s14], [sflag:$0x2] =	stream.indirect.gather [hbm4b:s4+s12], $0x80, s9, s12, $0xb8;
	[tilespmem:$0x1F800] =	vst v63  }
0x165: {  	_ =	swait.ge [sflag:s15], $0x3200  }
0x166: {  	[sflag:s15] =	ssyncset.done $0x0  }
0x167: {  	s9 =	rddreg [dreg:$0x17];
	[sflag:s15] =	ssyncadd.s32 $0xFFFFCE00  }
0x168: {  	[spmem:s2] =	stream.indirect.scatter.add.f32 [tilespmem:s13], [sflag:$0x4], $0x80, s9, s12, $0xb8;
	[tilespmem:$0x1F800] =	vst v63  }
0x169: {  	_ =	swait.ge [sflag:s21], $0x3200  }
0x16a: {  	[sflag:s21] =	ssyncset.done $0x0  }
0x16b: {  	s9 =	rddreg [dreg:$0x18];
	[sflag:s21] =	ssyncadd.s32 $0xFFFFCE00  }
0x16c: {  	[tilespmem:s16], [sflag:$0x3] =	stream.indirect.gather [hbm4b:s4+s12], $0x80, s9, s12, $0xb8;
	[tilespmem:$0x1F800] =	vst v63  }
0x16d: {  	_ =	swait.ge [sflag:s17], $0x3200  }
0x16e: {  	[sflag:s17] =	ssyncset.done $0x0  }
0x16f: {  	s9 =	rddreg [dreg:$0x19];
	[sflag:s17] =	ssyncadd.s32 $0xFFFFCE00  }
0x170: {  	[spmem:s2] =	stream.indirect.scatter.add.f32 [tilespmem:s14], [sflag:$0x5], $0x80, s9, s12, $0xb8;
	[tilespmem:$0x1F800] =	vst v63  }
0x171: {  	_ =	swait.ge [sflag:s18], $0x3200  }
0x172: {  	[sflag:s18] =	ssyncset.done $0x0  }
0x173: {  	s9 =	rddreg [dreg:$0x1a];
	[sflag:s18] =	ssyncadd.s32 $0xFFFFCE00  }
0x174: {  	[tilespmem:s13], [sflag:$0x1] =	stream.indirect.gather [hbm4b:s4+s12], $0x80, s9, s12, $0xb8;
	[tilespmem:$0x1F800] =	vst v63  }
0x175: {  	_ =	swait.ge [sflag:s19], $0x3200  }
0x176: {  	[sflag:s19] =	ssyncset.done $0x0  }
0x177: {  	s9 =	rddreg [dreg:$0x1b];
	[sflag:s19] =	ssyncadd.s32 $0xFFFFCE00  }
0x178: {  	[spmem:s2] =	stream.indirect.scatter.add.f32 [tilespmem:s16], [sflag:$0x6], $0x80, s9, s12, $0xb8;
	[tilespmem:$0x1F800] =	vst v63  }
0x179: {  	_ =	swait.ge [sflag:s20], $0x3200  }
0x17a: {  	[sflag:s20] =	ssyncset.done $0x0  }
0x17b: {  	s9 =	rddreg [dreg:$0x1c];
	[sflag:s20] =	ssyncadd.s32 $0xFFFFCE00  }
0x17c: {  	[tilespmem:s14], [sflag:$0x2] =	stream.indirect.gather [hbm4b:s4+s12], $0x80, s9, s12, $0xb8;
	[tilespmem:$0x1F800] =	vst v63  }
0x17d: {  	_ =	swait.ge [sflag:s15], $0x3200  }
0x17e: {  	[sflag:s15] =	ssyncset.done $0x0  }
0x17f: {  	s9 =	rddreg [dreg:$0x1d];
	[sflag:s15] =	ssyncadd.s32 $0xFFFFCE00  }
0x180: {  	[spmem:s2] =	stream.indirect.scatter.add.f32 [tilespmem:s13], [sflag:$0x4], $0x80, s9, s12, $0xb8;
	[tilespmem:$0x1F800] =	vst v63  }
0x181: {  	_ =	swait.ge [sflag:s21], $0x3200  }
0x182: {  	[sflag:s21] =	ssyncset.done $0x0  }
0x183: {  	s9 =	rddreg [dreg:$0x1e];
	[sflag:s21] =	ssyncadd.s32 $0xFFFFCE00  }
0x184: {  	[tilespmem:s16], [sflag:$0x3] =	stream.indirect.gather [hbm4b:s4+s12], $0x80, s9, s12, $0xb8;
	[tilespmem:$0x1F800] =	vst v63  }
0x185: {  	_ =	swait.ge [sflag:s17], $0x3200  }
0x186: {  	[sflag:s17] =	ssyncset.done $0x0  }
0x187: {  	s9 =	rddreg [dreg:$0x1f];
	[sflag:s17] =	ssyncadd.s32 $0xFFFFCE00  }
0x188: {  	[spmem:s2] =	stream.indirect.scatter.add.f32 [tilespmem:s14], [sflag:$0x5], $0x80, s9, s12, $0xb8;
	[tilespmem:$0x1F800] =	vst v63  }
0x189: {  	_ =	swait.ge [sflag:s18], $0x3200  }
0x18a: {  	s9 =	sld [smem:$0x7F3]  }
0x18b: {  	[sflag:s18] =	ssyncset.done $0x0  }
0x18c: {  	[sflag:s18] =	ssyncadd.s32 $0xFFFFCE00  }
0x18d: {  	[tilespmem:s13], [sflag:$0x1] =	stream.indirect.gather [hbm4b:s4+s12], $0x80, s9, s12, $0xb8;
	[tilespmem:$0x1F800] =	vst v63  }
0x18e: {  	_ =	swait.ge [sflag:s19], $0x3200  }
0x18f: {  	s9 =	sld [smem:$0x7F4]  }
0x190: {  	[sflag:s19] =	ssyncset.done $0x0  }
0x191: {  	[sflag:s19] =	ssyncadd.s32 $0xFFFFCE00  }
0x192: {  	[spmem:s2] =	stream.indirect.scatter.add.f32 [tilespmem:s16], [sflag:$0x6], $0x80, s9, s12, $0xb8;
	[tilespmem:$0x1F800] =	vst v63  }
0x193: {  	_ =	swait.ge [sflag:s20], $0x3200  }
0x194: {  	s9 =	sld [smem:$0x7F5]  }
0x195: {  	[sflag:s20] =	ssyncset.done $0x0  }
0x196: {  	[sflag:s20] =	ssyncadd.s32 $0xFFFFCE00  }
0x197: {  	[tilespmem:s14], [sflag:$0x2] =	stream.indirect.gather [hbm4b:s4+s12], $0x80, s9, s12, $0xb8;
	[tilespmem:$0x1F800] =	vst v63  }
0x198: {  	_ =	swait.ge [sflag:s15], $0x3200  }
0x199: {  	s9 =	sld [smem:$0x7F6]  }
0x19a: {  	[sflag:s15] =	ssyncset.done $0x0  }
0x19b: {  	[sflag:s15] =	ssyncadd.s32 $0xFFFFCE00  }
0x19c: {  	[spmem:s2] =	stream.indirect.scatter.add.f32 [tilespmem:s13], [sflag:$0x4], $0x80, s9, s12, $0xb8;
	[tilespmem:$0x1F800] =	vst v63  }
0x19d: {  	_ =	swait.ge [sflag:s21], $0x3200  }
0x19e: {  	s9 =	sld [smem:$0x7F7]  }
0x19f: {  	[sflag:s21] =	ssyncset.done $0x0  }
0x1a0: {  	[sflag:s21] =	ssyncadd.s32 $0xFFFFCE00  }
0x1a1: {  	[tilespmem:s16], [sflag:$0x3] =	stream.indirect.gather [hbm4b:s4+s12], $0x80, s9, s12, $0xb8;
	[tilespmem:$0x1F800] =	vst v63  }
0x1a2: {  	_ =	swait.ge [sflag:s17], $0x3200  }
0x1a3: {  	s9 =	sld [smem:$0x7F8]  }
0x1a4: {  	[sflag:s17] =	ssyncset.done $0x0  }
0x1a5: {  	[sflag:s17] =	ssyncadd.s32 $0xFFFFCE00  }
0x1a6: {  	[spmem:s2] =	stream.indirect.scatter.add.f32 [tilespmem:s14], [sflag:$0x5], $0x80, s9, s12, $0xb8;
	[tilespmem:$0x1F800] =	vst v63  }
0x1a7: {  	_ =	swait.ge [sflag:s18], $0x3200  }
0x1a8: {  	s9 =	sld [smem:$0x7F9]  }
0x1a9: {  	[sflag:s18] =	ssyncset.done $0x0  }
0x1aa: {  	[sflag:s18] =	ssyncadd.s32 $0xFFFFCE00  }
0x1ab: {  	[tilespmem:s13], [sflag:$0x1] =	stream.indirect.gather [hbm4b:s4+s12], $0x80, s9, s12, $0xb8;
	[tilespmem:$0x1F800] =	vst v63  }
0x1ac: {  	_ =	swait.ge [sflag:s19], $0x3200  }
0x1ad: {  	s9 =	sld [smem:$0x7FA]  }
0x1ae: {  	[sflag:s19] =	ssyncset.done $0x0  }
0x1af: {  	[sflag:s19] =	ssyncadd.s32 $0xFFFFCE00  }
0x1b0: {  	[spmem:s2] =	stream.indirect.scatter.add.f32 [tilespmem:s16], [sflag:$0x6], $0x80, s9, s12, $0xb8;
	[tilespmem:$0x1F800] =	vst v63  }
0x1b1: {  	_ =	swait.ge [sflag:s20], $0x3200  }
0x1b2: {  	s9 =	sld [smem:$0x7FB]  }
0x1b3: {  	[sflag:s20] =	ssyncset.done $0x0  }
0x1b4: {  	[sflag:s20] =	ssyncadd.s32 $0xFFFFCE00  }
0x1b5: {  	[tilespmem:s14], [sflag:$0x2] =	stream.indirect.gather [hbm4b:s4+s12], $0x80, s9, s12, $0xb8;
	[tilespmem:$0x1F800] =	vst v63  }
0x1b6: {  	_ =	swait.ge [sflag:s15], $0x3200  }
0x1b7: {  	[sflag:s15] =	ssyncset.done $0x0  }
0x1b8: {  	[sflag:s15] =	ssyncadd.s32 $0xFFFFCE00  }
0x1b9: {  	[spmem:s2] =	stream.indirect.scatter.add.f32 [tilespmem:s13], [sflag:$0x4], $0x80, s22, s12, $0xb8;
	[tilespmem:$0x1F800] =	vst v63  }
0x1ba: {  	_ =	swait.ge [sflag:s21], $0x3200  }
0x1bb: {  	[sflag:s21] =	ssyncset.done $0x0  }
0x1bc: {  	[sflag:s21] =	ssyncadd.s32 $0xFFFFCE00  }
0x1bd: {  	[tilespmem:s16], [sflag:$0x3] =	stream.indirect.gather [hbm4b:s4+s12], $0x80, s23, s12, $0xb8;
	[tilespmem:$0x1F800] =	vst v63  }
0x1be: {  	_ =	swait.ge [sflag:s17], $0x3200  }
0x1bf: {  	[sflag:s17] =	ssyncset.done $0x0  }
0x1c0: {  	[sflag:s17] =	ssyncadd.s32 $0xFFFFCE00  }
0x1c1: {  	[spmem:s2] =	stream.indirect.scatter.add.f32 [tilespmem:s14], [sflag:$0x5], $0x80, s24, s12, $0xb8;
	[tilespmem:$0x1F800] =	vst v63  }
0x1c2: {  	_ =	swait.ge [sflag:s18], $0x3200  }
0x1c3: {  	[sflag:s18] =	ssyncset.done $0x0  }
0x1c4: {  	[sflag:s18] =	ssyncadd.s32 $0xFFFFCE00  }
0x1c5: {  	[tilespmem:s13], [sflag:$0x1] =	stream.indirect.gather [hbm4b:s4+s12], $0x80, s25, s12, $0xb8;
	[tilespmem:$0x1F800] =	vst v63  }
0x1c6: {  	_ =	swait.ge [sflag:s19], $0x3200  }
0x1c7: {  	[sflag:s19] =	ssyncset.done $0x0  }
0x1c8: {  	[sflag:s19] =	ssyncadd.s32 $0xFFFFCE00  }
0x1c9: {  	[spmem:s2] =	stream.indirect.scatter.add.f32 [tilespmem:s16], [sflag:$0x6], $0x80, s26, s12, $0xb8;
	[tilespmem:$0x1F800] =	vst v63  }
0x1ca: {  	_ =	swait.ge [sflag:s20], $0x3200  }
0x1cb: {  	[sflag:s20] =	ssyncset.done $0x0  }
0x1cc: {  	[sflag:s20] =	ssyncadd.s32 $0xFFFFCE00  }
0x1cd: {  	[tilespmem:s14], [sflag:$0x2] =	stream.indirect.gather [hbm4b:s4+s12], $0x80, s28, s12, $0xb8;
	[tilespmem:$0x1F800] =	vst v63  }
0x1ce: {  	_ =	swait.ge [sflag:s15], $0x3200  }
0x1cf: {  	[sflag:s15] =	ssyncset.done $0x0  }
0x1d0: {  	[sflag:s15] =	ssyncadd.s32 $0xFFFFCE00  }
0x1d1: {  	[spmem:s2] =	stream.indirect.scatter.add.f32 [tilespmem:s13], [sflag:$0x4], $0x80, s29, s12, $0xb8;
	[tilespmem:$0x1F800] =	vst v63  }
0x1d2: {  	_ =	swait.ge [sflag:s21], $0x3200  }
0x1d3: {  	[sflag:s21] =	ssyncset.done $0x0  }
0x1d4: {  	[sflag:s21] =	ssyncadd.s32 $0xFFFFCE00  }
0x1d5: {  	[tilespmem:s16], [sflag:$0x3] =	stream.indirect.gather [hbm4b:s4+s12], $0x80, s30, s12, $0xb8;
	[tilespmem:$0x1F800] =	vst v63  }
0x1d6: {  	_ =	swait.ge [sflag:s17], $0x3200  }
0x1d7: {  	[sflag:s17] =	ssyncset.done $0x0  }
0x1d8: {  	[sflag:s17] =	ssyncadd.s32 $0xFFFFCE00  }
0x1d9: {  	[spmem:s2] =	stream.indirect.scatter.add.f32 [tilespmem:s14], [sflag:$0x5], $0x80, s31, s12, $0xb8;
	[tilespmem:$0x1F800] =	vst v63  }
0x1da: {  	_ =	swait.ge [sflag:s18], $0x3200  }
0x1db: {  	[sflag:s18] =	ssyncset.done $0x0  }
0x1dc: {  	[sflag:s18] =	ssyncadd.s32 $0xFFFFCE00  }
0x1dd: {  	[tilespmem:s13], [sflag:$0x1] =	stream.indirect.gather [hbm4b:s4+s12], $0x80, s1, s12, $0xb8;
	[tilespmem:$0x1F800] =	vst v63  }
0x1de: {  	_ =	swait.ge [sflag:s19], $0x3200  }
0x1df: {  	[sflag:s19] =	ssyncset.done $0x0  }
0x1e0: {  	[sflag:s19] =	ssyncadd.s32 $0xFFFFCE00  }
0x1e1: {  	[spmem:s2] =	stream.indirect.scatter.add.f32 [tilespmem:s16], [sflag:$0x6], $0x80, s0, s12, $0xb8;
	[tilespmem:$0x1F800] =	vst v63  }
0x1e2: {  	_ =	swait.ge [sflag:s20], $0x3200  }
0x1e3: {  	[sflag:s20] =	ssyncset.done $0x0  }
0x1e4: {  	[sflag:s20] =	ssyncadd.s32 $0xFFFFCE00  }
0x1e5: {  	_ =	swait.ge [sflag:s15], $0x3200  }
0x1e6: {  	[sflag:s15] =	ssyncset.done $0x0  }
0x1e7: {  	p0 =	sne.s32 s6, $0x600;
	[sflag:s15] =	ssyncadd.s32 $0xFFFFCE00  }
0x1e8: {  	[spmem:s2] =	stream.indirect.scatter.add.f32 [tilespmem:s13], [sflag:$0x4], $0x80, s5, s12, $0xb8;
	[tilespmem:$0x1F800] =	vst v63  }
.Ltmp0:
0x1e9: {  	_ =	swait.ge [sflag:s21], $0x3200;
	(pc) =	sbr.rel @p0 .LBB2_2-.Ltmp0, $4  }
0x1ea: {  	[sflag:s21] =	ssyncset.done $0x0  }
0x1eb: {  	[sflag:s21] =	ssyncadd.s32 $0xFFFFCE00  }
0x1ec: {  	s7 =	smov.u32 s6;
	s6 =	sadd.s32 $0x200, s6;
	_ =	swait.ge [sflag:s18], $0x3200  }
0x1ed: {  	s8 =	smov.u32 s7;
	s9 =	rddreg [dreg:$0x3];
	[sflag:s18] =	ssyncset.done $0x0  }
0x1ee: {  	[sflag:s18] =	ssyncadd.s32 $0xFFFFCE00;
	s6 =	sadd.s32 s8, s9  }
0x1ef: {  	[tilespmem:s3], [sflag:$0x7] =	stream.linear.gather [hbm4b:s6+s3], $0xC80, $0x38;
	[tilespmem:$0x1F800] =	vst v63  }
0x1f0: {  	_ =	swait.ge [sflag:s10], $0xC80  }
0x1f1: {  	s7 =	rddreg [dreg:$0x4];
	[sflag:s10] =	ssyncset.done $0x0  }
0x1f2: {  	s6 =	sadd.s32 s8, s7;
	[sflag:s10] =	ssyncadd.s32 $0xFFFFF380  }
0x1f3: {  	[tilespmem:s11], [sflag:$0x7] =	stream.linear.gather [hbm4b:s6+s3], $0xC80, $0x38;
	[tilespmem:$0x1F800] =	vst v63  }
0x1f4: {  	_ =	swait.ge [sflag:s10], $0xC80  }
0x1f5: {  	[sflag:s10] =	ssyncset.done $0x0  }
0x1f6: {  	[sflag:s10] =	ssyncadd.s32 $0xFFFFF380  }
0x1f7: {  	[tilespmem:s13], [sflag:$0x1] =	stream.indirect.gather [hbm4b:s4+s12], $0x80, s3, s12, $0xb8;
	[tilespmem:$0x1F800] =	vst v63  }
0x1f8: {  	s9 =	rddreg [dreg:$0x5]  }
0x1f9: {  	[tilespmem:s14], [sflag:$0x2] =	stream.indirect.gather [hbm4b:s4+s12], $0x80, s9, s12, $0xb8;
	[tilespmem:$0x1F800] =	vst v63  }
0x1fa: {  	_ =	swait.ge [sflag:s15], $0x3200  }
0x1fb: {  	[sflag:s15] =	ssyncset.done $0x0  }
0x1fc: {  	[sflag:s15] =	ssyncadd.s32 $0xFFFFCE00  }
0x1fd: {  	[spmem:s2] =	stream.indirect.scatter.add.f32 [tilespmem:s13], [sflag:$0x4], $0x80, s11, s12, $0xb8;
	[tilespmem:$0x1F800] =	vst v63  }
0x1fe: {  	s7 =	rddreg [dreg:$0x6]  }
0x1ff: {  	[tilespmem:s16], [sflag:$0x3] =	stream.indirect.gather [hbm4b:s4+s12], $0x80, s7, s12, $0xb8;
	[tilespmem:$0x1F800] =	vst v63  }
0x200: {  	_ =	swait.ge [sflag:s17], $0x3200  }
0x201: {  	[sflag:s17] =	ssyncset.done $0x0  }
0x202: {  	s8 =	rddreg [dreg:$0x7];
	[sflag:s17] =	ssyncadd.s32 $0xFFFFCE00  }
0x203: {  	[spmem:s2] =	stream.indirect.scatter.add.f32 [tilespmem:s14], [sflag:$0x5], $0x80, s8, s12, $0xb8;
	[tilespmem:$0x1F800] =	vst v63  }
0x204: {  	_ =	swait.ge [sflag:s18], $0x3200  }
0x205: {  	[sflag:s18] =	ssyncset.done $0x0  }
0x206: {  	s9 =	rddreg [dreg:$0x8];
	[sflag:s18] =	ssyncadd.s32 $0xFFFFCE00  }
0x207: {  	[tilespmem:s13], [sflag:$0x1] =	stream.indirect.gather [hbm4b:s4+s12], $0x80, s9, s12, $0xb8;
	[tilespmem:$0x1F800] =	vst v63  }
0x208: {  	_ =	swait.ge [sflag:s19], $0x3200  }
0x209: {  	[sflag:s19] =	ssyncset.done $0x0  }
0x20a: {  	s7 =	rddreg [dreg:$0x9];
	[sflag:s19] =	ssyncadd.s32 $0xFFFFCE00  }
0x20b: {  	[spmem:s2] =	stream.indirect.scatter.add.f32 [tilespmem:s16], [sflag:$0x6], $0x80, s7, s12, $0xb8;
	[tilespmem:$0x1F800] =	vst v63  }
0x20c: {  	_ =	swait.ge [sflag:s20], $0x3200  }
0x20d: {  	[sflag:s20] =	ssyncset.done $0x0  }
0x20e: {  	s8 =	rddreg [dreg:$0xa];
	[sflag:s20] =	ssyncadd.s32 $0xFFFFCE00  }
0x20f: {  	[tilespmem:s14], [sflag:$0x2] =	stream.indirect.gather [hbm4b:s4+s12], $0x80, s8, s12, $0xb8;
	[tilespmem:$0x1F800] =	vst v63  }
0x210: {  	_ =	swait.ge [sflag:s15], $0x3200  }
0x211: {  	[sflag:s15] =	ssyncset.done $0x0  }
0x212: {  	s9 =	rddreg [dreg:$0xb];
	[sflag:s15] =	ssyncadd.s32 $0xFFFFCE00  }
0x213: {  	[spmem:s2] =	stream.indirect.scatter.add.f32 [tilespmem:s13], [sflag:$0x4], $0x80, s9, s12, $0xb8;
	[tilespmem:$0x1F800] =	vst v63  }
0x214: {  	_ =	swait.ge [sflag:s21], $0x3200  }
0x215: {  	[sflag:s21] =	ssyncset.done $0x0  }
0x216: {  	s7 =	rddreg [dreg:$0xc];
	[sflag:s21] =	ssyncadd.s32 $0xFFFFCE00  }
0x217: {  	[tilespmem:s16], [sflag:$0x3] =	stream.indirect.gather [hbm4b:s4+s12], $0x80, s7, s12, $0xb8;
	[tilespmem:$0x1F800] =	vst v63  }
0x218: {  	_ =	swait.ge [sflag:s17], $0x3200  }
0x219: {  	[sflag:s17] =	ssyncset.done $0x0  }
0x21a: {  	s8 =	rddreg [dreg:$0xd];
	[sflag:s17] =	ssyncadd.s32 $0xFFFFCE00  }
0x21b: {  	[spmem:s2] =	stream.indirect.scatter.add.f32 [tilespmem:s14], [sflag:$0x5], $0x80, s8, s12, $0xb8;
	[tilespmem:$0x1F800] =	vst v63  }
0x21c: {  	_ =	swait.ge [sflag:s18], $0x3200  }
0x21d: {  	[sflag:s18] =	ssyncset.done $0x0  }
0x21e: {  	s9 =	rddreg [dreg:$0xe];
	[sflag:s18] =	ssyncadd.s32 $0xFFFFCE00  }
0x21f: {  	[tilespmem:s13], [sflag:$0x1] =	stream.indirect.gather [hbm4b:s4+s12], $0x80, s9, s12, $0xb8;
	[tilespmem:$0x1F800] =	vst v63  }
0x220: {  	_ =	swait.ge [sflag:s19], $0x3200  }
0x221: {  	[sflag:s19] =	ssyncset.done $0x0  }
0x222: {  	s7 =	rddreg [dreg:$0xf];
	[sflag:s19] =	ssyncadd.s32 $0xFFFFCE00  }
0x223: {  	[spmem:s2] =	stream.indirect.scatter.add.f32 [tilespmem:s16], [sflag:$0x6], $0x80, s7, s12, $0xb8;
	[tilespmem:$0x1F800] =	vst v63  }
0x224: {  	_ =	swait.ge [sflag:s20], $0x3200  }
0x225: {  	[sflag:s20] =	ssyncset.done $0x0  }
0x226: {  	s8 =	rddreg [dreg:$0x10];
	[sflag:s20] =	ssyncadd.s32 $0xFFFFCE00  }
0x227: {  	[tilespmem:s14], [sflag:$0x2] =	stream.indirect.gather [hbm4b:s4+s12], $0x80, s8, s12, $0xb8;
	[tilespmem:$0x1F800] =	vst v63  }
0x228: {  	_ =	swait.ge [sflag:s15], $0x3200  }
0x229: {  	[sflag:s15] =	ssyncset.done $0x0  }
0x22a: {  	s9 =	rddreg [dreg:$0x11];
	[sflag:s15] =	ssyncadd.s32 $0xFFFFCE00  }
0x22b: {  	[spmem:s2] =	stream.indirect.scatter.add.f32 [tilespmem:s13], [sflag:$0x4], $0x80, s9, s12, $0xb8;
	[tilespmem:$0x1F800] =	vst v63  }
0x22c: {  	_ =	swait.ge [sflag:s21], $0x3200  }
0x22d: {  	[sflag:s21] =	ssyncset.done $0x0  }
0x22e: {  	s7 =	rddreg [dreg:$0x12];
	[sflag:s21] =	ssyncadd.s32 $0xFFFFCE00  }
0x22f: {  	[tilespmem:s16], [sflag:$0x3] =	stream.indirect.gather [hbm4b:s4+s12], $0x80, s7, s12, $0xb8;
	[tilespmem:$0x1F800] =	vst v63  }
0x230: {  	_ =	swait.ge [sflag:s17], $0x3200  }
0x231: {  	[sflag:s17] =	ssyncset.done $0x0  }
0x232: {  	s8 =	rddreg [dreg:$0x13];
	[sflag:s17] =	ssyncadd.s32 $0xFFFFCE00  }
0x233: {  	[spmem:s2] =	stream.indirect.scatter.add.f32 [tilespmem:s14], [sflag:$0x5], $0x80, s8, s12, $0xb8;
	[tilespmem:$0x1F800] =	vst v63  }
0x234: {  	_ =	swait.ge [sflag:s18], $0x3200  }
0x235: {  	[sflag:s18] =	ssyncset.done $0x0  }
0x236: {  	s9 =	rddreg [dreg:$0x14];
	[sflag:s18] =	ssyncadd.s32 $0xFFFFCE00  }
0x237: {  	[tilespmem:s13], [sflag:$0x1] =	stream.indirect.gather [hbm4b:s4+s12], $0x80, s9, s12, $0xb8;
	[tilespmem:$0x1F800] =	vst v63  }
0x238: {  	_ =	swait.ge [sflag:s19], $0x3200  }
0x239: {  	[sflag:s19] =	ssyncset.done $0x0  }
0x23a: {  	s7 =	rddreg [dreg:$0x15];
	[sflag:s19] =	ssyncadd.s32 $0xFFFFCE00  }
0x23b: {  	[spmem:s2] =	stream.indirect.scatter.add.f32 [tilespmem:s16], [sflag:$0x6], $0x80, s7, s12, $0xb8;
	[tilespmem:$0x1F800] =	vst v63  }
0x23c: {  	_ =	swait.ge [sflag:s20], $0x3200  }
0x23d: {  	[sflag:s20] =	ssyncset.done $0x0  }
0x23e: {  	s8 =	rddreg [dreg:$0x16];
	[sflag:s20] =	ssyncadd.s32 $0xFFFFCE00  }
0x23f: {  	[tilespmem:s14], [sflag:$0x2] =	stream.indirect.gather [hbm4b:s4+s12], $0x80, s8, s12, $0xb8;
	[tilespmem:$0x1F800] =	vst v63  }
0x240: {  	_ =	swait.ge [sflag:s15], $0x3200  }
0x241: {  	[sflag:s15] =	ssyncset.done $0x0  }
0x242: {  	s9 =	rddreg [dreg:$0x17];
	[sflag:s15] =	ssyncadd.s32 $0xFFFFCE00  }
0x243: {  	[spmem:s2] =	stream.indirect.scatter.add.f32 [tilespmem:s13], [sflag:$0x4], $0x80, s9, s12, $0xb8;
	[tilespmem:$0x1F800] =	vst v63  }
0x244: {  	_ =	swait.ge [sflag:s21], $0x3200  }
0x245: {  	[sflag:s21] =	ssyncset.done $0x0  }
0x246: {  	s7 =	rddreg [dreg:$0x18];
	[sflag:s21] =	ssyncadd.s32 $0xFFFFCE00  }
0x247: {  	[tilespmem:s16], [sflag:$0x3] =	stream.indirect.gather [hbm4b:s4+s12], $0x80, s7, s12, $0xb8;
	[tilespmem:$0x1F800] =	vst v63  }
0x248: {  	_ =	swait.ge [sflag:s17], $0x3200  }
0x249: {  	[sflag:s17] =	ssyncset.done $0x0  }
0x24a: {  	s8 =	rddreg [dreg:$0x19];
	[sflag:s17] =	ssyncadd.s32 $0xFFFFCE00  }
0x24b: {  	[spmem:s2] =	stream.indirect.scatter.add.f32 [tilespmem:s14], [sflag:$0x5], $0x80, s8, s12, $0xb8;
	[tilespmem:$0x1F800] =	vst v63  }
0x24c: {  	_ =	swait.ge [sflag:s18], $0x3200  }
0x24d: {  	[sflag:s18] =	ssyncset.done $0x0  }
0x24e: {  	s9 =	rddreg [dreg:$0x1a];
	[sflag:s18] =	ssyncadd.s32 $0xFFFFCE00  }
0x24f: {  	[tilespmem:s13], [sflag:$0x1] =	stream.indirect.gather [hbm4b:s4+s12], $0x80, s9, s12, $0xb8;
	[tilespmem:$0x1F800] =	vst v63  }
0x250: {  	_ =	swait.ge [sflag:s19], $0x3200  }
0x251: {  	[sflag:s19] =	ssyncset.done $0x0  }
0x252: {  	s7 =	rddreg [dreg:$0x1b];
	[sflag:s19] =	ssyncadd.s32 $0xFFFFCE00  }
0x253: {  	[spmem:s2] =	stream.indirect.scatter.add.f32 [tilespmem:s16], [sflag:$0x6], $0x80, s7, s12, $0xb8;
	[tilespmem:$0x1F800] =	vst v63  }
0x254: {  	_ =	swait.ge [sflag:s20], $0x3200  }
0x255: {  	[sflag:s20] =	ssyncset.done $0x0  }
0x256: {  	s8 =	rddreg [dreg:$0x1c];
	[sflag:s20] =	ssyncadd.s32 $0xFFFFCE00  }
0x257: {  	[tilespmem:s14], [sflag:$0x2] =	stream.indirect.gather [hbm4b:s4+s12], $0x80, s8, s12, $0xb8;
	[tilespmem:$0x1F800] =	vst v63  }
0x258: {  	_ =	swait.ge [sflag:s15], $0x3200  }
0x259: {  	[sflag:s15] =	ssyncset.done $0x0  }
0x25a: {  	s9 =	rddreg [dreg:$0x1d];
	[sflag:s15] =	ssyncadd.s32 $0xFFFFCE00  }
0x25b: {  	[spmem:s2] =	stream.indirect.scatter.add.f32 [tilespmem:s13], [sflag:$0x4], $0x80, s9, s12, $0xb8;
	[tilespmem:$0x1F800] =	vst v63  }
0x25c: {  	_ =	swait.ge [sflag:s21], $0x3200  }
0x25d: {  	[sflag:s21] =	ssyncset.done $0x0  }
0x25e: {  	s7 =	rddreg [dreg:$0x1e];
	[sflag:s21] =	ssyncadd.s32 $0xFFFFCE00  }
0x25f: {  	[tilespmem:s16], [sflag:$0x3] =	stream.indirect.gather [hbm4b:s4+s12], $0x80, s7, s12, $0xb8;
	[tilespmem:$0x1F800] =	vst v63  }
0x260: {  	_ =	swait.ge [sflag:s17], $0x3200  }
0x261: {  	[sflag:s17] =	ssyncset.done $0x0  }
0x262: {  	s8 =	rddreg [dreg:$0x1f];
	[sflag:s17] =	ssyncadd.s32 $0xFFFFCE00  }
0x263: {  	[spmem:s2] =	stream.indirect.scatter.add.f32 [tilespmem:s14], [sflag:$0x5], $0x80, s8, s12, $0xb8;
	[tilespmem:$0x1F800] =	vst v63  }
0x264: {  	_ =	swait.ge [sflag:s18], $0x3200  }
0x265: {  	s9 =	sld [smem:$0x7F3]  }
0x266: {  	[sflag:s18] =	ssyncset.done $0x0  }
0x267: {  	[sflag:s18] =	ssyncadd.s32 $0xFFFFCE00  }
0x268: {  	[tilespmem:s13], [sflag:$0x1] =	stream.indirect.gather [hbm4b:s4+s12], $0x80, s9, s12, $0xb8;
	[tilespmem:$0x1F800] =	vst v63  }
0x269: {  	_ =	swait.ge [sflag:s19], $0x3200  }
0x26a: {  	s7 =	sld [smem:$0x7F4]  }
0x26b: {  	[sflag:s19] =	ssyncset.done $0x0  }
0x26c: {  	[sflag:s19] =	ssyncadd.s32 $0xFFFFCE00  }
0x26d: {  	[spmem:s2] =	stream.indirect.scatter.add.f32 [tilespmem:s16], [sflag:$0x6], $0x80, s7, s12, $0xb8;
	[tilespmem:$0x1F800] =	vst v63  }
0x26e: {  	_ =	swait.ge [sflag:s20], $0x3200  }
0x26f: {  	s8 =	sld [smem:$0x7F5]  }
0x270: {  	[sflag:s20] =	ssyncset.done $0x0  }
0x271: {  	[sflag:s20] =	ssyncadd.s32 $0xFFFFCE00  }
0x272: {  	[tilespmem:s14], [sflag:$0x2] =	stream.indirect.gather [hbm4b:s4+s12], $0x80, s8, s12, $0xb8;
	[tilespmem:$0x1F800] =	vst v63  }
0x273: {  	_ =	swait.ge [sflag:s15], $0x3200  }
0x274: {  	s9 =	sld [smem:$0x7F6]  }
0x275: {  	[sflag:s15] =	ssyncset.done $0x0  }
0x276: {  	[sflag:s15] =	ssyncadd.s32 $0xFFFFCE00  }
0x277: {  	[spmem:s2] =	stream.indirect.scatter.add.f32 [tilespmem:s13], [sflag:$0x4], $0x80, s9, s12, $0xb8;
	[tilespmem:$0x1F800] =	vst v63  }
0x278: {  	_ =	swait.ge [sflag:s21], $0x3200  }
0x279: {  	s7 =	sld [smem:$0x7F7]  }
0x27a: {  	[sflag:s21] =	ssyncset.done $0x0  }
0x27b: {  	[sflag:s21] =	ssyncadd.s32 $0xFFFFCE00  }
0x27c: {  	[tilespmem:s16], [sflag:$0x3] =	stream.indirect.gather [hbm4b:s4+s12], $0x80, s7, s12, $0xb8;
	[tilespmem:$0x1F800] =	vst v63  }
0x27d: {  	_ =	swait.ge [sflag:s17], $0x3200  }
0x27e: {  	s8 =	sld [smem:$0x7F8]  }
0x27f: {  	[sflag:s17] =	ssyncset.done $0x0  }
0x280: {  	[sflag:s17] =	ssyncadd.s32 $0xFFFFCE00  }
0x281: {  	[spmem:s2] =	stream.indirect.scatter.add.f32 [tilespmem:s14], [sflag:$0x5], $0x80, s8, s12, $0xb8;
	[tilespmem:$0x1F800] =	vst v63  }
0x282: {  	_ =	swait.ge [sflag:s18], $0x3200  }
0x283: {  	s9 =	sld [smem:$0x7F9]  }
0x284: {  	[sflag:s18] =	ssyncset.done $0x0  }
0x285: {  	[sflag:s18] =	ssyncadd.s32 $0xFFFFCE00  }
0x286: {  	[tilespmem:s13], [sflag:$0x1] =	stream.indirect.gather [hbm4b:s4+s12], $0x80, s9, s12, $0xb8;
	[tilespmem:$0x1F800] =	vst v63  }
0x287: {  	_ =	swait.ge [sflag:s19], $0x3200  }
0x288: {  	s7 =	sld [smem:$0x7FA]  }
0x289: {  	[sflag:s19] =	ssyncset.done $0x0  }
0x28a: {  	[sflag:s19] =	ssyncadd.s32 $0xFFFFCE00  }
0x28b: {  	[spmem:s2] =	stream.indirect.scatter.add.f32 [tilespmem:s16], [sflag:$0x6], $0x80, s7, s12, $0xb8;
	[tilespmem:$0x1F800] =	vst v63  }
0x28c: {  	_ =	swait.ge [sflag:s20], $0x3200  }
0x28d: {  	s8 =	sld [smem:$0x7FB]  }
0x28e: {  	[sflag:s20] =	ssyncset.done $0x0  }
0x28f: {  	[sflag:s20] =	ssyncadd.s32 $0xFFFFCE00  }
0x290: {  	[tilespmem:s14], [sflag:$0x2] =	stream.indirect.gather [hbm4b:s4+s12], $0x80, s8, s12, $0xb8;
	[tilespmem:$0x1F800] =	vst v63  }
0x291: {  	_ =	swait.ge [sflag:s15], $0x3200  }
0x292: {  	[sflag:s15] =	ssyncset.done $0x0  }
0x293: {  	[sflag:s15] =	ssyncadd.s32 $0xFFFFCE00  }
0x294: {  	[spmem:s2] =	stream.indirect.scatter.add.f32 [tilespmem:s13], [sflag:$0x4], $0x80, s22, s12, $0xb8;
	[tilespmem:$0x1F800] =	vst v63  }
0x295: {  	_ =	swait.ge [sflag:s21], $0x3200  }
0x296: {  	[sflag:s21] =	ssyncset.done $0x0  }
0x297: {  	[sflag:s21] =	ssyncadd.s32 $0xFFFFCE00  }
0x298: {  	[tilespmem:s16], [sflag:$0x3] =	stream.indirect.gather [hbm4b:s4+s12], $0x80, s23, s12, $0xb8;
	[tilespmem:$0x1F800] =	vst v63  }
0x299: {  	_ =	swait.ge [sflag:s17], $0x3200  }
0x29a: {  	[sflag:s17] =	ssyncset.done $0x0  }
0x29b: {  	[sflag:s17] =	ssyncadd.s32 $0xFFFFCE00  }
0x29c: {  	[spmem:s2] =	stream.indirect.scatter.add.f32 [tilespmem:s14], [sflag:$0x5], $0x80, s24, s12, $0xb8;
	[tilespmem:$0x1F800] =	vst v63  }
0x29d: {  	_ =	swait.ge [sflag:s18], $0x3200  }
0x29e: {  	[sflag:s18] =	ssyncset.done $0x0  }
0x29f: {  	[sflag:s18] =	ssyncadd.s32 $0xFFFFCE00  }
0x2a0: {  	[tilespmem:s13], [sflag:$0x1] =	stream.indirect.gather [hbm4b:s4+s12], $0x80, s25, s12, $0xb8;
	[tilespmem:$0x1F800] =	vst v63  }
0x2a1: {  	_ =	swait.ge [sflag:s19], $0x3200  }
0x2a2: {  	[sflag:s19] =	ssyncset.done $0x0  }
0x2a3: {  	[sflag:s19] =	ssyncadd.s32 $0xFFFFCE00  }
0x2a4: {  	[spmem:s2] =	stream.indirect.scatter.add.f32 [tilespmem:s16], [sflag:$0x6], $0x80, s26, s12, $0xb8;
	[tilespmem:$0x1F800] =	vst v63  }
0x2a5: {  	_ =	swait.ge [sflag:s20], $0x3200  }
0x2a6: {  	[sflag:s20] =	ssyncset.done $0x0  }
0x2a7: {  	[sflag:s20] =	ssyncadd.s32 $0xFFFFCE00  }
0x2a8: {  	[tilespmem:s14], [sflag:$0x2] =	stream.indirect.gather [hbm4b:s4+s12], $0x80, s28, s12, $0xb8;
	[tilespmem:$0x1F800] =	vst v63  }
0x2a9: {  	_ =	swait.ge [sflag:s15], $0x3200  }
0x2aa: {  	[sflag:s15] =	ssyncset.done $0x0  }
0x2ab: {  	[sflag:s15] =	ssyncadd.s32 $0xFFFFCE00  }
0x2ac: {  	[spmem:s2] =	stream.indirect.scatter.add.f32 [tilespmem:s13], [sflag:$0x4], $0x80, s29, s12, $0xb8;
	[tilespmem:$0x1F800] =	vst v63  }
0x2ad: {  	_ =	swait.ge [sflag:s21], $0x3200  }
0x2ae: {  	[sflag:s21] =	ssyncset.done $0x0  }
0x2af: {  	[sflag:s21] =	ssyncadd.s32 $0xFFFFCE00  }
0x2b0: {  	[tilespmem:s16], [sflag:$0x3] =	stream.indirect.gather [hbm4b:s4+s12], $0x80, s30, s12, $0xb8;
	[tilespmem:$0x1F800] =	vst v63  }
0x2b1: {  	_ =	swait.ge [sflag:s17], $0x3200  }
0x2b2: {  	[sflag:s17] =	ssyncset.done $0x0  }
0x2b3: {  	[sflag:s17] =	ssyncadd.s32 $0xFFFFCE00  }
0x2b4: {  	[spmem:s2] =	stream.indirect.scatter.add.f32 [tilespmem:s14], [sflag:$0x5], $0x80, s31, s12, $0xb8;
	[tilespmem:$0x1F800] =	vst v63  }
0x2b5: {  	_ =	swait.ge [sflag:s18], $0x3200  }
0x2b6: {  	[sflag:s18] =	ssyncset.done $0x0  }
0x2b7: {  	[sflag:s18] =	ssyncadd.s32 $0xFFFFCE00  }
0x2b8: {  	[tilespmem:s13], [sflag:$0x1] =	stream.indirect.gather [hbm4b:s4+s12], $0x80, s1, s12, $0xb8;
	[tilespmem:$0x1F800] =	vst v63  }
0x2b9: {  	_ =	swait.ge [sflag:s19], $0x3200  }
0x2ba: {  	[sflag:s19] =	ssyncset.done $0x0  }
0x2bb: {  	[sflag:s19] =	ssyncadd.s32 $0xFFFFCE00  }
0x2bc: {  	[spmem:s2] =	stream.indirect.scatter.add.f32 [tilespmem:s16], [sflag:$0x6], $0x80, s0, s12, $0xb8;
	[tilespmem:$0x1F800] =	vst v63  }
0x2bd: {  	_ =	swait.ge [sflag:s20], $0x3200  }
0x2be: {  	[sflag:s20] =	ssyncset.done $0x0  }
0x2bf: {  	[sflag:s20] =	ssyncadd.s32 $0xFFFFCE00  }
0x2c0: {  	_ =	swait.ge [sflag:s15], $0x3200  }
0x2c1: {  	[sflag:s15] =	ssyncset.done $0x0  }
0x2c2: {  	[sflag:s15] =	ssyncadd.s32 $0xFFFFCE00  }
0x2c3: {  	[spmem:s2] =	stream.indirect.scatter.add.f32 [tilespmem:s13], [sflag:$0x4], $0x80, s5, s12, $0xb8;
	[tilespmem:$0x1F800] =	vst v63  }
0x2c4: {  	_ =	swait.ge [sflag:s21], $0x3200  }
0x2c5: {  	[sflag:s21] =	ssyncset.done $0x0  }
0x2c6: {  	[sflag:s21] =	ssyncadd.s32 $0xFFFFCE00  }
0x2c7: {  	_ =	swait.ge [sflag:s18], $0x3200  }
0x2c8: {  	[sflag:s18] =	ssyncset.done $0x0  }
0x2c9: {  	[sflag:s18] =	ssyncadd.s32 $0xFFFFCE00  }
0x2ca: {  	[bflag:$0x0] =	sbarrier.arrive $0xFFFF  }
0x2cb: {  	s7 =	sld [smem:$0x7FC]  }
0x2cc: {  	s9 =	sld [smem:$0x7F1]  }
0x2cd: {  	s8 =	sld [smem:$0x7FD];
	_ =	sdelay $0x2  }
0x2ce: {  	[hbm:s9], [sflag:s7] =	dma.local [spmem:s8], $0x2780  }
0x2cf: {  	_ =	swait.ge [sflag:s10], $0x2780  }
0x2d0: {  	s6 =	sld [smem:$0x7EF];
	_ =	sdelay $0x2  }
0x2d1: {  	s9 =	sadd.s32 $0x1, s6;
	s6 =	sld [smem:$0x7F2];
	_ =	sdelay $0x2  }
0x2d2: {  	p0 =	sne.s32 s9, s6  }
.Ltmp1:
0x2d3: {  	_ = 	snop;
	(pc) =	sbr.rel @p0 .LBB2_1-.Ltmp1, $3  }
0x2d4: {  	_ =	sdelay $0x1  }
0x2d5: {  	[sflag:s10] =	ssyncset.done $0x0  }
0x2d6: {  	[sflag:s10] =	ssyncadd.s32 $0xFFFFD880  }
0x2d7: {  	_ =	sfence.sel $0x180000  }
0x2d8: {  	[bflag:$0x0] =	sbarrier.arrive $0xFFFF  }
0x2d9: {  	_ =	strace $0x9000004A  }
0x2da: {  	s0 =	stileid.u32;
	[bflag:$0x2] =	sbarrier.arrive $0xFFFF  }
0x2db: {  	p0 =	sne.s32 s0, $0x0;
	s0 =	rddreg [dreg:$0x2]  }
0x2dc: {  	s0 =	sadd.s32 @!p0 $0x100000, s0  }
0x2dd: {  	[sflag:s0] =	ssyncadd.tile.s32 @!p0 $0x1;
	_ =	shalt  }
.Lfunc_end2:
_tile_overlayer_lowered:
.L_overlay_start_2:
0x2de: {  	(tag) =	ssettag $0x2  }
0x2df: {  	s0 =	rddreg [dreg:$0x0];
	s2 =	stileid.u32  }
0x2e0: {  	s1 =	rddreg [dreg:$0x1];
	p0 =	sne.s32 s2, $0x0  }
0x2e1: {  	s3 =	rddreg [dreg:$0x2];
	[bflag:$0x3] =	sbarrier.arrive $0xFFFF;
	s2 =	simm.s32 @!p0 $0x1C07  }
0x2e2: {  	[timem:s3], [sflag:s2] =	dma.local @!p0 [hbm:s0], s1  }
0x2e3: {  	s0 =	simm.s32 @!p0 $0x7  }
0x2e4: {  	_ =	swait.ge @!p0 [sflag:s0], s1  }
0x2e5: {  	s1 =	ssub.s32 @!p0 $0x0, s1;
	[sflag:s0] =	ssyncset.done @!p0 $0x0  }
0x2e6: {  	[sflag:s0] =	ssyncadd.s32 @!p0 s1  }
0x2e7: {  	[bflag:$0x3] =	sbarrier.arrive $0xFFFF  }
0x2e8: {  	_ =	shalt  }

// kernel: kernel.13.cloned.1.call-start
scs
__scs_entry_jumppad:
0x0: {  	(pc) =	sbr.rel $0x88, $3  }
0x1: {  	(tag) =	ssettag $0x0;
	lr =	simm.s32 $0x1  }
0x2: {  	[smem:$0x3F8B] =	sst lr;
	_ =	strace $0xD0000000  }
0x3: {  	_ = 	snop  }
0x4: {  	_ = 	snop  }
0x5: {  	_ = 	snop  }
0x6: {  	_ = 	snop  }
0x7: {  	_ = 	snop  }
__scs_overlays_trampoline_lowered:
0x8: {  	[smem:$0x3F9A] =	sst s0  }
0x9: {  	[smem:$0x3F9B] =	sst s1  }
0xa: {  	[smem:$0x3F9C] =	sst s2  }
0xb: {  	[smem:$0x3F9D] =	sst s3  }
0xc: {  	[smem:$0x3F9E] =	sst s4  }
0xd: {  	[smem:$0x3F9F] =	sst s5  }
0xe: {  	[smem:$0x3FA0] =	sst s6  }
0xf: {  	[smem:$0x3FA1] =	sst s7  }
0x10: {  	[smem:$0x3FA2] =	sst s8  }
0x11: {  	[smem:$0x3FA3] =	sst s9;
	s0 =	simm.s32 @!p0 $0x0  }
0x12: {  	s1 =	sld [smem:$0x3F89];
	s0 =	simm.s32 @p0 $0x1  }
0x13: {  	[smem:$0x3FA4] =	sst s0;
	s0 =	simm.s32 @!p1 $0x0  }
0x14: {  	s2 =	sld [smem:$0x3F88];
	s0 =	simm.s32 @p1 $0x1  }
0x15: {  	[smem:$0x3FA5] =	sst s0;
	s0 =	simm.s32 @!p2 $0x0  }
0x16: {  	s3 =	sld [smem:$0x3FDB];
	s0 =	simm.s32 @p2 $0x1  }
0x17: {  	s4 =	simm.s32 $0x1BF5;
	[smem:$0x3FA7] =	sst s0  }
0x18: {  	s0 =	sld [smem:$0x3F8A];
	_ =	swait.ge [sflag:s4], $0x0  }
0x19: {  	s7 =	sld [smem:$0x3F8B]  }
0x1a: {  	s8 =	sadd.s32 $0xFFFFE003, lr  }
0x1b: {  	s9 =	sadd.s32 $0xFFFFFEF7, lr;
	s5 =	simm.s32 $0xFFFFFFFF;
	p2 =	slt.u32 s8, $0xFFFFF086  }
0x1c: {  	p1 =	slt.u32 s9, $0xF7A;
	s5 =	simm.s32 @!p2 $0x0  }
0x1d: {  	s5 =	simm.s32 @p1 $0x1;
	p0 =	seq.s32 s7, s2  }
0x1e: {  	s7 =	smul.u32 @!p0 $0xF7A, s2;
	p2 =	seq.s32 @!p0 s5, $0x0  }
0x1f: {  	s9 =	smul.u32 $0xF7A, s1;
	s8 =	simm.s32 @!p0 $0x1BF5;
	p2 =	por !p2, p0  }
0x20: {  	[sflag:s8] =	ssyncset.s32 @!p0 $0xFFFFF086;
	s6 =	sadd.s32 @!p0 s3, s7;
	s7 =	simm.s32 @!p0 $0x108  }
0x21: {  	s3 =	sadd.s32 s3, s9;
	s6 =	sadd.s32 @!p0 $0x88, s6;
	s7 =	simm.s32 @p2 $0x1082  }
0x22: {  	[simem:s7], [sflag:s8] =	dma.local @!p0 [hbm:s6], $0xF7A  }
0x23: {  	s9 =	sor.u32 $0xD0000000, s2;
	s6 =	simm.s32 $0x108;
	_ =	swait.ge @!p0 [sflag:s8], $0x0  }
0x24: {  	s3 =	sadd.s32 $0x88, s3;
	s6 =	simm.s32 @!p1 $0x1082;
	[sflag:s4] =	ssyncset.s32 $0xFFFFF086  }
0x25: {  	[simem:s6], [sflag:s4] =	dma.local [hbm:s3], $0xF7A  }
0x26: {  	[smem:$0x3F8B] =	sst s1;
	(tag) =	ssettag s2;
	_ =	strace s9  }
0x27: {  	s1 =	sld [smem:$0x3F9B]  }
0x28: {  	s2 =	sld [smem:$0x3F9C]  }
0x29: {  	s4 =	sld [smem:$0x3F9E]  }
0x2a: {  	p0 =	seq.s32 s5, $0x0;
	s5 =	sld [smem:$0x3F9F]  }
0x2b: {  	s6 =	sld [smem:$0x3FA0]  }
0x2c: {  	s7 =	sld [smem:$0x3FA1]  }
0x2d: {  	s3 =	simm.s32 $0x108;
	s8 =	sld [smem:$0x3FA2]  }
0x2e: {  	s3 =	simm.s32 @!p0 $0x1082;
	s9 =	sld [smem:$0x3FA3]  }
0x2f: {  	lr =	sadd.s32 s0, s3;
	s0 =	sld [smem:$0x3F9A]  }
0x30: {  	s3 =	sld [smem:$0x3F9D]  }
0x31: {  	[smem:$0x3FA6] =	sst s10  }
0x32: {  	s10 =	sld [smem:$0x3FA4];
	_ =	sdelay $0x3  }
0x33: {  	p0 =	seq.s32 s10, $0x1;
	s10 =	sld [smem:$0x3FA6];
	_ =	sdelay $0x3  }
0x34: {  	[smem:$0x3FA6] =	sst s10  }
0x35: {  	s10 =	sld [smem:$0x3FA5];
	_ =	sdelay $0x3  }
0x36: {  	p1 =	seq.s32 s10, $0x1;
	s10 =	sld [smem:$0x3FA6];
	_ =	sdelay $0x3  }
0x37: {  	[smem:$0x3FA6] =	sst s10  }
0x38: {  	s10 =	sld [smem:$0x3FA7]  }
0x39: {  	_ = 	snop;
	(pc) =	sbr.ind lr, $3  }
0x3a: {  	_ = 	snop  }
0x3b: {  	_ = 	snop  }
0x3c: {  	p2 =	seq.s32 s10, $0x1;
	s10 =	sld [smem:$0x3FA6]  }
0x3d: {  	_ =	shalt  }
0x3e: {  	_ =	shalt  }
0x3f: {  	_ =	shalt  }
0x40: {  	_ =	shalt  }
0x41: {  	_ =	shalt  }
0x42: {  	_ =	shalt  }
0x43: {  	_ =	shalt  }
0x44: {  	_ =	shalt  }
0x45: {  	_ =	shalt  }
0x46: {  	_ =	shalt  }
0x47: {  	_ =	shalt  }
0x48: {  	_ =	shalt  }
0x49: {  	_ =	shalt  }
0x4a: {  	_ =	shalt  }
0x4b: {  	_ =	shalt  }
0x4c: {  	_ =	shalt  }
0x4d: {  	_ =	shalt  }
0x4e: {  	_ =	shalt  }
0x4f: {  	_ =	shalt  }
0x50: {  	_ =	shalt  }
0x51: {  	_ =	shalt  }
0x52: {  	_ =	shalt  }
0x53: {  	_ =	shalt  }
0x54: {  	_ =	shalt  }
0x55: {  	_ =	shalt  }
0x56: {  	_ =	shalt  }
0x57: {  	_ =	shalt  }
0x58: {  	_ =	shalt  }
0x59: {  	_ =	shalt  }
0x5a: {  	_ =	shalt  }
0x5b: {  	_ =	shalt  }
0x5c: {  	_ =	shalt  }
0x5d: {  	_ =	shalt  }
0x5e: {  	_ =	shalt  }
0x5f: {  	_ =	shalt  }
0x60: {  	_ =	shalt  }
0x61: {  	_ =	shalt  }
0x62: {  	_ =	shalt  }
0x63: {  	_ =	shalt  }
0x64: {  	_ =	shalt  }
0x65: {  	_ =	shalt  }
0x66: {  	_ =	shalt  }
0x67: {  	_ =	shalt  }
0x68: {  	_ =	shalt  }
0x69: {  	_ =	shalt  }
0x6a: {  	_ =	shalt  }
0x6b: {  	_ =	shalt  }
0x6c: {  	_ =	shalt  }
0x6d: {  	_ =	shalt  }
0x6e: {  	_ =	shalt  }
0x6f: {  	_ =	shalt  }
0x70: {  	_ =	shalt  }
0x71: {  	_ =	shalt  }
0x72: {  	_ =	shalt  }
0x73: {  	_ =	shalt  }
0x74: {  	_ =	shalt  }
0x75: {  	_ =	shalt  }
0x76: {  	_ =	shalt  }
0x77: {  	_ =	shalt  }
0x78: {  	_ =	shalt  }
0x79: {  	_ =	shalt  }
0x7a: {  	_ =	shalt  }
0x7b: {  	_ =	shalt  }
0x7c: {  	_ =	shalt  }
0x7d: {  	_ =	shalt  }
0x7e: {  	_ =	shalt  }
0x7f: {  	_ =	shalt  }
0x80: {  	_ =	shalt  }
0x81: {  	_ =	shalt  }
0x82: {  	_ =	shalt  }
0x83: {  	_ =	shalt  }
0x84: {  	_ =	shalt  }
0x85: {  	_ =	shalt  }
0x86: {  	_ =	shalt  }
0x87: {  	_ =	shalt  }
.Lfunc_end0:
.L_simem_size_0:
called_computation.2_lowered:
.L_overlay_start_0:
0x88: {  	s2 =	sld [smem:$0x3FD9]  }
0x89: {  	s3 =	sld [smem:$0x3FFE];
	_ =	sdelay $0x1  }
0x8a: {  	s1 =	srdreg.scid  }
0x8b: {  	s0 =	sand.u32 $0x1, s1  }
0x8c: {  	s17 =	sshll.u32 s0, $0xA;
	s2 =	sadd.s32 s3, s2  }
0x8d: {  	s2 =	sadd.s32 s2, s17  }
0x8e: {  	[smem:$0x3FB2] =	sst s2  }
0x8f: {  	_ = 	snop  }
0x90: {  	s2 =	sld [smem:$0x3FD0];
	(tm) =	ssettm $0x1  }
0x91: {  	s18 =	sld [smem:$0x3FFB];
	_ =	sdelay $0x3  }
0x92: {  	_ =	strace s18  }
0x93: {  	s3 =	sld [smem:$0x3FFC];
	_ =	sdelay $0x3  }
0x94: {  	_ =	strace s3  }
0x95: {  	s3 =	sld [smem:$0x3FFD];
	_ =	sdelay $0x3  }
0x96: {  	_ =	strace s3  }
0x97: {  	_ =	strace $0x8FFFFFFF  }
0x98: {  	s19 =	sld [smem:$0x3FDB];
	_ =	sdelay $0x1  }
0x99: {  	s4 =	simm.s32 $_scs_section_size  }
0x9a: {  	s5 =	simm.s32 $_size__tile_overlayer_lowered;
	s6 =	simm.s32 $_tile_overlayer_lowered  }
0x9b: {  	s22 =	simm.s32 $0x1BFF;
	s21 =	sshll.u32 s6, $0x1;
	s3 =	sadd.s32 s4, s19  }
0x9c: {  	s7 =	simm.s32 $0x0;
	s20 =	sshll.u32 s5, $0x1;
	s5 =	sadd.s32 s21, s3  }
0x9d: {  	[timem:s7], [sflag:s22] =	dma.local [hbm:s5], s20  }
0x9e: {  	_ =	swait.ge [sflag:s22], s20  }
0x9f: {  	s4 =	ssub.s32 $0x0, s20;
	[sflag:s22] =	ssyncset.done $0x0  }
0xa0: {  	[sflag:s22] =	ssyncadd.s32 s4;
	_ =	sdelay $0x1  }
0xa1: {  	s23 =	simm.s32 $0x1B8B  }
0xa2: {  	_ =	swait.ge [sflag:s23], $0x1  }
0xa3: {  	[sflag:s23] =	ssyncset.done $0x0  }
0xa4: {  	s25 =	simm.s32 $0x1B8E;
	s24 =	sld [smem:$0x3FFE];
	[sflag:s23] =	ssyncadd.s32 $0xFFFFFFFF  }
0xa5: {  	s26 =	simm.s32 $execute0_lowered;
	[smem:$0x3FD2] =	sst s25  }
0xa6: {  	s5 =	sshll.u32 s26, $0x1;
	_ =	strace $0x8000004C;
	[dreg:$0x1] =	wrdreg $0xFFFFFFFF  }
0xa7: {  	s28 =	simm.s32 $_size_execute0_lowered;
	s3 =	sadd.s32 s3, s5;
	[dreg:$0x0] =	wrdreg $0x0  }
0xa8: {  	s5 =	sshll.u32 s28, $0x1;
	[dreg:$0x2] =	wrdreg s3  }
0xa9: {  	[dreg:$0x3] =	wrdreg s5  }
0xaa: {  	[dreg:$0x4] =	wrdreg $0xC0  }
0xab: {  	_ =	task [dreg:s7], $0x5FFFF  }
0xac: {  	[dreg:$0x1] =	wrdreg $0xFFFFFFFF  }
0xad: {  	[dreg:$0x0] =	wrdreg $0x60  }
0xae: {  	[dreg:$0x2] =	wrdreg s24  }
0xaf: {  	[dreg:$0x3] =	wrdreg s2  }
0xb0: {  	[dreg:$0x4] =	wrdreg $0x9  }
0xb1: {  	_ =	task.clear_ibuf [dreg:s7], $0x5FFFF;
	_ =	strace $0x9000004C  }
0xb2: {  	s29 =	simm.s32 $0x9;
	_ =	strace $0x8000004E  }
0xb3: {  	_ =	swait.ge [sflag:s29], $0x1  }
0xb4: {  	[sflag:s29] =	ssyncadd.s32 $0xFFFFFFFF  }
0xb5: {  	_ =	strace $0x9000004E  }
0xb6: {  	_ =	sfence  }
0xb7: {  	s30 =	sld [smem:$0x0];
	_ =	sdelay $0x2  }
0xb8: {  	s31 =	sshll.u32 s1, $0xD;
	s1 =	sshrl.u32 s1, $0x2  }
0xb9: {  	s3 =	sand.u32 $0x4000, s31;
	s1 =	sadd.s32 s1, s30  }
0xba: {  	s0 =	sor.u32 s3, s0;
	s1 =	sshll.u32 s1, $0x11  }
0xbb: {  	s0 =	sor.u32 s1, s0  }
0xbc: {  	s0 =	sadd.s32 $0x8F2B, s0  }
0xbd: {  	[sflag:s0] =	ssyncadd.remote.s32 $0x1  }
0xbe: {  	_ =	sfence.sel $0xFFFF  }
0xbf: {  	[dreg:$0x0] =	wrdreg $0xFFFFFFFF;
	(pc) =	sbr.abs _section_cstart, $3  }
0xc0: {  	[dreg:$0x1] =	wrdreg $0xFFFFFFFF  }
0xc1: {  	_ =	task.clear_ibuf [dreg:s7], $0x2FFFF;
	_ =	strace $0x9FFFFFFF  }
0xc2: {  	(tm) =	ssettm $0x7FFFFFFF  }
0xc3: {  	_ =	shalt  }
tec
execute0_lowered:
.L_overlay_start_1:
0x0: {  	(tag) =	ssettag $0x1  }
0x1: {  	s4 =	rddreg [dreg:$0x0];
	s1 =	srdreg.scid  }
0x2: {  	s0 =	stileid.u32;
	s7 =	rddreg [dreg:$0x1]  }
0x3: {  	s2 =	simm.s32 $0x0;
	s10 =	simm.s32 $0x2780;
	s11 =	simm.s32 $0x4F00  }
0x4: {  	s12 =	simm.s32 $0x7680;
	s3 =	sand.u32 $0x1, s1;
	s5 =	sshll.u32 s0, $0x1  }
0x5: {  	s13 =	simm.s32 $0x9E00;
	s14 =	simm.s32 $0x0;
	s5 =	sor.u32 s3, s5  }
0x6: {  	[smem:$0x7FF] =	sst s2;
	s31 =	ssub.s32 $0x2, s3;
	s8 =	smul.u32 $0x4E2, s5  }
0x7: {  	s1 =	rddreg [dreg:$0x2];
	_ =	strace $0x8000004D;
	s9 =	sshrl.u32 s31, $0x1  }
0x8: {  	s3 =	sadd.s32 $0x17200, s4;
	s9 =	ssub.s32 s31, s9;
	s6 =	sadd.s32 s8, s4  }
0x9: {  	s4 =	sadd.s32 $0x16C00, s4;
	s7 =	sadd.s32 s7, s8;
	s8 =	smax.u32 s9, $0x1  }
0xa: {  	s9 =	simm.s32 $0x1;
	s5 =	sadd.s32 $0xCE00, s6;
	s6 =	sadd.s32 $0x3000, s6  }
.LBB2_1:
0xb: {  	[tilespmem:s2], [sflag:$0x1] =	stream.linear.gather [hbm4b:s3+s2], $0x2780, $0x38;
	[tilespmem:$0xC580] =	vst v63  }
0xc: {  	_ =	swait.ge [sflag:s9], $0x2780  }
0xd: {  	[sflag:s9] =	ssyncset.done $0x0  }
0xe: {  	[sflag:s9] =	ssyncadd.s32 $0xFFFFD880  }
0xf: {  	[tilespmem:s10], [sflag:$0x1] =	stream.linear.gather [hbm4b:s4+s2], $0x2780, $0x38;
	[tilespmem:$0xC580] =	vst v63  }
0x10: {  	_ =	swait.ge [sflag:s9], $0x2780  }
0x11: {  	[sflag:s9] =	ssyncset.done $0x0  }
0x12: {  	[sflag:s9] =	ssyncadd.s32 $0xFFFFD880  }
0x13: {  	[tilespmem:s11], [sflag:$0x1] =	stream.linear.gather [hbm4b:s5+s2], $0x2710, $0x38;
	[tilespmem:$0xC580] =	vst v63  }
0x14: {  	_ =	swait.ge [sflag:s9], $0x2710  }
0x15: {  	[sflag:s9] =	ssyncset.done $0x0  }
0x16: {  	[sflag:s9] =	ssyncadd.s32 $0xFFFFD8F0  }
0x17: {  	[tilespmem:s12], [sflag:$0x1] =	stream.linear.gather [hbm4b:s6+s2], $0x2710, $0x38;
	[tilespmem:$0xC580] =	vst v63  }
0x18: {  	_ =	swait.ge [sflag:s9], $0x2710  }
0x19: {  	[sflag:s9] =	ssyncset.done $0x0  }
0x1a: {  	s15 =	simm.s32 $0x0;
	[sflag:s9] =	ssyncadd.s32 $0xFFFFD8F0  }
0x1b: {  	v0 =	vld [tilespmem:s15+$0x4F00]  }
0x1c: {  	v1 =	vld [tilespmem:s15+$0x7680];
	_ =	sdelay $0x6  }
0x1d: {  	v0 =	vld.idx.msk [tilespmem:v0+s2+$0x0], $0xffff  }
0x1e: {  	v1 =	vld.idx.msk [tilespmem:v1+s10+$0x0], $0xffff;
	_ =	sdelay $0x4  }
0x1f: {  	v0 =	vadd.f32 v1, v0;
	_ =	sdelay $0x1  }
0x20: {  	v0 =	vsub.f32 $0.0e+00, v0;
	_ =	sdelay $0x1  }
0x21: {  	v0 =	vmul.f32 $1.442695020e+00, v0;
	_ =	sdelay $0x1  }
0x22: {  	(erf) = vpow2.f32 v0;
	_ =	sdelay $0x8  }
0x23: {  	v0 =	vpop (erf)  }
0x24: {  	v0 =	vadd.f32 $1.000000000e+00, v0;
	_ =	sdelay $0x1  }
0x25: {  	(erf) = vrcp.f32 v0;
	_ =	sdelay $0x2  }
0x26: {  	v0 =	vld [tilespmem:s15+$0x4F10]  }
0x27: {  	v1 =	vld [tilespmem:s15+$0x7690];
	_ =	sdelay $0x4  }
0x28: {  	v2 =	vpop (erf)  }
0x29: {  	[tilespmem:s15+$0x9E00] =	vst v2  }
0x2a: {  	v0 =	vld.idx.msk [tilespmem:v0+s2+$0x0], $0xffff  }
0x2b: {  	v1 =	vld.idx.msk [tilespmem:v1+s10+$0x0], $0xffff;
	_ =	sdelay $0x4  }
0x2c: {  	v0 =	vadd.f32 v1, v0;
	_ =	sdelay $0x1  }
0x2d: {  	v0 =	vsub.f32 $0.0e+00, v0;
	_ =	sdelay $0x1  }
0x2e: {  	v0 =	vmul.f32 $1.442695020e+00, v0;
	_ =	sdelay $0x1  }
0x2f: {  	(erf) = vpow2.f32 v0;
	_ =	sdelay $0x8  }
0x30: {  	v0 =	vpop (erf)  }
0x31: {  	v0 =	vadd.f32 $1.000000000e+00, v0;
	_ =	sdelay $0x1  }
0x32: {  	(erf) = vrcp.f32 v0;
	_ =	sdelay $0x2  }
0x33: {  	v0 =	vld [tilespmem:s15+$0x4F20]  }
0x34: {  	v1 =	vld [tilespmem:s15+$0x76A0];
	_ =	sdelay $0x4  }
0x35: {  	v2 =	vpop (erf)  }
0x36: {  	[tilespmem:s15+$0x9E10] =	vst v2  }
0x37: {  	v0 =	vld.idx.msk [tilespmem:v0+s2+$0x0], $0xffff  }
0x38: {  	v1 =	vld.idx.msk [tilespmem:v1+s10+$0x0], $0xffff;
	_ =	sdelay $0x4  }
0x39: {  	v0 =	vadd.f32 v1, v0;
	_ =	sdelay $0x1  }
0x3a: {  	v0 =	vsub.f32 $0.0e+00, v0;
	_ =	sdelay $0x1  }
0x3b: {  	v0 =	vmul.f32 $1.442695020e+00, v0;
	_ =	sdelay $0x1  }
0x3c: {  	(erf) = vpow2.f32 v0;
	_ =	sdelay $0x8  }
0x3d: {  	v0 =	vpop (erf)  }
0x3e: {  	v0 =	vadd.f32 $1.000000000e+00, v0;
	_ =	sdelay $0x1  }
0x3f: {  	(erf) = vrcp.f32 v0;
	_ =	sdelay $0x2  }
0x40: {  	v0 =	vld [tilespmem:s15+$0x4F30]  }
0x41: {  	v1 =	vld [tilespmem:s15+$0x76B0];
	_ =	sdelay $0x4  }
0x42: {  	v2 =	vpop (erf)  }
0x43: {  	[tilespmem:s15+$0x9E20] =	vst v2  }
0x44: {  	v0 =	vld.idx.msk [tilespmem:v0+s2+$0x0], $0xffff  }
0x45: {  	v1 =	vld.idx.msk [tilespmem:v1+s10+$0x0], $0xffff;
	_ =	sdelay $0x4  }
0x46: {  	v0 =	vadd.f32 v1, v0;
	_ =	sdelay $0x1  }
0x47: {  	v0 =	vsub.f32 $0.0e+00, v0;
	_ =	sdelay $0x1  }
0x48: {  	v0 =	vmul.f32 $1.442695020e+00, v0;
	_ =	sdelay $0x1  }
0x49: {  	(erf) = vpow2.f32 v0;
	_ =	sdelay $0x8  }
0x4a: {  	v0 =	vpop (erf)  }
0x4b: {  	v0 =	vadd.f32 $1.000000000e+00, v0;
	_ =	sdelay $0x1  }
0x4c: {  	(erf) = vrcp.f32 v0;
	_ =	sdelay $0x2  }
0x4d: {  	v0 =	vld [tilespmem:s15+$0x4F40]  }
0x4e: {  	v1 =	vld [tilespmem:s15+$0x76C0];
	_ =	sdelay $0x4  }
0x4f: {  	v2 =	vpop (erf)  }
0x50: {  	[tilespmem:s15+$0x9E30] =	vst v2  }
0x51: {  	v0 =	vld.idx.msk [tilespmem:v0+s2+$0x0], $0xffff  }
0x52: {  	v1 =	vld.idx.msk [tilespmem:v1+s10+$0x0], $0xffff;
	_ =	sdelay $0x4  }
0x53: {  	v0 =	vadd.f32 v1, v0;
	_ =	sdelay $0x1  }
0x54: {  	v0 =	vsub.f32 $0.0e+00, v0;
	_ =	sdelay $0x1  }
0x55: {  	v0 =	vmul.f32 $1.442695020e+00, v0;
	_ =	sdelay $0x1  }
0x56: {  	(erf) = vpow2.f32 v0;
	_ =	sdelay $0x8  }
0x57: {  	v0 =	vpop (erf)  }
0x58: {  	v1 =	vadd.f32 $1.000000000e+00, v0;
	_ =	sdelay $0x1  }
0x59: {  	(erf) = vrcp.f32 v1;
	_ =	sdelay $0x1  }
0x5a: {  	s18 =	simm.s32 $0x50  }
0x5b: {  	v0 =	vld [tilespmem:s18+$0x4F00]  }
0x5c: {  	s16 =	simm.s32 $0x280;
	v1 =	vld [tilespmem:s18+$0x7680]  }
.LBB2_2:
0x5d: {  	p0 =	sne.s32 s16, $0x9B00;
	s17 =	smov.u32 s16;
	s16 =	sadd.s32 $0x140, s16  }
0x5e: {  	_ =	sdelay $0x2  }
0x5f: {  	v2 =	vpop (erf)  }
0x60: {  	[tilespmem:s15+$0x9E40] =	vst v2;
	s15 =	smov.u32 s18  }
0x61: {  	v0 =	vld.idx.msk [tilespmem:v0+s2+$0x0], $0xffff  }
0x62: {  	v1 =	vld.idx.msk [tilespmem:v1+s10+$0x0], $0xffff;
	_ =	sdelay $0x5  }
0x63: {  	v0 =	vadd.f32 v1, v0;
	_ =	sdelay $0x1  }
0x64: {  	v0 =	vsub.f32 $0.0e+00, v0;
	_ =	sdelay $0x1  }
0x65: {  	v0 =	vmul.f32 $1.442695020e+00, v0;
	_ =	sdelay $0x1  }
0x66: {  	(erf) = vpow2.f32 v0;
	_ =	sdelay $0x8  }
0x67: {  	v0 =	vpop (erf)  }
0x68: {  	v0 =	vadd.f32 $1.000000000e+00, v0;
	_ =	sdelay $0x1  }
0x69: {  	(erf) = vrcp.f32 v0;
	_ =	sdelay $0x1  }
0x6a: {  	v0 =	vld [tilespmem:s15+$0x7690]  }
0x6b: {  	v1 =	vld [tilespmem:s15+$0x4F10];
	_ =	sdelay $0x5  }
0x6c: {  	v2 =	vpop (erf)  }
0x6d: {  	[tilespmem:s15+$0x9E00] =	vst v2  }
0x6e: {  	v1 =	vld.idx.msk [tilespmem:v1+s2+$0x0], $0xffff  }
0x6f: {  	v0 =	vld.idx.msk [tilespmem:v0+s10+$0x0], $0xffff;
	_ =	sdelay $0x5  }
0x70: {  	v0 =	vadd.f32 v0, v1;
	_ =	sdelay $0x1  }
0x71: {  	v0 =	vsub.f32 $0.0e+00, v0;
	_ =	sdelay $0x1  }
0x72: {  	v0 =	vmul.f32 $1.442695020e+00, v0;
	_ =	sdelay $0x1  }
0x73: {  	(erf) = vpow2.f32 v0;
	_ =	sdelay $0x8  }
0x74: {  	v0 =	vpop (erf)  }
0x75: {  	v0 =	vadd.f32 $1.000000000e+00, v0;
	_ =	sdelay $0x1  }
0x76: {  	(erf) = vrcp.f32 v0;
	_ =	sdelay $0x1  }
0x77: {  	v0 =	vld [tilespmem:s15+$0x76A0]  }
0x78: {  	v1 =	vld [tilespmem:s15+$0x4F20];
	_ =	sdelay $0x5  }
0x79: {  	v2 =	vpop (erf)  }
0x7a: {  	[tilespmem:s15+$0x9E10] =	vst v2  }
0x7b: {  	v1 =	vld.idx.msk [tilespmem:v1+s2+$0x0], $0xffff  }
0x7c: {  	v0 =	vld.idx.msk [tilespmem:v0+s10+$0x0], $0xffff;
	_ =	sdelay $0x5  }
0x7d: {  	v0 =	vadd.f32 v0, v1;
	_ =	sdelay $0x1  }
0x7e: {  	v0 =	vsub.f32 $0.0e+00, v0;
	_ =	sdelay $0x1  }
0x7f: {  	v0 =	vmul.f32 $1.442695020e+00, v0;
	_ =	sdelay $0x1  }
0x80: {  	(erf) = vpow2.f32 v0;
	_ =	sdelay $0x8  }
0x81: {  	v0 =	vpop (erf)  }
0x82: {  	v0 =	vadd.f32 $1.000000000e+00, v0;
	_ =	sdelay $0x1  }
0x83: {  	(erf) = vrcp.f32 v0;
	_ =	sdelay $0x1  }
0x84: {  	v0 =	vld [tilespmem:s15+$0x76B0]  }
0x85: {  	v1 =	vld [tilespmem:s15+$0x4F30];
	_ =	sdelay $0x5  }
0x86: {  	v2 =	vpop (erf)  }
0x87: {  	[tilespmem:s15+$0x9E20] =	vst v2  }
0x88: {  	v1 =	vld.idx.msk [tilespmem:v1+s2+$0x0], $0xffff  }
0x89: {  	v0 =	vld.idx.msk [tilespmem:v0+s10+$0x0], $0xffff;
	_ =	sdelay $0x5  }
0x8a: {  	v0 =	vadd.f32 v0, v1;
	_ =	sdelay $0x1  }
0x8b: {  	v0 =	vsub.f32 $0.0e+00, v0;
	_ =	sdelay $0x1  }
0x8c: {  	v0 =	vmul.f32 $1.442695020e+00, v0;
	_ =	sdelay $0x1  }
0x8d: {  	(erf) = vpow2.f32 v0;
	_ =	sdelay $0x8  }
0x8e: {  	v0 =	vpop (erf)  }
0x8f: {  	v0 =	vadd.f32 $1.000000000e+00, v0;
	_ =	sdelay $0x1  }
0x90: {  	(erf) = vrcp.f32 v0;
	_ =	sdelay $0x1  }
0x91: {  	v0 =	vld [tilespmem:s15+$0x76C0]  }
0x92: {  	v1 =	vld [tilespmem:s15+$0x4F40];
	_ =	sdelay $0x5  }
0x93: {  	v2 =	vpop (erf)  }
0x94: {  	[tilespmem:s15+$0x9E30] =	vst v2  }
0x95: {  	v1 =	vld.idx.msk [tilespmem:v1+s2+$0x0], $0xffff  }
0x96: {  	v0 =	vld.idx.msk [tilespmem:v0+s10+$0x0], $0xffff;
	_ =	sdelay $0x5  }
0x97: {  	v0 =	vadd.f32 v0, v1;
	_ =	sdelay $0x1  }
0x98: {  	v0 =	vsub.f32 $0.0e+00, v0;
	_ =	sdelay $0x1  }
0x99: {  	v0 =	vmul.f32 $1.442695020e+00, v0;
	_ =	sdelay $0x1  }
0x9a: {  	(erf) = vpow2.f32 v0;
	_ =	sdelay $0x8  }
0x9b: {  	v0 =	vpop (erf)  }
0x9c: {  	v0 =	vadd.f32 $1.000000000e+00, v0;
	_ =	sdelay $0x1  }
.Ltmp0:
0x9d: {  	(erf) = vrcp.f32 v0;
	(pc) =	sbr.rel @p0 .LBB2_2-.Ltmp0, $4  }
0x9e: {  	_ = 	snop  }
0x9f: {  	s18 =	sshra.s32 s17, $0x2  }
0xa0: {  	v0 =	vld [tilespmem:s18+$0x4F00]  }
0xa1: {  	v1 =	vld [tilespmem:s18+$0x7680]  }
0xa2: {  	_ =	sdelay $0x4  }
0xa3: {  	v2 =	vpop (erf)  }
0xa4: {  	[tilespmem:s15+$0x9E40] =	vst v2  }
0xa5: {  	v0 =	vld.idx.msk [tilespmem:v0+s2+$0x0], $0xffff  }
0xa6: {  	v1 =	vld.idx.msk [tilespmem:v1+s10+$0x0], $0xffff;
	_ =	sdelay $0x4  }
0xa7: {  	v0 =	vadd.f32 v1, v0;
	_ =	sdelay $0x1  }
0xa8: {  	v0 =	vsub.f32 $0.0e+00, v0;
	_ =	sdelay $0x1  }
0xa9: {  	v0 =	vmul.f32 $1.442695020e+00, v0;
	_ =	sdelay $0x1  }
0xaa: {  	(erf) = vpow2.f32 v0;
	_ =	sdelay $0x8  }
0xab: {  	v0 =	vpop (erf)  }
0xac: {  	v0 =	vadd.f32 $1.000000000e+00, v0;
	_ =	sdelay $0x1  }
0xad: {  	(erf) = vrcp.f32 v0;
	_ =	sdelay $0x2  }
0xae: {  	v52 =	vld [tilespmem:s18+$0x4F10]  }
0xaf: {  	v53 =	vld [tilespmem:s18+$0x7690];
	_ =	sdelay $0x4  }
0xb0: {  	v54 =	vpop (erf)  }
0xb1: {  	[tilespmem:s18+$0x9E00] =	vst v54  }
0xb2: {  	v0 =	vld.idx.msk [tilespmem:v52+s2+$0x0], $0xffff  }
0xb3: {  	v1 =	vld.idx.msk [tilespmem:v53+s10+$0x0], $0xffff;
	_ =	sdelay $0x4  }
0xb4: {  	v0 =	vadd.f32 v1, v0;
	_ =	sdelay $0x1  }
0xb5: {  	v0 =	vsub.f32 $0.0e+00, v0;
	_ =	sdelay $0x1  }
0xb6: {  	v0 =	vmul.f32 $1.442695020e+00, v0;
	_ =	sdelay $0x1  }
0xb7: {  	(erf) = vpow2.f32 v0;
	_ =	sdelay $0x8  }
0xb8: {  	v0 =	vpop (erf)  }
0xb9: {  	v0 =	vadd.f32 $1.000000000e+00, v0;
	_ =	sdelay $0x1  }
0xba: {  	(erf) = vrcp.f32 v0;
	_ =	sdelay $0x2  }
0xbb: {  	v55 =	vld [tilespmem:s18+$0x4F20]  }
0xbc: {  	v56 =	vld [tilespmem:s18+$0x76A0];
	_ =	sdelay $0x4  }
0xbd: {  	v57 =	vpop (erf)  }
0xbe: {  	[tilespmem:s18+$0x9E10] =	vst v57  }
0xbf: {  	v0 =	vld.idx.msk [tilespmem:v55+s2+$0x0], $0xffff  }
0xc0: {  	v1 =	vld.idx.msk [tilespmem:v56+s10+$0x0], $0xffff;
	_ =	sdelay $0x4  }
0xc1: {  	v0 =	vadd.f32 v1, v0;
	_ =	sdelay $0x1  }
0xc2: {  	v0 =	vsub.f32 $0.0e+00, v0;
	_ =	sdelay $0x1  }
0xc3: {  	v0 =	vmul.f32 $1.442695020e+00, v0;
	_ =	sdelay $0x1  }
0xc4: {  	(erf) = vpow2.f32 v0;
	_ =	sdelay $0x8  }
0xc5: {  	v0 =	vpop (erf)  }
0xc6: {  	v0 =	vadd.f32 $1.000000000e+00, v0;
	_ =	sdelay $0x1  }
0xc7: {  	(erf) = vrcp.f32 v0;
	_ =	sdelay $0x2  }
0xc8: {  	v58 =	vld [tilespmem:s18+$0x4F30]  }
0xc9: {  	v59 =	vld [tilespmem:s18+$0x76B0];
	_ =	sdelay $0x4  }
0xca: {  	v60 =	vpop (erf)  }
0xcb: {  	[tilespmem:s18+$0x9E20] =	vst v60  }
0xcc: {  	v0 =	vld.idx.msk [tilespmem:v58+s2+$0x0], $0xffff  }
0xcd: {  	v1 =	vld.idx.msk [tilespmem:v59+s10+$0x0], $0xffff;
	_ =	sdelay $0x4  }
0xce: {  	v0 =	vadd.f32 v1, v0;
	_ =	sdelay $0x1  }
0xcf: {  	v0 =	vsub.f32 $0.0e+00, v0;
	_ =	sdelay $0x1  }
0xd0: {  	v0 =	vmul.f32 $1.442695020e+00, v0;
	_ =	sdelay $0x1  }
0xd1: {  	(erf) = vpow2.f32 v0;
	_ =	sdelay $0x8  }
0xd2: {  	v0 =	vpop (erf)  }
0xd3: {  	v0 =	vadd.f32 $1.000000000e+00, v0;
	_ =	sdelay $0x1  }
0xd4: {  	(erf) = vrcp.f32 v0;
	_ =	sdelay $0x2  }
0xd5: {  	v61 =	vld [tilespmem:s18+$0x4F40]  }
0xd6: {  	v62 =	vld [tilespmem:s18+$0x76C0];
	_ =	sdelay $0x4  }
0xd7: {  	v63 =	vpop (erf)  }
0xd8: {  	[tilespmem:s18+$0x9E30] =	vst v63  }
0xd9: {  	v0 =	vld.idx.msk [tilespmem:v61+s2+$0x0], $0xffff  }
0xda: {  	v1 =	vld.idx.msk [tilespmem:v62+s10+$0x0], $0xffff;
	_ =	sdelay $0x4  }
0xdb: {  	v0 =	vadd.f32 v1, v0;
	_ =	sdelay $0x1  }
0xdc: {  	v0 =	vsub.f32 $0.0e+00, v0;
	_ =	sdelay $0x1  }
0xdd: {  	v0 =	vmul.f32 $1.442695020e+00, v0;
	_ =	sdelay $0x1  }
0xde: {  	(erf) = vpow2.f32 v0;
	_ =	sdelay $0x8  }
0xdf: {  	v0 =	vpop (erf)  }
0xe0: {  	v0 =	vadd.f32 $1.000000000e+00, v0;
	_ =	sdelay $0x1  }
0xe1: {  	(erf) = vrcp.f32 v0;
	_ =	sdelay $0x7  }
0xe2: {  	s14 =	sadd.s32 $0x1, s14  }
0xe3: {  	p0 =	sne.s32 s14, s8;
	v0 =	vpop (erf)  }
.Ltmp1:
0xe4: {  	[tilespmem:s18+$0x9E40] =	vst v0;
	(pc) =	sbr.rel @p0 .LBB2_1-.Ltmp1, $4  }
0xe5: {  	[hbm4b:s7+s2] =	stream.linear.scatter [tilespmem:s13], [sflag:$0x1], $0x2710, $0x38;
	[tilespmem:$0xC580] =	vst v63  }
0xe6: {  	_ =	swait.ge [sflag:s9], $0x2710  }
0xe7: {  	[sflag:s9] =	ssyncset.done $0x0  }
0xe8: {  	[sflag:s9] =	ssyncadd.s32 $0xFFFFD8F0  }
0xe9: {  	_ =	sfence.sel $0x180000  }
0xea: {  	[bflag:$0x0] =	sbarrier.arrive $0xFFFF  }
0xeb: {  	p0 =	sne.s32 s0, $0x0;
	_ =	strace $0x9000004D  }
0xec: {  	s0 =	sadd.s32 @!p0 $0x100000, s1;
	[bflag:$0x2] =	sbarrier.arrive $0xFFFF  }
0xed: {  	[sflag:s0] =	ssyncadd.tile.s32 @!p0 $0x1;
	_ =	shalt  }
.Lfunc_end2:
_tile_overlayer_lowered:
.L_overlay_start_2:
0xee: {  	(tag) =	ssettag $0x2  }
0xef: {  	s0 =	rddreg [dreg:$0x0];
	s2 =	stileid.u32  }
0xf0: {  	s1 =	rddreg [dreg:$0x1];
	p0 =	sne.s32 s2, $0x0  }
0xf1: {  	s3 =	rddreg [dreg:$0x2];
	[bflag:$0x3] =	sbarrier.arrive $0xFFFF;
	s2 =	simm.s32 @!p0 $0x1C01  }
0xf2: {  	[timem:s3], [sflag:s2] =	dma.local @!p0 [hbm:s0], s1  }
0xf3: {  	s0 =	simm.s32 @!p0 $0x1  }
0xf4: {  	_ =	swait.ge @!p0 [sflag:s0], s1  }
0xf5: {  	s1 =	ssub.s32 @!p0 $0x0, s1;
	[sflag:s0] =	ssyncset.done @!p0 $0x0  }
0xf6: {  	[sflag:s0] =	ssyncadd.s32 @!p0 s1  }
0xf7: {  	[bflag:$0x3] =	sbarrier.arrive $0xFFFF  }
0xf8: {  	_ =	shalt  }

// kernel: kernel.7.cloned.1.call-start
scs
__scs_entry_jumppad:
0x0: {  	(pc) =	sbr.rel $0x88, $3  }
0x1: {  	(tag) =	ssettag $0x0;
	lr =	simm.s32 $0x1  }
0x2: {  	[smem:$0x3F8B] =	sst lr;
	_ =	strace $0xD0000000  }
0x3: {  	_ = 	snop  }
0x4: {  	_ = 	snop  }
0x5: {  	_ = 	snop  }
0x6: {  	_ = 	snop  }
0x7: {  	_ = 	snop  }
__scs_overlays_trampoline_lowered:
0x8: {  	[smem:$0x3F9A] =	sst s0  }
0x9: {  	[smem:$0x3F9B] =	sst s1  }
0xa: {  	[smem:$0x3F9C] =	sst s2  }
0xb: {  	[smem:$0x3F9D] =	sst s3  }
0xc: {  	[smem:$0x3F9E] =	sst s4  }
0xd: {  	[smem:$0x3F9F] =	sst s5  }
0xe: {  	[smem:$0x3FA0] =	sst s6  }
0xf: {  	[smem:$0x3FA1] =	sst s7  }
0x10: {  	[smem:$0x3FA2] =	sst s8  }
0x11: {  	[smem:$0x3FA3] =	sst s9;
	s0 =	simm.s32 @!p0 $0x0  }
0x12: {  	s1 =	sld [smem:$0x3F89];
	s0 =	simm.s32 @p0 $0x1  }
0x13: {  	[smem:$0x3FA4] =	sst s0;
	s0 =	simm.s32 @!p1 $0x0  }
0x14: {  	s2 =	sld [smem:$0x3F88];
	s0 =	simm.s32 @p1 $0x1  }
0x15: {  	[smem:$0x3FA5] =	sst s0;
	s0 =	simm.s32 @!p2 $0x0  }
0x16: {  	s3 =	sld [smem:$0x3FDB];
	s0 =	simm.s32 @p2 $0x1  }
0x17: {  	s4 =	simm.s32 $0x1BF5;
	[smem:$0x3FA7] =	sst s0  }
0x18: {  	s0 =	sld [smem:$0x3F8A];
	_ =	swait.ge [sflag:s4], $0x0  }
0x19: {  	s7 =	sld [smem:$0x3F8B]  }
0x1a: {  	s8 =	sadd.s32 $0xFFFFE003, lr  }
0x1b: {  	s9 =	sadd.s32 $0xFFFFFEF7, lr;
	s5 =	simm.s32 $0xFFFFFFFF;
	p2 =	slt.u32 s8, $0xFFFFF086  }
0x1c: {  	p1 =	slt.u32 s9, $0xF7A;
	s5 =	simm.s32 @!p2 $0x0  }
0x1d: {  	s5 =	simm.s32 @p1 $0x1;
	p0 =	seq.s32 s7, s2  }
0x1e: {  	s7 =	smul.u32 @!p0 $0xF7A, s2;
	p2 =	seq.s32 @!p0 s5, $0x0  }
0x1f: {  	s9 =	smul.u32 $0xF7A, s1;
	s8 =	simm.s32 @!p0 $0x1BF5;
	p2 =	por !p2, p0  }
0x20: {  	[sflag:s8] =	ssyncset.s32 @!p0 $0xFFFFF086;
	s6 =	sadd.s32 @!p0 s3, s7;
	s7 =	simm.s32 @!p0 $0x108  }
0x21: {  	s3 =	sadd.s32 s3, s9;
	s6 =	sadd.s32 @!p0 $0x88, s6;
	s7 =	simm.s32 @p2 $0x1082  }
0x22: {  	[simem:s7], [sflag:s8] =	dma.local @!p0 [hbm:s6], $0xF7A  }
0x23: {  	s9 =	sor.u32 $0xD0000000, s2;
	s6 =	simm.s32 $0x108;
	_ =	swait.ge @!p0 [sflag:s8], $0x0  }
0x24: {  	s3 =	sadd.s32 $0x88, s3;
	s6 =	simm.s32 @!p1 $0x1082;
	[sflag:s4] =	ssyncset.s32 $0xFFFFF086  }
0x25: {  	[simem:s6], [sflag:s4] =	dma.local [hbm:s3], $0xF7A  }
0x26: {  	[smem:$0x3F8B] =	sst s1;
	(tag) =	ssettag s2;
	_ =	strace s9  }
0x27: {  	s1 =	sld [smem:$0x3F9B]  }
0x28: {  	s2 =	sld [smem:$0x3F9C]  }
0x29: {  	s4 =	sld [smem:$0x3F9E]  }
0x2a: {  	p0 =	seq.s32 s5, $0x0;
	s5 =	sld [smem:$0x3F9F]  }
0x2b: {  	s6 =	sld [smem:$0x3FA0]  }
0x2c: {  	s7 =	sld [smem:$0x3FA1]  }
0x2d: {  	s3 =	simm.s32 $0x108;
	s8 =	sld [smem:$0x3FA2]  }
0x2e: {  	s3 =	simm.s32 @!p0 $0x1082;
	s9 =	sld [smem:$0x3FA3]  }
0x2f: {  	lr =	sadd.s32 s0, s3;
	s0 =	sld [smem:$0x3F9A]  }
0x30: {  	s3 =	sld [smem:$0x3F9D]  }
0x31: {  	[smem:$0x3FA6] =	sst s10  }
0x32: {  	s10 =	sld [smem:$0x3FA4];
	_ =	sdelay $0x3  }
0x33: {  	p0 =	seq.s32 s10, $0x1;
	s10 =	sld [smem:$0x3FA6];
	_ =	sdelay $0x3  }
0x34: {  	[smem:$0x3FA6] =	sst s10  }
0x35: {  	s10 =	sld [smem:$0x3FA5];
	_ =	sdelay $0x3  }
0x36: {  	p1 =	seq.s32 s10, $0x1;
	s10 =	sld [smem:$0x3FA6];
	_ =	sdelay $0x3  }
0x37: {  	[smem:$0x3FA6] =	sst s10  }
0x38: {  	s10 =	sld [smem:$0x3FA7]  }
0x39: {  	_ = 	snop;
	(pc) =	sbr.ind lr, $3  }
0x3a: {  	_ = 	snop  }
0x3b: {  	_ = 	snop  }
0x3c: {  	p2 =	seq.s32 s10, $0x1;
	s10 =	sld [smem:$0x3FA6]  }
0x3d: {  	_ =	shalt  }
0x3e: {  	_ =	shalt  }
0x3f: {  	_ =	shalt  }
0x40: {  	_ =	shalt  }
0x41: {  	_ =	shalt  }
0x42: {  	_ =	shalt  }
0x43: {  	_ =	shalt  }
0x44: {  	_ =	shalt  }
0x45: {  	_ =	shalt  }
0x46: {  	_ =	shalt  }
0x47: {  	_ =	shalt  }
0x48: {  	_ =	shalt  }
0x49: {  	_ =	shalt  }
0x4a: {  	_ =	shalt  }
0x4b: {  	_ =	shalt  }
0x4c: {  	_ =	shalt  }
0x4d: {  	_ =	shalt  }
0x4e: {  	_ =	shalt  }
0x4f: {  	_ =	shalt  }
0x50: {  	_ =	shalt  }
0x51: {  	_ =	shalt  }
0x52: {  	_ =	shalt  }
0x53: {  	_ =	shalt  }
0x54: {  	_ =	shalt  }
0x55: {  	_ =	shalt  }
0x56: {  	_ =	shalt  }
0x57: {  	_ =	shalt  }
0x58: {  	_ =	shalt  }
0x59: {  	_ =	shalt  }
0x5a: {  	_ =	shalt  }
0x5b: {  	_ =	shalt  }
0x5c: {  	_ =	shalt  }
0x5d: {  	_ =	shalt  }
0x5e: {  	_ =	shalt  }
0x5f: {  	_ =	shalt  }
0x60: {  	_ =	shalt  }
0x61: {  	_ =	shalt  }
0x62: {  	_ =	shalt  }
0x63: {  	_ =	shalt  }
0x64: {  	_ =	shalt  }
0x65: {  	_ =	shalt  }
0x66: {  	_ =	shalt  }
0x67: {  	_ =	shalt  }
0x68: {  	_ =	shalt  }
0x69: {  	_ =	shalt  }
0x6a: {  	_ =	shalt  }
0x6b: {  	_ =	shalt  }
0x6c: {  	_ =	shalt  }
0x6d: {  	_ =	shalt  }
0x6e: {  	_ =	shalt  }
0x6f: {  	_ =	shalt  }
0x70: {  	_ =	shalt  }
0x71: {  	_ =	shalt  }
0x72: {  	_ =	shalt  }
0x73: {  	_ =	shalt  }
0x74: {  	_ =	shalt  }
0x75: {  	_ =	shalt  }
0x76: {  	_ =	shalt  }
0x77: {  	_ =	shalt  }
0x78: {  	_ =	shalt  }
0x79: {  	_ =	shalt  }
0x7a: {  	_ =	shalt  }
0x7b: {  	_ =	shalt  }
0x7c: {  	_ =	shalt  }
0x7d: {  	_ =	shalt  }
0x7e: {  	_ =	shalt  }
0x7f: {  	_ =	shalt  }
0x80: {  	_ =	shalt  }
0x81: {  	_ =	shalt  }
0x82: {  	_ =	shalt  }
0x83: {  	_ =	shalt  }
0x84: {  	_ =	shalt  }
0x85: {  	_ =	shalt  }
0x86: {  	_ =	shalt  }
0x87: {  	_ =	shalt  }
.Lfunc_end0:
.L_simem_size_0:
called_computation_lowered:
.L_overlay_start_0:
0x88: {  	s2 =	sld [smem:$0x3FD9]  }
0x89: {  	s3 =	sld [smem:$0x3FFE];
	_ =	sdelay $0x1  }
0x8a: {  	s1 =	srdreg.scid  }
0x8b: {  	s0 =	sand.u32 $0x1, s1  }
0x8c: {  	s17 =	sshll.u32 s0, $0xA;
	s2 =	sadd.s32 s3, s2  }
0x8d: {  	s2 =	sadd.s32 s2, s17  }
0x8e: {  	[smem:$0x3FB2] =	sst s2  }
0x8f: {  	_ = 	snop  }
0x90: {  	s2 =	sld [smem:$0x3FC9];
	(tm) =	ssettm $0x1  }
0x91: {  	s18 =	sld [smem:$0x3FFB];
	_ =	sdelay $0x3  }
0x92: {  	_ =	strace s18  }
0x93: {  	s3 =	sld [smem:$0x3FFC];
	_ =	sdelay $0x3  }
0x94: {  	_ =	strace s3  }
0x95: {  	s3 =	sld [smem:$0x3FFD];
	_ =	sdelay $0x3  }
0x96: {  	_ =	strace s3  }
0x97: {  	_ =	strace $0x8FFFFFFF  }
0x98: {  	s19 =	sld [smem:$0x3FDB];
	_ =	sdelay $0x1  }
0x99: {  	s4 =	simm.s32 $_scs_section_size  }
0x9a: {  	s5 =	simm.s32 $_size__tile_overlayer_lowered;
	s6 =	simm.s32 $_tile_overlayer_lowered  }
0x9b: {  	s22 =	simm.s32 $0x1BFF;
	s21 =	sshll.u32 s6, $0x1;
	s3 =	sadd.s32 s4, s19  }
0x9c: {  	s7 =	simm.s32 $0x0;
	s20 =	sshll.u32 s5, $0x1;
	s5 =	sadd.s32 s21, s3  }
0x9d: {  	[timem:s7], [sflag:s22] =	dma.local [hbm:s5], s20  }
0x9e: {  	_ =	swait.ge [sflag:s22], s20  }
0x9f: {  	s4 =	ssub.s32 $0x0, s20;
	[sflag:s22] =	ssyncset.done $0x0  }
0xa0: {  	[sflag:s22] =	ssyncadd.s32 s4;
	_ =	sdelay $0x1  }
0xa1: {  	s23 =	simm.s32 $0x1B8B  }
0xa2: {  	_ =	swait.ge [sflag:s23], $0x1  }
0xa3: {  	[sflag:s23] =	ssyncset.done $0x0  }
0xa4: {  	s25 =	simm.s32 $0x1B8E;
	s24 =	sld [smem:$0x3FFE];
	[sflag:s23] =	ssyncadd.s32 $0xFFFFFFFF  }
0xa5: {  	s26 =	simm.s32 $execute0_lowered;
	[smem:$0x3FD2] =	sst s25  }
0xa6: {  	s5 =	sshll.u32 s26, $0x1;
	_ =	strace $0x80000046;
	[dreg:$0x1] =	wrdreg $0xFFFFFFFF  }
0xa7: {  	s28 =	simm.s32 $_size_execute0_lowered;
	s3 =	sadd.s32 s3, s5;
	[dreg:$0x0] =	wrdreg $0x0  }
0xa8: {  	s5 =	sshll.u32 s28, $0x1;
	[dreg:$0x2] =	wrdreg s3  }
0xa9: {  	[dreg:$0x3] =	wrdreg s5  }
0xaa: {  	[dreg:$0x4] =	wrdreg $0xC0  }
0xab: {  	_ =	task [dreg:s7], $0x5FFFF  }
0xac: {  	[dreg:$0x1] =	wrdreg $0xFFFFFFFF  }
0xad: {  	[dreg:$0x0] =	wrdreg $0x60  }
0xae: {  	[dreg:$0x2] =	wrdreg s2  }
0xaf: {  	[dreg:$0x3] =	wrdreg s24  }
0xb0: {  	[dreg:$0x4] =	wrdreg $0xBC000  }
0xb1: {  	[dreg:$0x5] =	wrdreg $0x9  }
0xb2: {  	_ =	task.clear_ibuf [dreg:s7], $0x6FFFF;
	_ =	strace $0x90000046  }
0xb3: {  	s29 =	simm.s32 $0x9;
	_ =	strace $0x80000048  }
0xb4: {  	_ =	swait.ge [sflag:s29], $0x1  }
0xb5: {  	[sflag:s29] =	ssyncadd.s32 $0xFFFFFFFF  }
0xb6: {  	_ =	strace $0x90000048  }
0xb7: {  	_ =	sfence  }
0xb8: {  	s30 =	sld [smem:$0x0];
	_ =	sdelay $0x2  }
0xb9: {  	s31 =	sshll.u32 s1, $0xD;
	s1 =	sshrl.u32 s1, $0x2  }
0xba: {  	s3 =	sand.u32 $0x4000, s31;
	s1 =	sadd.s32 s1, s30  }
0xbb: {  	s0 =	sor.u32 s3, s0;
	s1 =	sshll.u32 s1, $0x11  }
0xbc: {  	s0 =	sor.u32 s1, s0  }
0xbd: {  	s0 =	sadd.s32 $0x8F2B, s0  }
0xbe: {  	[sflag:s0] =	ssyncadd.remote.s32 $0x1  }
0xbf: {  	_ =	sfence.sel $0xFFFF  }
0xc0: {  	[dreg:$0x0] =	wrdreg $0xFFFFFFFF;
	(pc) =	sbr.abs _section_cstart, $3  }
0xc1: {  	[dreg:$0x1] =	wrdreg $0xFFFFFFFF  }
0xc2: {  	_ =	task.clear_ibuf [dreg:s7], $0x2FFFF;
	_ =	strace $0x9FFFFFFF  }
0xc3: {  	(tm) =	ssettm $0x7FFFFFFF  }
tec
execute0_lowered:
.L_overlay_start_1:
0x0: {  	(tag) =	ssettag $0x1  }
0x1: {  	s1 =	rddreg [dreg:$0x0]  }
0x2: {  	s2 =	rddreg [dreg:$0x1]  }
0x3: {  	s3 =	rddreg [dreg:$0x2];
	s4 =	simm.s32 $0x0  }
0x4: {  	s23 =	simm.s32 $0x80;
	[smem:$0x7FF] =	sst s4  }
0x5: {  	s24 =	simm.s32 $0x100;
	_ =	strace $0x80000047;
	[dreg:$0x6] =	wrdreg s23  }
0x6: {  	s25 =	simm.s32 $0x1080;
	[dreg:$0x7] =	wrdreg s24  }
0x7: {  	s26 =	simm.s32 $0x180;
	[dreg:$0x8] =	wrdreg s25  }
0x8: {  	s0 =	srdreg.scid;
	s7 =	simm.s32 $0x200;
	[dreg:$0x9] =	wrdreg s26  }
0x9: {  	s9 =	stileid.u32;
	s8 =	simm.s32 $0x1180;
	[dreg:$0xb] =	wrdreg s7  }
0xa: {  	s10 =	simm.s32 $0x280;
	s12 =	simm.s32 $0x1200;
	[dreg:$0xc] =	wrdreg s8  }
0xb: {  	s13 =	simm.s32 $0x300;
	s14 =	simm.s32 $0x1280;
	[dreg:$0xd] =	wrdreg s10  }
0xc: {  	s15 =	simm.s32 $0x380;
	s16 =	simm.s32 $0x1300;
	[dreg:$0xe] =	wrdreg s12  }
0xd: {  	s17 =	simm.s32 $0x400;
	s19 =	simm.s32 $0x1380;
	[dreg:$0xf] =	wrdreg s13  }
0xe: {  	s21 =	simm.s32 $0x480;
	s28 =	simm.s32 $0xB00;
	[dreg:$0x10] =	wrdreg s14  }
0xf: {  	s29 =	simm.s32 $0x1A80;
	s30 =	simm.s32 $0xB80;
	[dreg:$0x11] =	wrdreg s15  }
0x10: {  	s31 =	simm.s32 $0x1B00;
	s0 =	sand.u32 $0x1, s0;
	[dreg:$0x12] =	wrdreg s16  }
0x11: {  	s5 =	sshll.u32 s9, $0xC;
	s11 =	smul.u32 $0x2780, s9;
	[dreg:$0x13] =	wrdreg s17  }
0x12: {  	s20 =	smul.u32 $0x4F000, s9;
	s6 =	sshll.u32 s0, $0xB;
	[dreg:$0x14] =	wrdreg s19  }
0x13: {  	s7 =	smul.u32 $0x27800, s0;
	s0 =	ssub.s32 $0x2, s0;
	[dreg:$0x15] =	wrdreg s21  }
0x14: {  	s24 =	simm.s32 $0x500;
	s25 =	simm.s32 $0x1480;
	s10 =	sshll.u32 s9, $0x6  }
0x15: {  	s12 =	simm.s32 $0x600;
	s13 =	simm.s32 $0x1580;
	[dreg:$0x17] =	wrdreg s24  }
0x16: {  	s14 =	simm.s32 $0x680;
	s15 =	simm.s32 $0x1600;
	[dreg:$0x18] =	wrdreg s25  }
0x17: {  	s16 =	simm.s32 $0x700;
	s17 =	simm.s32 $0x1680;
	[dreg:$0x1b] =	wrdreg s12  }
0x18: {  	s19 =	simm.s32 $0x1700;
	s21 =	simm.s32 $0x1780;
	[dreg:$0x1c] =	wrdreg s13  }
0x19: {  	s9 =	simm.s32 $0x0;
	s5 =	sor.u32 s6, s5;
	[dreg:$0x1d] =	wrdreg s14  }
0x1a: {  	s6 =	simm.s32 $0x1100;
	s8 =	sadd.s32 s11, s2;
	[dreg:$0x1e] =	wrdreg s15  }
0x1b: {  	s18 =	sshrl.u32 s0, $0x1;
	s23 =	sshrl.u32 s20, $0x2;
	[dreg:$0x1f] =	wrdreg s16  }
0x1c: {  	s12 =	simm.s32 $0x64;
	[smem:$0x7F2] =	sst s17;
	s13 =	simm.s32 $0x2000  }
0x1d: {  	s14 =	simm.s32 $0x5400;
	[smem:$0x7F4] =	sst s19;
	s20 =	simm.s32 $0x800  }
0x1e: {  	s15 =	simm.s32 $0x1;
	s16 =	simm.s32 $0x8800;
	[smem:$0x7F6] =	sst s21  }
0x1f: {  	s17 =	simm.s32 $0x2;
	s24 =	simm.s32 $0x900;
	[dreg:$0xa] =	wrdreg s6  }
0x20: {  	s19 =	simm.s32 $0x3;
	s25 =	simm.s32 $0x1880;
	[smem:$0x7F5] =	sst s20  }
0x21: {  	s21 =	simm.s32 $0x6;
	s5 =	sadd.s32 s5, s2;
	[smem:$0x7F9] =	sst s24  }
0x22: {  	s6 =	sadd.s32 s11, s7;
	s26 =	sadd.s32 $0x36C00, s8;
	[smem:$0x7FA] =	sst s25  }
0x23: {  	s0 =	ssub.s32 s0, s18;
	s8 =	simm.s32 $0x580;
	[smem:$0x7EF] =	sst s26  }
0x24: {  	s11 =	simm.s32 $0x1500;
	s7 =	sor.u32 $0x1C07, s10;
	[dreg:$0x19] =	wrdreg s8  }
0x25: {  	s10 =	simm.s32 $0x7;
	s18 =	simm.s32 $0x780;
	[dreg:$0x1a] =	wrdreg s11  }
0x26: {  	s20 =	simm.s32 $0x5;
	s24 =	simm.s32 $0x1980;
	[smem:$0x7F3] =	sst s18  }
0x27: {  	s25 =	simm.s32 $0xA80;
	s22 =	sadd.s32 $0x16C00, s5;
	[smem:$0x7FC] =	sst s7  }
0x28: {  	s5 =	sadd.s32 $0x26C00, s5;
	s2 =	sadd.s32 s6, s2;
	[dreg:$0x4] =	wrdreg s22  }
0x29: {  	s6 =	sadd.s32 s23, s3;
	s0 =	smax.u32 s0, $0x1;
	[dreg:$0x5] =	wrdreg s5  }
0x2a: {  	s11 =	simm.s32 $0x1000;
	s23 =	simm.s32 $0x1800;
	[smem:$0x7F1] =	sst s0  }
0x2b: {  	s18 =	simm.s32 $0x4;
	s26 =	simm.s32 $0x980;
	[smem:$0x7F8] =	sst s23  }
0x2c: {  	s22 =	simm.s32 $0x1400;
	s2 =	sadd.s32 $0x5E400, s2;
	[smem:$0x7FB] =	sst s26  }
0x2d: {  	s8 =	sshrl.u32 s6, $0x3;
	s23 =	simm.s32 $0xA00;
	[dreg:$0x16] =	wrdreg s22  }
0x2e: {  	s26 =	simm.s32 $0x1A00;
	s0 =	simm.s32 $0x1B80;
	[smem:$0x7F0] =	sst s2  }
0x2f: {  	s5 =	simm.s32 $0x1C00;
	s22 =	simm.s32 $0x880;
	[smem:$0x7FD] =	sst s8  }
0x30: {  	s2 =	simm.s32 $0xC00;
	[smem:$0x7F7] =	sst s22;
	s22 =	simm.s32 $0x1900  }
.LBB2_1:
0x31: {  	s6 =	sld [smem:$0x7EF];
	_ =	sdelay $0x1  }
0x32: {  	[smem:$0x7EE] =	sst s9  }
0x33: {  	[spmem:s8], [sflag:s7] =	dma.local [hbm:s6], $0x2780  }
0x34: {  	_ =	swait.ge [sflag:s10], $0x2780  }
0x35: {  	[sflag:s10] =	ssyncset.done $0x0  }
0x36: {  	[sflag:s10] =	ssyncadd.s32 $0xFFFFD880  }
0x37: {  	[bflag:$0x0] =	sbarrier.arrive $0xFFFF  }
0x38: {  	s8 =	rddreg [dreg:$0x4]  }
0x39: {  	s6 =	sadd.s32 $0x0, s8  }
0x3a: {  	[tilespmem:s4], [sflag:$0x7] =	stream.linear.gather [hbm4b:s6+s4], $0xC80, $0x38;
	[tilespmem:$0x1F800] =	vst v63  }
0x3b: {  	_ =	swait.ge [sflag:s10], $0xC80  }
0x3c: {  	s9 =	rddreg [dreg:$0x5];
	[sflag:s10] =	ssyncset.done $0x0  }
0x3d: {  	[sflag:s10] =	ssyncadd.s32 $0xFFFFF380;
	s6 =	sadd.s32 $0x0, s9  }
0x3e: {  	[tilespmem:s11], [sflag:$0x7] =	stream.linear.gather [hbm4b:s6+s4], $0xC80, $0x38;
	[tilespmem:$0x1F800] =	vst v63  }
0x3f: {  	_ =	swait.ge [sflag:s10], $0xC80  }
0x40: {  	[sflag:s10] =	ssyncset.done $0x0  }
0x41: {  	[sflag:s10] =	ssyncadd.s32 $0xFFFFF380  }
0x42: {  	[tilespmem:s13], [sflag:$0x1] =	stream.indirect.gather [hbm4b:s1+s12], $0x80, s4, s12, $0xb8;
	[tilespmem:$0x1F800] =	vst v63  }
0x43: {  	s7 =	rddreg [dreg:$0x6]  }
0x44: {  	[tilespmem:s14], [sflag:$0x2] =	stream.indirect.gather [hbm4b:s1+s12], $0x80, s7, s12, $0xb8;
	[tilespmem:$0x1F800] =	vst v63  }
0x45: {  	_ =	swait.ge [sflag:s15], $0x3200  }
0x46: {  	[sflag:s15] =	ssyncset.done $0x0  }
0x47: {  	[sflag:s15] =	ssyncadd.s32 $0xFFFFCE00  }
0x48: {  	[spmem:s3] =	stream.indirect.scatter.add.f32 [tilespmem:s13], [sflag:$0x4], $0x80, s11, s12, $0xb8;
	[tilespmem:$0x1F800] =	vst v63  }
0x49: {  	s8 =	rddreg [dreg:$0x7]  }
0x4a: {  	[tilespmem:s16], [sflag:$0x3] =	stream.indirect.gather [hbm4b:s1+s12], $0x80, s8, s12, $0xb8;
	[tilespmem:$0x1F800] =	vst v63  }
0x4b: {  	_ =	swait.ge [sflag:s17], $0x3200  }
0x4c: {  	[sflag:s17] =	ssyncset.done $0x0  }
0x4d: {  	s9 =	rddreg [dreg:$0x8];
	[sflag:s17] =	ssyncadd.s32 $0xFFFFCE00  }
0x4e: {  	[spmem:s3] =	stream.indirect.scatter.add.f32 [tilespmem:s14], [sflag:$0x5], $0x80, s9, s12, $0xb8;
	[tilespmem:$0x1F800] =	vst v63  }
0x4f: {  	_ =	swait.ge [sflag:s18], $0x3200  }
0x50: {  	[sflag:s18] =	ssyncset.done $0x0  }
0x51: {  	s7 =	rddreg [dreg:$0x9];
	[sflag:s18] =	ssyncadd.s32 $0xFFFFCE00  }
0x52: {  	[tilespmem:s13], [sflag:$0x1] =	stream.indirect.gather [hbm4b:s1+s12], $0x80, s7, s12, $0xb8;
	[tilespmem:$0x1F800] =	vst v63  }
0x53: {  	_ =	swait.ge [sflag:s19], $0x3200  }
0x54: {  	[sflag:s19] =	ssyncset.done $0x0  }
0x55: {  	s8 =	rddreg [dreg:$0xa];
	[sflag:s19] =	ssyncadd.s32 $0xFFFFCE00  }
0x56: {  	[spmem:s3] =	stream.indirect.scatter.add.f32 [tilespmem:s16], [sflag:$0x6], $0x80, s8, s12, $0xb8;
	[tilespmem:$0x1F800] =	vst v63  }
0x57: {  	_ =	swait.ge [sflag:s20], $0x3200  }
0x58: {  	[sflag:s20] =	ssyncset.done $0x0  }
0x59: {  	s9 =	rddreg [dreg:$0xb];
	[sflag:s20] =	ssyncadd.s32 $0xFFFFCE00  }
0x5a: {  	[tilespmem:s14], [sflag:$0x2] =	stream.indirect.gather [hbm4b:s1+s12], $0x80, s9, s12, $0xb8;
	[tilespmem:$0x1F800] =	vst v63  }
0x5b: {  	_ =	swait.ge [sflag:s15], $0x3200  }
0x5c: {  	[sflag:s15] =	ssyncset.done $0x0  }
0x5d: {  	s7 =	rddreg [dreg:$0xc];
	[sflag:s15] =	ssyncadd.s32 $0xFFFFCE00  }
0x5e: {  	[spmem:s3] =	stream.indirect.scatter.add.f32 [tilespmem:s13], [sflag:$0x4], $0x80, s7, s12, $0xb8;
	[tilespmem:$0x1F800] =	vst v63  }
0x5f: {  	_ =	swait.ge [sflag:s21], $0x3200  }
0x60: {  	[sflag:s21] =	ssyncset.done $0x0  }
0x61: {  	s8 =	rddreg [dreg:$0xd];
	[sflag:s21] =	ssyncadd.s32 $0xFFFFCE00  }
0x62: {  	[tilespmem:s16], [sflag:$0x3] =	stream.indirect.gather [hbm4b:s1+s12], $0x80, s8, s12, $0xb8;
	[tilespmem:$0x1F800] =	vst v63  }
0x63: {  	_ =	swait.ge [sflag:s17], $0x3200  }
0x64: {  	[sflag:s17] =	ssyncset.done $0x0  }
0x65: {  	s9 =	rddreg [dreg:$0xe];
	[sflag:s17] =	ssyncadd.s32 $0xFFFFCE00  }
0x66: {  	[spmem:s3] =	stream.indirect.scatter.add.f32 [tilespmem:s14], [sflag:$0x5], $0x80, s9, s12, $0xb8;
	[tilespmem:$0x1F800] =	vst v63  }
0x67: {  	_ =	swait.ge [sflag:s18], $0x3200  }
0x68: {  	[sflag:s18] =	ssyncset.done $0x0  }
0x69: {  	s7 =	rddreg [dreg:$0xf];
	[sflag:s18] =	ssyncadd.s32 $0xFFFFCE00  }
0x6a: {  	[tilespmem:s13], [sflag:$0x1] =	stream.indirect.gather [hbm4b:s1+s12], $0x80, s7, s12, $0xb8;
	[tilespmem:$0x1F800] =	vst v63  }
0x6b: {  	_ =	swait.ge [sflag:s19], $0x3200  }
0x6c: {  	[sflag:s19] =	ssyncset.done $0x0  }
0x6d: {  	s8 =	rddreg [dreg:$0x10];
	[sflag:s19] =	ssyncadd.s32 $0xFFFFCE00  }
0x6e: {  	[spmem:s3] =	stream.indirect.scatter.add.f32 [tilespmem:s16], [sflag:$0x6], $0x80, s8, s12, $0xb8;
	[tilespmem:$0x1F800] =	vst v63  }
0x6f: {  	_ =	swait.ge [sflag:s20], $0x3200  }
0x70: {  	[sflag:s20] =	ssyncset.done $0x0  }
0x71: {  	s9 =	rddreg [dreg:$0x11];
	[sflag:s20] =	ssyncadd.s32 $0xFFFFCE00  }
0x72: {  	[tilespmem:s14], [sflag:$0x2] =	stream.indirect.gather [hbm4b:s1+s12], $0x80, s9, s12, $0xb8;
	[tilespmem:$0x1F800] =	vst v63  }
0x73: {  	_ =	swait.ge [sflag:s15], $0x3200  }
0x74: {  	[sflag:s15] =	ssyncset.done $0x0  }
0x75: {  	s7 =	rddreg [dreg:$0x12];
	[sflag:s15] =	ssyncadd.s32 $0xFFFFCE00  }
0x76: {  	[spmem:s3] =	stream.indirect.scatter.add.f32 [tilespmem:s13], [sflag:$0x4], $0x80, s7, s12, $0xb8;
	[tilespmem:$0x1F800] =	vst v63  }
0x77: {  	_ =	swait.ge [sflag:s21], $0x3200  }
0x78: {  	[sflag:s21] =	ssyncset.done $0x0  }
0x79: {  	s8 =	rddreg [dreg:$0x13];
	[sflag:s21] =	ssyncadd.s32 $0xFFFFCE00  }
0x7a: {  	[tilespmem:s16], [sflag:$0x3] =	stream.indirect.gather [hbm4b:s1+s12], $0x80, s8, s12, $0xb8;
	[tilespmem:$0x1F800] =	vst v63  }
0x7b: {  	_ =	swait.ge [sflag:s17], $0x3200  }
0x7c: {  	[sflag:s17] =	ssyncset.done $0x0  }
0x7d: {  	s9 =	rddreg [dreg:$0x14];
	[sflag:s17] =	ssyncadd.s32 $0xFFFFCE00  }
0x7e: {  	[spmem:s3] =	stream.indirect.scatter.add.f32 [tilespmem:s14], [sflag:$0x5], $0x80, s9, s12, $0xb8;
	[tilespmem:$0x1F800] =	vst v63  }
0x7f: {  	_ =	swait.ge [sflag:s18], $0x3200  }
0x80: {  	[sflag:s18] =	ssyncset.done $0x0  }
0x81: {  	s7 =	rddreg [dreg:$0x15];
	[sflag:s18] =	ssyncadd.s32 $0xFFFFCE00  }
0x82: {  	[tilespmem:s13], [sflag:$0x1] =	stream.indirect.gather [hbm4b:s1+s12], $0x80, s7, s12, $0xb8;
	[tilespmem:$0x1F800] =	vst v63  }
0x83: {  	_ =	swait.ge [sflag:s19], $0x3200  }
0x84: {  	[sflag:s19] =	ssyncset.done $0x0  }
0x85: {  	s8 =	rddreg [dreg:$0x16];
	[sflag:s19] =	ssyncadd.s32 $0xFFFFCE00  }
0x86: {  	[spmem:s3] =	stream.indirect.scatter.add.f32 [tilespmem:s16], [sflag:$0x6], $0x80, s8, s12, $0xb8;
	[tilespmem:$0x1F800] =	vst v63  }
0x87: {  	_ =	swait.ge [sflag:s20], $0x3200  }
0x88: {  	[sflag:s20] =	ssyncset.done $0x0  }
0x89: {  	s9 =	rddreg [dreg:$0x17];
	[sflag:s20] =	ssyncadd.s32 $0xFFFFCE00  }
0x8a: {  	[tilespmem:s14], [sflag:$0x2] =	stream.indirect.gather [hbm4b:s1+s12], $0x80, s9, s12, $0xb8;
	[tilespmem:$0x1F800] =	vst v63  }
0x8b: {  	_ =	swait.ge [sflag:s15], $0x3200  }
0x8c: {  	[sflag:s15] =	ssyncset.done $0x0  }
0x8d: {  	s7 =	rddreg [dreg:$0x18];
	[sflag:s15] =	ssyncadd.s32 $0xFFFFCE00  }
0x8e: {  	[spmem:s3] =	stream.indirect.scatter.add.f32 [tilespmem:s13], [sflag:$0x4], $0x80, s7, s12, $0xb8;
	[tilespmem:$0x1F800] =	vst v63  }
0x8f: {  	_ =	swait.ge [sflag:s21], $0x3200  }
0x90: {  	[sflag:s21] =	ssyncset.done $0x0  }
0x91: {  	s8 =	rddreg [dreg:$0x19];
	[sflag:s21] =	ssyncadd.s32 $0xFFFFCE00  }
0x92: {  	[tilespmem:s16], [sflag:$0x3] =	stream.indirect.gather [hbm4b:s1+s12], $0x80, s8, s12, $0xb8;
	[tilespmem:$0x1F800] =	vst v63  }
0x93: {  	_ =	swait.ge [sflag:s17], $0x3200  }
0x94: {  	[sflag:s17] =	ssyncset.done $0x0  }
0x95: {  	s9 =	rddreg [dreg:$0x1a];
	[sflag:s17] =	ssyncadd.s32 $0xFFFFCE00  }
0x96: {  	[spmem:s3] =	stream.indirect.scatter.add.f32 [tilespmem:s14], [sflag:$0x5], $0x80, s9, s12, $0xb8;
	[tilespmem:$0x1F800] =	vst v63  }
0x97: {  	_ =	swait.ge [sflag:s18], $0x3200  }
0x98: {  	[sflag:s18] =	ssyncset.done $0x0  }
0x99: {  	s7 =	rddreg [dreg:$0x1b];
	[sflag:s18] =	ssyncadd.s32 $0xFFFFCE00  }
0x9a: {  	[tilespmem:s13], [sflag:$0x1] =	stream.indirect.gather [hbm4b:s1+s12], $0x80, s7, s12, $0xb8;
	[tilespmem:$0x1F800] =	vst v63  }
0x9b: {  	_ =	swait.ge [sflag:s19], $0x3200  }
0x9c: {  	[sflag:s19] =	ssyncset.done $0x0  }
0x9d: {  	s8 =	rddreg [dreg:$0x1c];
	[sflag:s19] =	ssyncadd.s32 $0xFFFFCE00  }
0x9e: {  	[spmem:s3] =	stream.indirect.scatter.add.f32 [tilespmem:s16], [sflag:$0x6], $0x80, s8, s12, $0xb8;
	[tilespmem:$0x1F800] =	vst v63  }
0x9f: {  	_ =	swait.ge [sflag:s20], $0x3200  }
0xa0: {  	[sflag:s20] =	ssyncset.done $0x0  }
0xa1: {  	s9 =	rddreg [dreg:$0x1d];
	[sflag:s20] =	ssyncadd.s32 $0xFFFFCE00  }
0xa2: {  	[tilespmem:s14], [sflag:$0x2] =	stream.indirect.gather [hbm4b:s1+s12], $0x80, s9, s12, $0xb8;
	[tilespmem:$0x1F800] =	vst v63  }
0xa3: {  	_ =	swait.ge [sflag:s15], $0x3200  }
0xa4: {  	[sflag:s15] =	ssyncset.done $0x0  }
0xa5: {  	s7 =	rddreg [dreg:$0x1e];
	[sflag:s15] =	ssyncadd.s32 $0xFFFFCE00  }
0xa6: {  	[spmem:s3] =	stream.indirect.scatter.add.f32 [tilespmem:s13], [sflag:$0x4], $0x80, s7, s12, $0xb8;
	[tilespmem:$0x1F800] =	vst v63  }
0xa7: {  	_ =	swait.ge [sflag:s21], $0x3200  }
0xa8: {  	[sflag:s21] =	ssyncset.done $0x0  }
0xa9: {  	s8 =	rddreg [dreg:$0x1f];
	[sflag:s21] =	ssyncadd.s32 $0xFFFFCE00  }
0xaa: {  	[tilespmem:s16], [sflag:$0x3] =	stream.indirect.gather [hbm4b:s1+s12], $0x80, s8, s12, $0xb8;
	[tilespmem:$0x1F800] =	vst v63  }
0xab: {  	_ =	swait.ge [sflag:s17], $0x3200  }
0xac: {  	s9 =	sld [smem:$0x7F2]  }
0xad: {  	[sflag:s17] =	ssyncset.done $0x0  }
0xae: {  	[sflag:s17] =	ssyncadd.s32 $0xFFFFCE00  }
0xaf: {  	[spmem:s3] =	stream.indirect.scatter.add.f32 [tilespmem:s14], [sflag:$0x5], $0x80, s9, s12, $0xb8;
	[tilespmem:$0x1F800] =	vst v63  }
0xb0: {  	_ =	swait.ge [sflag:s18], $0x3200  }
0xb1: {  	s7 =	sld [smem:$0x7F3]  }
0xb2: {  	[sflag:s18] =	ssyncset.done $0x0  }
0xb3: {  	[sflag:s18] =	ssyncadd.s32 $0xFFFFCE00  }
0xb4: {  	[tilespmem:s13], [sflag:$0x1] =	stream.indirect.gather [hbm4b:s1+s12], $0x80, s7, s12, $0xb8;
	[tilespmem:$0x1F800] =	vst v63  }
0xb5: {  	_ =	swait.ge [sflag:s19], $0x3200  }
0xb6: {  	s8 =	sld [smem:$0x7F4]  }
0xb7: {  	[sflag:s19] =	ssyncset.done $0x0  }
0xb8: {  	[sflag:s19] =	ssyncadd.s32 $0xFFFFCE00  }
0xb9: {  	[spmem:s3] =	stream.indirect.scatter.add.f32 [tilespmem:s16], [sflag:$0x6], $0x80, s8, s12, $0xb8;
	[tilespmem:$0x1F800] =	vst v63  }
0xba: {  	_ =	swait.ge [sflag:s20], $0x3200  }
0xbb: {  	s9 =	sld [smem:$0x7F5]  }
0xbc: {  	[sflag:s20] =	ssyncset.done $0x0  }
0xbd: {  	[sflag:s20] =	ssyncadd.s32 $0xFFFFCE00  }
0xbe: {  	[tilespmem:s14], [sflag:$0x2] =	stream.indirect.gather [hbm4b:s1+s12], $0x80, s9, s12, $0xb8;
	[tilespmem:$0x1F800] =	vst v63  }
0xbf: {  	_ =	swait.ge [sflag:s15], $0x3200  }
0xc0: {  	s7 =	sld [smem:$0x7F6]  }
0xc1: {  	[sflag:s15] =	ssyncset.done $0x0  }
0xc2: {  	[sflag:s15] =	ssyncadd.s32 $0xFFFFCE00  }
0xc3: {  	[spmem:s3] =	stream.indirect.scatter.add.f32 [tilespmem:s13], [sflag:$0x4], $0x80, s7, s12, $0xb8;
	[tilespmem:$0x1F800] =	vst v63  }
0xc4: {  	_ =	swait.ge [sflag:s21], $0x3200  }
0xc5: {  	s8 =	sld [smem:$0x7F7]  }
0xc6: {  	[sflag:s21] =	ssyncset.done $0x0  }
0xc7: {  	[sflag:s21] =	ssyncadd.s32 $0xFFFFCE00  }
0xc8: {  	[tilespmem:s16], [sflag:$0x3] =	stream.indirect.gather [hbm4b:s1+s12], $0x80, s8, s12, $0xb8;
	[tilespmem:$0x1F800] =	vst v63  }
0xc9: {  	_ =	swait.ge [sflag:s17], $0x3200  }
0xca: {  	s9 =	sld [smem:$0x7F8]  }
0xcb: {  	[sflag:s17] =	ssyncset.done $0x0  }
0xcc: {  	[sflag:s17] =	ssyncadd.s32 $0xFFFFCE00  }
0xcd: {  	[spmem:s3] =	stream.indirect.scatter.add.f32 [tilespmem:s14], [sflag:$0x5], $0x80, s9, s12, $0xb8;
	[tilespmem:$0x1F800] =	vst v63  }
0xce: {  	_ =	swait.ge [sflag:s18], $0x3200  }
0xcf: {  	s7 =	sld [smem:$0x7F9]  }
0xd0: {  	[sflag:s18] =	ssyncset.done $0x0  }
0xd1: {  	[sflag:s18] =	ssyncadd.s32 $0xFFFFCE00  }
0xd2: {  	[tilespmem:s13], [sflag:$0x1] =	stream.indirect.gather [hbm4b:s1+s12], $0x80, s7, s12, $0xb8;
	[tilespmem:$0x1F800] =	vst v63  }
0xd3: {  	_ =	swait.ge [sflag:s19], $0x3200  }
0xd4: {  	s8 =	sld [smem:$0x7FA]  }
0xd5: {  	[sflag:s19] =	ssyncset.done $0x0  }
0xd6: {  	[sflag:s19] =	ssyncadd.s32 $0xFFFFCE00  }
0xd7: {  	[spmem:s3] =	stream.indirect.scatter.add.f32 [tilespmem:s16], [sflag:$0x6], $0x80, s8, s12, $0xb8;
	[tilespmem:$0x1F800] =	vst v63  }
0xd8: {  	_ =	swait.ge [sflag:s20], $0x3200  }
0xd9: {  	s9 =	sld [smem:$0x7FB]  }
0xda: {  	[sflag:s20] =	ssyncset.done $0x0  }
0xdb: {  	[sflag:s20] =	ssyncadd.s32 $0xFFFFCE00  }
0xdc: {  	[tilespmem:s14], [sflag:$0x2] =	stream.indirect.gather [hbm4b:s1+s12], $0x80, s9, s12, $0xb8;
	[tilespmem:$0x1F800] =	vst v63  }
0xdd: {  	_ =	swait.ge [sflag:s15], $0x3200  }
0xde: {  	[sflag:s15] =	ssyncset.done $0x0  }
0xdf: {  	[sflag:s15] =	ssyncadd.s32 $0xFFFFCE00  }
0xe0: {  	[spmem:s3] =	stream.indirect.scatter.add.f32 [tilespmem:s13], [sflag:$0x4], $0x80, s22, s12, $0xb8;
	[tilespmem:$0x1F800] =	vst v63  }
0xe1: {  	_ =	swait.ge [sflag:s21], $0x3200  }
0xe2: {  	[sflag:s21] =	ssyncset.done $0x0  }
0xe3: {  	[sflag:s21] =	ssyncadd.s32 $0xFFFFCE00  }
0xe4: {  	[tilespmem:s16], [sflag:$0x3] =	stream.indirect.gather [hbm4b:s1+s12], $0x80, s23, s12, $0xb8;
	[tilespmem:$0x1F800] =	vst v63  }
0xe5: {  	_ =	swait.ge [sflag:s17], $0x3200  }
0xe6: {  	[sflag:s17] =	ssyncset.done $0x0  }
0xe7: {  	[sflag:s17] =	ssyncadd.s32 $0xFFFFCE00  }
0xe8: {  	[spmem:s3] =	stream.indirect.scatter.add.f32 [tilespmem:s14], [sflag:$0x5], $0x80, s24, s12, $0xb8;
	[tilespmem:$0x1F800] =	vst v63  }
0xe9: {  	_ =	swait.ge [sflag:s18], $0x3200  }
0xea: {  	[sflag:s18] =	ssyncset.done $0x0  }
0xeb: {  	[sflag:s18] =	ssyncadd.s32 $0xFFFFCE00  }
0xec: {  	[tilespmem:s13], [sflag:$0x1] =	stream.indirect.gather [hbm4b:s1+s12], $0x80, s25, s12, $0xb8;
	[tilespmem:$0x1F800] =	vst v63  }
0xed: {  	_ =	swait.ge [sflag:s19], $0x3200  }
0xee: {  	[sflag:s19] =	ssyncset.done $0x0  }
0xef: {  	[sflag:s19] =	ssyncadd.s32 $0xFFFFCE00  }
0xf0: {  	[spmem:s3] =	stream.indirect.scatter.add.f32 [tilespmem:s16], [sflag:$0x6], $0x80, s26, s12, $0xb8;
	[tilespmem:$0x1F800] =	vst v63  }
0xf1: {  	_ =	swait.ge [sflag:s20], $0x3200  }
0xf2: {  	[sflag:s20] =	ssyncset.done $0x0  }
0xf3: {  	[sflag:s20] =	ssyncadd.s32 $0xFFFFCE00  }
0xf4: {  	[tilespmem:s14], [sflag:$0x2] =	stream.indirect.gather [hbm4b:s1+s12], $0x80, s28, s12, $0xb8;
	[tilespmem:$0x1F800] =	vst v63  }
0xf5: {  	_ =	swait.ge [sflag:s15], $0x3200  }
0xf6: {  	[sflag:s15] =	ssyncset.done $0x0  }
0xf7: {  	[sflag:s15] =	ssyncadd.s32 $0xFFFFCE00  }
0xf8: {  	[spmem:s3] =	stream.indirect.scatter.add.f32 [tilespmem:s13], [sflag:$0x4], $0x80, s29, s12, $0xb8;
	[tilespmem:$0x1F800] =	vst v63  }
0xf9: {  	_ =	swait.ge [sflag:s21], $0x3200  }
0xfa: {  	[sflag:s21] =	ssyncset.done $0x0  }
0xfb: {  	[sflag:s21] =	ssyncadd.s32 $0xFFFFCE00  }
0xfc: {  	[tilespmem:s16], [sflag:$0x3] =	stream.indirect.gather [hbm4b:s1+s12], $0x80, s30, s12, $0xb8;
	[tilespmem:$0x1F800] =	vst v63  }
0xfd: {  	_ =	swait.ge [sflag:s17], $0x3200  }
0xfe: {  	[sflag:s17] =	ssyncset.done $0x0  }
0xff: {  	[sflag:s17] =	ssyncadd.s32 $0xFFFFCE00  }
0x100: {  	[spmem:s3] =	stream.indirect.scatter.add.f32 [tilespmem:s14], [sflag:$0x5], $0x80, s31, s12, $0xb8;
	[tilespmem:$0x1F800] =	vst v63  }
0x101: {  	_ =	swait.ge [sflag:s18], $0x3200  }
0x102: {  	[sflag:s18] =	ssyncset.done $0x0  }
0x103: {  	[sflag:s18] =	ssyncadd.s32 $0xFFFFCE00  }
0x104: {  	[tilespmem:s13], [sflag:$0x1] =	stream.indirect.gather [hbm4b:s1+s12], $0x80, s2, s12, $0xb8;
	[tilespmem:$0x1F800] =	vst v63  }
0x105: {  	_ =	swait.ge [sflag:s19], $0x3200  }
0x106: {  	[sflag:s19] =	ssyncset.done $0x0  }
0x107: {  	[sflag:s19] =	ssyncadd.s32 $0xFFFFCE00  }
0x108: {  	[spmem:s3] =	stream.indirect.scatter.add.f32 [tilespmem:s16], [sflag:$0x6], $0x80, s0, s12, $0xb8;
	[tilespmem:$0x1F800] =	vst v63  }
0x109: {  	_ =	swait.ge [sflag:s20], $0x3200  }
0x10a: {  	[sflag:s20] =	ssyncset.done $0x0  }
0x10b: {  	[sflag:s20] =	ssyncadd.s32 $0xFFFFCE00  }
0x10c: {  	_ =	swait.ge [sflag:s15], $0x3200  }
0x10d: {  	[sflag:s15] =	ssyncset.done $0x0  }
0x10e: {  	[sflag:s15] =	ssyncadd.s32 $0xFFFFCE00  }
0x10f: {  	[spmem:s3] =	stream.indirect.scatter.add.f32 [tilespmem:s13], [sflag:$0x4], $0x80, s5, s12, $0xb8;
	[tilespmem:$0x1F800] =	vst v63  }
0x110: {  	_ =	swait.ge [sflag:s21], $0x3200  }
0x111: {  	[sflag:s21] =	ssyncset.done $0x0  }
0x112: {  	[sflag:s21] =	ssyncadd.s32 $0xFFFFCE00  }
0x113: {  	s6 =	simm.s32 $0x400;
	_ =	swait.ge [sflag:s18], $0x3200  }
0x114: {  	s8 =	simm.s32 $0x200;
	s9 =	rddreg [dreg:$0x4];
	[sflag:s18] =	ssyncset.done $0x0  }
.LBB2_2:
0x115: {  	[sflag:s18] =	ssyncadd.s32 $0xFFFFCE00;
	s9 =	sadd.s32 s8, s9  }
0x116: {  	[tilespmem:s4], [sflag:$0x7] =	stream.linear.gather [hbm4b:s9+s4], $0xC80, $0x38;
	[tilespmem:$0x1F800] =	vst v63  }
0x117: {  	_ =	swait.ge [sflag:s10], $0xC80  }
0x118: {  	s9 =	rddreg [dreg:$0x5];
	[sflag:s10] =	ssyncset.done $0x0  }
0x119: {  	[sflag:s10] =	ssyncadd.s32 $0xFFFFF380;
	s9 =	sadd.s32 s8, s9  }
0x11a: {  	[tilespmem:s11], [sflag:$0x7] =	stream.linear.gather [hbm4b:s9+s4], $0xC80, $0x38;
	[tilespmem:$0x1F800] =	vst v63  }
0x11b: {  	_ =	swait.ge [sflag:s10], $0xC80  }
0x11c: {  	[sflag:s10] =	ssyncset.done $0x0  }
0x11d: {  	[sflag:s10] =	ssyncadd.s32 $0xFFFFF380  }
0x11e: {  	[tilespmem:s13], [sflag:$0x1] =	stream.indirect.gather [hbm4b:s1+s12], $0x80, s4, s12, $0xb8;
	[tilespmem:$0x1F800] =	vst v63  }
0x11f: {  	s9 =	rddreg [dreg:$0x6]  }
0x120: {  	[tilespmem:s14], [sflag:$0x2] =	stream.indirect.gather [hbm4b:s1+s12], $0x80, s9, s12, $0xb8;
	[tilespmem:$0x1F800] =	vst v63  }
0x121: {  	_ =	swait.ge [sflag:s15], $0x3200  }
0x122: {  	[sflag:s15] =	ssyncset.done $0x0  }
0x123: {  	[sflag:s15] =	ssyncadd.s32 $0xFFFFCE00  }
0x124: {  	[spmem:s3] =	stream.indirect.scatter.add.f32 [tilespmem:s13], [sflag:$0x4], $0x80, s11, s12, $0xb8;
	[tilespmem:$0x1F800] =	vst v63  }
0x125: {  	s9 =	rddreg [dreg:$0x7]  }
0x126: {  	[tilespmem:s16], [sflag:$0x3] =	stream.indirect.gather [hbm4b:s1+s12], $0x80, s9, s12, $0xb8;
	[tilespmem:$0x1F800] =	vst v63  }
0x127: {  	_ =	swait.ge [sflag:s17], $0x3200  }
0x128: {  	[sflag:s17] =	ssyncset.done $0x0  }
0x129: {  	s9 =	rddreg [dreg:$0x8];
	[sflag:s17] =	ssyncadd.s32 $0xFFFFCE00  }
0x12a: {  	[spmem:s3] =	stream.indirect.scatter.add.f32 [tilespmem:s14], [sflag:$0x5], $0x80, s9, s12, $0xb8;
	[tilespmem:$0x1F800] =	vst v63  }
0x12b: {  	_ =	swait.ge [sflag:s18], $0x3200  }
0x12c: {  	[sflag:s18] =	ssyncset.done $0x0  }
0x12d: {  	s9 =	rddreg [dreg:$0x9];
	[sflag:s18] =	ssyncadd.s32 $0xFFFFCE00  }
0x12e: {  	[tilespmem:s13], [sflag:$0x1] =	stream.indirect.gather [hbm4b:s1+s12], $0x80, s9, s12, $0xb8;
	[tilespmem:$0x1F800] =	vst v63  }
0x12f: {  	_ =	swait.ge [sflag:s19], $0x3200  }
0x130: {  	[sflag:s19] =	ssyncset.done $0x0  }
0x131: {  	s9 =	rddreg [dreg:$0xa];
	[sflag:s19] =	ssyncadd.s32 $0xFFFFCE00  }
0x132: {  	[spmem:s3] =	stream.indirect.scatter.add.f32 [tilespmem:s16], [sflag:$0x6], $0x80, s9, s12, $0xb8;
	[tilespmem:$0x1F800] =	vst v63  }
0x133: {  	_ =	swait.ge [sflag:s20], $0x3200  }
0x134: {  	[sflag:s20] =	ssyncset.done $0x0  }
0x135: {  	s9 =	rddreg [dreg:$0xb];
	[sflag:s20] =	ssyncadd.s32 $0xFFFFCE00  }
0x136: {  	[tilespmem:s14], [sflag:$0x2] =	stream.indirect.gather [hbm4b:s1+s12], $0x80, s9, s12, $0xb8;
	[tilespmem:$0x1F800] =	vst v63  }
0x137: {  	_ =	swait.ge [sflag:s15], $0x3200  }
0x138: {  	[sflag:s15] =	ssyncset.done $0x0  }
0x139: {  	s9 =	rddreg [dreg:$0xc];
	[sflag:s15] =	ssyncadd.s32 $0xFFFFCE00  }
0x13a: {  	[spmem:s3] =	stream.indirect.scatter.add.f32 [tilespmem:s13], [sflag:$0x4], $0x80, s9, s12, $0xb8;
	[tilespmem:$0x1F800] =	vst v63  }
0x13b: {  	_ =	swait.ge [sflag:s21], $0x3200  }
0x13c: {  	[sflag:s21] =	ssyncset.done $0x0  }
0x13d: {  	s9 =	rddreg [dreg:$0xd];
	[sflag:s21] =	ssyncadd.s32 $0xFFFFCE00  }
0x13e: {  	[tilespmem:s16], [sflag:$0x3] =	stream.indirect.gather [hbm4b:s1+s12], $0x80, s9, s12, $0xb8;
	[tilespmem:$0x1F800] =	vst v63  }
0x13f: {  	_ =	swait.ge [sflag:s17], $0x3200  }
0x140: {  	[sflag:s17] =	ssyncset.done $0x0  }
0x141: {  	s9 =	rddreg [dreg:$0xe];
	[sflag:s17] =	ssyncadd.s32 $0xFFFFCE00  }
0x142: {  	[spmem:s3] =	stream.indirect.scatter.add.f32 [tilespmem:s14], [sflag:$0x5], $0x80, s9, s12, $0xb8;
	[tilespmem:$0x1F800] =	vst v63  }
0x143: {  	_ =	swait.ge [sflag:s18], $0x3200  }
0x144: {  	[sflag:s18] =	ssyncset.done $0x0  }
0x145: {  	s9 =	rddreg [dreg:$0xf];
	[sflag:s18] =	ssyncadd.s32 $0xFFFFCE00  }
0x146: {  	[tilespmem:s13], [sflag:$0x1] =	stream.indirect.gather [hbm4b:s1+s12], $0x80, s9, s12, $0xb8;
	[tilespmem:$0x1F800] =	vst v63  }
0x147: {  	_ =	swait.ge [sflag:s19], $0x3200  }
0x148: {  	[sflag:s19] =	ssyncset.done $0x0  }
0x149: {  	s9 =	rddreg [dreg:$0x10];
	[sflag:s19] =	ssyncadd.s32 $0xFFFFCE00  }
0x14a: {  	[spmem:s3] =	stream.indirect.scatter.add.f32 [tilespmem:s16], [sflag:$0x6], $0x80, s9, s12, $0xb8;
	[tilespmem:$0x1F800] =	vst v63  }
0x14b: {  	_ =	swait.ge [sflag:s20], $0x3200  }
0x14c: {  	[sflag:s20] =	ssyncset.done $0x0  }
0x14d: {  	s9 =	rddreg [dreg:$0x11];
	[sflag:s20] =	ssyncadd.s32 $0xFFFFCE00  }
0x14e: {  	[tilespmem:s14], [sflag:$0x2] =	stream.indirect.gather [hbm4b:s1+s12], $0x80, s9, s12, $0xb8;
	[tilespmem:$0x1F800] =	vst v63  }
0x14f: {  	_ =	swait.ge [sflag:s15], $0x3200  }
0x150: {  	[sflag:s15] =	ssyncset.done $0x0  }
0x151: {  	s9 =	rddreg [dreg:$0x12];
	[sflag:s15] =	ssyncadd.s32 $0xFFFFCE00  }
0x152: {  	[spmem:s3] =	stream.indirect.scatter.add.f32 [tilespmem:s13], [sflag:$0x4], $0x80, s9, s12, $0xb8;
	[tilespmem:$0x1F800] =	vst v63  }
0x153: {  	_ =	swait.ge [sflag:s21], $0x3200  }
0x154: {  	[sflag:s21] =	ssyncset.done $0x0  }
0x155: {  	s9 =	rddreg [dreg:$0x13];
	[sflag:s21] =	ssyncadd.s32 $0xFFFFCE00  }
0x156: {  	[tilespmem:s16], [sflag:$0x3] =	stream.indirect.gather [hbm4b:s1+s12], $0x80, s9, s12, $0xb8;
	[tilespmem:$0x1F800] =	vst v63  }
0x157: {  	_ =	swait.ge [sflag:s17], $0x3200  }
0x158: {  	[sflag:s17] =	ssyncset.done $0x0  }
0x159: {  	s9 =	rddreg [dreg:$0x14];
	[sflag:s17] =	ssyncadd.s32 $0xFFFFCE00  }
0x15a: {  	[spmem:s3] =	stream.indirect.scatter.add.f32 [tilespmem:s14], [sflag:$0x5], $0x80, s9, s12, $0xb8;
	[tilespmem:$0x1F800] =	vst v63  }
0x15b: {  	_ =	swait.ge [sflag:s18], $0x3200  }
0x15c: {  	[sflag:s18] =	ssyncset.done $0x0  }
0x15d: {  	s9 =	rddreg [dreg:$0x15];
	[sflag:s18] =	ssyncadd.s32 $0xFFFFCE00  }
0x15e: {  	[tilespmem:s13], [sflag:$0x1] =	stream.indirect.gather [hbm4b:s1+s12], $0x80, s9, s12, $0xb8;
	[tilespmem:$0x1F800] =	vst v63  }
0x15f: {  	_ =	swait.ge [sflag:s19], $0x3200  }
0x160: {  	[sflag:s19] =	ssyncset.done $0x0  }
0x161: {  	s9 =	rddreg [dreg:$0x16];
	[sflag:s19] =	ssyncadd.s32 $0xFFFFCE00  }
0x162: {  	[spmem:s3] =	stream.indirect.scatter.add.f32 [tilespmem:s16], [sflag:$0x6], $0x80, s9, s12, $0xb8;
	[tilespmem:$0x1F800] =	vst v63  }
0x163: {  	_ =	swait.ge [sflag:s20], $0x3200  }
0x164: {  	[sflag:s20] =	ssyncset.done $0x0  }
0x165: {  	s9 =	rddreg [dreg:$0x17];
	[sflag:s20] =	ssyncadd.s32 $0xFFFFCE00  }
0x166: {  	[tilespmem:s14], [sflag:$0x2] =	stream.indirect.gather [hbm4b:s1+s12], $0x80, s9, s12, $0xb8;
	[tilespmem:$0x1F800] =	vst v63  }
0x167: {  	_ =	swait.ge [sflag:s15], $0x3200  }
0x168: {  	[sflag:s15] =	ssyncset.done $0x0  }
0x169: {  	s9 =	rddreg [dreg:$0x18];
	[sflag:s15] =	ssyncadd.s32 $0xFFFFCE00  }
0x16a: {  	[spmem:s3] =	stream.indirect.scatter.add.f32 [tilespmem:s13], [sflag:$0x4], $0x80, s9, s12, $0xb8;
	[tilespmem:$0x1F800] =	vst v63  }
0x16b: {  	_ =	swait.ge [sflag:s21], $0x3200  }
0x16c: {  	[sflag:s21] =	ssyncset.done $0x0  }
0x16d: {  	s9 =	rddreg [dreg:$0x19];
	[sflag:s21] =	ssyncadd.s32 $0xFFFFCE00  }
0x16e: {  	[tilespmem:s16], [sflag:$0x3] =	stream.indirect.gather [hbm4b:s1+s12], $0x80, s9, s12, $0xb8;
	[tilespmem:$0x1F800] =	vst v63  }
0x16f: {  	_ =	swait.ge [sflag:s17], $0x3200  }
0x170: {  	[sflag:s17] =	ssyncset.done $0x0  }
0x171: {  	s9 =	rddreg [dreg:$0x1a];
	[sflag:s17] =	ssyncadd.s32 $0xFFFFCE00  }
0x172: {  	[spmem:s3] =	stream.indirect.scatter.add.f32 [tilespmem:s14], [sflag:$0x5], $0x80, s9, s12, $0xb8;
	[tilespmem:$0x1F800] =	vst v63  }
0x173: {  	_ =	swait.ge [sflag:s18], $0x3200  }
0x174: {  	[sflag:s18] =	ssyncset.done $0x0  }
0x175: {  	s9 =	rddreg [dreg:$0x1b];
	[sflag:s18] =	ssyncadd.s32 $0xFFFFCE00  }
0x176: {  	[tilespmem:s13], [sflag:$0x1] =	stream.indirect.gather [hbm4b:s1+s12], $0x80, s9, s12, $0xb8;
	[tilespmem:$0x1F800] =	vst v63  }
0x177: {  	_ =	swait.ge [sflag:s19], $0x3200  }
0x178: {  	[sflag:s19] =	ssyncset.done $0x0  }
0x179: {  	s9 =	rddreg [dreg:$0x1c];
	[sflag:s19] =	ssyncadd.s32 $0xFFFFCE00  }
0x17a: {  	[spmem:s3] =	stream.indirect.scatter.add.f32 [tilespmem:s16], [sflag:$0x6], $0x80, s9, s12, $0xb8;
	[tilespmem:$0x1F800] =	vst v63  }
0x17b: {  	_ =	swait.ge [sflag:s20], $0x3200  }
0x17c: {  	[sflag:s20] =	ssyncset.done $0x0  }
0x17d: {  	s9 =	rddreg [dreg:$0x1d];
	[sflag:s20] =	ssyncadd.s32 $0xFFFFCE00  }
0x17e: {  	[tilespmem:s14], [sflag:$0x2] =	stream.indirect.gather [hbm4b:s1+s12], $0x80, s9, s12, $0xb8;
	[tilespmem:$0x1F800] =	vst v63  }
0x17f: {  	_ =	swait.ge [sflag:s15], $0x3200  }
0x180: {  	[sflag:s15] =	ssyncset.done $0x0  }
0x181: {  	s9 =	rddreg [dreg:$0x1e];
	[sflag:s15] =	ssyncadd.s32 $0xFFFFCE00  }
0x182: {  	[spmem:s3] =	stream.indirect.scatter.add.f32 [tilespmem:s13], [sflag:$0x4], $0x80, s9, s12, $0xb8;
	[tilespmem:$0x1F800] =	vst v63  }
0x183: {  	_ =	swait.ge [sflag:s21], $0x3200  }
0x184: {  	[sflag:s21] =	ssyncset.done $0x0  }
0x185: {  	s9 =	rddreg [dreg:$0x1f];
	[sflag:s21] =	ssyncadd.s32 $0xFFFFCE00  }
0x186: {  	[tilespmem:s16], [sflag:$0x3] =	stream.indirect.gather [hbm4b:s1+s12], $0x80, s9, s12, $0xb8;
	[tilespmem:$0x1F800] =	vst v63  }
0x187: {  	_ =	swait.ge [sflag:s17], $0x3200  }
0x188: {  	s9 =	sld [smem:$0x7F2]  }
0x189: {  	[sflag:s17] =	ssyncset.done $0x0  }
0x18a: {  	[sflag:s17] =	ssyncadd.s32 $0xFFFFCE00  }
0x18b: {  	[spmem:s3] =	stream.indirect.scatter.add.f32 [tilespmem:s14], [sflag:$0x5], $0x80, s9, s12, $0xb8;
	[tilespmem:$0x1F800] =	vst v63  }
0x18c: {  	_ =	swait.ge [sflag:s18], $0x3200  }
0x18d: {  	s9 =	sld [smem:$0x7F3]  }
0x18e: {  	[sflag:s18] =	ssyncset.done $0x0  }
0x18f: {  	[sflag:s18] =	ssyncadd.s32 $0xFFFFCE00  }
0x190: {  	[tilespmem:s13], [sflag:$0x1] =	stream.indirect.gather [hbm4b:s1+s12], $0x80, s9, s12, $0xb8;
	[tilespmem:$0x1F800] =	vst v63  }
0x191: {  	_ =	swait.ge [sflag:s19], $0x3200  }
0x192: {  	s9 =	sld [smem:$0x7F4]  }
0x193: {  	[sflag:s19] =	ssyncset.done $0x0  }
0x194: {  	[sflag:s19] =	ssyncadd.s32 $0xFFFFCE00  }
0x195: {  	[spmem:s3] =	stream.indirect.scatter.add.f32 [tilespmem:s16], [sflag:$0x6], $0x80, s9, s12, $0xb8;
	[tilespmem:$0x1F800] =	vst v63  }
0x196: {  	_ =	swait.ge [sflag:s20], $0x3200  }
0x197: {  	s9 =	sld [smem:$0x7F5]  }
0x198: {  	[sflag:s20] =	ssyncset.done $0x0  }
0x199: {  	[sflag:s20] =	ssyncadd.s32 $0xFFFFCE00  }
0x19a: {  	[tilespmem:s14], [sflag:$0x2] =	stream.indirect.gather [hbm4b:s1+s12], $0x80, s9, s12, $0xb8;
	[tilespmem:$0x1F800] =	vst v63  }
0x19b: {  	_ =	swait.ge [sflag:s15], $0x3200  }
0x19c: {  	s9 =	sld [smem:$0x7F6]  }
0x19d: {  	[sflag:s15] =	ssyncset.done $0x0  }
0x19e: {  	[sflag:s15] =	ssyncadd.s32 $0xFFFFCE00  }
0x19f: {  	[spmem:s3] =	stream.indirect.scatter.add.f32 [tilespmem:s13], [sflag:$0x4], $0x80, s9, s12, $0xb8;
	[tilespmem:$0x1F800] =	vst v63  }
0x1a0: {  	_ =	swait.ge [sflag:s21], $0x3200  }
0x1a1: {  	s9 =	sld [smem:$0x7F7]  }
0x1a2: {  	[sflag:s21] =	ssyncset.done $0x0  }
0x1a3: {  	[sflag:s21] =	ssyncadd.s32 $0xFFFFCE00  }
0x1a4: {  	[tilespmem:s16], [sflag:$0x3] =	stream.indirect.gather [hbm4b:s1+s12], $0x80, s9, s12, $0xb8;
	[tilespmem:$0x1F800] =	vst v63  }
0x1a5: {  	_ =	swait.ge [sflag:s17], $0x3200  }
0x1a6: {  	s9 =	sld [smem:$0x7F8]  }
0x1a7: {  	[sflag:s17] =	ssyncset.done $0x0  }
0x1a8: {  	[sflag:s17] =	ssyncadd.s32 $0xFFFFCE00  }
0x1a9: {  	[spmem:s3] =	stream.indirect.scatter.add.f32 [tilespmem:s14], [sflag:$0x5], $0x80, s9, s12, $0xb8;
	[tilespmem:$0x1F800] =	vst v63  }
0x1aa: {  	_ =	swait.ge [sflag:s18], $0x3200  }
0x1ab: {  	s9 =	sld [smem:$0x7F9]  }
0x1ac: {  	[sflag:s18] =	ssyncset.done $0x0  }
0x1ad: {  	[sflag:s18] =	ssyncadd.s32 $0xFFFFCE00  }
0x1ae: {  	[tilespmem:s13], [sflag:$0x1] =	stream.indirect.gather [hbm4b:s1+s12], $0x80, s9, s12, $0xb8;
	[tilespmem:$0x1F800] =	vst v63  }
0x1af: {  	_ =	swait.ge [sflag:s19], $0x3200  }
0x1b0: {  	s9 =	sld [smem:$0x7FA]  }
0x1b1: {  	[sflag:s19] =	ssyncset.done $0x0  }
0x1b2: {  	[sflag:s19] =	ssyncadd.s32 $0xFFFFCE00  }
0x1b3: {  	[spmem:s3] =	stream.indirect.scatter.add.f32 [tilespmem:s16], [sflag:$0x6], $0x80, s9, s12, $0xb8;
	[tilespmem:$0x1F800] =	vst v63  }
0x1b4: {  	_ =	swait.ge [sflag:s20], $0x3200  }
0x1b5: {  	s9 =	sld [smem:$0x7FB]  }
0x1b6: {  	[sflag:s20] =	ssyncset.done $0x0  }
0x1b7: {  	[sflag:s20] =	ssyncadd.s32 $0xFFFFCE00  }
0x1b8: {  	[tilespmem:s14], [sflag:$0x2] =	stream.indirect.gather [hbm4b:s1+s12], $0x80, s9, s12, $0xb8;
	[tilespmem:$0x1F800] =	vst v63  }
0x1b9: {  	_ =	swait.ge [sflag:s15], $0x3200  }
0x1ba: {  	[sflag:s15] =	ssyncset.done $0x0  }
0x1bb: {  	[sflag:s15] =	ssyncadd.s32 $0xFFFFCE00  }
0x1bc: {  	[spmem:s3] =	stream.indirect.scatter.add.f32 [tilespmem:s13], [sflag:$0x4], $0x80, s22, s12, $0xb8;
	[tilespmem:$0x1F800] =	vst v63  }
0x1bd: {  	_ =	swait.ge [sflag:s21], $0x3200  }
0x1be: {  	[sflag:s21] =	ssyncset.done $0x0  }
0x1bf: {  	[sflag:s21] =	ssyncadd.s32 $0xFFFFCE00  }
0x1c0: {  	[tilespmem:s16], [sflag:$0x3] =	stream.indirect.gather [hbm4b:s1+s12], $0x80, s23, s12, $0xb8;
	[tilespmem:$0x1F800] =	vst v63  }
0x1c1: {  	_ =	swait.ge [sflag:s17], $0x3200  }
0x1c2: {  	[sflag:s17] =	ssyncset.done $0x0  }
0x1c3: {  	[sflag:s17] =	ssyncadd.s32 $0xFFFFCE00  }
0x1c4: {  	[spmem:s3] =	stream.indirect.scatter.add.f32 [tilespmem:s14], [sflag:$0x5], $0x80, s24, s12, $0xb8;
	[tilespmem:$0x1F800] =	vst v63  }
0x1c5: {  	_ =	swait.ge [sflag:s18], $0x3200  }
0x1c6: {  	[sflag:s18] =	ssyncset.done $0x0  }
0x1c7: {  	[sflag:s18] =	ssyncadd.s32 $0xFFFFCE00  }
0x1c8: {  	[tilespmem:s13], [sflag:$0x1] =	stream.indirect.gather [hbm4b:s1+s12], $0x80, s25, s12, $0xb8;
	[tilespmem:$0x1F800] =	vst v63  }
0x1c9: {  	_ =	swait.ge [sflag:s19], $0x3200  }
0x1ca: {  	[sflag:s19] =	ssyncset.done $0x0  }
0x1cb: {  	[sflag:s19] =	ssyncadd.s32 $0xFFFFCE00  }
0x1cc: {  	[spmem:s3] =	stream.indirect.scatter.add.f32 [tilespmem:s16], [sflag:$0x6], $0x80, s26, s12, $0xb8;
	[tilespmem:$0x1F800] =	vst v63  }
0x1cd: {  	_ =	swait.ge [sflag:s20], $0x3200  }
0x1ce: {  	[sflag:s20] =	ssyncset.done $0x0  }
0x1cf: {  	[sflag:s20] =	ssyncadd.s32 $0xFFFFCE00  }
0x1d0: {  	[tilespmem:s14], [sflag:$0x2] =	stream.indirect.gather [hbm4b:s1+s12], $0x80, s28, s12, $0xb8;
	[tilespmem:$0x1F800] =	vst v63  }
0x1d1: {  	_ =	swait.ge [sflag:s15], $0x3200  }
0x1d2: {  	[sflag:s15] =	ssyncset.done $0x0  }
0x1d3: {  	[sflag:s15] =	ssyncadd.s32 $0xFFFFCE00  }
0x1d4: {  	[spmem:s3] =	stream.indirect.scatter.add.f32 [tilespmem:s13], [sflag:$0x4], $0x80, s29, s12, $0xb8;
	[tilespmem:$0x1F800] =	vst v63  }
0x1d5: {  	_ =	swait.ge [sflag:s21], $0x3200  }
0x1d6: {  	[sflag:s21] =	ssyncset.done $0x0  }
0x1d7: {  	[sflag:s21] =	ssyncadd.s32 $0xFFFFCE00  }
0x1d8: {  	[tilespmem:s16], [sflag:$0x3] =	stream.indirect.gather [hbm4b:s1+s12], $0x80, s30, s12, $0xb8;
	[tilespmem:$0x1F800] =	vst v63  }
0x1d9: {  	_ =	swait.ge [sflag:s17], $0x3200  }
0x1da: {  	[sflag:s17] =	ssyncset.done $0x0  }
0x1db: {  	[sflag:s17] =	ssyncadd.s32 $0xFFFFCE00  }
0x1dc: {  	[spmem:s3] =	stream.indirect.scatter.add.f32 [tilespmem:s14], [sflag:$0x5], $0x80, s31, s12, $0xb8;
	[tilespmem:$0x1F800] =	vst v63  }
0x1dd: {  	_ =	swait.ge [sflag:s18], $0x3200  }
0x1de: {  	[sflag:s18] =	ssyncset.done $0x0  }
0x1df: {  	[sflag:s18] =	ssyncadd.s32 $0xFFFFCE00  }
0x1e0: {  	[tilespmem:s13], [sflag:$0x1] =	stream.indirect.gather [hbm4b:s1+s12], $0x80, s2, s12, $0xb8;
	[tilespmem:$0x1F800] =	vst v63  }
0x1e1: {  	_ =	swait.ge [sflag:s19], $0x3200  }
0x1e2: {  	[sflag:s19] =	ssyncset.done $0x0  }
0x1e3: {  	[sflag:s19] =	ssyncadd.s32 $0xFFFFCE00  }
0x1e4: {  	[spmem:s3] =	stream.indirect.scatter.add.f32 [tilespmem:s16], [sflag:$0x6], $0x80, s0, s12, $0xb8;
	[tilespmem:$0x1F800] =	vst v63  }
0x1e5: {  	_ =	swait.ge [sflag:s20], $0x3200  }
0x1e6: {  	[sflag:s20] =	ssyncset.done $0x0  }
0x1e7: {  	[sflag:s20] =	ssyncadd.s32 $0xFFFFCE00  }
0x1e8: {  	_ =	swait.ge [sflag:s15], $0x3200  }
0x1e9: {  	[sflag:s15] =	ssyncset.done $0x0  }
0x1ea: {  	p0 =	sne.s32 s6, $0x600;
	[sflag:s15] =	ssyncadd.s32 $0xFFFFCE00  }
0x1eb: {  	[spmem:s3] =	stream.indirect.scatter.add.f32 [tilespmem:s13], [sflag:$0x4], $0x80, s5, s12, $0xb8;
	[tilespmem:$0x1F800] =	vst v63  }
.Ltmp0:
0x1ec: {  	_ =	swait.ge [sflag:s21], $0x3200;
	(pc) =	sbr.rel @p0 .LBB2_2-.Ltmp0, $4  }
0x1ed: {  	[sflag:s21] =	ssyncset.done $0x0  }
0x1ee: {  	[sflag:s21] =	ssyncadd.s32 $0xFFFFCE00  }
0x1ef: {  	s7 =	smov.u32 s6;
	s6 =	sadd.s32 $0x200, s6;
	_ =	swait.ge [sflag:s18], $0x3200  }
0x1f0: {  	s8 =	smov.u32 s7;
	s9 =	rddreg [dreg:$0x4];
	[sflag:s18] =	ssyncset.done $0x0  }
0x1f1: {  	[sflag:s18] =	ssyncadd.s32 $0xFFFFCE00;
	s6 =	sadd.s32 s8, s9  }
0x1f2: {  	[tilespmem:s4], [sflag:$0x7] =	stream.linear.gather [hbm4b:s6+s4], $0xC80, $0x38;
	[tilespmem:$0x1F800] =	vst v63  }
0x1f3: {  	_ =	swait.ge [sflag:s10], $0xC80  }
0x1f4: {  	s7 =	rddreg [dreg:$0x5];
	[sflag:s10] =	ssyncset.done $0x0  }
0x1f5: {  	s6 =	sadd.s32 s8, s7;
	[sflag:s10] =	ssyncadd.s32 $0xFFFFF380  }
0x1f6: {  	[tilespmem:s11], [sflag:$0x7] =	stream.linear.gather [hbm4b:s6+s4], $0xC80, $0x38;
	[tilespmem:$0x1F800] =	vst v63  }
0x1f7: {  	_ =	swait.ge [sflag:s10], $0xC80  }
0x1f8: {  	[sflag:s10] =	ssyncset.done $0x0  }
0x1f9: {  	[sflag:s10] =	ssyncadd.s32 $0xFFFFF380  }
0x1fa: {  	[tilespmem:s13], [sflag:$0x1] =	stream.indirect.gather [hbm4b:s1+s12], $0x80, s4, s12, $0xb8;
	[tilespmem:$0x1F800] =	vst v63  }
0x1fb: {  	s9 =	rddreg [dreg:$0x6]  }
0x1fc: {  	[tilespmem:s14], [sflag:$0x2] =	stream.indirect.gather [hbm4b:s1+s12], $0x80, s9, s12, $0xb8;
	[tilespmem:$0x1F800] =	vst v63  }
0x1fd: {  	_ =	swait.ge [sflag:s15], $0x3200  }
0x1fe: {  	[sflag:s15] =	ssyncset.done $0x0  }
0x1ff: {  	[sflag:s15] =	ssyncadd.s32 $0xFFFFCE00  }
0x200: {  	[spmem:s3] =	stream.indirect.scatter.add.f32 [tilespmem:s13], [sflag:$0x4], $0x80, s11, s12, $0xb8;
	[tilespmem:$0x1F800] =	vst v63  }
0x201: {  	s7 =	rddreg [dreg:$0x7]  }
0x202: {  	[tilespmem:s16], [sflag:$0x3] =	stream.indirect.gather [hbm4b:s1+s12], $0x80, s7, s12, $0xb8;
	[tilespmem:$0x1F800] =	vst v63  }
0x203: {  	_ =	swait.ge [sflag:s17], $0x3200  }
0x204: {  	[sflag:s17] =	ssyncset.done $0x0  }
0x205: {  	s8 =	rddreg [dreg:$0x8];
	[sflag:s17] =	ssyncadd.s32 $0xFFFFCE00  }
0x206: {  	[spmem:s3] =	stream.indirect.scatter.add.f32 [tilespmem:s14], [sflag:$0x5], $0x80, s8, s12, $0xb8;
	[tilespmem:$0x1F800] =	vst v63  }
0x207: {  	_ =	swait.ge [sflag:s18], $0x3200  }
0x208: {  	[sflag:s18] =	ssyncset.done $0x0  }
0x209: {  	s9 =	rddreg [dreg:$0x9];
	[sflag:s18] =	ssyncadd.s32 $0xFFFFCE00  }
0x20a: {  	[tilespmem:s13], [sflag:$0x1] =	stream.indirect.gather [hbm4b:s1+s12], $0x80, s9, s12, $0xb8;
	[tilespmem:$0x1F800] =	vst v63  }
0x20b: {  	_ =	swait.ge [sflag:s19], $0x3200  }
0x20c: {  	[sflag:s19] =	ssyncset.done $0x0  }
0x20d: {  	s7 =	rddreg [dreg:$0xa];
	[sflag:s19] =	ssyncadd.s32 $0xFFFFCE00  }
0x20e: {  	[spmem:s3] =	stream.indirect.scatter.add.f32 [tilespmem:s16], [sflag:$0x6], $0x80, s7, s12, $0xb8;
	[tilespmem:$0x1F800] =	vst v63  }
0x20f: {  	_ =	swait.ge [sflag:s20], $0x3200  }
0x210: {  	[sflag:s20] =	ssyncset.done $0x0  }
0x211: {  	s8 =	rddreg [dreg:$0xb];
	[sflag:s20] =	ssyncadd.s32 $0xFFFFCE00  }
0x212: {  	[tilespmem:s14], [sflag:$0x2] =	stream.indirect.gather [hbm4b:s1+s12], $0x80, s8, s12, $0xb8;
	[tilespmem:$0x1F800] =	vst v63  }
0x213: {  	_ =	swait.ge [sflag:s15], $0x3200  }
0x214: {  	[sflag:s15] =	ssyncset.done $0x0  }
0x215: {  	s9 =	rddreg [dreg:$0xc];
	[sflag:s15] =	ssyncadd.s32 $0xFFFFCE00  }
0x216: {  	[spmem:s3] =	stream.indirect.scatter.add.f32 [tilespmem:s13], [sflag:$0x4], $0x80, s9, s12, $0xb8;
	[tilespmem:$0x1F800] =	vst v63  }
0x217: {  	_ =	swait.ge [sflag:s21], $0x3200  }
0x218: {  	[sflag:s21] =	ssyncset.done $0x0  }
0x219: {  	s7 =	rddreg [dreg:$0xd];
	[sflag:s21] =	ssyncadd.s32 $0xFFFFCE00  }
0x21a: {  	[tilespmem:s16], [sflag:$0x3] =	stream.indirect.gather [hbm4b:s1+s12], $0x80, s7, s12, $0xb8;
	[tilespmem:$0x1F800] =	vst v63  }
0x21b: {  	_ =	swait.ge [sflag:s17], $0x3200  }
0x21c: {  	[sflag:s17] =	ssyncset.done $0x0  }
0x21d: {  	s8 =	rddreg [dreg:$0xe];
	[sflag:s17] =	ssyncadd.s32 $0xFFFFCE00  }
0x21e: {  	[spmem:s3] =	stream.indirect.scatter.add.f32 [tilespmem:s14], [sflag:$0x5], $0x80, s8, s12, $0xb8;
	[tilespmem:$0x1F800] =	vst v63  }
0x21f: {  	_ =	swait.ge [sflag:s18], $0x3200  }
0x220: {  	[sflag:s18] =	ssyncset.done $0x0  }
0x221: {  	s9 =	rddreg [dreg:$0xf];
	[sflag:s18] =	ssyncadd.s32 $0xFFFFCE00  }
0x222: {  	[tilespmem:s13], [sflag:$0x1] =	stream.indirect.gather [hbm4b:s1+s12], $0x80, s9, s12, $0xb8;
	[tilespmem:$0x1F800] =	vst v63  }
0x223: {  	_ =	swait.ge [sflag:s19], $0x3200  }
0x224: {  	[sflag:s19] =	ssyncset.done $0x0  }
0x225: {  	s7 =	rddreg [dreg:$0x10];
	[sflag:s19] =	ssyncadd.s32 $0xFFFFCE00  }
0x226: {  	[spmem:s3] =	stream.indirect.scatter.add.f32 [tilespmem:s16], [sflag:$0x6], $0x80, s7, s12, $0xb8;
	[tilespmem:$0x1F800] =	vst v63  }
0x227: {  	_ =	swait.ge [sflag:s20], $0x3200  }
0x228: {  	[sflag:s20] =	ssyncset.done $0x0  }
0x229: {  	s8 =	rddreg [dreg:$0x11];
	[sflag:s20] =	ssyncadd.s32 $0xFFFFCE00  }
0x22a: {  	[tilespmem:s14], [sflag:$0x2] =	stream.indirect.gather [hbm4b:s1+s12], $0x80, s8, s12, $0xb8;
	[tilespmem:$0x1F800] =	vst v63  }
0x22b: {  	_ =	swait.ge [sflag:s15], $0x3200  }
0x22c: {  	[sflag:s15] =	ssyncset.done $0x0  }
0x22d: {  	s9 =	rddreg [dreg:$0x12];
	[sflag:s15] =	ssyncadd.s32 $0xFFFFCE00  }
0x22e: {  	[spmem:s3] =	stream.indirect.scatter.add.f32 [tilespmem:s13], [sflag:$0x4], $0x80, s9, s12, $0xb8;
	[tilespmem:$0x1F800] =	vst v63  }
0x22f: {  	_ =	swait.ge [sflag:s21], $0x3200  }
0x230: {  	[sflag:s21] =	ssyncset.done $0x0  }
0x231: {  	s7 =	rddreg [dreg:$0x13];
	[sflag:s21] =	ssyncadd.s32 $0xFFFFCE00  }
0x232: {  	[tilespmem:s16], [sflag:$0x3] =	stream.indirect.gather [hbm4b:s1+s12], $0x80, s7, s12, $0xb8;
	[tilespmem:$0x1F800] =	vst v63  }
0x233: {  	_ =	swait.ge [sflag:s17], $0x3200  }
0x234: {  	[sflag:s17] =	ssyncset.done $0x0  }
0x235: {  	s8 =	rddreg [dreg:$0x14];
	[sflag:s17] =	ssyncadd.s32 $0xFFFFCE00  }
0x236: {  	[spmem:s3] =	stream.indirect.scatter.add.f32 [tilespmem:s14], [sflag:$0x5], $0x80, s8, s12, $0xb8;
	[tilespmem:$0x1F800] =	vst v63  }
0x237: {  	_ =	swait.ge [sflag:s18], $0x3200  }
0x238: {  	[sflag:s18] =	ssyncset.done $0x0  }
0x239: {  	s9 =	rddreg [dreg:$0x15];
	[sflag:s18] =	ssyncadd.s32 $0xFFFFCE00  }
0x23a: {  	[tilespmem:s13], [sflag:$0x1] =	stream.indirect.gather [hbm4b:s1+s12], $0x80, s9, s12, $0xb8;
	[tilespmem:$0x1F800] =	vst v63  }
0x23b: {  	_ =	swait.ge [sflag:s19], $0x3200  }
0x23c: {  	[sflag:s19] =	ssyncset.done $0x0  }
0x23d: {  	s7 =	rddreg [dreg:$0x16];
	[sflag:s19] =	ssyncadd.s32 $0xFFFFCE00  }
0x23e: {  	[spmem:s3] =	stream.indirect.scatter.add.f32 [tilespmem:s16], [sflag:$0x6], $0x80, s7, s12, $0xb8;
	[tilespmem:$0x1F800] =	vst v63  }
0x23f: {  	_ =	swait.ge [sflag:s20], $0x3200  }
0x240: {  	[sflag:s20] =	ssyncset.done $0x0  }
0x241: {  	s8 =	rddreg [dreg:$0x17];
	[sflag:s20] =	ssyncadd.s32 $0xFFFFCE00  }
0x242: {  	[tilespmem:s14], [sflag:$0x2] =	stream.indirect.gather [hbm4b:s1+s12], $0x80, s8, s12, $0xb8;
	[tilespmem:$0x1F800] =	vst v63  }
0x243: {  	_ =	swait.ge [sflag:s15], $0x3200  }
0x244: {  	[sflag:s15] =	ssyncset.done $0x0  }
0x245: {  	s9 =	rddreg [dreg:$0x18];
	[sflag:s15] =	ssyncadd.s32 $0xFFFFCE00  }
0x246: {  	[spmem:s3] =	stream.indirect.scatter.add.f32 [tilespmem:s13], [sflag:$0x4], $0x80, s9, s12, $0xb8;
	[tilespmem:$0x1F800] =	vst v63  }
0x247: {  	_ =	swait.ge [sflag:s21], $0x3200  }
0x248: {  	[sflag:s21] =	ssyncset.done $0x0  }
0x249: {  	s7 =	rddreg [dreg:$0x19];
	[sflag:s21] =	ssyncadd.s32 $0xFFFFCE00  }
0x24a: {  	[tilespmem:s16], [sflag:$0x3] =	stream.indirect.gather [hbm4b:s1+s12], $0x80, s7, s12, $0xb8;
	[tilespmem:$0x1F800] =	vst v63  }
0x24b: {  	_ =	swait.ge [sflag:s17], $0x3200  }
0x24c: {  	[sflag:s17] =	ssyncset.done $0x0  }
0x24d: {  	s8 =	rddreg [dreg:$0x1a];
	[sflag:s17] =	ssyncadd.s32 $0xFFFFCE00  }
0x24e: {  	[spmem:s3] =	stream.indirect.scatter.add.f32 [tilespmem:s14], [sflag:$0x5], $0x80, s8, s12, $0xb8;
	[tilespmem:$0x1F800] =	vst v63  }
0x24f: {  	_ =	swait.ge [sflag:s18], $0x3200  }
0x250: {  	[sflag:s18] =	ssyncset.done $0x0  }
0x251: {  	s9 =	rddreg [dreg:$0x1b];
	[sflag:s18] =	ssyncadd.s32 $0xFFFFCE00  }
0x252: {  	[tilespmem:s13], [sflag:$0x1] =	stream.indirect.gather [hbm4b:s1+s12], $0x80, s9, s12, $0xb8;
	[tilespmem:$0x1F800] =	vst v63  }
0x253: {  	_ =	swait.ge [sflag:s19], $0x3200  }
0x254: {  	[sflag:s19] =	ssyncset.done $0x0  }
0x255: {  	s7 =	rddreg [dreg:$0x1c];
	[sflag:s19] =	ssyncadd.s32 $0xFFFFCE00  }
0x256: {  	[spmem:s3] =	stream.indirect.scatter.add.f32 [tilespmem:s16], [sflag:$0x6], $0x80, s7, s12, $0xb8;
	[tilespmem:$0x1F800] =	vst v63  }
0x257: {  	_ =	swait.ge [sflag:s20], $0x3200  }
0x258: {  	[sflag:s20] =	ssyncset.done $0x0  }
0x259: {  	s8 =	rddreg [dreg:$0x1d];
	[sflag:s20] =	ssyncadd.s32 $0xFFFFCE00  }
0x25a: {  	[tilespmem:s14], [sflag:$0x2] =	stream.indirect.gather [hbm4b:s1+s12], $0x80, s8, s12, $0xb8;
	[tilespmem:$0x1F800] =	vst v63  }
0x25b: {  	_ =	swait.ge [sflag:s15], $0x3200  }
0x25c: {  	[sflag:s15] =	ssyncset.done $0x0  }
0x25d: {  	s9 =	rddreg [dreg:$0x1e];
	[sflag:s15] =	ssyncadd.s32 $0xFFFFCE00  }
0x25e: {  	[spmem:s3] =	stream.indirect.scatter.add.f32 [tilespmem:s13], [sflag:$0x4], $0x80, s9, s12, $0xb8;
	[tilespmem:$0x1F800] =	vst v63  }
0x25f: {  	_ =	swait.ge [sflag:s21], $0x3200  }
0x260: {  	[sflag:s21] =	ssyncset.done $0x0  }
0x261: {  	s7 =	rddreg [dreg:$0x1f];
	[sflag:s21] =	ssyncadd.s32 $0xFFFFCE00  }
0x262: {  	[tilespmem:s16], [sflag:$0x3] =	stream.indirect.gather [hbm4b:s1+s12], $0x80, s7, s12, $0xb8;
	[tilespmem:$0x1F800] =	vst v63  }
0x263: {  	_ =	swait.ge [sflag:s17], $0x3200  }
0x264: {  	s8 =	sld [smem:$0x7F2]  }
0x265: {  	[sflag:s17] =	ssyncset.done $0x0  }
0x266: {  	[sflag:s17] =	ssyncadd.s32 $0xFFFFCE00  }
0x267: {  	[spmem:s3] =	stream.indirect.scatter.add.f32 [tilespmem:s14], [sflag:$0x5], $0x80, s8, s12, $0xb8;
	[tilespmem:$0x1F800] =	vst v63  }
0x268: {  	_ =	swait.ge [sflag:s18], $0x3200  }
0x269: {  	s9 =	sld [smem:$0x7F3]  }
0x26a: {  	[sflag:s18] =	ssyncset.done $0x0  }
0x26b: {  	[sflag:s18] =	ssyncadd.s32 $0xFFFFCE00  }
0x26c: {  	[tilespmem:s13], [sflag:$0x1] =	stream.indirect.gather [hbm4b:s1+s12], $0x80, s9, s12, $0xb8;
	[tilespmem:$0x1F800] =	vst v63  }
0x26d: {  	_ =	swait.ge [sflag:s19], $0x3200  }
0x26e: {  	s7 =	sld [smem:$0x7F4]  }
0x26f: {  	[sflag:s19] =	ssyncset.done $0x0  }
0x270: {  	[sflag:s19] =	ssyncadd.s32 $0xFFFFCE00  }
0x271: {  	[spmem:s3] =	stream.indirect.scatter.add.f32 [tilespmem:s16], [sflag:$0x6], $0x80, s7, s12, $0xb8;
	[tilespmem:$0x1F800] =	vst v63  }
0x272: {  	_ =	swait.ge [sflag:s20], $0x3200  }
0x273: {  	s8 =	sld [smem:$0x7F5]  }
0x274: {  	[sflag:s20] =	ssyncset.done $0x0  }
0x275: {  	[sflag:s20] =	ssyncadd.s32 $0xFFFFCE00  }
0x276: {  	[tilespmem:s14], [sflag:$0x2] =	stream.indirect.gather [hbm4b:s1+s12], $0x80, s8, s12, $0xb8;
	[tilespmem:$0x1F800] =	vst v63  }
0x277: {  	_ =	swait.ge [sflag:s15], $0x3200  }
0x278: {  	s9 =	sld [smem:$0x7F6]  }
0x279: {  	[sflag:s15] =	ssyncset.done $0x0  }
0x27a: {  	[sflag:s15] =	ssyncadd.s32 $0xFFFFCE00  }
0x27b: {  	[spmem:s3] =	stream.indirect.scatter.add.f32 [tilespmem:s13], [sflag:$0x4], $0x80, s9, s12, $0xb8;
	[tilespmem:$0x1F800] =	vst v63  }
0x27c: {  	_ =	swait.ge [sflag:s21], $0x3200  }
0x27d: {  	s7 =	sld [smem:$0x7F7]  }
0x27e: {  	[sflag:s21] =	ssyncset.done $0x0  }
0x27f: {  	[sflag:s21] =	ssyncadd.s32 $0xFFFFCE00  }
0x280: {  	[tilespmem:s16], [sflag:$0x3] =	stream.indirect.gather [hbm4b:s1+s12], $0x80, s7, s12, $0xb8;
	[tilespmem:$0x1F800] =	vst v63  }
0x281: {  	_ =	swait.ge [sflag:s17], $0x3200  }
0x282: {  	s8 =	sld [smem:$0x7F8]  }
0x283: {  	[sflag:s17] =	ssyncset.done $0x0  }
0x284: {  	[sflag:s17] =	ssyncadd.s32 $0xFFFFCE00  }
0x285: {  	[spmem:s3] =	stream.indirect.scatter.add.f32 [tilespmem:s14], [sflag:$0x5], $0x80, s8, s12, $0xb8;
	[tilespmem:$0x1F800] =	vst v63  }
0x286: {  	_ =	swait.ge [sflag:s18], $0x3200  }
0x287: {  	s9 =	sld [smem:$0x7F9]  }
0x288: {  	[sflag:s18] =	ssyncset.done $0x0  }
0x289: {  	[sflag:s18] =	ssyncadd.s32 $0xFFFFCE00  }
0x28a: {  	[tilespmem:s13], [sflag:$0x1] =	stream.indirect.gather [hbm4b:s1+s12], $0x80, s9, s12, $0xb8;
	[tilespmem:$0x1F800] =	vst v63  }
0x28b: {  	_ =	swait.ge [sflag:s19], $0x3200  }
0x28c: {  	s7 =	sld [smem:$0x7FA]  }
0x28d: {  	[sflag:s19] =	ssyncset.done $0x0  }
0x28e: {  	[sflag:s19] =	ssyncadd.s32 $0xFFFFCE00  }
0x28f: {  	[spmem:s3] =	stream.indirect.scatter.add.f32 [tilespmem:s16], [sflag:$0x6], $0x80, s7, s12, $0xb8;
	[tilespmem:$0x1F800] =	vst v63  }
0x290: {  	_ =	swait.ge [sflag:s20], $0x3200  }
0x291: {  	s8 =	sld [smem:$0x7FB]  }
0x292: {  	[sflag:s20] =	ssyncset.done $0x0  }
0x293: {  	[sflag:s20] =	ssyncadd.s32 $0xFFFFCE00  }
0x294: {  	[tilespmem:s14], [sflag:$0x2] =	stream.indirect.gather [hbm4b:s1+s12], $0x80, s8, s12, $0xb8;
	[tilespmem:$0x1F800] =	vst v63  }
0x295: {  	_ =	swait.ge [sflag:s15], $0x3200  }
0x296: {  	[sflag:s15] =	ssyncset.done $0x0  }
0x297: {  	[sflag:s15] =	ssyncadd.s32 $0xFFFFCE00  }
0x298: {  	[spmem:s3] =	stream.indirect.scatter.add.f32 [tilespmem:s13], [sflag:$0x4], $0x80, s22, s12, $0xb8;
	[tilespmem:$0x1F800] =	vst v63  }
0x299: {  	_ =	swait.ge [sflag:s21], $0x3200  }
0x29a: {  	[sflag:s21] =	ssyncset.done $0x0  }
0x29b: {  	[sflag:s21] =	ssyncadd.s32 $0xFFFFCE00  }
0x29c: {  	[tilespmem:s16], [sflag:$0x3] =	stream.indirect.gather [hbm4b:s1+s12], $0x80, s23, s12, $0xb8;
	[tilespmem:$0x1F800] =	vst v63  }
0x29d: {  	_ =	swait.ge [sflag:s17], $0x3200  }
0x29e: {  	[sflag:s17] =	ssyncset.done $0x0  }
0x29f: {  	[sflag:s17] =	ssyncadd.s32 $0xFFFFCE00  }
0x2a0: {  	[spmem:s3] =	stream.indirect.scatter.add.f32 [tilespmem:s14], [sflag:$0x5], $0x80, s24, s12, $0xb8;
	[tilespmem:$0x1F800] =	vst v63  }
0x2a1: {  	_ =	swait.ge [sflag:s18], $0x3200  }
0x2a2: {  	[sflag:s18] =	ssyncset.done $0x0  }
0x2a3: {  	[sflag:s18] =	ssyncadd.s32 $0xFFFFCE00  }
0x2a4: {  	[tilespmem:s13], [sflag:$0x1] =	stream.indirect.gather [hbm4b:s1+s12], $0x80, s25, s12, $0xb8;
	[tilespmem:$0x1F800] =	vst v63  }
0x2a5: {  	_ =	swait.ge [sflag:s19], $0x3200  }
0x2a6: {  	[sflag:s19] =	ssyncset.done $0x0  }
0x2a7: {  	[sflag:s19] =	ssyncadd.s32 $0xFFFFCE00  }
0x2a8: {  	[spmem:s3] =	stream.indirect.scatter.add.f32 [tilespmem:s16], [sflag:$0x6], $0x80, s26, s12, $0xb8;
	[tilespmem:$0x1F800] =	vst v63  }
0x2a9: {  	_ =	swait.ge [sflag:s20], $0x3200  }
0x2aa: {  	[sflag:s20] =	ssyncset.done $0x0  }
0x2ab: {  	[sflag:s20] =	ssyncadd.s32 $0xFFFFCE00  }
0x2ac: {  	[tilespmem:s14], [sflag:$0x2] =	stream.indirect.gather [hbm4b:s1+s12], $0x80, s28, s12, $0xb8;
	[tilespmem:$0x1F800] =	vst v63  }
0x2ad: {  	_ =	swait.ge [sflag:s15], $0x3200  }
0x2ae: {  	[sflag:s15] =	ssyncset.done $0x0  }
0x2af: {  	[sflag:s15] =	ssyncadd.s32 $0xFFFFCE00  }
0x2b0: {  	[spmem:s3] =	stream.indirect.scatter.add.f32 [tilespmem:s13], [sflag:$0x4], $0x80, s29, s12, $0xb8;
	[tilespmem:$0x1F800] =	vst v63  }
0x2b1: {  	_ =	swait.ge [sflag:s21], $0x3200  }
0x2b2: {  	[sflag:s21] =	ssyncset.done $0x0  }
0x2b3: {  	[sflag:s21] =	ssyncadd.s32 $0xFFFFCE00  }
0x2b4: {  	[tilespmem:s16], [sflag:$0x3] =	stream.indirect.gather [hbm4b:s1+s12], $0x80, s30, s12, $0xb8;
	[tilespmem:$0x1F800] =	vst v63  }
0x2b5: {  	_ =	swait.ge [sflag:s17], $0x3200  }
0x2b6: {  	[sflag:s17] =	ssyncset.done $0x0  }
0x2b7: {  	[sflag:s17] =	ssyncadd.s32 $0xFFFFCE00  }
0x2b8: {  	[spmem:s3] =	stream.indirect.scatter.add.f32 [tilespmem:s14], [sflag:$0x5], $0x80, s31, s12, $0xb8;
	[tilespmem:$0x1F800] =	vst v63  }
0x2b9: {  	_ =	swait.ge [sflag:s18], $0x3200  }
0x2ba: {  	[sflag:s18] =	ssyncset.done $0x0  }
0x2bb: {  	[sflag:s18] =	ssyncadd.s32 $0xFFFFCE00  }
0x2bc: {  	[tilespmem:s13], [sflag:$0x1] =	stream.indirect.gather [hbm4b:s1+s12], $0x80, s2, s12, $0xb8;
	[tilespmem:$0x1F800] =	vst v63  }
0x2bd: {  	_ =	swait.ge [sflag:s19], $0x3200  }
0x2be: {  	[sflag:s19] =	ssyncset.done $0x0  }
0x2bf: {  	[sflag:s19] =	ssyncadd.s32 $0xFFFFCE00  }
0x2c0: {  	[spmem:s3] =	stream.indirect.scatter.add.f32 [tilespmem:s16], [sflag:$0x6], $0x80, s0, s12, $0xb8;
	[tilespmem:$0x1F800] =	vst v63  }
0x2c1: {  	_ =	swait.ge [sflag:s20], $0x3200  }
0x2c2: {  	[sflag:s20] =	ssyncset.done $0x0  }
0x2c3: {  	[sflag:s20] =	ssyncadd.s32 $0xFFFFCE00  }
0x2c4: {  	_ =	swait.ge [sflag:s15], $0x3200  }
0x2c5: {  	[sflag:s15] =	ssyncset.done $0x0  }
0x2c6: {  	[sflag:s15] =	ssyncadd.s32 $0xFFFFCE00  }
0x2c7: {  	[spmem:s3] =	stream.indirect.scatter.add.f32 [tilespmem:s13], [sflag:$0x4], $0x80, s5, s12, $0xb8;
	[tilespmem:$0x1F800] =	vst v63  }
0x2c8: {  	_ =	swait.ge [sflag:s21], $0x3200  }
0x2c9: {  	[sflag:s21] =	ssyncset.done $0x0  }
0x2ca: {  	[sflag:s21] =	ssyncadd.s32 $0xFFFFCE00  }
0x2cb: {  	_ =	swait.ge [sflag:s18], $0x3200  }
0x2cc: {  	[sflag:s18] =	ssyncset.done $0x0  }
0x2cd: {  	[sflag:s18] =	ssyncadd.s32 $0xFFFFCE00  }
0x2ce: {  	[bflag:$0x0] =	sbarrier.arrive $0xFFFF  }
0x2cf: {  	s7 =	sld [smem:$0x7FC]  }
0x2d0: {  	s9 =	sld [smem:$0x7F0]  }
0x2d1: {  	s8 =	sld [smem:$0x7FD];
	_ =	sdelay $0x2  }
0x2d2: {  	[hbm:s9], [sflag:s7] =	dma.local [spmem:s8], $0x2780  }
0x2d3: {  	_ =	swait.ge [sflag:s10], $0x2780  }
0x2d4: {  	s6 =	sld [smem:$0x7EE];
	_ =	sdelay $0x2  }
0x2d5: {  	s9 =	sadd.s32 $0x1, s6;
	s6 =	sld [smem:$0x7F1];
	_ =	sdelay $0x2  }
0x2d6: {  	p0 =	sne.s32 s9, s6  }
.Ltmp1:
0x2d7: {  	_ = 	snop;
	(pc) =	sbr.rel @p0 .LBB2_1-.Ltmp1, $3  }
0x2d8: {  	_ =	sdelay $0x1  }
0x2d9: {  	[sflag:s10] =	ssyncset.done $0x0  }
0x2da: {  	[sflag:s10] =	ssyncadd.s32 $0xFFFFD880  }
0x2db: {  	_ =	sfence.sel $0x180000  }
0x2dc: {  	[bflag:$0x0] =	sbarrier.arrive $0xFFFF  }
0x2dd: {  	_ =	strace $0x90000047  }
0x2de: {  	s0 =	stileid.u32;
	[bflag:$0x2] =	sbarrier.arrive $0xFFFF  }
0x2df: {  	p0 =	sne.s32 s0, $0x0;
	s0 =	rddreg [dreg:$0x3]  }
0x2e0: {  	s0 =	sadd.s32 @!p0 $0x100000, s0  }
0x2e1: {  	[sflag:s0] =	ssyncadd.tile.s32 @!p0 $0x1;
	_ =	shalt  }
.Lfunc_end2:
_tile_overlayer_lowered:
.L_overlay_start_2:
0x2e2: {  	(tag) =	ssettag $0x2  }
0x2e3: {  	s0 =	rddreg [dreg:$0x0];
	s2 =	stileid.u32  }
0x2e4: {  	s1 =	rddreg [dreg:$0x1];
	p0 =	sne.s32 s2, $0x0  }
0x2e5: {  	s3 =	rddreg [dreg:$0x2];
	[bflag:$0x3] =	sbarrier.arrive $0xFFFF;
	s2 =	simm.s32 @!p0 $0x1C07  }
0x2e6: {  	[timem:s3], [sflag:s2] =	dma.local @!p0 [hbm:s0], s1  }
0x2e7: {  	s0 =	simm.s32 @!p0 $0x7  }
0x2e8: {  	_ =	swait.ge @!p0 [sflag:s0], s1  }
0x2e9: {  	s1 =	ssub.s32 @!p0 $0x0, s1;
	[sflag:s0] =	ssyncset.done @!p0 $0x0  }
0x2ea: {  	[sflag:s0] =	ssyncadd.s32 @!p0 s1  }
0x2eb: {  	[bflag:$0x3] =	sbarrier.arrive $0xFFFF  }
0x2ec: {  	_ =	shalt  }

</sc_bundles>
